<compile_context>
chip_gen: v7x
topology: tpu7x:2x2x1
jax: 0.10.2.dev20260603
libtpu: 0.0.44.dev20260713+nightly
codegen_flags: <defaults>
</compile_context>

<pallas_src>
import functools

import jax
import jax.numpy as jnp
from jax import lax
from jax.experimental import pallas as pl
from jax.experimental.pallas import tpu as pltpu
from jax.experimental.pallas import tpu_sc as plsc

N = 10000
E = 320000
D = 128

NC = 2
NS = 16
NW = NC * NS

CHUNK = 128
CPT = 80
E_PER_TILE = CPT * CHUNK
E_PAD = NW * E_PER_TILE
N_PAD = 10240
ROWS_PER_TILE = N_PAD // NS
NBUF = 2


@functools.cache
def _mesh():
    return plsc.VectorSubcoreMesh(
        core_axis_name="c", subcore_axis_name="s", num_cores=NC, num_subcores=NS
    )


def _fill_rows(buf, nrows, width, val):
    v = jnp.full((16,), val, jnp.float32)

    def body(r, carry):
        for j in range(width // 16):
            buf[r, pl.ds(j * 16, 16)] = v
        return carry

    lax.fori_loop(0, nrows, body, 0, unroll=False)


def _zero_acc_slice(zbuf, acc, rowbase):
    nfull, rem = divmod(ROWS_PER_TILE, CHUNK)
    for k in range(nfull):
        pltpu.sync_copy(zbuf, acc.at[pl.ds(rowbase + k * CHUNK, CHUNK)])
    if rem:
        pltpu.sync_copy(
            zbuf.at[pl.ds(0, rem)],
            acc.at[pl.ds(rowbase + nfull * CHUNK, rem)],
        )


def _deg_body(dst_hbm, deg_out, acc, didx, ones_v):
    c = lax.axis_index("c")
    s = lax.axis_index("s")
    wid = c * NS + s
    rowbase = s * ROWS_PER_TILE

    _fill_rows(ones_v, CHUNK, D, 0.0)
    _zero_acc_slice(ones_v, acc, rowbase)
    _fill_rows(ones_v, CHUNK, D, 1.0)
    plsc.subcore_barrier()

    pltpu.sync_copy(dst_hbm.at[pl.ds(wid * CPT, CPT)], didx)

    def step(q, carry):
        pltpu.sync_copy(ones_v, acc.at[didx.at[q]], add=True)
        return carry

    lax.fori_loop(0, CPT, step, 0, unroll=False)
    plsc.subcore_barrier()
    pltpu.sync_copy(
        acc.at[pl.ds(rowbase, ROWS_PER_TILE)],
        deg_out.at[c, pl.ds(rowbase, ROWS_PER_TILE)],
    )


@functools.cache
def _deg_kernel():
    return pl.kernel(
        _deg_body,
        out_type=jax.ShapeDtypeStruct((NC, N_PAD, D), jnp.float32),
        mesh=_mesh(),
        scratch_types=[
            pltpu.VMEM_SHARED((N_PAD, D), jnp.float32),
            pltpu.VMEM((CPT, CHUNK), jnp.int32),
            pltpu.VMEM((CHUNK, D), jnp.float32),
        ],
    )


def _spmm_body(g_hbm, src_hbm, dst_hbm, out_hbm, acc, didx,
               s0, s1, r0, r1, m0, m1, isem):
    sbufs = (s0, s1)
    rbufs = (r0, r1)
    sems = (m0, m1)
    c = lax.axis_index("c")
    s = lax.axis_index("s")
    wid = c * NS + s
    rowbase = s * ROWS_PER_TILE

    cbase = wid * CPT
    _fill_rows(r0, CHUNK, D, 0.0)
    pltpu.sync_copy(src_hbm.at[cbase + 1], sbufs[1])
    pltpu.async_copy(g_hbm.at[sbufs[1]], rbufs[1], sems[1])
    _zero_acc_slice(r0, acc, rowbase)
    pltpu.sync_copy(dst_hbm.at[pl.ds(cbase, CPT)], didx)
    pltpu.sync_copy(src_hbm.at[cbase + 0], sbufs[0])
    pltpu.async_copy(g_hbm.at[sbufs[0]], rbufs[0], sems[0])
    plsc.subcore_barrier()

    def step(t, carry):
        i = t * NBUF
        for b in range(NBUF):
            q = i + b
            pltpu.make_async_copy(g_hbm.at[sbufs[b]], rbufs[b], sems[b]).wait()
            nxt = pltpu.async_copy(src_hbm.at[cbase + q + NBUF], sbufs[b], isem)
            pltpu.sync_copy(rbufs[b], acc.at[didx.at[q]], add=True)
            nxt.wait()
            pltpu.async_copy(g_hbm.at[sbufs[b]], rbufs[b], sems[b])
        return carry

    lax.fori_loop(0, CPT // NBUF - 1, step, 0, unroll=False)
    for b in range(NBUF):
        q = CPT - NBUF + b
        pltpu.make_async_copy(g_hbm.at[sbufs[b]], rbufs[b], sems[b]).wait()
        pltpu.sync_copy(rbufs[b], acc.at[didx.at[q]], add=True)
    plsc.subcore_barrier()
    pltpu.sync_copy(
        acc.at[pl.ds(rowbase, ROWS_PER_TILE)],
        out_hbm.at[c, pl.ds(rowbase, ROWS_PER_TILE)],
    )


@functools.cache
def _spmm_kernel():
    return pl.kernel(
        _spmm_body,
        out_type=jax.ShapeDtypeStruct((NC, N_PAD, D), jnp.float32),
        mesh=_mesh(),
        scratch_types=[
            pltpu.VMEM_SHARED((N_PAD, D), jnp.float32),
            pltpu.VMEM((CPT, CHUNK), jnp.int32),
            pltpu.VMEM((CHUNK,), jnp.int32),
            pltpu.VMEM((CHUNK,), jnp.int32),
            pltpu.VMEM((CHUNK, D), jnp.float32),
            pltpu.VMEM((CHUNK, D), jnp.float32),
            pltpu.SemaphoreType.DMA,
            pltpu.SemaphoreType.DMA,
            pltpu.SemaphoreType.DMA,
        ],
    )



_BLK = 5120
_GRID = N_PAD // _BLK


def _mm_scale_body(degp_ref, h_ref, w_ref, g_ref, dis_ref):
    dis = lax.rsqrt(degp_ref[0, :, 0:1] + degp_ref[1, :, 0:1] + 1.0)
    dis_ref[...] = dis
    g_ref[...] = dis * jnp.dot(
        h_ref[...], w_ref[...], preferred_element_type=jnp.float32
    )


def _mm_scale(degp, h, w):
    return pl.pallas_call(
        _mm_scale_body,
        grid=(_GRID,),
        in_specs=[
            pl.BlockSpec((NC, _BLK, D), lambda i: (0, i, 0)),
            pl.BlockSpec((_BLK, D), lambda i: (i, 0)),
            pl.BlockSpec((D, D), lambda i: (0, 0)),
        ],
        out_specs=[
            pl.BlockSpec((_BLK, D), lambda i: (i, 0)),
            pl.BlockSpec((_BLK, 1), lambda i: (i, 0)),
        ],
        out_shape=[
            jax.ShapeDtypeStruct((N_PAD, D), jnp.float32),
            jax.ShapeDtypeStruct((N_PAD, 1), jnp.float32),
        ],
    )(degp, h, w)


def _combine_mm_body(p_ref, g_ref, dis_ref, b_ref, w_ref, out_ref):
    h = dis_ref[...] * (p_ref[0] + p_ref[1] + g_ref[...]) + b_ref[...]
    out_ref[...] = dis_ref[...] * jnp.dot(
        h, w_ref[...], preferred_element_type=jnp.float32
    )


def _combine_mm(p, g, dis, b, w):
    return pl.pallas_call(
        _combine_mm_body,
        grid=(_GRID,),
        in_specs=[
            pl.BlockSpec((NC, _BLK, D), lambda i: (0, i, 0)),
            pl.BlockSpec((_BLK, D), lambda i: (i, 0)),
            pl.BlockSpec((_BLK, 1), lambda i: (i, 0)),
            pl.BlockSpec((1, D), lambda i: (0, 0)),
            pl.BlockSpec((D, D), lambda i: (0, 0)),
        ],
        out_specs=pl.BlockSpec((_BLK, D), lambda i: (i, 0)),
        out_shape=jax.ShapeDtypeStruct((N_PAD, D), jnp.float32),
    )(p, g, dis, b, w)


def _final_body(p_ref, g_ref, dis_ref, b_ref, out_ref):
    out_ref[...] = (
        dis_ref[...] * (p_ref[0] + p_ref[1] + g_ref[...]) + b_ref[...]
    )


def _final(p, g, dis, b):
    return pl.pallas_call(
        _final_body,
        grid=(_GRID,),
        in_specs=[
            pl.BlockSpec((NC, _BLK, D), lambda i: (0, i, 0)),
            pl.BlockSpec((_BLK, D), lambda i: (i, 0)),
            pl.BlockSpec((_BLK, 1), lambda i: (i, 0)),
            pl.BlockSpec((1, D), lambda i: (0, 0)),
        ],
        out_specs=pl.BlockSpec((_BLK, D), lambda i: (i, 0)),
        out_shape=jax.ShapeDtypeStruct((N, D), jnp.float32),
    )(p, g, dis, b)


def kernel(x, edge_index, W_gcn, b_gcn, W_out, b_out):
    pad_iota = jnp.arange(E_PAD - E, dtype=jnp.int32)
    src = jnp.concatenate([edge_index[0], pad_iota % N])
    dst = jnp.concatenate([edge_index[1], N + pad_iota % (N_PAD - N)])
    src2d = src.reshape(E_PAD // CHUNK, CHUNK)
    dst2d = dst.reshape(E_PAD // CHUNK, CHUNK)
    x_pad = jnp.zeros((N_PAD, D), jnp.float32).at[:N].set(x)
    b_gcn2 = b_gcn.reshape(1, D)
    b_out2 = b_out.reshape(1, D)

    degp = _deg_kernel()(dst2d)
    g, dis = _mm_scale(degp, x_pad, W_gcn)
    for w_next in (W_gcn, W_gcn, W_out):
        p = _spmm_kernel()(g, src2d, dst2d)
        g = _combine_mm(p, g, dis, b_gcn2, w_next)
    p = _spmm_kernel()(g, src2d, dst2d)
    return _final(p, g, dis, b_out2)

# --- scband reference (transcript-rebuilt; emitter-appended) ---
"""Pipeline reference for scband-gnn-74053826117779 (READ-ONLY COPY).

The authoritative reference and input builder live on the scoring server;
editing this copy changes nothing except your own understanding.
"""

import jax, jax.numpy as jnp
import numpy as np

N_NODES = 10000
N_EDGES = 320000
D_IN = 128
D_OUT = 128
K = 3


def gcn_conv(x, edge_index, W, b, num_nodes):
    # PyG-style GCNConv: add self loops, symmetric normalization, scatter-add aggregation
    src = edge_index[0]
    dst = edge_index[1]
    loop = jnp.arange(num_nodes, dtype=src.dtype)
    src = jnp.concatenate([src, loop])
    dst = jnp.concatenate([dst, loop])
    deg = jnp.zeros((num_nodes,), dtype=x.dtype).at[dst].add(1.0)
    deg_inv_sqrt = jnp.where(deg > 0, 1.0 / jnp.sqrt(deg), 0.0)
    norm = deg_inv_sqrt[src] * deg_inv_sqrt[dst]
    h = x @ W
    msgs = h[src] * norm[:, None]
    out = jnp.zeros((num_nodes, W.shape[1]), dtype=x.dtype).at[dst].add(msgs)
    return out + b


def setup_inputs(seed: int = 0) -> dict:
    key = jax.random.key(seed)
    k1, k2, k3, k4 = jax.random.split(key, 4)
    x = jax.random.normal(k1, (N_NODES, D_IN), dtype=jnp.float32)
    edge_index = jax.random.randint(k2, (2, N_EDGES), 0, N_NODES, dtype=jnp.int32)
    W_gcn = jax.random.normal(k3, (D_IN, D_IN), dtype=jnp.float32) * (1.0 / np.sqrt(D_IN))
    b_gcn = jnp.zeros((D_IN,), dtype=jnp.float32)
    W_out = jax.random.normal(k4, (D_IN, D_OUT), dtype=jnp.float32) * (1.0 / np.sqrt(D_IN))
    b_out = jnp.zeros((D_OUT,), dtype=jnp.float32)
    return {"x": x, "edge_index": edge_index, "W_gcn": W_gcn, "b_gcn": b_gcn, "W_out": W_out, "b_out": b_out}


def reference(x, edge_index, W_gcn, b_gcn, W_out, b_out):
    h = x
    for _ in range(K):
        h = gcn_conv(h, edge_index, W_gcn, b_gcn, N_NODES)
    out = gcn_conv(h, edge_index, W_out, b_out, N_NODES)
    return out

if __name__ == "__main__":
    import jax
    _d = setup_inputs()
    print(jax.jit(kernel)(*tuple(_d.values())))

</pallas_src>

<mosaic_0001>
#map = affine_map<(d0, d1) -> (0, 0)>
#map1 = affine_map<(d0, d1) -> (0, 0, 0)>
module attributes {stable_mosaic.version = 14 : i64} {
  func.func @_spmm_body(%arg0: i32, %arg1: i32, %arg2: memref<10240x128xf32, #tpu.memory_space<hbm>>, %arg3: memref<2560x128xi32, #tpu.memory_space<hbm>>, %arg4: memref<2560x128xi32, #tpu.memory_space<hbm>>, %arg5: memref<2x10240x128xf32, #tpu.memory_space<hbm>>, %arg6: memref<10240x128xf32, #tpu.memory_space<vmem_shared>>, %arg7: memref<80x128xi32, #tpu.memory_space<vmem>>, %arg8: memref<128xi32, #tpu.memory_space<vmem>>, %arg9: memref<128xi32, #tpu.memory_space<vmem>>, %arg10: memref<128x128xf32, #tpu.memory_space<vmem>>, %arg11: memref<128x128xf32, #tpu.memory_space<vmem>>, %arg12: memref<!tpu.dma_semaphore, #tpu.memory_space<semaphore_mem>>, %arg13: memref<!tpu.dma_semaphore, #tpu.memory_space<semaphore_mem>>, %arg14: memref<!tpu.dma_semaphore, #tpu.memory_space<semaphore_mem>>) attributes {dimension_semantics = [#tpu.dimension_semantics<core_parallel>, #tpu.dimension_semantics<subcore_parallel>], iteration_bounds = array<i64: 2, 16>, scalar_prefetch = 0 : i64, scratch_operands = 9 : i64, tpu.core_type = #tpu.core_type<sc_vector_subcore>, window_params = [{transform_indices = #map}, {transform_indices = #map}, {transform_indices = #map}, {transform_indices = #map1}]} {
    %mul3A = arith.constant 16 : i32
    %mul3A_0 = arith.muli %arg0, %mul3A : i32
    %add3A = arith.addi %mul3A_0, %arg1 : i32
    %mul3A_1 = arith.constant 640 : i32
    %mul3A_2 = arith.muli %arg1, %mul3A_1 : i32
    %mul3A_3 = arith.constant 80 : i32
    %mul3A_4 = arith.muli %add3A, %mul3A_3 : i32
    %broadcast_in_dim3A = arith.constant 0.000000e+00 : f32
    %broadcast_in_dim3A_5 = vector.broadcast %broadcast_in_dim3A : f32 to vector<16xf32>
    %scan3A = arith.constant 0 : i32
    %scan3A_6 = arith.constant 0 : i32
    %scan3A_7 = arith.constant 128 : i32
    %scan3A_8 = arith.addi %scan3A_6, %scan3A_7 : i32
    %scan3A_9 = arith.constant 1 : i32
    scf.for %scan3A_43 = %scan3A_6 to %scan3A_8 step %scan3A_9  : i32 {
      %swap3A = arith.index_cast %scan3A_43 : i32 to index
      %swap3A_44 = arith.constant 0 : index
      %swap3A_45 = tpu.vector_load %arg10[%swap3A, %swap3A_44] {strides = array<i32>} : memref<128x128xf32, #tpu.memory_space<vmem>>, vector<1x16xf32>,
      %swap3A_46 = vector.shape_cast %swap3A_45 : vector<1x16xf32> to vector<16xf32>
      %swap3A_47 = vector.shape_cast %broadcast_in_dim3A_5 : vector<16xf32> to vector<1x16xf32>
      tpu.vector_store %arg10[%swap3A, %swap3A_44], %swap3A_47 {strides = array<i32>} : memref<128x128xf32, #tpu.memory_space<vmem>>, vector<1x16xf32>,
      %swap3A_48 = arith.index_cast %scan3A_43 : i32 to index
      %swap3A_49 = arith.constant 16 : index
      %swap3A_50 = tpu.vector_load %arg10[%swap3A_48, %swap3A_49] {strides = array<i32>} : memref<128x128xf32, #tpu.memory_space<vmem>>, vector<1x16xf32>,
      %swap3A_51 = vector.shape_cast %swap3A_50 : vector<1x16xf32> to vector<16xf32>
      %swap3A_52 = vector.shape_cast %broadcast_in_dim3A_5 : vector<16xf32> to vector<1x16xf32>
      tpu.vector_store %arg10[%swap3A_48, %swap3A_49], %swap3A_52 {strides = array<i32>} : memref<128x128xf32, #tpu.memory_space<vmem>>, vector<1x16xf32>,
      %swap3A_53 = arith.index_cast %scan3A_43 : i32 to index
      %swap3A_54 = arith.constant 32 : index
      %swap3A_55 = tpu.vector_load %arg10[%swap3A_53, %swap3A_54] {strides = array<i32>} : memref<128x128xf32, #tpu.memory_space<vmem>>, vector<1x16xf32>,
      %swap3A_56 = vector.shape_cast %swap3A_55 : vector<1x16xf32> to vector<16xf32>
      %swap3A_57 = vector.shape_cast %broadcast_in_dim3A_5 : vector<16xf32> to vector<1x16xf32>
      tpu.vector_store %arg10[%swap3A_53, %swap3A_54], %swap3A_57 {strides = array<i32>} : memref<128x128xf32, #tpu.memory_space<vmem>>, vector<1x16xf32>,
      %swap3A_58 = arith.index_cast %scan3A_43 : i32 to index
      %swap3A_59 = arith.constant 48 : index
      %swap3A_60 = tpu.vector_load %arg10[%swap3A_58, %swap3A_59] {strides = array<i32>} : memref<128x128xf32, #tpu.memory_space<vmem>>, vector<1x16xf32>,
      %swap3A_61 = vector.shape_cast %swap3A_60 : vector<1x16xf32> to vector<16xf32>
      %swap3A_62 = vector.shape_cast %broadcast_in_dim3A_5 : vector<16xf32> to vector<1x16xf32>
      tpu.vector_store %arg10[%swap3A_58, %swap3A_59], %swap3A_62 {strides = array<i32>} : memref<128x128xf32, #tpu.memory_space<vmem>>, vector<1x16xf32>,
      %swap3A_63 = arith.index_cast %scan3A_43 : i32 to index
      %swap3A_64 = arith.constant 64 : index
      %swap3A_65 = tpu.vector_load %arg10[%swap3A_63, %swap3A_64] {strides = array<i32>} : memref<128x128xf32, #tpu.memory_space<vmem>>, vector<1x16xf32>,
      %swap3A_66 = vector.shape_cast %swap3A_65 : vector<1x16xf32> to vector<16xf32>
      %swap3A_67 = vector.shape_cast %broadcast_in_dim3A_5 : vector<16xf32> to vector<1x16xf32>
      tpu.vector_store %arg10[%swap3A_63, %swap3A_64], %swap3A_67 {strides = array<i32>} : memref<128x128xf32, #tpu.memory_space<vmem>>, vector<1x16xf32>,
      %swap3A_68 = arith.index_cast %scan3A_43 : i32 to index
      %swap3A_69 = arith.constant 80 : index
      %swap3A_70 = tpu.vector_load %arg10[%swap3A_68, %swap3A_69] {strides = array<i32>} : memref<128x128xf32, #tpu.memory_space<vmem>>, vector<1x16xf32>,
      %swap3A_71 = vector.shape_cast %swap3A_70 : vector<1x16xf32> to vector<16xf32>
      %swap3A_72 = vector.shape_cast %broadcast_in_dim3A_5 : vector<16xf32> to vector<1x16xf32>
      tpu.vector_store %arg10[%swap3A_68, %swap3A_69], %swap3A_72 {strides = array<i32>} : memref<128x128xf32, #tpu.memory_space<vmem>>, vector<1x16xf32>,
      %swap3A_73 = arith.index_cast %scan3A_43 : i32 to index
      %swap3A_74 = arith.constant 96 : index
      %swap3A_75 = tpu.vector_load %arg10[%swap3A_73, %swap3A_74] {strides = array<i32>} : memref<128x128xf32, #tpu.memory_space<vmem>>, vector<1x16xf32>,
      %swap3A_76 = vector.shape_cast %swap3A_75 : vector<1x16xf32> to vector<16xf32>
      %swap3A_77 = vector.shape_cast %broadcast_in_dim3A_5 : vector<16xf32> to vector<1x16xf32>
      tpu.vector_store %arg10[%swap3A_73, %swap3A_74], %swap3A_77 {strides = array<i32>} : memref<128x128xf32, #tpu.memory_space<vmem>>, vector<1x16xf32>,
      %swap3A_78 = arith.index_cast %scan3A_43 : i32 to index
      %swap3A_79 = arith.constant 112 : index
      %swap3A_80 = tpu.vector_load %arg10[%swap3A_78, %swap3A_79] {strides = array<i32>} : memref<128x128xf32, #tpu.memory_space<vmem>>, vector<1x16xf32>,
      %swap3A_81 = vector.shape_cast %swap3A_80 : vector<1x16xf32> to vector<16xf32>
      %swap3A_82 = vector.shape_cast %broadcast_in_dim3A_5 : vector<16xf32> to vector<1x16xf32>
      tpu.vector_store %arg10[%swap3A_78, %swap3A_79], %swap3A_82 {strides = array<i32>} : memref<128x128xf32, #tpu.memory_space<vmem>>, vector<1x16xf32>,
    }
    %scan3A_10 = arith.constant 128 : i32
    %add3A_11 = arith.constant 1 : i32
    %add3A_12 = arith.addi %mul3A_4, %add3A_11 : i32
    "tpu.region"() ({
      %run_scoped3A_43 = tpu.sem_alloc : memref<!tpu.dma_semaphore, #tpu.memory_space<semaphore_mem>>
      %dma_start3A_44 = arith.constant 0 : i32
      %dma_start3A_45 = tpu.memref_slice %arg3[%add3A_12, %dma_start3A_44] : memref<2560x128xi32, #tpu.memory_space<hbm>> -> memref<1x128xi32, #tpu.memory_space<hbm>>
      %dma_start3A_46 = tpu.memref_squeeze %dma_start3A_45 : memref<1x128xi32, #tpu.memory_space<hbm>> -> memref<128xi32, #tpu.memory_space<hbm>>
      %dma_start3A_47 = arith.constant 0 : i32
      %dma_start3A_48 = tpu.memref_slice %arg3[%add3A_12, %dma_start3A_47] : memref<2560x128xi32, #tpu.memory_space<hbm>> -> memref<1x128xi32, #tpu.memory_space<hbm>>
      %dma_start3A_49 = tpu.memref_squeeze %dma_start3A_48 : memref<1x128xi32, #tpu.memory_space<hbm>> -> memref<128xi32, #tpu.memory_space<hbm>>
      tpu.enqueue_dma source(%dma_start3A_49 : memref<128xi32, #tpu.memory_space<hbm>>) target(%arg9 : memref<128xi32, #tpu.memory_space<vmem>>) target_semaphore(%run_scoped3A_43 : memref<!tpu.dma_semaphore, #tpu.memory_space<semaphore_mem>>)
      %dma_wait3A_50 = arith.constant 0 : i32
      %dma_wait3A_51 = tpu.memref_slice %arg3[%add3A_12, %dma_wait3A_50] : memref<2560x128xi32, #tpu.memory_space<hbm>> -> memref<1x128xi32, #tpu.memory_space<hbm>>
      %dma_wait3A_52 = tpu.memref_squeeze %dma_wait3A_51 : memref<1x128xi32, #tpu.memory_space<hbm>> -> memref<128xi32, #tpu.memory_space<hbm>>
      %dma_wait3A_53 = arith.constant 0 : i32
      %dma_wait3A_54 = tpu.memref_slice %arg3[%add3A_12, %dma_wait3A_53] : memref<2560x128xi32, #tpu.memory_space<hbm>> -> memref<1x128xi32, #tpu.memory_space<hbm>>
      %dma_wait3A_55 = tpu.memref_squeeze %dma_wait3A_54 : memref<1x128xi32, #tpu.memory_space<hbm>> -> memref<128xi32, #tpu.memory_space<hbm>>
      tpu.wait_dma2 semaphore(%run_scoped3A_43 : memref<!tpu.dma_semaphore, #tpu.memory_space<semaphore_mem>>) src(%dma_wait3A_55 : memref<128xi32, #tpu.memory_space<hbm>>) dst(%arg9 : memref<128xi32, #tpu.memory_space<vmem>>)
      tpu.yield
    }) : () -> ()
    %dma_start3A = arith.constant 0 : i32
    %dma_start3A_13 = arith.constant 0 : i32
    %dma_start3A_14 = tpu.memref_slice %arg2[%dma_start3A, %dma_start3A_13] : memref<10240x128xf32, #tpu.memory_space<hbm>> -> memref<10240x128xf32, #tpu.memory_space<hbm>>
    tpu.enqueue_indirect_dma source(%dma_start3A_14 : memref<10240x128xf32, #tpu.memory_space<hbm>>) target(%arg11 : memref<128x128xf32, #tpu.memory_space<vmem>>) offsets(%arg9 : memref<128xi32, #tpu.memory_space<vmem>>) semaphore(%arg13 : memref<!tpu.dma_semaphore, #tpu.memory_space<semaphore_mem>>)
    %add3A_15 = arith.constant 0 : i32
    %add3A_16 = arith.addi %mul3A_2, %add3A_15 : i32
    "tpu.region"() ({
      %run_scoped3A_43 = tpu.sem_alloc : memref<!tpu.dma_semaphore, #tpu.memory_space<semaphore_mem>>
      %dma_start3A_44 = arith.constant 0 : i32
      %dma_start3A_45 = tpu.memref_slice %arg6[%add3A_16, %dma_start3A_44] : memref<10240x128xf32, #tpu.memory_space<vmem_shared>> -> memref<128x128xf32, #tpu.memory_space<vmem_shared>>
      %dma_start3A_46 = arith.constant 0 : i32
      %dma_start3A_47 = tpu.memref_slice %arg6[%add3A_16, %dma_start3A_46] : memref<10240x128xf32, #tpu.memory_space<vmem_shared>> -> memref<128x128xf32, #tpu.memory_space<vmem_shared>>
      tpu.enqueue_dma source(%arg10 : memref<128x128xf32, #tpu.memory_space<vmem>>) target(%dma_start3A_47 : memref<128x128xf32, #tpu.memory_space<vmem_shared>>) target_semaphore(%run_scoped3A_43 : memref<!tpu.dma_semaphore, #tpu.memory_space<semaphore_mem>>)
      %dma_wait3A_48 = arith.constant 0 : i32
      %dma_wait3A_49 = tpu.memref_slice %arg6[%add3A_16, %dma_wait3A_48] : memref<10240x128xf32, #tpu.memory_space<vmem_shared>> -> memref<128x128xf32, #tpu.memory_space<vmem_shared>>
      %dma_wait3A_50 = arith.constant 0 : i32
      %dma_wait3A_51 = tpu.memref_slice %arg6[%add3A_16, %dma_wait3A_50] : memref<10240x128xf32, #tpu.memory_space<vmem_shared>> -> memref<128x128xf32, #tpu.memory_space<vmem_shared>>
      tpu.wait_dma2 semaphore(%run_scoped3A_43 : memref<!tpu.dma_semaphore, #tpu.memory_space<semaphore_mem>>) src(%arg10 : memref<128x128xf32, #tpu.memory_space<vmem>>) dst(%dma_wait3A_51 : memref<128x128xf32, #tpu.memory_space<vmem_shared>>)
      tpu.yield
    }) : () -> ()
    %add3A_17 = arith.constant 128 : i32
    %add3A_18 = arith.addi %mul3A_2, %add3A_17 : i32
    "tpu.region"() ({
      %run_scoped3A_43 = tpu.sem_alloc : memref<!tpu.dma_semaphore, #tpu.memory_space<semaphore_mem>>
      %dma_start3A_44 = arith.constant 0 : i32
      %dma_start3A_45 = tpu.memref_slice %arg6[%add3A_18, %dma_start3A_44] : memref<10240x128xf32, #tpu.memory_space<vmem_shared>> -> memref<128x128xf32, #tpu.memory_space<vmem_shared>>
      %dma_start3A_46 = arith.constant 0 : i32
      %dma_start3A_47 = tpu.memref_slice %arg6[%add3A_18, %dma_start3A_46] : memref<10240x128xf32, #tpu.memory_space<vmem_shared>> -> memref<128x128xf32, #tpu.memory_space<vmem_shared>>
      tpu.enqueue_dma source(%arg10 : memref<128x128xf32, #tpu.memory_space<vmem>>) target(%dma_start3A_47 : memref<128x128xf32, #tpu.memory_space<vmem_shared>>) target_semaphore(%run_scoped3A_43 : memref<!tpu.dma_semaphore, #tpu.memory_space<semaphore_mem>>)
      %dma_wait3A_48 = arith.constant 0 : i32
      %dma_wait3A_49 = tpu.memref_slice %arg6[%add3A_18, %dma_wait3A_48] : memref<10240x128xf32, #tpu.memory_space<vmem_shared>> -> memref<128x128xf32, #tpu.memory_space<vmem_shared>>
      %dma_wait3A_50 = arith.constant 0 : i32
      %dma_wait3A_51 = tpu.memref_slice %arg6[%add3A_18, %dma_wait3A_50] : memref<10240x128xf32, #tpu.memory_space<vmem_shared>> -> memref<128x128xf32, #tpu.memory_space<vmem_shared>>
      tpu.wait_dma2 semaphore(%run_scoped3A_43 : memref<!tpu.dma_semaphore, #tpu.memory_space<semaphore_mem>>) src(%arg10 : memref<128x128xf32, #tpu.memory_space<vmem>>) dst(%dma_wait3A_51 : memref<128x128xf32, #tpu.memory_space<vmem_shared>>)
      tpu.yield
    }) : () -> ()
    %add3A_19 = arith.constant 256 : i32
    %add3A_20 = arith.addi %mul3A_2, %add3A_19 : i32
    "tpu.region"() ({
      %run_scoped3A_43 = tpu.sem_alloc : memref<!tpu.dma_semaphore, #tpu.memory_space<semaphore_mem>>
      %dma_start3A_44 = arith.constant 0 : i32
      %dma_start3A_45 = tpu.memref_slice %arg6[%add3A_20, %dma_start3A_44] : memref<10240x128xf32, #tpu.memory_space<vmem_shared>> -> memref<128x128xf32, #tpu.memory_space<vmem_shared>>
      %dma_start3A_46 = arith.constant 0 : i32
      %dma_start3A_47 = tpu.memref_slice %arg6[%add3A_20, %dma_start3A_46] : memref<10240x128xf32, #tpu.memory_space<vmem_shared>> -> memref<128x128xf32, #tpu.memory_space<vmem_shared>>
      tpu.enqueue_dma source(%arg10 : memref<128x128xf32, #tpu.memory_space<vmem>>) target(%dma_start3A_47 : memref<128x128xf32, #tpu.memory_space<vmem_shared>>) target_semaphore(%run_scoped3A_43 : memref<!tpu.dma_semaphore, #tpu.memory_space<semaphore_mem>>)
      %dma_wait3A_48 = arith.constant 0 : i32
      %dma_wait3A_49 = tpu.memref_slice %arg6[%add3A_20, %dma_wait3A_48] : memref<10240x128xf32, #tpu.memory_space<vmem_shared>> -> memref<128x128xf32, #tpu.memory_space<vmem_shared>>
      %dma_wait3A_50 = arith.constant 0 : i32
      %dma_wait3A_51 = tpu.memref_slice %arg6[%add3A_20, %dma_wait3A_50] : memref<10240x128xf32, #tpu.memory_space<vmem_shared>> -> memref<128x128xf32, #tpu.memory_space<vmem_shared>>
      tpu.wait_dma2 semaphore(%run_scoped3A_43 : memref<!tpu.dma_semaphore, #tpu.memory_space<semaphore_mem>>) src(%arg10 : memref<128x128xf32, #tpu.memory_space<vmem>>) dst(%dma_wait3A_51 : memref<128x128xf32, #tpu.memory_space<vmem_shared>>)
      tpu.yield
    }) : () -> ()
    %add3A_21 = arith.constant 384 : i32
    %add3A_22 = arith.addi %mul3A_2, %add3A_21 : i32
    "tpu.region"() ({
      %run_scoped3A_43 = tpu.sem_alloc : memref<!tpu.dma_semaphore, #tpu.memory_space<semaphore_mem>>
      %dma_start3A_44 = arith.constant 0 : i32
      %dma_start3A_45 = tpu.memref_slice %arg6[%add3A_22, %dma_start3A_44] : memref<10240x128xf32, #tpu.memory_space<vmem_shared>> -> memref<128x128xf32, #tpu.memory_space<vmem_shared>>
      %dma_start3A_46 = arith.constant 0 : i32
      %dma_start3A_47 = tpu.memref_slice %arg6[%add3A_22, %dma_start3A_46] : memref<10240x128xf32, #tpu.memory_space<vmem_shared>> -> memref<128x128xf32, #tpu.memory_space<vmem_shared>>
      tpu.enqueue_dma source(%arg10 : memref<128x128xf32, #tpu.memory_space<vmem>>) target(%dma_start3A_47 : memref<128x128xf32, #tpu.memory_space<vmem_shared>>) target_semaphore(%run_scoped3A_43 : memref<!tpu.dma_semaphore, #tpu.memory_space<semaphore_mem>>)
      %dma_wait3A_48 = arith.constant 0 : i32
      %dma_wait3A_49 = tpu.memref_slice %arg6[%add3A_22, %dma_wait3A_48] : memref<10240x128xf32, #tpu.memory_space<vmem_shared>> -> memref<128x128xf32, #tpu.memory_space<vmem_shared>>
      %dma_wait3A_50 = arith.constant 0 : i32
      %dma_wait3A_51 = tpu.memref_slice %arg6[%add3A_22, %dma_wait3A_50] : memref<10240x128xf32, #tpu.memory_space<vmem_shared>> -> memref<128x128xf32, #tpu.memory_space<vmem_shared>>
      tpu.wait_dma2 semaphore(%run_scoped3A_43 : memref<!tpu.dma_semaphore, #tpu.memory_space<semaphore_mem>>) src(%arg10 : memref<128x128xf32, #tpu.memory_space<vmem>>) dst(%dma_wait3A_51 : memref<128x128xf32, #tpu.memory_space<vmem_shared>>)
      tpu.yield
    }) : () -> ()
    %add3A_23 = arith.constant 512 : i32
    %add3A_24 = arith.addi %mul3A_2, %add3A_23 : i32
    "tpu.region"() ({
      %run_scoped3A_43 = tpu.sem_alloc : memref<!tpu.dma_semaphore, #tpu.memory_space<semaphore_mem>>
      %dma_start3A_44 = arith.constant 0 : i32
      %dma_start3A_45 = tpu.memref_slice %arg6[%add3A_24, %dma_start3A_44] : memref<10240x128xf32, #tpu.memory_space<vmem_shared>> -> memref<128x128xf32, #tpu.memory_space<vmem_shared>>
      %dma_start3A_46 = arith.constant 0 : i32
      %dma_start3A_47 = tpu.memref_slice %arg6[%add3A_24, %dma_start3A_46] : memref<10240x128xf32, #tpu.memory_space<vmem_shared>> -> memref<128x128xf32, #tpu.memory_space<vmem_shared>>
      tpu.enqueue_dma source(%arg10 : memref<128x128xf32, #tpu.memory_space<vmem>>) target(%dma_start3A_47 : memref<128x128xf32, #tpu.memory_space<vmem_shared>>) target_semaphore(%run_scoped3A_43 : memref<!tpu.dma_semaphore, #tpu.memory_space<semaphore_mem>>)
      %dma_wait3A_48 = arith.constant 0 : i32
      %dma_wait3A_49 = tpu.memref_slice %arg6[%add3A_24, %dma_wait3A_48] : memref<10240x128xf32, #tpu.memory_space<vmem_shared>> -> memref<128x128xf32, #tpu.memory_space<vmem_shared>>
      %dma_wait3A_50 = arith.constant 0 : i32
      %dma_wait3A_51 = tpu.memref_slice %arg6[%add3A_24, %dma_wait3A_50] : memref<10240x128xf32, #tpu.memory_space<vmem_shared>> -> memref<128x128xf32, #tpu.memory_space<vmem_shared>>
      tpu.wait_dma2 semaphore(%run_scoped3A_43 : memref<!tpu.dma_semaphore, #tpu.memory_space<semaphore_mem>>) src(%arg10 : memref<128x128xf32, #tpu.memory_space<vmem>>) dst(%dma_wait3A_51 : memref<128x128xf32, #tpu.memory_space<vmem_shared>>)
      tpu.yield
    }) : () -> ()
    "tpu.region"() ({
      %run_scoped3A_43 = tpu.sem_alloc : memref<!tpu.dma_semaphore, #tpu.memory_space<semaphore_mem>>
      %dma_start3A_44 = arith.constant 0 : i32
      %dma_start3A_45 = tpu.memref_slice %arg4[%mul3A_4, %dma_start3A_44] : memref<2560x128xi32, #tpu.memory_space<hbm>> -> memref<80x128xi32, #tpu.memory_space<hbm>>
      %dma_start3A_46 = arith.constant 0 : i32
      %dma_start3A_47 = tpu.memref_slice %arg4[%mul3A_4, %dma_start3A_46] : memref<2560x128xi32, #tpu.memory_space<hbm>> -> memref<80x128xi32, #tpu.memory_space<hbm>>
      tpu.enqueue_dma source(%dma_start3A_47 : memref<80x128xi32, #tpu.memory_space<hbm>>) target(%arg7 : memref<80x128xi32, #tpu.memory_space<vmem>>) target_semaphore(%run_scoped3A_43 : memref<!tpu.dma_semaphore, #tpu.memory_space<semaphore_mem>>)
      %dma_wait3A_48 = arith.constant 0 : i32
      %dma_wait3A_49 = tpu.memref_slice %arg4[%mul3A_4, %dma_wait3A_48] : memref<2560x128xi32, #tpu.memory_space<hbm>> -> memref<80x128xi32, #tpu.memory_space<hbm>>
      %dma_wait3A_50 = arith.constant 0 : i32
      %dma_wait3A_51 = tpu.memref_slice %arg4[%mul3A_4, %dma_wait3A_50] : memref<2560x128xi32, #tpu.memory_space<hbm>> -> memref<80x128xi32, #tpu.memory_space<hbm>>
      tpu.wait_dma2 semaphore(%run_scoped3A_43 : memref<!tpu.dma_semaphore, #tpu.memory_space<semaphore_mem>>) src(%dma_wait3A_51 : memref<80x128xi32, #tpu.memory_space<hbm>>) dst(%arg7 : memref<80x128xi32, #tpu.memory_space<vmem>>)
      tpu.yield
    }) : () -> ()
    %add3A_25 = arith.constant 0 : i32
    %add3A_26 = arith.addi %mul3A_4, %add3A_25 : i32
    "tpu.region"() ({
      %run_scoped3A_43 = tpu.sem_alloc : memref<!tpu.dma_semaphore, #tpu.memory_space<semaphore_mem>>
      %dma_start3A_44 = arith.constant 0 : i32
      %dma_start3A_45 = tpu.memref_slice %arg3[%add3A_26, %dma_start3A_44] : memref<2560x128xi32, #tpu.memory_space<hbm>> -> memref<1x128xi32, #tpu.memory_space<hbm>>
      %dma_start3A_46 = tpu.memref_squeeze %dma_start3A_45 : memref<1x128xi32, #tpu.memory_space<hbm>> -> memref<128xi32, #tpu.memory_space<hbm>>
      %dma_start3A_47 = arith.constant 0 : i32
      %dma_start3A_48 = tpu.memref_slice %arg3[%add3A_26, %dma_start3A_47] : memref<2560x128xi32, #tpu.memory_space<hbm>> -> memref<1x128xi32, #tpu.memory_space<hbm>>
      %dma_start3A_49 = tpu.memref_squeeze %dma_start3A_48 : memref<1x128xi32, #tpu.memory_space<hbm>> -> memref<128xi32, #tpu.memory_space<hbm>>
      tpu.enqueue_dma source(%dma_start3A_49 : memref<128xi32, #tpu.memory_space<hbm>>) target(%arg8 : memref<128xi32, #tpu.memory_space<vmem>>) target_semaphore(%run_scoped3A_43 : memref<!tpu.dma_semaphore, #tpu.memory_space<semaphore_mem>>)
      %dma_wait3A_50 = arith.constant 0 : i32
      %dma_wait3A_51 = tpu.memref_slice %arg3[%add3A_26, %dma_wait3A_50] : memref<2560x128xi32, #tpu.memory_space<hbm>> -> memref<1x128xi32, #tpu.memory_space<hbm>>
      %dma_wait3A_52 = tpu.memref_squeeze %dma_wait3A_51 : memref<1x128xi32, #tpu.memory_space<hbm>> -> memref<128xi32, #tpu.memory_space<hbm>>
      %dma_wait3A_53 = arith.constant 0 : i32
      %dma_wait3A_54 = tpu.memref_slice %arg3[%add3A_26, %dma_wait3A_53] : memref<2560x128xi32, #tpu.memory_space<hbm>> -> memref<1x128xi32, #tpu.memory_space<hbm>>
      %dma_wait3A_55 = tpu.memref_squeeze %dma_wait3A_54 : memref<1x128xi32, #tpu.memory_space<hbm>> -> memref<128xi32, #tpu.memory_space<hbm>>
      tpu.wait_dma2 semaphore(%run_scoped3A_43 : memref<!tpu.dma_semaphore, #tpu.memory_space<semaphore_mem>>) src(%dma_wait3A_55 : memref<128xi32, #tpu.memory_space<hbm>>) dst(%arg8 : memref<128xi32, #tpu.memory_space<vmem>>)
      tpu.yield
    }) : () -> ()
    %dma_start3A_27 = arith.constant 0 : i32
    %dma_start3A_28 = arith.constant 0 : i32
    %dma_start3A_29 = tpu.memref_slice %arg2[%dma_start3A_27, %dma_start3A_28] : memref<10240x128xf32, #tpu.memory_space<hbm>> -> memref<10240x128xf32, #tpu.memory_space<hbm>>
    tpu.enqueue_indirect_dma source(%dma_start3A_29 : memref<10240x128xf32, #tpu.memory_space<hbm>>) target(%arg10 : memref<128x128xf32, #tpu.memory_space<vmem>>) offsets(%arg8 : memref<128xi32, #tpu.memory_space<vmem>>) semaphore(%arg12 : memref<!tpu.dma_semaphore, #tpu.memory_space<semaphore_mem>>)
    %barrier3A = arith.constant 0 : index
    tpu.barrier barrier_id(%barrier3A)
    %scan3A_30 = arith.constant 0 : i32
    %scan3A_31 = arith.constant 0 : i32
    %scan3A_32 = arith.constant 39 : i32
    %scan3A_33 = arith.addi %scan3A_31, %scan3A_32 : i32
    %scan3A_34 = arith.constant 1 : i32
    scf.for %scan3A_43 = %scan3A_31 to %scan3A_33 step %scan3A_34  : i32 {
      %mul3A_44 = arith.constant 2 : i32
      %mul3A_45 = arith.muli %scan3A_43, %mul3A_44 : i32
      %add3A_46 = arith.constant 0 : i32
      %add3A_47 = arith.addi %mul3A_45, %add3A_46 : i32
      %dma_wait3A_48 = arith.constant 0 : i32
      %dma_wait3A_49 = arith.constant 0 : i32
      %dma_wait3A_50 = tpu.memref_slice %arg2[%dma_wait3A_48, %dma_wait3A_49] : memref<10240x128xf32, #tpu.memory_space<hbm>> -> memref<10240x128xf32, #tpu.memory_space<hbm>>
      tpu.wait_indirect_dma semaphore(%arg12 : memref<!tpu.dma_semaphore, #tpu.memory_space<semaphore_mem>>) src(%dma_wait3A_50 : memref<10240x128xf32, #tpu.memory_space<hbm>>) dst(%arg10 : memref<128x128xf32, #tpu.memory_space<vmem>>)
      %add3A_51 = arith.addi %mul3A_4, %add3A_47 : i32
      %add3A_52 = arith.constant 2 : i32
      %add3A_53 = arith.addi %add3A_51, %add3A_52 : i32
      %dma_start3A_54 = arith.constant 0 : i32
      %dma_start3A_55 = tpu.memref_slice %arg3[%add3A_53, %dma_start3A_54] : memref<2560x128xi32, #tpu.memory_space<hbm>> -> memref<1x128xi32, #tpu.memory_space<hbm>>
      %dma_start3A_56 = tpu.memref_squeeze %dma_start3A_55 : memref<1x128xi32, #tpu.memory_space<hbm>> -> memref<128xi32, #tpu.memory_space<hbm>>
      %dma_start3A_57 = arith.constant 0 : i32
      %dma_start3A_58 = tpu.memref_slice %arg3[%add3A_53, %dma_start3A_57] : memref<2560x128xi32, #tpu.memory_space<hbm>> -> memref<1x128xi32, #tpu.memory_space<hbm>>
      %dma_start3A_59 = tpu.memref_squeeze %dma_start3A_58 : memref<1x128xi32, #tpu.memory_space<hbm>> -> memref<128xi32, #tpu.memory_space<hbm>>
      tpu.enqueue_dma source(%dma_start3A_59 : memref<128xi32, #tpu.memory_space<hbm>>) target(%arg8 : memref<128xi32, #tpu.memory_space<vmem>>) target_semaphore(%arg14 : memref<!tpu.dma_semaphore, #tpu.memory_space<semaphore_mem>>)
      "tpu.region"() ({
        %run_scoped3A_92 = tpu.sem_alloc : memref<!tpu.dma_semaphore, #tpu.memory_space<semaphore_mem>>
        %dma_start3A_93 = arith.constant 0 : i32
        %dma_start3A_94 = tpu.memref_slice %arg7[%add3A_47, %dma_start3A_93] : memref<80x128xi32, #tpu.memory_space<vmem>> -> memref<1x128xi32, #tpu.memory_space<vmem>>
        %dma_start3A_95 = tpu.memref_squeeze %dma_start3A_94 : memref<1x128xi32, #tpu.memory_space<vmem>> -> memref<128xi32, #tpu.memory_space<vmem>>
        %dma_start3A_96 = arith.constant 0 : i32
        %dma_start3A_97 = arith.constant 0 : i32
        %dma_start3A_98 = tpu.memref_slice %arg6[%dma_start3A_96, %dma_start3A_97] : memref<10240x128xf32, #tpu.memory_space<vmem_shared>> -> memref<10240x128xf32, #tpu.memory_space<vmem_shared>>
        tpu.enqueue_indirect_dma source(%arg10 : memref<128x128xf32, #tpu.memory_space<vmem>>) target(%dma_start3A_98 : memref<10240x128xf32, #tpu.memory_space<vmem_shared>>) offsets(%dma_start3A_95 : memref<128xi32, #tpu.memory_space<vmem>>) semaphore(%run_scoped3A_92 : memref<!tpu.dma_semaphore, #tpu.memory_space<semaphore_mem>>) {add = true}
        %dma_wait3A_99 = arith.constant 0 : i32
        %dma_wait3A_100 = tpu.memref_slice %arg7[%add3A_47, %dma_wait3A_99] : memref<80x128xi32, #tpu.memory_space<vmem>> -> memref<1x128xi32, #tpu.memory_space<vmem>>
        %dma_wait3A_101 = tpu.memref_squeeze %dma_wait3A_100 : memref<1x128xi32, #tpu.memory_space<vmem>> -> memref<128xi32, #tpu.memory_space<vmem>>
        %dma_wait3A_102 = arith.constant 0 : i32
        %dma_wait3A_103 = arith.constant 0 : i32
        %dma_wait3A_104 = tpu.memref_slice %arg6[%dma_wait3A_102, %dma_wait3A_103] : memref<10240x128xf32, #tpu.memory_space<vmem_shared>> -> memref<10240x128xf32, #tpu.memory_space<vmem_shared>>
        tpu.wait_indirect_dma semaphore(%run_scoped3A_92 : memref<!tpu.dma_semaphore, #tpu.memory_space<semaphore_mem>>) src(%arg10 : memref<128x128xf32, #tpu.memory_space<vmem>>) dst(%dma_wait3A_104 : memref<10240x128xf32, #tpu.memory_space<vmem_shared>>)
        tpu.yield
      }) : () -> ()
      %dma_wait3A_60 = arith.constant 0 : i32
      %dma_wait3A_61 = tpu.memref_slice %arg3[%add3A_53, %dma_wait3A_60] : memref<2560x128xi32, #tpu.memory_space<hbm>> -> memref<1x128xi32, #tpu.memory_space<hbm>>
      %dma_wait3A_62 = tpu.memref_squeeze %dma_wait3A_61 : memref<1x128xi32, #tpu.memory_space<hbm>> -> memref<128xi32, #tpu.memory_space<hbm>>
      %dma_wait3A_63 = arith.constant 0 : i32
      %dma_wait3A_64 = tpu.memref_slice %arg3[%add3A_53, %dma_wait3A_63] : memref<2560x128xi32, #tpu.memory_space<hbm>> -> memref<1x128xi32, #tpu.memory_space<hbm>>
      %dma_wait3A_65 = tpu.memref_squeeze %dma_wait3A_64 : memref<1x128xi32, #tpu.memory_space<hbm>> -> memref<128xi32, #tpu.memory_space<hbm>>
      tpu.wait_dma2 semaphore(%arg14 : memref<!tpu.dma_semaphore, #tpu.memory_space<semaphore_mem>>) src(%dma_wait3A_65 : memref<128xi32, #tpu.memory_space<hbm>>) dst(%arg8 : memref<128xi32, #tpu.memory_space<vmem>>)
      %dma_start3A_66 = arith.constant 0 : i32
      %dma_start3A_67 = arith.constant 0 : i32
      %dma_start3A_68 = tpu.memref_slice %arg2[%dma_start3A_66, %dma_start3A_67] : memref<10240x128xf32, #tpu.memory_space<hbm>> -> memref<10240x128xf32, #tpu.memory_space<hbm>>
      tpu.enqueue_indirect_dma source(%dma_start3A_68 : memref<10240x128xf32, #tpu.memory_space<hbm>>) target(%arg10 : memref<128x128xf32, #tpu.memory_space<vmem>>) offsets(%arg8 : memref<128xi32, #tpu.memory_space<vmem>>) semaphore(%arg12 : memref<!tpu.dma_semaphore, #tpu.memory_space<semaphore_mem>>)
      %add3A_69 = arith.constant 1 : i32
      %add3A_70 = arith.addi %mul3A_45, %add3A_69 : i32
      %dma_wait3A_71 = arith.constant 0 : i32
      %dma_wait3A_72 = arith.constant 0 : i32
      %dma_wait3A_73 = tpu.memref_slice %arg2[%dma_wait3A_71, %dma_wait3A_72] : memref<10240x128xf32, #tpu.memory_space<hbm>> -> memref<10240x128xf32, #tpu.memory_space<hbm>>
      tpu.wait_indirect_dma semaphore(%arg13 : memref<!tpu.dma_semaphore, #tpu.memory_space<semaphore_mem>>) src(%dma_wait3A_73 : memref<10240x128xf32, #tpu.memory_space<hbm>>) dst(%arg11 : memref<128x128xf32, #tpu.memory_space<vmem>>)
      %add3A_74 = arith.addi %mul3A_4, %add3A_70 : i32
      %add3A_75 = arith.constant 2 : i32
      %add3A_76 = arith.addi %add3A_74, %add3A_75 : i32
      %dma_start3A_77 = arith.constant 0 : i32
      %dma_start3A_78 = tpu.memref_slice %arg3[%add3A_76, %dma_start3A_77] : memref<2560x128xi32, #tpu.memory_space<hbm>> -> memref<1x128xi32, #tpu.memory_space<hbm>>
      %dma_start3A_79 = tpu.memref_squeeze %dma_start3A_78 : memref<1x128xi32, #tpu.memory_space<hbm>> -> memref<128xi32, #tpu.memory_space<hbm>>
      %dma_start3A_80 = arith.constant 0 : i32
      %dma_start3A_81 = tpu.memref_slice %arg3[%add3A_76, %dma_start3A_80] : memref<2560x128xi32, #tpu.memory_space<hbm>> -> memref<1x128xi32, #tpu.memory_space<hbm>>
      %dma_start3A_82 = tpu.memref_squeeze %dma_start3A_81 : memref<1x128xi32, #tpu.memory_space<hbm>> -> memref<128xi32, #tpu.memory_space<hbm>>
      tpu.enqueue_dma source(%dma_start3A_82 : memref<128xi32, #tpu.memory_space<hbm>>) target(%arg9 : memref<128xi32, #tpu.memory_space<vmem>>) target_semaphore(%arg14 : memref<!tpu.dma_semaphore, #tpu.memory_space<semaphore_mem>>)
      "tpu.region"() ({
        %run_scoped3A_92 = tpu.sem_alloc : memref<!tpu.dma_semaphore, #tpu.memory_space<semaphore_mem>>
        %dma_start3A_93 = arith.constant 0 : i32
        %dma_start3A_94 = tpu.memref_slice %arg7[%add3A_70, %dma_start3A_93] : memref<80x128xi32, #tpu.memory_space<vmem>> -> memref<1x128xi32, #tpu.memory_space<vmem>>
        %dma_start3A_95 = tpu.memref_squeeze %dma_start3A_94 : memref<1x128xi32, #tpu.memory_space<vmem>> -> memref<128xi32, #tpu.memory_space<vmem>>
        %dma_start3A_96 = arith.constant 0 : i32
        %dma_start3A_97 = arith.constant 0 : i32
        %dma_start3A_98 = tpu.memref_slice %arg6[%dma_start3A_96, %dma_start3A_97] : memref<10240x128xf32, #tpu.memory_space<vmem_shared>> -> memref<10240x128xf32, #tpu.memory_space<vmem_shared>>
        tpu.enqueue_indirect_dma source(%arg11 : memref<128x128xf32, #tpu.memory_space<vmem>>) target(%dma_start3A_98 : memref<10240x128xf32, #tpu.memory_space<vmem_shared>>) offsets(%dma_start3A_95 : memref<128xi32, #tpu.memory_space<vmem>>) semaphore(%run_scoped3A_92 : memref<!tpu.dma_semaphore, #tpu.memory_space<semaphore_mem>>) {add = true}
        %dma_wait3A_99 = arith.constant 0 : i32
        %dma_wait3A_100 = tpu.memref_slice %arg7[%add3A_70, %dma_wait3A_99] : memref<80x128xi32, #tpu.memory_space<vmem>> -> memref<1x128xi32, #tpu.memory_space<vmem>>
        %dma_wait3A_101 = tpu.memref_squeeze %dma_wait3A_100 : memref<1x128xi32, #tpu.memory_space<vmem>> -> memref<128xi32, #tpu.memory_space<vmem>>
        %dma_wait3A_102 = arith.constant 0 : i32
        %dma_wait3A_103 = arith.constant 0 : i32
        %dma_wait3A_104 = tpu.memref_slice %arg6[%dma_wait3A_102, %dma_wait3A_103] : memref<10240x128xf32, #tpu.memory_space<vmem_shared>> -> memref<10240x128xf32, #tpu.memory_space<vmem_shared>>
        tpu.wait_indirect_dma semaphore(%run_scoped3A_92 : memref<!tpu.dma_semaphore, #tpu.memory_space<semaphore_mem>>) src(%arg11 : memref<128x128xf32, #tpu.memory_space<vmem>>) dst(%dma_wait3A_104 : memref<10240x128xf32, #tpu.memory_space<vmem_shared>>)
        tpu.yield
      }) : () -> ()
      %dma_wait3A_83 = arith.constant 0 : i32
      %dma_wait3A_84 = tpu.memref_slice %arg3[%add3A_76, %dma_wait3A_83] : memref<2560x128xi32, #tpu.memory_space<hbm>> -> memref<1x128xi32, #tpu.memory_space<hbm>>
      %dma_wait3A_85 = tpu.memref_squeeze %dma_wait3A_84 : memref<1x128xi32, #tpu.memory_space<hbm>> -> memref<128xi32, #tpu.memory_space<hbm>>
      %dma_wait3A_86 = arith.constant 0 : i32
      %dma_wait3A_87 = tpu.memref_slice %arg3[%add3A_76, %dma_wait3A_86] : memref<2560x128xi32, #tpu.memory_space<hbm>> -> memref<1x128xi32, #tpu.memory_space<hbm>>
      %dma_wait3A_88 = tpu.memref_squeeze %dma_wait3A_87 : memref<1x128xi32, #tpu.memory_space<hbm>> -> memref<128xi32, #tpu.memory_space<hbm>>
      tpu.wait_dma2 semaphore(%arg14 : memref<!tpu.dma_semaphore, #tpu.memory_space<semaphore_mem>>) src(%dma_wait3A_88 : memref<128xi32, #tpu.memory_space<hbm>>) dst(%arg9 : memref<128xi32, #tpu.memory_space<vmem>>)
      %dma_start3A_89 = arith.constant 0 : i32
      %dma_start3A_90 = arith.constant 0 : i32
      %dma_start3A_91 = tpu.memref_slice %arg2[%dma_start3A_89, %dma_start3A_90] : memref<10240x128xf32, #tpu.memory_space<hbm>> -> memref<10240x128xf32, #tpu.memory_space<hbm>>
      tpu.enqueue_indirect_dma source(%dma_start3A_91 : memref<10240x128xf32, #tpu.memory_space<hbm>>) target(%arg11 : memref<128x128xf32, #tpu.memory_space<vmem>>) offsets(%arg9 : memref<128xi32, #tpu.memory_space<vmem>>) semaphore(%arg13 : memref<!tpu.dma_semaphore, #tpu.memory_space<semaphore_mem>>)
    }
    %scan3A_35 = arith.constant 39 : i32
    %dma_wait3A = arith.constant 0 : i32
    %dma_wait3A_36 = arith.constant 0 : i32
    %dma_wait3A_37 = tpu.memref_slice %arg2[%dma_wait3A, %dma_wait3A_36] : memref<10240x128xf32, #tpu.memory_space<hbm>> -> memref<10240x128xf32, #tpu.memory_space<hbm>>
    tpu.wait_indirect_dma semaphore(%arg12 : memref<!tpu.dma_semaphore, #tpu.memory_space<semaphore_mem>>) src(%dma_wait3A_37 : memref<10240x128xf32, #tpu.memory_space<hbm>>) dst(%arg10 : memref<128x128xf32, #tpu.memory_space<vmem>>)
    %run_scoped3A = arith.constant 78 : i32
    "tpu.region"() ({
      %run_scoped3A_43 = tpu.sem_alloc : memref<!tpu.dma_semaphore, #tpu.memory_space<semaphore_mem>>
      %dma_start3A_44 = arith.constant 0 : i32
      %dma_start3A_45 = tpu.memref_slice %arg7[%run_scoped3A, %dma_start3A_44] : memref<80x128xi32, #tpu.memory_space<vmem>> -> memref<1x128xi32, #tpu.memory_space<vmem>>
      %dma_start3A_46 = tpu.memref_squeeze %dma_start3A_45 : memref<1x128xi32, #tpu.memory_space<vmem>> -> memref<128xi32, #tpu.memory_space<vmem>>
      %dma_start3A_47 = arith.constant 0 : i32
      %dma_start3A_48 = arith.constant 0 : i32
      %dma_start3A_49 = tpu.memref_slice %arg6[%dma_start3A_47, %dma_start3A_48] : memref<10240x128xf32, #tpu.memory_space<vmem_shared>> -> memref<10240x128xf32, #tpu.memory_space<vmem_shared>>
      tpu.enqueue_indirect_dma source(%arg10 : memref<128x128xf32, #tpu.memory_space<vmem>>) target(%dma_start3A_49 : memref<10240x128xf32, #tpu.memory_space<vmem_shared>>) offsets(%dma_start3A_46 : memref<128xi32, #tpu.memory_space<vmem>>) semaphore(%run_scoped3A_43 : memref<!tpu.dma_semaphore, #tpu.memory_space<semaphore_mem>>) {add = true}
      %dma_wait3A_50 = arith.constant 0 : i32
      %dma_wait3A_51 = tpu.memref_slice %arg7[%run_scoped3A, %dma_wait3A_50] : memref<80x128xi32, #tpu.memory_space<vmem>> -> memref<1x128xi32, #tpu.memory_space<vmem>>
      %dma_wait3A_52 = tpu.memref_squeeze %dma_wait3A_51 : memref<1x128xi32, #tpu.memory_space<vmem>> -> memref<128xi32, #tpu.memory_space<vmem>>
      %dma_wait3A_53 = arith.constant 0 : i32
      %dma_wait3A_54 = arith.constant 0 : i32
      %dma_wait3A_55 = tpu.memref_slice %arg6[%dma_wait3A_53, %dma_wait3A_54] : memref<10240x128xf32, #tpu.memory_space<vmem_shared>> -> memref<10240x128xf32, #tpu.memory_space<vmem_shared>>
      tpu.wait_indirect_dma semaphore(%run_scoped3A_43 : memref<!tpu.dma_semaphore, #tpu.memory_space<semaphore_mem>>) src(%arg10 : memref<128x128xf32, #tpu.memory_space<vmem>>) dst(%dma_wait3A_55 : memref<10240x128xf32, #tpu.memory_space<vmem_shared>>)
      tpu.yield
    }) : () -> ()
    %dma_wait3A_38 = arith.constant 0 : i32
    %dma_wait3A_39 = arith.constant 0 : i32
    %dma_wait3A_40 = tpu.memref_slice %arg2[%dma_wait3A_38, %dma_wait3A_39] : memref<10240x128xf32, #tpu.memory_space<hbm>> -> memref<10240x128xf32, #tpu.memory_space<hbm>>
    tpu.wait_indirect_dma semaphore(%arg13 : memref<!tpu.dma_semaphore, #tpu.memory_space<semaphore_mem>>) src(%dma_wait3A_40 : memref<10240x128xf32, #tpu.memory_space<hbm>>) dst(%arg11 : memref<128x128xf32, #tpu.memory_space<vmem>>)
    %run_scoped3A_41 = arith.constant 79 : i32
    "tpu.region"() ({
      %run_scoped3A_43 = tpu.sem_alloc : memref<!tpu.dma_semaphore, #tpu.memory_space<semaphore_mem>>
      %dma_start3A_44 = arith.constant 0 : i32
      %dma_start3A_45 = tpu.memref_slice %arg7[%run_scoped3A_41, %dma_start3A_44] : memref<80x128xi32, #tpu.memory_space<vmem>> -> memref<1x128xi32, #tpu.memory_space<vmem>>
      %dma_start3A_46 = tpu.memref_squeeze %dma_start3A_45 : memref<1x128xi32, #tpu.memory_space<vmem>> -> memref<128xi32, #tpu.memory_space<vmem>>
      %dma_start3A_47 = arith.constant 0 : i32
      %dma_start3A_48 = arith.constant 0 : i32
      %dma_start3A_49 = tpu.memref_slice %arg6[%dma_start3A_47, %dma_start3A_48] : memref<10240x128xf32, #tpu.memory_space<vmem_shared>> -> memref<10240x128xf32, #tpu.memory_space<vmem_shared>>
      tpu.enqueue_indirect_dma source(%arg11 : memref<128x128xf32, #tpu.memory_space<vmem>>) target(%dma_start3A_49 : memref<10240x128xf32, #tpu.memory_space<vmem_shared>>) offsets(%dma_start3A_46 : memref<128xi32, #tpu.memory_space<vmem>>) semaphore(%run_scoped3A_43 : memref<!tpu.dma_semaphore, #tpu.memory_space<semaphore_mem>>) {add = true}
      %dma_wait3A_50 = arith.constant 0 : i32
      %dma_wait3A_51 = tpu.memref_slice %arg7[%run_scoped3A_41, %dma_wait3A_50] : memref<80x128xi32, #tpu.memory_space<vmem>> -> memref<1x128xi32, #tpu.memory_space<vmem>>
      %dma_wait3A_52 = tpu.memref_squeeze %dma_wait3A_51 : memref<1x128xi32, #tpu.memory_space<vmem>> -> memref<128xi32, #tpu.memory_space<vmem>>
      %dma_wait3A_53 = arith.constant 0 : i32
      %dma_wait3A_54 = arith.constant 0 : i32
      %dma_wait3A_55 = tpu.memref_slice %arg6[%dma_wait3A_53, %dma_wait3A_54] : memref<10240x128xf32, #tpu.memory_space<vmem_shared>> -> memref<10240x128xf32, #tpu.memory_space<vmem_shared>>
      tpu.wait_indirect_dma semaphore(%run_scoped3A_43 : memref<!tpu.dma_semaphore, #tpu.memory_space<semaphore_mem>>) src(%arg11 : memref<128x128xf32, #tpu.memory_space<vmem>>) dst(%dma_wait3A_55 : memref<10240x128xf32, #tpu.memory_space<vmem_shared>>)
      tpu.yield
    }) : () -> ()
    %barrier3A_42 = arith.constant 0 : index
    tpu.barrier barrier_id(%barrier3A_42)
    "tpu.region"() ({
      %run_scoped3A_43 = tpu.sem_alloc : memref<!tpu.dma_semaphore, #tpu.memory_space<semaphore_mem>>
      %dma_start3A_44 = arith.constant 0 : i32
      %dma_start3A_45 = tpu.memref_slice %arg5[%arg0, %mul3A_2, %dma_start3A_44] : memref<2x10240x128xf32, #tpu.memory_space<hbm>> -> memref<1x640x128xf32, #tpu.memory_space<hbm>>
      %dma_start3A_46 = tpu.memref_squeeze %dma_start3A_45 : memref<1x640x128xf32, #tpu.memory_space<hbm>> -> memref<640x128xf32, #tpu.memory_space<hbm>>
      %dma_start3A_47 = arith.constant 0 : i32
      %dma_start3A_48 = tpu.memref_slice %arg6[%mul3A_2, %dma_start3A_47] : memref<10240x128xf32, #tpu.memory_space<vmem_shared>> -> memref<640x128xf32, #tpu.memory_space<vmem_shared>>
      tpu.enqueue_dma source(%dma_start3A_48 : memref<640x128xf32, #tpu.memory_space<vmem_shared>>) target(%dma_start3A_46 : memref<640x128xf32, #tpu.memory_space<hbm>>) target_semaphore(%run_scoped3A_43 : memref<!tpu.dma_semaphore, #tpu.memory_space<semaphore_mem>>)
      %dma_wait3A_49 = arith.constant 0 : i32
      %dma_wait3A_50 = tpu.memref_slice %arg5[%arg0, %mul3A_2, %dma_wait3A_49] : memref<2x10240x128xf32, #tpu.memory_space<hbm>> -> memref<1x640x128xf32, #tpu.memory_space<hbm>>
      %dma_wait3A_51 = tpu.memref_squeeze %dma_wait3A_50 : memref<1x640x128xf32, #tpu.memory_space<hbm>> -> memref<640x128xf32, #tpu.memory_space<hbm>>
      %dma_wait3A_52 = arith.constant 0 : i32
      %dma_wait3A_53 = tpu.memref_slice %arg6[%mul3A_2, %dma_wait3A_52] : memref<10240x128xf32, #tpu.memory_space<vmem_shared>> -> memref<640x128xf32, #tpu.memory_space<vmem_shared>>
      tpu.wait_dma2 semaphore(%run_scoped3A_43 : memref<!tpu.dma_semaphore, #tpu.memory_space<semaphore_mem>>) src(%dma_wait3A_53 : memref<640x128xf32, #tpu.memory_space<vmem_shared>>) dst(%dma_wait3A_51 : memref<640x128xf32, #tpu.memory_space<hbm>>)
      tpu.yield
    }) : () -> ()
    return
  }
}

#map = affine_map<(d0, d1) -> (0, 0)>
#map1 = affine_map<(d0, d1) -> (0, 0, 0)>
module attributes {stable_mosaic.version = 14 : i64} {
  func.func @_deg_body(%arg0: i32, %arg1: i32, %arg2: memref<2560x128xi32, #tpu.memory_space<hbm>>, %arg3: memref<2x10240x128xf32, #tpu.memory_space<hbm>>, %arg4: memref<10240x128xf32, #tpu.memory_space<vmem_shared>>, %arg5: memref<80x128xi32, #tpu.memory_space<vmem>>, %arg6: memref<128x128xf32, #tpu.memory_space<vmem>>) attributes {dimension_semantics = [#tpu.dimension_semantics<core_parallel>, #tpu.dimension_semantics<subcore_parallel>], iteration_bounds = array<i64: 2, 16>, scalar_prefetch = 0 : i64, scratch_operands = 3 : i64, tpu.core_type = #tpu.core_type<sc_vector_subcore>, window_params = [{transform_indices = #map}, {transform_indices = #map1}]} {
    %mul3A = arith.constant 16 : i32
    %mul3A_0 = arith.muli %arg0, %mul3A : i32
    %add3A = arith.addi %mul3A_0, %arg1 : i32
    %mul3A_1 = arith.constant 640 : i32
    %mul3A_2 = arith.muli %arg1, %mul3A_1 : i32
    %broadcast_in_dim3A = arith.constant 0.000000e+00 : f32
    %broadcast_in_dim3A_3 = vector.broadcast %broadcast_in_dim3A : f32 to vector<16xf32>
    %scan3A = arith.constant 0 : i32
    %scan3A_4 = arith.constant 0 : i32
    %scan3A_5 = arith.constant 128 : i32
    %scan3A_6 = arith.addi %scan3A_4, %scan3A_5 : i32
    %scan3A_7 = arith.constant 1 : i32
    scf.for %scan3A_36 = %scan3A_4 to %scan3A_6 step %scan3A_7  : i32 {
      %swap3A = arith.index_cast %scan3A_36 : i32 to index
      %swap3A_37 = arith.constant 0 : index
      %swap3A_38 = tpu.vector_load %arg6[%swap3A, %swap3A_37] {strides = array<i32>} : memref<128x128xf32, #tpu.memory_space<vmem>>, vector<1x16xf32>,
      %swap3A_39 = vector.shape_cast %swap3A_38 : vector<1x16xf32> to vector<16xf32>
      %swap3A_40 = vector.shape_cast %broadcast_in_dim3A_3 : vector<16xf32> to vector<1x16xf32>
      tpu.vector_store %arg6[%swap3A, %swap3A_37], %swap3A_40 {strides = array<i32>} : memref<128x128xf32, #tpu.memory_space<vmem>>, vector<1x16xf32>,
      %swap3A_41 = arith.index_cast %scan3A_36 : i32 to index
      %swap3A_42 = arith.constant 16 : index
      %swap3A_43 = tpu.vector_load %arg6[%swap3A_41, %swap3A_42] {strides = array<i32>} : memref<128x128xf32, #tpu.memory_space<vmem>>, vector<1x16xf32>,
      %swap3A_44 = vector.shape_cast %swap3A_43 : vector<1x16xf32> to vector<16xf32>
      %swap3A_45 = vector.shape_cast %broadcast_in_dim3A_3 : vector<16xf32> to vector<1x16xf32>
      tpu.vector_store %arg6[%swap3A_41, %swap3A_42], %swap3A_45 {strides = array<i32>} : memref<128x128xf32, #tpu.memory_space<vmem>>, vector<1x16xf32>,
      %swap3A_46 = arith.index_cast %scan3A_36 : i32 to index
      %swap3A_47 = arith.constant 32 : index
      %swap3A_48 = tpu.vector_load %arg6[%swap3A_46, %swap3A_47] {strides = array<i32>} : memref<128x128xf32, #tpu.memory_space<vmem>>, vector<1x16xf32>,
      %swap3A_49 = vector.shape_cast %swap3A_48 : vector<1x16xf32> to vector<16xf32>
      %swap3A_50 = vector.shape_cast %broadcast_in_dim3A_3 : vector<16xf32> to vector<1x16xf32>
      tpu.vector_store %arg6[%swap3A_46, %swap3A_47], %swap3A_50 {strides = array<i32>} : memref<128x128xf32, #tpu.memory_space<vmem>>, vector<1x16xf32>,
      %swap3A_51 = arith.index_cast %scan3A_36 : i32 to index
      %swap3A_52 = arith.constant 48 : index
      %swap3A_53 = tpu.vector_load %arg6[%swap3A_51, %swap3A_52] {strides = array<i32>} : memref<128x128xf32, #tpu.memory_space<vmem>>, vector<1x16xf32>,
      %swap3A_54 = vector.shape_cast %swap3A_53 : vector<1x16xf32> to vector<16xf32>
      %swap3A_55 = vector.shape_cast %broadcast_in_dim3A_3 : vector<16xf32> to vector<1x16xf32>
      tpu.vector_store %arg6[%swap3A_51, %swap3A_52], %swap3A_55 {strides = array<i32>} : memref<128x128xf32, #tpu.memory_space<vmem>>, vector<1x16xf32>,
      %swap3A_56 = arith.index_cast %scan3A_36 : i32 to index
      %swap3A_57 = arith.constant 64 : index
      %swap3A_58 = tpu.vector_load %arg6[%swap3A_56, %swap3A_57] {strides = array<i32>} : memref<128x128xf32, #tpu.memory_space<vmem>>, vector<1x16xf32>,
      %swap3A_59 = vector.shape_cast %swap3A_58 : vector<1x16xf32> to vector<16xf32>
      %swap3A_60 = vector.shape_cast %broadcast_in_dim3A_3 : vector<16xf32> to vector<1x16xf32>
      tpu.vector_store %arg6[%swap3A_56, %swap3A_57], %swap3A_60 {strides = array<i32>} : memref<128x128xf32, #tpu.memory_space<vmem>>, vector<1x16xf32>,
      %swap3A_61 = arith.index_cast %scan3A_36 : i32 to index
      %swap3A_62 = arith.constant 80 : index
      %swap3A_63 = tpu.vector_load %arg6[%swap3A_61, %swap3A_62] {strides = array<i32>} : memref<128x128xf32, #tpu.memory_space<vmem>>, vector<1x16xf32>,
      %swap3A_64 = vector.shape_cast %swap3A_63 : vector<1x16xf32> to vector<16xf32>
      %swap3A_65 = vector.shape_cast %broadcast_in_dim3A_3 : vector<16xf32> to vector<1x16xf32>
      tpu.vector_store %arg6[%swap3A_61, %swap3A_62], %swap3A_65 {strides = array<i32>} : memref<128x128xf32, #tpu.memory_space<vmem>>, vector<1x16xf32>,
      %swap3A_66 = arith.index_cast %scan3A_36 : i32 to index
      %swap3A_67 = arith.constant 96 : index
      %swap3A_68 = tpu.vector_load %arg6[%swap3A_66, %swap3A_67] {strides = array<i32>} : memref<128x128xf32, #tpu.memory_space<vmem>>, vector<1x16xf32>,
      %swap3A_69 = vector.shape_cast %swap3A_68 : vector<1x16xf32> to vector<16xf32>
      %swap3A_70 = vector.shape_cast %broadcast_in_dim3A_3 : vector<16xf32> to vector<1x16xf32>
      tpu.vector_store %arg6[%swap3A_66, %swap3A_67], %swap3A_70 {strides = array<i32>} : memref<128x128xf32, #tpu.memory_space<vmem>>, vector<1x16xf32>,
      %swap3A_71 = arith.index_cast %scan3A_36 : i32 to index
      %swap3A_72 = arith.constant 112 : index
      %swap3A_73 = tpu.vector_load %arg6[%swap3A_71, %swap3A_72] {strides = array<i32>} : memref<128x128xf32, #tpu.memory_space<vmem>>, vector<1x16xf32>,
      %swap3A_74 = vector.shape_cast %swap3A_73 : vector<1x16xf32> to vector<16xf32>
      %swap3A_75 = vector.shape_cast %broadcast_in_dim3A_3 : vector<16xf32> to vector<1x16xf32>
      tpu.vector_store %arg6[%swap3A_71, %swap3A_72], %swap3A_75 {strides = array<i32>} : memref<128x128xf32, #tpu.memory_space<vmem>>, vector<1x16xf32>,
    }
    %scan3A_8 = arith.constant 128 : i32
    %add3A_9 = arith.constant 0 : i32
    %add3A_10 = arith.addi %mul3A_2, %add3A_9 : i32
    "tpu.region"() ({
      %run_scoped3A = tpu.sem_alloc : memref<!tpu.dma_semaphore, #tpu.memory_space<semaphore_mem>>
      %dma_start3A = arith.constant 0 : i32
      %dma_start3A_36 = tpu.memref_slice %arg4[%add3A_10, %dma_start3A] : memref<10240x128xf32, #tpu.memory_space<vmem_shared>> -> memref<128x128xf32, #tpu.memory_space<vmem_shared>>
      %dma_start3A_37 = arith.constant 0 : i32
      %dma_start3A_38 = tpu.memref_slice %arg4[%add3A_10, %dma_start3A_37] : memref<10240x128xf32, #tpu.memory_space<vmem_shared>> -> memref<128x128xf32, #tpu.memory_space<vmem_shared>>
      tpu.enqueue_dma source(%arg6 : memref<128x128xf32, #tpu.memory_space<vmem>>) target(%dma_start3A_38 : memref<128x128xf32, #tpu.memory_space<vmem_shared>>) target_semaphore(%run_scoped3A : memref<!tpu.dma_semaphore, #tpu.memory_space<semaphore_mem>>)
      %dma_wait3A = arith.constant 0 : i32
      %dma_wait3A_39 = tpu.memref_slice %arg4[%add3A_10, %dma_wait3A] : memref<10240x128xf32, #tpu.memory_space<vmem_shared>> -> memref<128x128xf32, #tpu.memory_space<vmem_shared>>
      %dma_wait3A_40 = arith.constant 0 : i32
      %dma_wait3A_41 = tpu.memref_slice %arg4[%add3A_10, %dma_wait3A_40] : memref<10240x128xf32, #tpu.memory_space<vmem_shared>> -> memref<128x128xf32, #tpu.memory_space<vmem_shared>>
      tpu.wait_dma2 semaphore(%run_scoped3A : memref<!tpu.dma_semaphore, #tpu.memory_space<semaphore_mem>>) src(%arg6 : memref<128x128xf32, #tpu.memory_space<vmem>>) dst(%dma_wait3A_41 : memref<128x128xf32, #tpu.memory_space<vmem_shared>>)
      tpu.yield
    }) : () -> ()
    %add3A_11 = arith.constant 128 : i32
    %add3A_12 = arith.addi %mul3A_2, %add3A_11 : i32
    "tpu.region"() ({
      %run_scoped3A = tpu.sem_alloc : memref<!tpu.dma_semaphore, #tpu.memory_space<semaphore_mem>>
      %dma_start3A = arith.constant 0 : i32
      %dma_start3A_36 = tpu.memref_slice %arg4[%add3A_12, %dma_start3A] : memref<10240x128xf32, #tpu.memory_space<vmem_shared>> -> memref<128x128xf32, #tpu.memory_space<vmem_shared>>
      %dma_start3A_37 = arith.constant 0 : i32
      %dma_start3A_38 = tpu.memref_slice %arg4[%add3A_12, %dma_start3A_37] : memref<10240x128xf32, #tpu.memory_space<vmem_shared>> -> memref<128x128xf32, #tpu.memory_space<vmem_shared>>
      tpu.enqueue_dma source(%arg6 : memref<128x128xf32, #tpu.memory_space<vmem>>) target(%dma_start3A_38 : memref<128x128xf32, #tpu.memory_space<vmem_shared>>) target_semaphore(%run_scoped3A : memref<!tpu.dma_semaphore, #tpu.memory_space<semaphore_mem>>)
      %dma_wait3A = arith.constant 0 : i32
      %dma_wait3A_39 = tpu.memref_slice %arg4[%add3A_12, %dma_wait3A] : memref<10240x128xf32, #tpu.memory_space<vmem_shared>> -> memref<128x128xf32, #tpu.memory_space<vmem_shared>>
      %dma_wait3A_40 = arith.constant 0 : i32
      %dma_wait3A_41 = tpu.memref_slice %arg4[%add3A_12, %dma_wait3A_40] : memref<10240x128xf32, #tpu.memory_space<vmem_shared>> -> memref<128x128xf32, #tpu.memory_space<vmem_shared>>
      tpu.wait_dma2 semaphore(%run_scoped3A : memref<!tpu.dma_semaphore, #tpu.memory_space<semaphore_mem>>) src(%arg6 : memref<128x128xf32, #tpu.memory_space<vmem>>) dst(%dma_wait3A_41 : memref<128x128xf32, #tpu.memory_space<vmem_shared>>)
      tpu.yield
    }) : () -> ()
    %add3A_13 = arith.constant 256 : i32
    %add3A_14 = arith.addi %mul3A_2, %add3A_13 : i32
    "tpu.region"() ({
      %run_scoped3A = tpu.sem_alloc : memref<!tpu.dma_semaphore, #tpu.memory_space<semaphore_mem>>
      %dma_start3A = arith.constant 0 : i32
      %dma_start3A_36 = tpu.memref_slice %arg4[%add3A_14, %dma_start3A] : memref<10240x128xf32, #tpu.memory_space<vmem_shared>> -> memref<128x128xf32, #tpu.memory_space<vmem_shared>>
      %dma_start3A_37 = arith.constant 0 : i32
      %dma_start3A_38 = tpu.memref_slice %arg4[%add3A_14, %dma_start3A_37] : memref<10240x128xf32, #tpu.memory_space<vmem_shared>> -> memref<128x128xf32, #tpu.memory_space<vmem_shared>>
      tpu.enqueue_dma source(%arg6 : memref<128x128xf32, #tpu.memory_space<vmem>>) target(%dma_start3A_38 : memref<128x128xf32, #tpu.memory_space<vmem_shared>>) target_semaphore(%run_scoped3A : memref<!tpu.dma_semaphore, #tpu.memory_space<semaphore_mem>>)
      %dma_wait3A = arith.constant 0 : i32
      %dma_wait3A_39 = tpu.memref_slice %arg4[%add3A_14, %dma_wait3A] : memref<10240x128xf32, #tpu.memory_space<vmem_shared>> -> memref<128x128xf32, #tpu.memory_space<vmem_shared>>
      %dma_wait3A_40 = arith.constant 0 : i32
      %dma_wait3A_41 = tpu.memref_slice %arg4[%add3A_14, %dma_wait3A_40] : memref<10240x128xf32, #tpu.memory_space<vmem_shared>> -> memref<128x128xf32, #tpu.memory_space<vmem_shared>>
      tpu.wait_dma2 semaphore(%run_scoped3A : memref<!tpu.dma_semaphore, #tpu.memory_space<semaphore_mem>>) src(%arg6 : memref<128x128xf32, #tpu.memory_space<vmem>>) dst(%dma_wait3A_41 : memref<128x128xf32, #tpu.memory_space<vmem_shared>>)
      tpu.yield
    }) : () -> ()
    %add3A_15 = arith.constant 384 : i32
    %add3A_16 = arith.addi %mul3A_2, %add3A_15 : i32
    "tpu.region"() ({
      %run_scoped3A = tpu.sem_alloc : memref<!tpu.dma_semaphore, #tpu.memory_space<semaphore_mem>>
      %dma_start3A = arith.constant 0 : i32
      %dma_start3A_36 = tpu.memref_slice %arg4[%add3A_16, %dma_start3A] : memref<10240x128xf32, #tpu.memory_space<vmem_shared>> -> memref<128x128xf32, #tpu.memory_space<vmem_shared>>
      %dma_start3A_37 = arith.constant 0 : i32
      %dma_start3A_38 = tpu.memref_slice %arg4[%add3A_16, %dma_start3A_37] : memref<10240x128xf32, #tpu.memory_space<vmem_shared>> -> memref<128x128xf32, #tpu.memory_space<vmem_shared>>
      tpu.enqueue_dma source(%arg6 : memref<128x128xf32, #tpu.memory_space<vmem>>) target(%dma_start3A_38 : memref<128x128xf32, #tpu.memory_space<vmem_shared>>) target_semaphore(%run_scoped3A : memref<!tpu.dma_semaphore, #tpu.memory_space<semaphore_mem>>)
      %dma_wait3A = arith.constant 0 : i32
      %dma_wait3A_39 = tpu.memref_slice %arg4[%add3A_16, %dma_wait3A] : memref<10240x128xf32, #tpu.memory_space<vmem_shared>> -> memref<128x128xf32, #tpu.memory_space<vmem_shared>>
      %dma_wait3A_40 = arith.constant 0 : i32
      %dma_wait3A_41 = tpu.memref_slice %arg4[%add3A_16, %dma_wait3A_40] : memref<10240x128xf32, #tpu.memory_space<vmem_shared>> -> memref<128x128xf32, #tpu.memory_space<vmem_shared>>
      tpu.wait_dma2 semaphore(%run_scoped3A : memref<!tpu.dma_semaphore, #tpu.memory_space<semaphore_mem>>) src(%arg6 : memref<128x128xf32, #tpu.memory_space<vmem>>) dst(%dma_wait3A_41 : memref<128x128xf32, #tpu.memory_space<vmem_shared>>)
      tpu.yield
    }) : () -> ()
    %add3A_17 = arith.constant 512 : i32
    %add3A_18 = arith.addi %mul3A_2, %add3A_17 : i32
    "tpu.region"() ({
      %run_scoped3A = tpu.sem_alloc : memref<!tpu.dma_semaphore, #tpu.memory_space<semaphore_mem>>
      %dma_start3A = arith.constant 0 : i32
      %dma_start3A_36 = tpu.memref_slice %arg4[%add3A_18, %dma_start3A] : memref<10240x128xf32, #tpu.memory_space<vmem_shared>> -> memref<128x128xf32, #tpu.memory_space<vmem_shared>>
      %dma_start3A_37 = arith.constant 0 : i32
      %dma_start3A_38 = tpu.memref_slice %arg4[%add3A_18, %dma_start3A_37] : memref<10240x128xf32, #tpu.memory_space<vmem_shared>> -> memref<128x128xf32, #tpu.memory_space<vmem_shared>>
      tpu.enqueue_dma source(%arg6 : memref<128x128xf32, #tpu.memory_space<vmem>>) target(%dma_start3A_38 : memref<128x128xf32, #tpu.memory_space<vmem_shared>>) target_semaphore(%run_scoped3A : memref<!tpu.dma_semaphore, #tpu.memory_space<semaphore_mem>>)
      %dma_wait3A = arith.constant 0 : i32
      %dma_wait3A_39 = tpu.memref_slice %arg4[%add3A_18, %dma_wait3A] : memref<10240x128xf32, #tpu.memory_space<vmem_shared>> -> memref<128x128xf32, #tpu.memory_space<vmem_shared>>
      %dma_wait3A_40 = arith.constant 0 : i32
      %dma_wait3A_41 = tpu.memref_slice %arg4[%add3A_18, %dma_wait3A_40] : memref<10240x128xf32, #tpu.memory_space<vmem_shared>> -> memref<128x128xf32, #tpu.memory_space<vmem_shared>>
      tpu.wait_dma2 semaphore(%run_scoped3A : memref<!tpu.dma_semaphore, #tpu.memory_space<semaphore_mem>>) src(%arg6 : memref<128x128xf32, #tpu.memory_space<vmem>>) dst(%dma_wait3A_41 : memref<128x128xf32, #tpu.memory_space<vmem_shared>>)
      tpu.yield
    }) : () -> ()
    %broadcast_in_dim3A_19 = arith.constant 1.000000e+00 : f32
    %broadcast_in_dim3A_20 = vector.broadcast %broadcast_in_dim3A_19 : f32 to vector<16xf32>
    %scan3A_21 = arith.constant 0 : i32
    %scan3A_22 = arith.constant 0 : i32
    %scan3A_23 = arith.constant 128 : i32
    %scan3A_24 = arith.addi %scan3A_22, %scan3A_23 : i32
    %scan3A_25 = arith.constant 1 : i32
    scf.for %scan3A_36 = %scan3A_22 to %scan3A_24 step %scan3A_25  : i32 {
      %swap3A = arith.index_cast %scan3A_36 : i32 to index
      %swap3A_37 = arith.constant 0 : index
      %swap3A_38 = tpu.vector_load %arg6[%swap3A, %swap3A_37] {strides = array<i32>} : memref<128x128xf32, #tpu.memory_space<vmem>>, vector<1x16xf32>,
      %swap3A_39 = vector.shape_cast %swap3A_38 : vector<1x16xf32> to vector<16xf32>
      %swap3A_40 = vector.shape_cast %broadcast_in_dim3A_20 : vector<16xf32> to vector<1x16xf32>
      tpu.vector_store %arg6[%swap3A, %swap3A_37], %swap3A_40 {strides = array<i32>} : memref<128x128xf32, #tpu.memory_space<vmem>>, vector<1x16xf32>,
      %swap3A_41 = arith.index_cast %scan3A_36 : i32 to index
      %swap3A_42 = arith.constant 16 : index
      %swap3A_43 = tpu.vector_load %arg6[%swap3A_41, %swap3A_42] {strides = array<i32>} : memref<128x128xf32, #tpu.memory_space<vmem>>, vector<1x16xf32>,
      %swap3A_44 = vector.shape_cast %swap3A_43 : vector<1x16xf32> to vector<16xf32>
      %swap3A_45 = vector.shape_cast %broadcast_in_dim3A_20 : vector<16xf32> to vector<1x16xf32>
      tpu.vector_store %arg6[%swap3A_41, %swap3A_42], %swap3A_45 {strides = array<i32>} : memref<128x128xf32, #tpu.memory_space<vmem>>, vector<1x16xf32>,
      %swap3A_46 = arith.index_cast %scan3A_36 : i32 to index
      %swap3A_47 = arith.constant 32 : index
      %swap3A_48 = tpu.vector_load %arg6[%swap3A_46, %swap3A_47] {strides = array<i32>} : memref<128x128xf32, #tpu.memory_space<vmem>>, vector<1x16xf32>,
      %swap3A_49 = vector.shape_cast %swap3A_48 : vector<1x16xf32> to vector<16xf32>
      %swap3A_50 = vector.shape_cast %broadcast_in_dim3A_20 : vector<16xf32> to vector<1x16xf32>
      tpu.vector_store %arg6[%swap3A_46, %swap3A_47], %swap3A_50 {strides = array<i32>} : memref<128x128xf32, #tpu.memory_space<vmem>>, vector<1x16xf32>,
      %swap3A_51 = arith.index_cast %scan3A_36 : i32 to index
      %swap3A_52 = arith.constant 48 : index
      %swap3A_53 = tpu.vector_load %arg6[%swap3A_51, %swap3A_52] {strides = array<i32>} : memref<128x128xf32, #tpu.memory_space<vmem>>, vector<1x16xf32>,
      %swap3A_54 = vector.shape_cast %swap3A_53 : vector<1x16xf32> to vector<16xf32>
      %swap3A_55 = vector.shape_cast %broadcast_in_dim3A_20 : vector<16xf32> to vector<1x16xf32>
      tpu.vector_store %arg6[%swap3A_51, %swap3A_52], %swap3A_55 {strides = array<i32>} : memref<128x128xf32, #tpu.memory_space<vmem>>, vector<1x16xf32>,
      %swap3A_56 = arith.index_cast %scan3A_36 : i32 to index
      %swap3A_57 = arith.constant 64 : index
      %swap3A_58 = tpu.vector_load %arg6[%swap3A_56, %swap3A_57] {strides = array<i32>} : memref<128x128xf32, #tpu.memory_space<vmem>>, vector<1x16xf32>,
      %swap3A_59 = vector.shape_cast %swap3A_58 : vector<1x16xf32> to vector<16xf32>
      %swap3A_60 = vector.shape_cast %broadcast_in_dim3A_20 : vector<16xf32> to vector<1x16xf32>
      tpu.vector_store %arg6[%swap3A_56, %swap3A_57], %swap3A_60 {strides = array<i32>} : memref<128x128xf32, #tpu.memory_space<vmem>>, vector<1x16xf32>,
      %swap3A_61 = arith.index_cast %scan3A_36 : i32 to index
      %swap3A_62 = arith.constant 80 : index
      %swap3A_63 = tpu.vector_load %arg6[%swap3A_61, %swap3A_62] {strides = array<i32>} : memref<128x128xf32, #tpu.memory_space<vmem>>, vector<1x16xf32>,
      %swap3A_64 = vector.shape_cast %swap3A_63 : vector<1x16xf32> to vector<16xf32>
      %swap3A_65 = vector.shape_cast %broadcast_in_dim3A_20 : vector<16xf32> to vector<1x16xf32>
      tpu.vector_store %arg6[%swap3A_61, %swap3A_62], %swap3A_65 {strides = array<i32>} : memref<128x128xf32, #tpu.memory_space<vmem>>, vector<1x16xf32>,
      %swap3A_66 = arith.index_cast %scan3A_36 : i32 to index
      %swap3A_67 = arith.constant 96 : index
      %swap3A_68 = tpu.vector_load %arg6[%swap3A_66, %swap3A_67] {strides = array<i32>} : memref<128x128xf32, #tpu.memory_space<vmem>>, vector<1x16xf32>,
      %swap3A_69 = vector.shape_cast %swap3A_68 : vector<1x16xf32> to vector<16xf32>
      %swap3A_70 = vector.shape_cast %broadcast_in_dim3A_20 : vector<16xf32> to vector<1x16xf32>
      tpu.vector_store %arg6[%swap3A_66, %swap3A_67], %swap3A_70 {strides = array<i32>} : memref<128x128xf32, #tpu.memory_space<vmem>>, vector<1x16xf32>,
      %swap3A_71 = arith.index_cast %scan3A_36 : i32 to index
      %swap3A_72 = arith.constant 112 : index
      %swap3A_73 = tpu.vector_load %arg6[%swap3A_71, %swap3A_72] {strides = array<i32>} : memref<128x128xf32, #tpu.memory_space<vmem>>, vector<1x16xf32>,
      %swap3A_74 = vector.shape_cast %swap3A_73 : vector<1x16xf32> to vector<16xf32>
      %swap3A_75 = vector.shape_cast %broadcast_in_dim3A_20 : vector<16xf32> to vector<1x16xf32>
      tpu.vector_store %arg6[%swap3A_71, %swap3A_72], %swap3A_75 {strides = array<i32>} : memref<128x128xf32, #tpu.memory_space<vmem>>, vector<1x16xf32>,
    }
    %scan3A_26 = arith.constant 128 : i32
    %barrier3A = arith.constant 0 : index
    tpu.barrier barrier_id(%barrier3A)
    %mul3A_27 = arith.constant 80 : i32
    %mul3A_28 = arith.muli %add3A, %mul3A_27 : i32
    "tpu.region"() ({
      %run_scoped3A = tpu.sem_alloc : memref<!tpu.dma_semaphore, #tpu.memory_space<semaphore_mem>>
      %dma_start3A = arith.constant 0 : i32
      %dma_start3A_36 = tpu.memref_slice %arg2[%mul3A_28, %dma_start3A] : memref<2560x128xi32, #tpu.memory_space<hbm>> -> memref<80x128xi32, #tpu.memory_space<hbm>>
      %dma_start3A_37 = arith.constant 0 : i32
      %dma_start3A_38 = tpu.memref_slice %arg2[%mul3A_28, %dma_start3A_37] : memref<2560x128xi32, #tpu.memory_space<hbm>> -> memref<80x128xi32, #tpu.memory_space<hbm>>
      tpu.enqueue_dma source(%dma_start3A_38 : memref<80x128xi32, #tpu.memory_space<hbm>>) target(%arg5 : memref<80x128xi32, #tpu.memory_space<vmem>>) target_semaphore(%run_scoped3A : memref<!tpu.dma_semaphore, #tpu.memory_space<semaphore_mem>>)
      %dma_wait3A = arith.constant 0 : i32
      %dma_wait3A_39 = tpu.memref_slice %arg2[%mul3A_28, %dma_wait3A] : memref<2560x128xi32, #tpu.memory_space<hbm>> -> memref<80x128xi32, #tpu.memory_space<hbm>>
      %dma_wait3A_40 = arith.constant 0 : i32
      %dma_wait3A_41 = tpu.memref_slice %arg2[%mul3A_28, %dma_wait3A_40] : memref<2560x128xi32, #tpu.memory_space<hbm>> -> memref<80x128xi32, #tpu.memory_space<hbm>>
      tpu.wait_dma2 semaphore(%run_scoped3A : memref<!tpu.dma_semaphore, #tpu.memory_space<semaphore_mem>>) src(%dma_wait3A_41 : memref<80x128xi32, #tpu.memory_space<hbm>>) dst(%arg5 : memref<80x128xi32, #tpu.memory_space<vmem>>)
      tpu.yield
    }) : () -> ()
    %scan3A_29 = arith.constant 0 : i32
    %scan3A_30 = arith.constant 0 : i32
    %scan3A_31 = arith.constant 80 : i32
    %scan3A_32 = arith.addi %scan3A_30, %scan3A_31 : i32
    %scan3A_33 = arith.constant 1 : i32
    scf.for %scan3A_36 = %scan3A_30 to %scan3A_32 step %scan3A_33  : i32 {
      "tpu.region"() ({
        %run_scoped3A = tpu.sem_alloc : memref<!tpu.dma_semaphore, #tpu.memory_space<semaphore_mem>>
        %dma_start3A = arith.constant 0 : i32
        %dma_start3A_37 = tpu.memref_slice %arg5[%scan3A_36, %dma_start3A] : memref<80x128xi32, #tpu.memory_space<vmem>> -> memref<1x128xi32, #tpu.memory_space<vmem>>
        %dma_start3A_38 = tpu.memref_squeeze %dma_start3A_37 : memref<1x128xi32, #tpu.memory_space<vmem>> -> memref<128xi32, #tpu.memory_space<vmem>>
        %dma_start3A_39 = arith.constant 0 : i32
        %dma_start3A_40 = arith.constant 0 : i32
        %dma_start3A_41 = tpu.memref_slice %arg4[%dma_start3A_39, %dma_start3A_40] : memref<10240x128xf32, #tpu.memory_space<vmem_shared>> -> memref<10240x128xf32, #tpu.memory_space<vmem_shared>>
        tpu.enqueue_indirect_dma source(%arg6 : memref<128x128xf32, #tpu.memory_space<vmem>>) target(%dma_start3A_41 : memref<10240x128xf32, #tpu.memory_space<vmem_shared>>) offsets(%dma_start3A_38 : memref<128xi32, #tpu.memory_space<vmem>>) semaphore(%run_scoped3A : memref<!tpu.dma_semaphore, #tpu.memory_space<semaphore_mem>>) {add = true}
        %dma_wait3A = arith.constant 0 : i32
        %dma_wait3A_42 = tpu.memref_slice %arg5[%scan3A_36, %dma_wait3A] : memref<80x128xi32, #tpu.memory_space<vmem>> -> memref<1x128xi32, #tpu.memory_space<vmem>>
        %dma_wait3A_43 = tpu.memref_squeeze %dma_wait3A_42 : memref<1x128xi32, #tpu.memory_space<vmem>> -> memref<128xi32, #tpu.memory_space<vmem>>
        %dma_wait3A_44 = arith.constant 0 : i32
        %dma_wait3A_45 = arith.constant 0 : i32
        %dma_wait3A_46 = tpu.memref_slice %arg4[%dma_wait3A_44, %dma_wait3A_45] : memref<10240x128xf32, #tpu.memory_space<vmem_shared>> -> memref<10240x128xf32, #tpu.memory_space<vmem_shared>>
        tpu.wait_indirect_dma semaphore(%run_scoped3A : memref<!tpu.dma_semaphore, #tpu.memory_space<semaphore_mem>>) src(%arg6 : memref<128x128xf32, #tpu.memory_space<vmem>>) dst(%dma_wait3A_46 : memref<10240x128xf32, #tpu.memory_space<vmem_shared>>)
        tpu.yield
      }) : () -> ()
    }
    %scan3A_34 = arith.constant 80 : i32
    %barrier3A_35 = arith.constant 0 : index
    tpu.barrier barrier_id(%barrier3A_35)
    "tpu.region"() ({
      %run_scoped3A = tpu.sem_alloc : memref<!tpu.dma_semaphore, #tpu.memory_space<semaphore_mem>>
      %dma_start3A = arith.constant 0 : i32
      %dma_start3A_36 = tpu.memref_slice %arg3[%arg0, %mul3A_2, %dma_start3A] : memref<2x10240x128xf32, #tpu.memory_space<hbm>> -> memref<1x640x128xf32, #tpu.memory_space<hbm>>
      %dma_start3A_37 = tpu.memref_squeeze %dma_start3A_36 : memref<1x640x128xf32, #tpu.memory_space<hbm>> -> memref<640x128xf32, #tpu.memory_space<hbm>>
      %dma_start3A_38 = arith.constant 0 : i32
      %dma_start3A_39 = tpu.memref_slice %arg4[%mul3A_2, %dma_start3A_38] : memref<10240x128xf32, #tpu.memory_space<vmem_shared>> -> memref<640x128xf32, #tpu.memory_space<vmem_shared>>
      tpu.enqueue_dma source(%dma_start3A_39 : memref<640x128xf32, #tpu.memory_space<vmem_shared>>) target(%dma_start3A_37 : memref<640x128xf32, #tpu.memory_space<hbm>>) target_semaphore(%run_scoped3A : memref<!tpu.dma_semaphore, #tpu.memory_space<semaphore_mem>>)
      %dma_wait3A = arith.constant 0 : i32
      %dma_wait3A_40 = tpu.memref_slice %arg3[%arg0, %mul3A_2, %dma_wait3A] : memref<2x10240x128xf32, #tpu.memory_space<hbm>> -> memref<1x640x128xf32, #tpu.memory_space<hbm>>
      %dma_wait3A_41 = tpu.memref_squeeze %dma_wait3A_40 : memref<1x640x128xf32, #tpu.memory_space<hbm>> -> memref<640x128xf32, #tpu.memory_space<hbm>>
      %dma_wait3A_42 = arith.constant 0 : i32
      %dma_wait3A_43 = tpu.memref_slice %arg4[%mul3A_2, %dma_wait3A_42] : memref<10240x128xf32, #tpu.memory_space<vmem_shared>> -> memref<640x128xf32, #tpu.memory_space<vmem_shared>>
      tpu.wait_dma2 semaphore(%run_scoped3A : memref<!tpu.dma_semaphore, #tpu.memory_space<semaphore_mem>>) src(%dma_wait3A_43 : memref<640x128xf32, #tpu.memory_space<vmem_shared>>) dst(%dma_wait3A_41 : memref<640x128xf32, #tpu.memory_space<hbm>>)
      tpu.yield
    }) : () -> ()
    return
  }
}

#map = affine_map<(d0, d1) -> (0, 0)>
#map1 = affine_map<(d0, d1) -> (0, 0, 0)>
module attributes {stable_mosaic.version = 14 : i64} {
  func.func @_spmm_body(%arg0: i32, %arg1: i32, %arg2: memref<10240x128xf32, #tpu.memory_space<hbm>>, %arg3: memref<2560x128xi32, #tpu.memory_space<hbm>>, %arg4: memref<2560x128xi32, #tpu.memory_space<hbm>>, %arg5: memref<2x10240x128xf32, #tpu.memory_space<hbm>>, %arg6: memref<10240x128xf32, #tpu.memory_space<vmem_shared>>, %arg7: memref<80x128xi32, #tpu.memory_space<vmem>>, %arg8: memref<128xi32, #tpu.memory_space<vmem>>, %arg9: memref<128xi32, #tpu.memory_space<vmem>>, %arg10: memref<128x128xf32, #tpu.memory_space<vmem>>, %arg11: memref<128x128xf32, #tpu.memory_space<vmem>>, %arg12: memref<!tpu.dma_semaphore, #tpu.memory_space<semaphore_mem>>, %arg13: memref<!tpu.dma_semaphore, #tpu.memory_space<semaphore_mem>>, %arg14: memref<!tpu.dma_semaphore, #tpu.memory_space<semaphore_mem>>) attributes {dimension_semantics = [#tpu.dimension_semantics<core_parallel>, #tpu.dimension_semantics<subcore_parallel>], iteration_bounds = array<i64: 2, 16>, scalar_prefetch = 0 : i64, scratch_operands = 9 : i64, tpu.core_type = #tpu.core_type<sc_vector_subcore>, window_params = [{transform_indices = #map}, {transform_indices = #map}, {transform_indices = #map}, {transform_indices = #map1}]} {
    %mul3A = arith.constant 16 : i32
    %mul3A_0 = arith.muli %arg0, %mul3A : i32
    %add3A = arith.addi %mul3A_0, %arg1 : i32
    %mul3A_1 = arith.constant 640 : i32
    %mul3A_2 = arith.muli %arg1, %mul3A_1 : i32
    %mul3A_3 = arith.constant 80 : i32
    %mul3A_4 = arith.muli %add3A, %mul3A_3 : i32
    %broadcast_in_dim3A = arith.constant 0.000000e+00 : f32
    %broadcast_in_dim3A_5 = vector.broadcast %broadcast_in_dim3A : f32 to vector<16xf32>
    %scan3A = arith.constant 0 : i32
    %scan3A_6 = arith.constant 0 : i32
    %scan3A_7 = arith.constant 128 : i32
    %scan3A_8 = arith.addi %scan3A_6, %scan3A_7 : i32
    %scan3A_9 = arith.constant 1 : i32
    scf.for %scan3A_43 = %scan3A_6 to %scan3A_8 step %scan3A_9  : i32 {
      %swap3A = arith.index_cast %scan3A_43 : i32 to index
      %swap3A_44 = arith.constant 0 : index
      %swap3A_45 = tpu.vector_load %arg10[%swap3A, %swap3A_44] {strides = array<i32>} : memref<128x128xf32, #tpu.memory_space<vmem>>, vector<1x16xf32>,
      %swap3A_46 = vector.shape_cast %swap3A_45 : vector<1x16xf32> to vector<16xf32>
      %swap3A_47 = vector.shape_cast %broadcast_in_dim3A_5 : vector<16xf32> to vector<1x16xf32>
      tpu.vector_store %arg10[%swap3A, %swap3A_44], %swap3A_47 {strides = array<i32>} : memref<128x128xf32, #tpu.memory_space<vmem>>, vector<1x16xf32>,
      %swap3A_48 = arith.index_cast %scan3A_43 : i32 to index
      %swap3A_49 = arith.constant 16 : index
      %swap3A_50 = tpu.vector_load %arg10[%swap3A_48, %swap3A_49] {strides = array<i32>} : memref<128x128xf32, #tpu.memory_space<vmem>>, vector<1x16xf32>,
      %swap3A_51 = vector.shape_cast %swap3A_50 : vector<1x16xf32> to vector<16xf32>
      %swap3A_52 = vector.shape_cast %broadcast_in_dim3A_5 : vector<16xf32> to vector<1x16xf32>
      tpu.vector_store %arg10[%swap3A_48, %swap3A_49], %swap3A_52 {strides = array<i32>} : memref<128x128xf32, #tpu.memory_space<vmem>>, vector<1x16xf32>,
      %swap3A_53 = arith.index_cast %scan3A_43 : i32 to index
      %swap3A_54 = arith.constant 32 : index
      %swap3A_55 = tpu.vector_load %arg10[%swap3A_53, %swap3A_54] {strides = array<i32>} : memref<128x128xf32, #tpu.memory_space<vmem>>, vector<1x16xf32>,
      %swap3A_56 = vector.shape_cast %swap3A_55 : vector<1x16xf32> to vector<16xf32>
      %swap3A_57 = vector.shape_cast %broadcast_in_dim3A_5 : vector<16xf32> to vector<1x16xf32>
      tpu.vector_store %arg10[%swap3A_53, %swap3A_54], %swap3A_57 {strides = array<i32>} : memref<128x128xf32, #tpu.memory_space<vmem>>, vector<1x16xf32>,
      %swap3A_58 = arith.index_cast %scan3A_43 : i32 to index
      %swap3A_59 = arith.constant 48 : index
      %swap3A_60 = tpu.vector_load %arg10[%swap3A_58, %swap3A_59] {strides = array<i32>} : memref<128x128xf32, #tpu.memory_space<vmem>>, vector<1x16xf32>,
      %swap3A_61 = vector.shape_cast %swap3A_60 : vector<1x16xf32> to vector<16xf32>
      %swap3A_62 = vector.shape_cast %broadcast_in_dim3A_5 : vector<16xf32> to vector<1x16xf32>
      tpu.vector_store %arg10[%swap3A_58, %swap3A_59], %swap3A_62 {strides = array<i32>} : memref<128x128xf32, #tpu.memory_space<vmem>>, vector<1x16xf32>,
      %swap3A_63 = arith.index_cast %scan3A_43 : i32 to index
      %swap3A_64 = arith.constant 64 : index
      %swap3A_65 = tpu.vector_load %arg10[%swap3A_63, %swap3A_64] {strides = array<i32>} : memref<128x128xf32, #tpu.memory_space<vmem>>, vector<1x16xf32>,
      %swap3A_66 = vector.shape_cast %swap3A_65 : vector<1x16xf32> to vector<16xf32>
      %swap3A_67 = vector.shape_cast %broadcast_in_dim3A_5 : vector<16xf32> to vector<1x16xf32>
      tpu.vector_store %arg10[%swap3A_63, %swap3A_64], %swap3A_67 {strides = array<i32>} : memref<128x128xf32, #tpu.memory_space<vmem>>, vector<1x16xf32>,
      %swap3A_68 = arith.index_cast %scan3A_43 : i32 to index
      %swap3A_69 = arith.constant 80 : index
      %swap3A_70 = tpu.vector_load %arg10[%swap3A_68, %swap3A_69] {strides = array<i32>} : memref<128x128xf32, #tpu.memory_space<vmem>>, vector<1x16xf32>,
      %swap3A_71 = vector.shape_cast %swap3A_70 : vector<1x16xf32> to vector<16xf32>
      %swap3A_72 = vector.shape_cast %broadcast_in_dim3A_5 : vector<16xf32> to vector<1x16xf32>
      tpu.vector_store %arg10[%swap3A_68, %swap3A_69], %swap3A_72 {strides = array<i32>} : memref<128x128xf32, #tpu.memory_space<vmem>>, vector<1x16xf32>,
      %swap3A_73 = arith.index_cast %scan3A_43 : i32 to index
      %swap3A_74 = arith.constant 96 : index
      %swap3A_75 = tpu.vector_load %arg10[%swap3A_73, %swap3A_74] {strides = array<i32>} : memref<128x128xf32, #tpu.memory_space<vmem>>, vector<1x16xf32>,
      %swap3A_76 = vector.shape_cast %swap3A_75 : vector<1x16xf32> to vector<16xf32>
      %swap3A_77 = vector.shape_cast %broadcast_in_dim3A_5 : vector<16xf32> to vector<1x16xf32>
      tpu.vector_store %arg10[%swap3A_73, %swap3A_74], %swap3A_77 {strides = array<i32>} : memref<128x128xf32, #tpu.memory_space<vmem>>, vector<1x16xf32>,
      %swap3A_78 = arith.index_cast %scan3A_43 : i32 to index
      %swap3A_79 = arith.constant 112 : index
      %swap3A_80 = tpu.vector_load %arg10[%swap3A_78, %swap3A_79] {strides = array<i32>} : memref<128x128xf32, #tpu.memory_space<vmem>>, vector<1x16xf32>,
      %swap3A_81 = vector.shape_cast %swap3A_80 : vector<1x16xf32> to vector<16xf32>
      %swap3A_82 = vector.shape_cast %broadcast_in_dim3A_5 : vector<16xf32> to vector<1x16xf32>
      tpu.vector_store %arg10[%swap3A_78, %swap3A_79], %swap3A_82 {strides = array<i32>} : memref<128x128xf32, #tpu.memory_space<vmem>>, vector<1x16xf32>,
    }
    %scan3A_10 = arith.constant 128 : i32
    %add3A_11 = arith.constant 1 : i32
    %add3A_12 = arith.addi %mul3A_4, %add3A_11 : i32
    "tpu.region"() ({
      %run_scoped3A_43 = tpu.sem_alloc : memref<!tpu.dma_semaphore, #tpu.memory_space<semaphore_mem>>
      %dma_start3A_44 = arith.constant 0 : i32
      %dma_start3A_45 = tpu.memref_slice %arg3[%add3A_12, %dma_start3A_44] : memref<2560x128xi32, #tpu.memory_space<hbm>> -> memref<1x128xi32, #tpu.memory_space<hbm>>
      %dma_start3A_46 = tpu.memref_squeeze %dma_start3A_45 : memref<1x128xi32, #tpu.memory_space<hbm>> -> memref<128xi32, #tpu.memory_space<hbm>>
      %dma_start3A_47 = arith.constant 0 : i32
      %dma_start3A_48 = tpu.memref_slice %arg3[%add3A_12, %dma_start3A_47] : memref<2560x128xi32, #tpu.memory_space<hbm>> -> memref<1x128xi32, #tpu.memory_space<hbm>>
      %dma_start3A_49 = tpu.memref_squeeze %dma_start3A_48 : memref<1x128xi32, #tpu.memory_space<hbm>> -> memref<128xi32, #tpu.memory_space<hbm>>
      tpu.enqueue_dma source(%dma_start3A_49 : memref<128xi32, #tpu.memory_space<hbm>>) target(%arg9 : memref<128xi32, #tpu.memory_space<vmem>>) target_semaphore(%run_scoped3A_43 : memref<!tpu.dma_semaphore, #tpu.memory_space<semaphore_mem>>)
      %dma_wait3A_50 = arith.constant 0 : i32
      %dma_wait3A_51 = tpu.memref_slice %arg3[%add3A_12, %dma_wait3A_50] : memref<2560x128xi32, #tpu.memory_space<hbm>> -> memref<1x128xi32, #tpu.memory_space<hbm>>
      %dma_wait3A_52 = tpu.memref_squeeze %dma_wait3A_51 : memref<1x128xi32, #tpu.memory_space<hbm>> -> memref<128xi32, #tpu.memory_space<hbm>>
      %dma_wait3A_53 = arith.constant 0 : i32
      %dma_wait3A_54 = tpu.memref_slice %arg3[%add3A_12, %dma_wait3A_53] : memref<2560x128xi32, #tpu.memory_space<hbm>> -> memref<1x128xi32, #tpu.memory_space<hbm>>
      %dma_wait3A_55 = tpu.memref_squeeze %dma_wait3A_54 : memref<1x128xi32, #tpu.memory_space<hbm>> -> memref<128xi32, #tpu.memory_space<hbm>>
      tpu.wait_dma2 semaphore(%run_scoped3A_43 : memref<!tpu.dma_semaphore, #tpu.memory_space<semaphore_mem>>) src(%dma_wait3A_55 : memref<128xi32, #tpu.memory_space<hbm>>) dst(%arg9 : memref<128xi32, #tpu.memory_space<vmem>>)
      tpu.yield
    }) : () -> ()
    %dma_start3A = arith.constant 0 : i32
    %dma_start3A_13 = arith.constant 0 : i32
    %dma_start3A_14 = tpu.memref_slice %arg2[%dma_start3A, %dma_start3A_13] : memref<10240x128xf32, #tpu.memory_space<hbm>> -> memref<10240x128xf32, #tpu.memory_space<hbm>>
    tpu.enqueue_indirect_dma source(%dma_start3A_14 : memref<10240x128xf32, #tpu.memory_space<hbm>>) target(%arg11 : memref<128x128xf32, #tpu.memory_space<vmem>>) offsets(%arg9 : memref<128xi32, #tpu.memory_space<vmem>>) semaphore(%arg13 : memref<!tpu.dma_semaphore, #tpu.memory_space<semaphore_mem>>)
    %add3A_15 = arith.constant 0 : i32
    %add3A_16 = arith.addi %mul3A_2, %add3A_15 : i32
    "tpu.region"() ({
      %run_scoped3A_43 = tpu.sem_alloc : memref<!tpu.dma_semaphore, #tpu.memory_space<semaphore_mem>>
      %dma_start3A_44 = arith.constant 0 : i32
      %dma_start3A_45 = tpu.memref_slice %arg6[%add3A_16, %dma_start3A_44] : memref<10240x128xf32, #tpu.memory_space<vmem_shared>> -> memref<128x128xf32, #tpu.memory_space<vmem_shared>>
      %dma_start3A_46 = arith.constant 0 : i32
      %dma_start3A_47 = tpu.memref_slice %arg6[%add3A_16, %dma_start3A_46] : memref<10240x128xf32, #tpu.memory_space<vmem_shared>> -> memref<128x128xf32, #tpu.memory_space<vmem_shared>>
      tpu.enqueue_dma source(%arg10 : memref<128x128xf32, #tpu.memory_space<vmem>>) target(%dma_start3A_47 : memref<128x128xf32, #tpu.memory_space<vmem_shared>>) target_semaphore(%run_scoped3A_43 : memref<!tpu.dma_semaphore, #tpu.memory_space<semaphore_mem>>)
      %dma_wait3A_48 = arith.constant 0 : i32
      %dma_wait3A_49 = tpu.memref_slice %arg6[%add3A_16, %dma_wait3A_48] : memref<10240x128xf32, #tpu.memory_space<vmem_shared>> -> memref<128x128xf32, #tpu.memory_space<vmem_shared>>
      %dma_wait3A_50 = arith.constant 0 : i32
      %dma_wait3A_51 = tpu.memref_slice %arg6[%add3A_16, %dma_wait3A_50] : memref<10240x128xf32, #tpu.memory_space<vmem_shared>> -> memref<128x128xf32, #tpu.memory_space<vmem_shared>>
      tpu.wait_dma2 semaphore(%run_scoped3A_43 : memref<!tpu.dma_semaphore, #tpu.memory_space<semaphore_mem>>) src(%arg10 : memref<128x128xf32, #tpu.memory_space<vmem>>) dst(%dma_wait3A_51 : memref<128x128xf32, #tpu.memory_space<vmem_shared>>)
      tpu.yield
    }) : () -> ()
    %add3A_17 = arith.constant 128 : i32
    %add3A_18 = arith.addi %mul3A_2, %add3A_17 : i32
    "tpu.region"() ({
      %run_scoped3A_43 = tpu.sem_alloc : memref<!tpu.dma_semaphore, #tpu.memory_space<semaphore_mem>>
      %dma_start3A_44 = arith.constant 0 : i32
      %dma_start3A_45 = tpu.memref_slice %arg6[%add3A_18, %dma_start3A_44] : memref<10240x128xf32, #tpu.memory_space<vmem_shared>> -> memref<128x128xf32, #tpu.memory_space<vmem_shared>>
      %dma_start3A_46 = arith.constant 0 : i32
      %dma_start3A_47 = tpu.memref_slice %arg6[%add3A_18, %dma_start3A_46] : memref<10240x128xf32, #tpu.memory_space<vmem_shared>> -> memref<128x128xf32, #tpu.memory_space<vmem_shared>>
      tpu.enqueue_dma source(%arg10 : memref<128x128xf32, #tpu.memory_space<vmem>>) target(%dma_start3A_47 : memref<128x128xf32, #tpu.memory_space<vmem_shared>>) target_semaphore(%run_scoped3A_43 : memref<!tpu.dma_semaphore, #tpu.memory_space<semaphore_mem>>)
      %dma_wait3A_48 = arith.constant 0 : i32
      %dma_wait3A_49 = tpu.memref_slice %arg6[%add3A_18, %dma_wait3A_48] : memref<10240x128xf32, #tpu.memory_space<vmem_shared>> -> memref<128x128xf32, #tpu.memory_space<vmem_shared>>
      %dma_wait3A_50 = arith.constant 0 : i32
      %dma_wait3A_51 = tpu.memref_slice %arg6[%add3A_18, %dma_wait3A_50] : memref<10240x128xf32, #tpu.memory_space<vmem_shared>> -> memref<128x128xf32, #tpu.memory_space<vmem_shared>>
      tpu.wait_dma2 semaphore(%run_scoped3A_43 : memref<!tpu.dma_semaphore, #tpu.memory_space<semaphore_mem>>) src(%arg10 : memref<128x128xf32, #tpu.memory_space<vmem>>) dst(%dma_wait3A_51 : memref<128x128xf32, #tpu.memory_space<vmem_shared>>)
      tpu.yield
    }) : () -> ()
    %add3A_19 = arith.constant 256 : i32
    %add3A_20 = arith.addi %mul3A_2, %add3A_19 : i32
    "tpu.region"() ({
      %run_scoped3A_43 = tpu.sem_alloc : memref<!tpu.dma_semaphore, #tpu.memory_space<semaphore_mem>>
      %dma_start3A_44 = arith.constant 0 : i32
      %dma_start3A_45 = tpu.memref_slice %arg6[%add3A_20, %dma_start3A_44] : memref<10240x128xf32, #tpu.memory_space<vmem_shared>> -> memref<128x128xf32, #tpu.memory_space<vmem_shared>>
      %dma_start3A_46 = arith.constant 0 : i32
      %dma_start3A_47 = tpu.memref_slice %arg6[%add3A_20, %dma_start3A_46] : memref<10240x128xf32, #tpu.memory_space<vmem_shared>> -> memref<128x128xf32, #tpu.memory_space<vmem_shared>>
      tpu.enqueue_dma source(%arg10 : memref<128x128xf32, #tpu.memory_space<vmem>>) target(%dma_start3A_47 : memref<128x128xf32, #tpu.memory_space<vmem_shared>>) target_semaphore(%run_scoped3A_43 : memref<!tpu.dma_semaphore, #tpu.memory_space<semaphore_mem>>)
      %dma_wait3A_48 = arith.constant 0 : i32
      %dma_wait3A_49 = tpu.memref_slice %arg6[%add3A_20, %dma_wait3A_48] : memref<10240x128xf32, #tpu.memory_space<vmem_shared>> -> memref<128x128xf32, #tpu.memory_space<vmem_shared>>
      %dma_wait3A_50 = arith.constant 0 : i32
      %dma_wait3A_51 = tpu.memref_slice %arg6[%add3A_20, %dma_wait3A_50] : memref<10240x128xf32, #tpu.memory_space<vmem_shared>> -> memref<128x128xf32, #tpu.memory_space<vmem_shared>>
      tpu.wait_dma2 semaphore(%run_scoped3A_43 : memref<!tpu.dma_semaphore, #tpu.memory_space<semaphore_mem>>) src(%arg10 : memref<128x128xf32, #tpu.memory_space<vmem>>) dst(%dma_wait3A_51 : memref<128x128xf32, #tpu.memory_space<vmem_shared>>)
      tpu.yield
    }) : () -> ()
    %add3A_21 = arith.constant 384 : i32
    %add3A_22 = arith.addi %mul3A_2, %add3A_21 : i32
    "tpu.region"() ({
      %run_scoped3A_43 = tpu.sem_alloc : memref<!tpu.dma_semaphore, #tpu.memory_space<semaphore_mem>>
      %dma_start3A_44 = arith.constant 0 : i32
      %dma_start3A_45 = tpu.memref_slice %arg6[%add3A_22, %dma_start3A_44] : memref<10240x128xf32, #tpu.memory_space<vmem_shared>> -> memref<128x128xf32, #tpu.memory_space<vmem_shared>>
      %dma_start3A_46 = arith.constant 0 : i32
      %dma_start3A_47 = tpu.memref_slice %arg6[%add3A_22, %dma_start3A_46] : memref<10240x128xf32, #tpu.memory_space<vmem_shared>> -> memref<128x128xf32, #tpu.memory_space<vmem_shared>>
      tpu.enqueue_dma source(%arg10 : memref<128x128xf32, #tpu.memory_space<vmem>>) target(%dma_start3A_47 : memref<128x128xf32, #tpu.memory_space<vmem_shared>>) target_semaphore(%run_scoped3A_43 : memref<!tpu.dma_semaphore, #tpu.memory_space<semaphore_mem>>)
      %dma_wait3A_48 = arith.constant 0 : i32
      %dma_wait3A_49 = tpu.memref_slice %arg6[%add3A_22, %dma_wait3A_48] : memref<10240x128xf32, #tpu.memory_space<vmem_shared>> -> memref<128x128xf32, #tpu.memory_space<vmem_shared>>
      %dma_wait3A_50 = arith.constant 0 : i32
      %dma_wait3A_51 = tpu.memref_slice %arg6[%add3A_22, %dma_wait3A_50] : memref<10240x128xf32, #tpu.memory_space<vmem_shared>> -> memref<128x128xf32, #tpu.memory_space<vmem_shared>>
      tpu.wait_dma2 semaphore(%run_scoped3A_43 : memref<!tpu.dma_semaphore, #tpu.memory_space<semaphore_mem>>) src(%arg10 : memref<128x128xf32, #tpu.memory_space<vmem>>) dst(%dma_wait3A_51 : memref<128x128xf32, #tpu.memory_space<vmem_shared>>)
      tpu.yield
    }) : () -> ()
    %add3A_23 = arith.constant 512 : i32
    %add3A_24 = arith.addi %mul3A_2, %add3A_23 : i32
    "tpu.region"() ({
      %run_scoped3A_43 = tpu.sem_alloc : memref<!tpu.dma_semaphore, #tpu.memory_space<semaphore_mem>>
      %dma_start3A_44 = arith.constant 0 : i32
      %dma_start3A_45 = tpu.memref_slice %arg6[%add3A_24, %dma_start3A_44] : memref<10240x128xf32, #tpu.memory_space<vmem_shared>> -> memref<128x128xf32, #tpu.memory_space<vmem_shared>>
      %dma_start3A_46 = arith.constant 0 : i32
      %dma_start3A_47 = tpu.memref_slice %arg6[%add3A_24, %dma_start3A_46] : memref<10240x128xf32, #tpu.memory_space<vmem_shared>> -> memref<128x128xf32, #tpu.memory_space<vmem_shared>>
      tpu.enqueue_dma source(%arg10 : memref<128x128xf32, #tpu.memory_space<vmem>>) target(%dma_start3A_47 : memref<128x128xf32, #tpu.memory_space<vmem_shared>>) target_semaphore(%run_scoped3A_43 : memref<!tpu.dma_semaphore, #tpu.memory_space<semaphore_mem>>)
      %dma_wait3A_48 = arith.constant 0 : i32
      %dma_wait3A_49 = tpu.memref_slice %arg6[%add3A_24, %dma_wait3A_48] : memref<10240x128xf32, #tpu.memory_space<vmem_shared>> -> memref<128x128xf32, #tpu.memory_space<vmem_shared>>
      %dma_wait3A_50 = arith.constant 0 : i32
      %dma_wait3A_51 = tpu.memref_slice %arg6[%add3A_24, %dma_wait3A_50] : memref<10240x128xf32, #tpu.memory_space<vmem_shared>> -> memref<128x128xf32, #tpu.memory_space<vmem_shared>>
      tpu.wait_dma2 semaphore(%run_scoped3A_43 : memref<!tpu.dma_semaphore, #tpu.memory_space<semaphore_mem>>) src(%arg10 : memref<128x128xf32, #tpu.memory_space<vmem>>) dst(%dma_wait3A_51 : memref<128x128xf32, #tpu.memory_space<vmem_shared>>)
      tpu.yield
    }) : () -> ()
    "tpu.region"() ({
      %run_scoped3A_43 = tpu.sem_alloc : memref<!tpu.dma_semaphore, #tpu.memory_space<semaphore_mem>>
      %dma_start3A_44 = arith.constant 0 : i32
      %dma_start3A_45 = tpu.memref_slice %arg4[%mul3A_4, %dma_start3A_44] : memref<2560x128xi32, #tpu.memory_space<hbm>> -> memref<80x128xi32, #tpu.memory_space<hbm>>
      %dma_start3A_46 = arith.constant 0 : i32
      %dma_start3A_47 = tpu.memref_slice %arg4[%mul3A_4, %dma_start3A_46] : memref<2560x128xi32, #tpu.memory_space<hbm>> -> memref<80x128xi32, #tpu.memory_space<hbm>>
      tpu.enqueue_dma source(%dma_start3A_47 : memref<80x128xi32, #tpu.memory_space<hbm>>) target(%arg7 : memref<80x128xi32, #tpu.memory_space<vmem>>) target_semaphore(%run_scoped3A_43 : memref<!tpu.dma_semaphore, #tpu.memory_space<semaphore_mem>>)
      %dma_wait3A_48 = arith.constant 0 : i32
      %dma_wait3A_49 = tpu.memref_slice %arg4[%mul3A_4, %dma_wait3A_48] : memref<2560x128xi32, #tpu.memory_space<hbm>> -> memref<80x128xi32, #tpu.memory_space<hbm>>
      %dma_wait3A_50 = arith.constant 0 : i32
      %dma_wait3A_51 = tpu.memref_slice %arg4[%mul3A_4, %dma_wait3A_50] : memref<2560x128xi32, #tpu.memory_space<hbm>> -> memref<80x128xi32, #tpu.memory_space<hbm>>
      tpu.wait_dma2 semaphore(%run_scoped3A_43 : memref<!tpu.dma_semaphore, #tpu.memory_space<semaphore_mem>>) src(%dma_wait3A_51 : memref<80x128xi32, #tpu.memory_space<hbm>>) dst(%arg7 : memref<80x128xi32, #tpu.memory_space<vmem>>)
      tpu.yield
    }) : () -> ()
    %add3A_25 = arith.constant 0 : i32
    %add3A_26 = arith.addi %mul3A_4, %add3A_25 : i32
    "tpu.region"() ({
      %run_scoped3A_43 = tpu.sem_alloc : memref<!tpu.dma_semaphore, #tpu.memory_space<semaphore_mem>>
      %dma_start3A_44 = arith.constant 0 : i32
      %dma_start3A_45 = tpu.memref_slice %arg3[%add3A_26, %dma_start3A_44] : memref<2560x128xi32, #tpu.memory_space<hbm>> -> memref<1x128xi32, #tpu.memory_space<hbm>>
      %dma_start3A_46 = tpu.memref_squeeze %dma_start3A_45 : memref<1x128xi32, #tpu.memory_space<hbm>> -> memref<128xi32, #tpu.memory_space<hbm>>
      %dma_start3A_47 = arith.constant 0 : i32
      %dma_start3A_48 = tpu.memref_slice %arg3[%add3A_26, %dma_start3A_47] : memref<2560x128xi32, #tpu.memory_space<hbm>> -> memref<1x128xi32, #tpu.memory_space<hbm>>
      %dma_start3A_49 = tpu.memref_squeeze %dma_start3A_48 : memref<1x128xi32, #tpu.memory_space<hbm>> -> memref<128xi32, #tpu.memory_space<hbm>>
      tpu.enqueue_dma source(%dma_start3A_49 : memref<128xi32, #tpu.memory_space<hbm>>) target(%arg8 : memref<128xi32, #tpu.memory_space<vmem>>) target_semaphore(%run_scoped3A_43 : memref<!tpu.dma_semaphore, #tpu.memory_space<semaphore_mem>>)
      %dma_wait3A_50 = arith.constant 0 : i32
      %dma_wait3A_51 = tpu.memref_slice %arg3[%add3A_26, %dma_wait3A_50] : memref<2560x128xi32, #tpu.memory_space<hbm>> -> memref<1x128xi32, #tpu.memory_space<hbm>>
      %dma_wait3A_52 = tpu.memref_squeeze %dma_wait3A_51 : memref<1x128xi32, #tpu.memory_space<hbm>> -> memref<128xi32, #tpu.memory_space<hbm>>
      %dma_wait3A_53 = arith.constant 0 : i32
      %dma_wait3A_54 = tpu.memref_slice %arg3[%add3A_26, %dma_wait3A_53] : memref<2560x128xi32, #tpu.memory_space<hbm>> -> memref<1x128xi32, #tpu.memory_space<hbm>>
      %dma_wait3A_55 = tpu.memref_squeeze %dma_wait3A_54 : memref<1x128xi32, #tpu.memory_space<hbm>> -> memref<128xi32, #tpu.memory_space<hbm>>
      tpu.wait_dma2 semaphore(%run_scoped3A_43 : memref<!tpu.dma_semaphore, #tpu.memory_space<semaphore_mem>>) src(%dma_wait3A_55 : memref<128xi32, #tpu.memory_space<hbm>>) dst(%arg8 : memref<128xi32, #tpu.memory_space<vmem>>)
      tpu.yield
    }) : () -> ()
    %dma_start3A_27 = arith.constant 0 : i32
    %dma_start3A_28 = arith.constant 0 : i32
    %dma_start3A_29 = tpu.memref_slice %arg2[%dma_start3A_27, %dma_start3A_28] : memref<10240x128xf32, #tpu.memory_space<hbm>> -> memref<10240x128xf32, #tpu.memory_space<hbm>>
    tpu.enqueue_indirect_dma source(%dma_start3A_29 : memref<10240x128xf32, #tpu.memory_space<hbm>>) target(%arg10 : memref<128x128xf32, #tpu.memory_space<vmem>>) offsets(%arg8 : memref<128xi32, #tpu.memory_space<vmem>>) semaphore(%arg12 : memref<!tpu.dma_semaphore, #tpu.memory_space<semaphore_mem>>)
    %barrier3A = arith.constant 0 : index
    tpu.barrier barrier_id(%barrier3A)
    %scan3A_30 = arith.constant 0 : i32
    %scan3A_31 = arith.constant 0 : i32
    %scan3A_32 = arith.constant 39 : i32
    %scan3A_33 = arith.addi %scan3A_31, %scan3A_32 : i32
    %scan3A_34 = arith.constant 1 : i32
    scf.for %scan3A_43 = %scan3A_31 to %scan3A_33 step %scan3A_34  : i32 {
      %mul3A_44 = arith.constant 2 : i32
      %mul3A_45 = arith.muli %scan3A_43, %mul3A_44 : i32
      %add3A_46 = arith.constant 0 : i32
      %add3A_47 = arith.addi %mul3A_45, %add3A_46 : i32
      %dma_wait3A_48 = arith.constant 0 : i32
      %dma_wait3A_49 = arith.constant 0 : i32
      %dma_wait3A_50 = tpu.memref_slice %arg2[%dma_wait3A_48, %dma_wait3A_49] : memref<10240x128xf32, #tpu.memory_space<hbm>> -> memref<10240x128xf32, #tpu.memory_space<hbm>>
      tpu.wait_indirect_dma semaphore(%arg12 : memref<!tpu.dma_semaphore, #tpu.memory_space<semaphore_mem>>) src(%dma_wait3A_50 : memref<10240x128xf32, #tpu.memory_space<hbm>>) dst(%arg10 : memref<128x128xf32, #tpu.memory_space<vmem>>)
      %add3A_51 = arith.addi %mul3A_4, %add3A_47 : i32
      %add3A_52 = arith.constant 2 : i32
      %add3A_53 = arith.addi %add3A_51, %add3A_52 : i32
      %dma_start3A_54 = arith.constant 0 : i32
      %dma_start3A_55 = tpu.memref_slice %arg3[%add3A_53, %dma_start3A_54] : memref<2560x128xi32, #tpu.memory_space<hbm>> -> memref<1x128xi32, #tpu.memory_space<hbm>>
      %dma_start3A_56 = tpu.memref_squeeze %dma_start3A_55 : memref<1x128xi32, #tpu.memory_space<hbm>> -> memref<128xi32, #tpu.memory_space<hbm>>
      %dma_start3A_57 = arith.constant 0 : i32
      %dma_start3A_58 = tpu.memref_slice %arg3[%add3A_53, %dma_start3A_57] : memref<2560x128xi32, #tpu.memory_space<hbm>> -> memref<1x128xi32, #tpu.memory_space<hbm>>
      %dma_start3A_59 = tpu.memref_squeeze %dma_start3A_58 : memref<1x128xi32, #tpu.memory_space<hbm>> -> memref<128xi32, #tpu.memory_space<hbm>>
      tpu.enqueue_dma source(%dma_start3A_59 : memref<128xi32, #tpu.memory_space<hbm>>) target(%arg8 : memref<128xi32, #tpu.memory_space<vmem>>) target_semaphore(%arg14 : memref<!tpu.dma_semaphore, #tpu.memory_space<semaphore_mem>>)
      "tpu.region"() ({
        %run_scoped3A_92 = tpu.sem_alloc : memref<!tpu.dma_semaphore, #tpu.memory_space<semaphore_mem>>
        %dma_start3A_93 = arith.constant 0 : i32
        %dma_start3A_94 = tpu.memref_slice %arg7[%add3A_47, %dma_start3A_93] : memref<80x128xi32, #tpu.memory_space<vmem>> -> memref<1x128xi32, #tpu.memory_space<vmem>>
        %dma_start3A_95 = tpu.memref_squeeze %dma_start3A_94 : memref<1x128xi32, #tpu.memory_space<vmem>> -> memref<128xi32, #tpu.memory_space<vmem>>
        %dma_start3A_96 = arith.constant 0 : i32
        %dma_start3A_97 = arith.constant 0 : i32
        %dma_start3A_98 = tpu.memref_slice %arg6[%dma_start3A_96, %dma_start3A_97] : memref<10240x128xf32, #tpu.memory_space<vmem_shared>> -> memref<10240x128xf32, #tpu.memory_space<vmem_shared>>
        tpu.enqueue_indirect_dma source(%arg10 : memref<128x128xf32, #tpu.memory_space<vmem>>) target(%dma_start3A_98 : memref<10240x128xf32, #tpu.memory_space<vmem_shared>>) offsets(%dma_start3A_95 : memref<128xi32, #tpu.memory_space<vmem>>) semaphore(%run_scoped3A_92 : memref<!tpu.dma_semaphore, #tpu.memory_space<semaphore_mem>>) {add = true}
        %dma_wait3A_99 = arith.constant 0 : i32
        %dma_wait3A_100 = tpu.memref_slice %arg7[%add3A_47, %dma_wait3A_99] : memref<80x128xi32, #tpu.memory_space<vmem>> -> memref<1x128xi32, #tpu.memory_space<vmem>>
        %dma_wait3A_101 = tpu.memref_squeeze %dma_wait3A_100 : memref<1x128xi32, #tpu.memory_space<vmem>> -> memref<128xi32, #tpu.memory_space<vmem>>
        %dma_wait3A_102 = arith.constant 0 : i32
        %dma_wait3A_103 = arith.constant 0 : i32
        %dma_wait3A_104 = tpu.memref_slice %arg6[%dma_wait3A_102, %dma_wait3A_103] : memref<10240x128xf32, #tpu.memory_space<vmem_shared>> -> memref<10240x128xf32, #tpu.memory_space<vmem_shared>>
        tpu.wait_indirect_dma semaphore(%run_scoped3A_92 : memref<!tpu.dma_semaphore, #tpu.memory_space<semaphore_mem>>) src(%arg10 : memref<128x128xf32, #tpu.memory_space<vmem>>) dst(%dma_wait3A_104 : memref<10240x128xf32, #tpu.memory_space<vmem_shared>>)
        tpu.yield
      }) : () -> ()
      %dma_wait3A_60 = arith.constant 0 : i32
      %dma_wait3A_61 = tpu.memref_slice %arg3[%add3A_53, %dma_wait3A_60] : memref<2560x128xi32, #tpu.memory_space<hbm>> -> memref<1x128xi32, #tpu.memory_space<hbm>>
      %dma_wait3A_62 = tpu.memref_squeeze %dma_wait3A_61 : memref<1x128xi32, #tpu.memory_space<hbm>> -> memref<128xi32, #tpu.memory_space<hbm>>
      %dma_wait3A_63 = arith.constant 0 : i32
      %dma_wait3A_64 = tpu.memref_slice %arg3[%add3A_53, %dma_wait3A_63] : memref<2560x128xi32, #tpu.memory_space<hbm>> -> memref<1x128xi32, #tpu.memory_space<hbm>>
      %dma_wait3A_65 = tpu.memref_squeeze %dma_wait3A_64 : memref<1x128xi32, #tpu.memory_space<hbm>> -> memref<128xi32, #tpu.memory_space<hbm>>
      tpu.wait_dma2 semaphore(%arg14 : memref<!tpu.dma_semaphore, #tpu.memory_space<semaphore_mem>>) src(%dma_wait3A_65 : memref<128xi32, #tpu.memory_space<hbm>>) dst(%arg8 : memref<128xi32, #tpu.memory_space<vmem>>)
      %dma_start3A_66 = arith.constant 0 : i32
      %dma_start3A_67 = arith.constant 0 : i32
      %dma_start3A_68 = tpu.memref_slice %arg2[%dma_start3A_66, %dma_start3A_67] : memref<10240x128xf32, #tpu.memory_space<hbm>> -> memref<10240x128xf32, #tpu.memory_space<hbm>>
      tpu.enqueue_indirect_dma source(%dma_start3A_68 : memref<10240x128xf32, #tpu.memory_space<hbm>>) target(%arg10 : memref<128x128xf32, #tpu.memory_space<vmem>>) offsets(%arg8 : memref<128xi32, #tpu.memory_space<vmem>>) semaphore(%arg12 : memref<!tpu.dma_semaphore, #tpu.memory_space<semaphore_mem>>)
      %add3A_69 = arith.constant 1 : i32
      %add3A_70 = arith.addi %mul3A_45, %add3A_69 : i32
      %dma_wait3A_71 = arith.constant 0 : i32
      %dma_wait3A_72 = arith.constant 0 : i32
      %dma_wait3A_73 = tpu.memref_slice %arg2[%dma_wait3A_71, %dma_wait3A_72] : memref<10240x128xf32, #tpu.memory_space<hbm>> -> memref<10240x128xf32, #tpu.memory_space<hbm>>
      tpu.wait_indirect_dma semaphore(%arg13 : memref<!tpu.dma_semaphore, #tpu.memory_space<semaphore_mem>>) src(%dma_wait3A_73 : memref<10240x128xf32, #tpu.memory_space<hbm>>) dst(%arg11 : memref<128x128xf32, #tpu.memory_space<vmem>>)
      %add3A_74 = arith.addi %mul3A_4, %add3A_70 : i32
      %add3A_75 = arith.constant 2 : i32
      %add3A_76 = arith.addi %add3A_74, %add3A_75 : i32
      %dma_start3A_77 = arith.constant 0 : i32
      %dma_start3A_78 = tpu.memref_slice %arg3[%add3A_76, %dma_start3A_77] : memref<2560x128xi32, #tpu.memory_space<hbm>> -> memref<1x128xi32, #tpu.memory_space<hbm>>
      %dma_start3A_79 = tpu.memref_squeeze %dma_start3A_78 : memref<1x128xi32, #tpu.memory_space<hbm>> -> memref<128xi32, #tpu.memory_space<hbm>>
      %dma_start3A_80 = arith.constant 0 : i32
      %dma_start3A_81 = tpu.memref_slice %arg3[%add3A_76, %dma_start3A_80] : memref<2560x128xi32, #tpu.memory_space<hbm>> -> memref<1x128xi32, #tpu.memory_space<hbm>>
      %dma_start3A_82 = tpu.memref_squeeze %dma_start3A_81 : memref<1x128xi32, #tpu.memory_space<hbm>> -> memref<128xi32, #tpu.memory_space<hbm>>
      tpu.enqueue_dma source(%dma_start3A_82 : memref<128xi32, #tpu.memory_space<hbm>>) target(%arg9 : memref<128xi32, #tpu.memory_space<vmem>>) target_semaphore(%arg14 : memref<!tpu.dma_semaphore, #tpu.memory_space<semaphore_mem>>)
      "tpu.region"() ({
        %run_scoped3A_92 = tpu.sem_alloc : memref<!tpu.dma_semaphore, #tpu.memory_space<semaphore_mem>>
        %dma_start3A_93 = arith.constant 0 : i32
        %dma_start3A_94 = tpu.memref_slice %arg7[%add3A_70, %dma_start3A_93] : memref<80x128xi32, #tpu.memory_space<vmem>> -> memref<1x128xi32, #tpu.memory_space<vmem>>
        %dma_start3A_95 = tpu.memref_squeeze %dma_start3A_94 : memref<1x128xi32, #tpu.memory_space<vmem>> -> memref<128xi32, #tpu.memory_space<vmem>>
        %dma_start3A_96 = arith.constant 0 : i32
        %dma_start3A_97 = arith.constant 0 : i32
        %dma_start3A_98 = tpu.memref_slice %arg6[%dma_start3A_96, %dma_start3A_97] : memref<10240x128xf32, #tpu.memory_space<vmem_shared>> -> memref<10240x128xf32, #tpu.memory_space<vmem_shared>>
        tpu.enqueue_indirect_dma source(%arg11 : memref<128x128xf32, #tpu.memory_space<vmem>>) target(%dma_start3A_98 : memref<10240x128xf32, #tpu.memory_space<vmem_shared>>) offsets(%dma_start3A_95 : memref<128xi32, #tpu.memory_space<vmem>>) semaphore(%run_scoped3A_92 : memref<!tpu.dma_semaphore, #tpu.memory_space<semaphore_mem>>) {add = true}
        %dma_wait3A_99 = arith.constant 0 : i32
        %dma_wait3A_100 = tpu.memref_slice %arg7[%add3A_70, %dma_wait3A_99] : memref<80x128xi32, #tpu.memory_space<vmem>> -> memref<1x128xi32, #tpu.memory_space<vmem>>
        %dma_wait3A_101 = tpu.memref_squeeze %dma_wait3A_100 : memref<1x128xi32, #tpu.memory_space<vmem>> -> memref<128xi32, #tpu.memory_space<vmem>>
        %dma_wait3A_102 = arith.constant 0 : i32
        %dma_wait3A_103 = arith.constant 0 : i32
        %dma_wait3A_104 = tpu.memref_slice %arg6[%dma_wait3A_102, %dma_wait3A_103] : memref<10240x128xf32, #tpu.memory_space<vmem_shared>> -> memref<10240x128xf32, #tpu.memory_space<vmem_shared>>
        tpu.wait_indirect_dma semaphore(%run_scoped3A_92 : memref<!tpu.dma_semaphore, #tpu.memory_space<semaphore_mem>>) src(%arg11 : memref<128x128xf32, #tpu.memory_space<vmem>>) dst(%dma_wait3A_104 : memref<10240x128xf32, #tpu.memory_space<vmem_shared>>)
        tpu.yield
      }) : () -> ()
      %dma_wait3A_83 = arith.constant 0 : i32
      %dma_wait3A_84 = tpu.memref_slice %arg3[%add3A_76, %dma_wait3A_83] : memref<2560x128xi32, #tpu.memory_space<hbm>> -> memref<1x128xi32, #tpu.memory_space<hbm>>
      %dma_wait3A_85 = tpu.memref_squeeze %dma_wait3A_84 : memref<1x128xi32, #tpu.memory_space<hbm>> -> memref<128xi32, #tpu.memory_space<hbm>>
      %dma_wait3A_86 = arith.constant 0 : i32
      %dma_wait3A_87 = tpu.memref_slice %arg3[%add3A_76, %dma_wait3A_86] : memref<2560x128xi32, #tpu.memory_space<hbm>> -> memref<1x128xi32, #tpu.memory_space<hbm>>
      %dma_wait3A_88 = tpu.memref_squeeze %dma_wait3A_87 : memref<1x128xi32, #tpu.memory_space<hbm>> -> memref<128xi32, #tpu.memory_space<hbm>>
      tpu.wait_dma2 semaphore(%arg14 : memref<!tpu.dma_semaphore, #tpu.memory_space<semaphore_mem>>) src(%dma_wait3A_88 : memref<128xi32, #tpu.memory_space<hbm>>) dst(%arg9 : memref<128xi32, #tpu.memory_space<vmem>>)
      %dma_start3A_89 = arith.constant 0 : i32
      %dma_start3A_90 = arith.constant 0 : i32
      %dma_start3A_91 = tpu.memref_slice %arg2[%dma_start3A_89, %dma_start3A_90] : memref<10240x128xf32, #tpu.memory_space<hbm>> -> memref<10240x128xf32, #tpu.memory_space<hbm>>
      tpu.enqueue_indirect_dma source(%dma_start3A_91 : memref<10240x128xf32, #tpu.memory_space<hbm>>) target(%arg11 : memref<128x128xf32, #tpu.memory_space<vmem>>) offsets(%arg9 : memref<128xi32, #tpu.memory_space<vmem>>) semaphore(%arg13 : memref<!tpu.dma_semaphore, #tpu.memory_space<semaphore_mem>>)
    }
    %scan3A_35 = arith.constant 39 : i32
    %dma_wait3A = arith.constant 0 : i32
    %dma_wait3A_36 = arith.constant 0 : i32
    %dma_wait3A_37 = tpu.memref_slice %arg2[%dma_wait3A, %dma_wait3A_36] : memref<10240x128xf32, #tpu.memory_space<hbm>> -> memref<10240x128xf32, #tpu.memory_space<hbm>>
    tpu.wait_indirect_dma semaphore(%arg12 : memref<!tpu.dma_semaphore, #tpu.memory_space<semaphore_mem>>) src(%dma_wait3A_37 : memref<10240x128xf32, #tpu.memory_space<hbm>>) dst(%arg10 : memref<128x128xf32, #tpu.memory_space<vmem>>)
    %run_scoped3A = arith.constant 78 : i32
    "tpu.region"() ({
      %run_scoped3A_43 = tpu.sem_alloc : memref<!tpu.dma_semaphore, #tpu.memory_space<semaphore_mem>>
      %dma_start3A_44 = arith.constant 0 : i32
      %dma_start3A_45 = tpu.memref_slice %arg7[%run_scoped3A, %dma_start3A_44] : memref<80x128xi32, #tpu.memory_space<vmem>> -> memref<1x128xi32, #tpu.memory_space<vmem>>
      %dma_start3A_46 = tpu.memref_squeeze %dma_start3A_45 : memref<1x128xi32, #tpu.memory_space<vmem>> -> memref<128xi32, #tpu.memory_space<vmem>>
      %dma_start3A_47 = arith.constant 0 : i32
      %dma_start3A_48 = arith.constant 0 : i32
      %dma_start3A_49 = tpu.memref_slice %arg6[%dma_start3A_47, %dma_start3A_48] : memref<10240x128xf32, #tpu.memory_space<vmem_shared>> -> memref<10240x128xf32, #tpu.memory_space<vmem_shared>>
      tpu.enqueue_indirect_dma source(%arg10 : memref<128x128xf32, #tpu.memory_space<vmem>>) target(%dma_start3A_49 : memref<10240x128xf32, #tpu.memory_space<vmem_shared>>) offsets(%dma_start3A_46 : memref<128xi32, #tpu.memory_space<vmem>>) semaphore(%run_scoped3A_43 : memref<!tpu.dma_semaphore, #tpu.memory_space<semaphore_mem>>) {add = true}
      %dma_wait3A_50 = arith.constant 0 : i32
      %dma_wait3A_51 = tpu.memref_slice %arg7[%run_scoped3A, %dma_wait3A_50] : memref<80x128xi32, #tpu.memory_space<vmem>> -> memref<1x128xi32, #tpu.memory_space<vmem>>
      %dma_wait3A_52 = tpu.memref_squeeze %dma_wait3A_51 : memref<1x128xi32, #tpu.memory_space<vmem>> -> memref<128xi32, #tpu.memory_space<vmem>>
      %dma_wait3A_53 = arith.constant 0 : i32
      %dma_wait3A_54 = arith.constant 0 : i32
      %dma_wait3A_55 = tpu.memref_slice %arg6[%dma_wait3A_53, %dma_wait3A_54] : memref<10240x128xf32, #tpu.memory_space<vmem_shared>> -> memref<10240x128xf32, #tpu.memory_space<vmem_shared>>
      tpu.wait_indirect_dma semaphore(%run_scoped3A_43 : memref<!tpu.dma_semaphore, #tpu.memory_space<semaphore_mem>>) src(%arg10 : memref<128x128xf32, #tpu.memory_space<vmem>>) dst(%dma_wait3A_55 : memref<10240x128xf32, #tpu.memory_space<vmem_shared>>)
      tpu.yield
    }) : () -> ()
    %dma_wait3A_38 = arith.constant 0 : i32
    %dma_wait3A_39 = arith.constant 0 : i32
    %dma_wait3A_40 = tpu.memref_slice %arg2[%dma_wait3A_38, %dma_wait3A_39] : memref<10240x128xf32, #tpu.memory_space<hbm>> -> memref<10240x128xf32, #tpu.memory_space<hbm>>
    tpu.wait_indirect_dma semaphore(%arg13 : memref<!tpu.dma_semaphore, #tpu.memory_space<semaphore_mem>>) src(%dma_wait3A_40 : memref<10240x128xf32, #tpu.memory_space<hbm>>) dst(%arg11 : memref<128x128xf32, #tpu.memory_space<vmem>>)
    %run_scoped3A_41 = arith.constant 79 : i32
    "tpu.region"() ({
      %run_scoped3A_43 = tpu.sem_alloc : memref<!tpu.dma_semaphore, #tpu.memory_space<semaphore_mem>>
      %dma_start3A_44 = arith.constant 0 : i32
      %dma_start3A_45 = tpu.memref_slice %arg7[%run_scoped3A_41, %dma_start3A_44] : memref<80x128xi32, #tpu.memory_space<vmem>> -> memref<1x128xi32, #tpu.memory_space<vmem>>
      %dma_start3A_46 = tpu.memref_squeeze %dma_start3A_45 : memref<1x128xi32, #tpu.memory_space<vmem>> -> memref<128xi32, #tpu.memory_space<vmem>>
      %dma_start3A_47 = arith.constant 0 : i32
      %dma_start3A_48 = arith.constant 0 : i32
      %dma_start3A_49 = tpu.memref_slice %arg6[%dma_start3A_47, %dma_start3A_48] : memref<10240x128xf32, #tpu.memory_space<vmem_shared>> -> memref<10240x128xf32, #tpu.memory_space<vmem_shared>>
      tpu.enqueue_indirect_dma source(%arg11 : memref<128x128xf32, #tpu.memory_space<vmem>>) target(%dma_start3A_49 : memref<10240x128xf32, #tpu.memory_space<vmem_shared>>) offsets(%dma_start3A_46 : memref<128xi32, #tpu.memory_space<vmem>>) semaphore(%run_scoped3A_43 : memref<!tpu.dma_semaphore, #tpu.memory_space<semaphore_mem>>) {add = true}
      %dma_wait3A_50 = arith.constant 0 : i32
      %dma_wait3A_51 = tpu.memref_slice %arg7[%run_scoped3A_41, %dma_wait3A_50] : memref<80x128xi32, #tpu.memory_space<vmem>> -> memref<1x128xi32, #tpu.memory_space<vmem>>
      %dma_wait3A_52 = tpu.memref_squeeze %dma_wait3A_51 : memref<1x128xi32, #tpu.memory_space<vmem>> -> memref<128xi32, #tpu.memory_space<vmem>>
      %dma_wait3A_53 = arith.constant 0 : i32
      %dma_wait3A_54 = arith.constant 0 : i32
      %dma_wait3A_55 = tpu.memref_slice %arg6[%dma_wait3A_53, %dma_wait3A_54] : memref<10240x128xf32, #tpu.memory_space<vmem_shared>> -> memref<10240x128xf32, #tpu.memory_space<vmem_shared>>
      tpu.wait_indirect_dma semaphore(%run_scoped3A_43 : memref<!tpu.dma_semaphore, #tpu.memory_space<semaphore_mem>>) src(%arg11 : memref<128x128xf32, #tpu.memory_space<vmem>>) dst(%dma_wait3A_55 : memref<10240x128xf32, #tpu.memory_space<vmem_shared>>)
      tpu.yield
    }) : () -> ()
    %barrier3A_42 = arith.constant 0 : index
    tpu.barrier barrier_id(%barrier3A_42)
    "tpu.region"() ({
      %run_scoped3A_43 = tpu.sem_alloc : memref<!tpu.dma_semaphore, #tpu.memory_space<semaphore_mem>>
      %dma_start3A_44 = arith.constant 0 : i32
      %dma_start3A_45 = tpu.memref_slice %arg5[%arg0, %mul3A_2, %dma_start3A_44] : memref<2x10240x128xf32, #tpu.memory_space<hbm>> -> memref<1x640x128xf32, #tpu.memory_space<hbm>>
      %dma_start3A_46 = tpu.memref_squeeze %dma_start3A_45 : memref<1x640x128xf32, #tpu.memory_space<hbm>> -> memref<640x128xf32, #tpu.memory_space<hbm>>
      %dma_start3A_47 = arith.constant 0 : i32
      %dma_start3A_48 = tpu.memref_slice %arg6[%mul3A_2, %dma_start3A_47] : memref<10240x128xf32, #tpu.memory_space<vmem_shared>> -> memref<640x128xf32, #tpu.memory_space<vmem_shared>>
      tpu.enqueue_dma source(%dma_start3A_48 : memref<640x128xf32, #tpu.memory_space<vmem_shared>>) target(%dma_start3A_46 : memref<640x128xf32, #tpu.memory_space<hbm>>) target_semaphore(%run_scoped3A_43 : memref<!tpu.dma_semaphore, #tpu.memory_space<semaphore_mem>>)
      %dma_wait3A_49 = arith.constant 0 : i32
      %dma_wait3A_50 = tpu.memref_slice %arg5[%arg0, %mul3A_2, %dma_wait3A_49] : memref<2x10240x128xf32, #tpu.memory_space<hbm>> -> memref<1x640x128xf32, #tpu.memory_space<hbm>>
      %dma_wait3A_51 = tpu.memref_squeeze %dma_wait3A_50 : memref<1x640x128xf32, #tpu.memory_space<hbm>> -> memref<640x128xf32, #tpu.memory_space<hbm>>
      %dma_wait3A_52 = arith.constant 0 : i32
      %dma_wait3A_53 = tpu.memref_slice %arg6[%mul3A_2, %dma_wait3A_52] : memref<10240x128xf32, #tpu.memory_space<vmem_shared>> -> memref<640x128xf32, #tpu.memory_space<vmem_shared>>
      tpu.wait_dma2 semaphore(%run_scoped3A_43 : memref<!tpu.dma_semaphore, #tpu.memory_space<semaphore_mem>>) src(%dma_wait3A_53 : memref<640x128xf32, #tpu.memory_space<vmem_shared>>) dst(%dma_wait3A_51 : memref<640x128xf32, #tpu.memory_space<hbm>>)
      tpu.yield
    }) : () -> ()
    return
  }
}

#map = affine_map<(d0, d1) -> (0, 0)>
#map1 = affine_map<(d0, d1) -> (0, 0, 0)>
module attributes {stable_mosaic.version = 14 : i64} {
  func.func @_spmm_body(%arg0: i32, %arg1: i32, %arg2: memref<10240x128xf32, #tpu.memory_space<hbm>>, %arg3: memref<2560x128xi32, #tpu.memory_space<hbm>>, %arg4: memref<2560x128xi32, #tpu.memory_space<hbm>>, %arg5: memref<2x10240x128xf32, #tpu.memory_space<hbm>>, %arg6: memref<10240x128xf32, #tpu.memory_space<vmem_shared>>, %arg7: memref<80x128xi32, #tpu.memory_space<vmem>>, %arg8: memref<128xi32, #tpu.memory_space<vmem>>, %arg9: memref<128xi32, #tpu.memory_space<vmem>>, %arg10: memref<128x128xf32, #tpu.memory_space<vmem>>, %arg11: memref<128x128xf32, #tpu.memory_space<vmem>>, %arg12: memref<!tpu.dma_semaphore, #tpu.memory_space<semaphore_mem>>, %arg13: memref<!tpu.dma_semaphore, #tpu.memory_space<semaphore_mem>>, %arg14: memref<!tpu.dma_semaphore, #tpu.memory_space<semaphore_mem>>) attributes {dimension_semantics = [#tpu.dimension_semantics<core_parallel>, #tpu.dimension_semantics<subcore_parallel>], iteration_bounds = array<i64: 2, 16>, scalar_prefetch = 0 : i64, scratch_operands = 9 : i64, tpu.core_type = #tpu.core_type<sc_vector_subcore>, window_params = [{transform_indices = #map}, {transform_indices = #map}, {transform_indices = #map}, {transform_indices = #map1}]} {
    %mul3A = arith.constant 16 : i32
    %mul3A_0 = arith.muli %arg0, %mul3A : i32
    %add3A = arith.addi %mul3A_0, %arg1 : i32
    %mul3A_1 = arith.constant 640 : i32
    %mul3A_2 = arith.muli %arg1, %mul3A_1 : i32
    %mul3A_3 = arith.constant 80 : i32
    %mul3A_4 = arith.muli %add3A, %mul3A_3 : i32
    %broadcast_in_dim3A = arith.constant 0.000000e+00 : f32
    %broadcast_in_dim3A_5 = vector.broadcast %broadcast_in_dim3A : f32 to vector<16xf32>
    %scan3A = arith.constant 0 : i32
    %scan3A_6 = arith.constant 0 : i32
    %scan3A_7 = arith.constant 128 : i32
    %scan3A_8 = arith.addi %scan3A_6, %scan3A_7 : i32
    %scan3A_9 = arith.constant 1 : i32
    scf.for %scan3A_43 = %scan3A_6 to %scan3A_8 step %scan3A_9  : i32 {
      %swap3A = arith.index_cast %scan3A_43 : i32 to index
      %swap3A_44 = arith.constant 0 : index
      %swap3A_45 = tpu.vector_load %arg10[%swap3A, %swap3A_44] {strides = array<i32>} : memref<128x128xf32, #tpu.memory_space<vmem>>, vector<1x16xf32>,
      %swap3A_46 = vector.shape_cast %swap3A_45 : vector<1x16xf32> to vector<16xf32>
      %swap3A_47 = vector.shape_cast %broadcast_in_dim3A_5 : vector<16xf32> to vector<1x16xf32>
      tpu.vector_store %arg10[%swap3A, %swap3A_44], %swap3A_47 {strides = array<i32>} : memref<128x128xf32, #tpu.memory_space<vmem>>, vector<1x16xf32>,
      %swap3A_48 = arith.index_cast %scan3A_43 : i32 to index
      %swap3A_49 = arith.constant 16 : index
      %swap3A_50 = tpu.vector_load %arg10[%swap3A_48, %swap3A_49] {strides = array<i32>} : memref<128x128xf32, #tpu.memory_space<vmem>>, vector<1x16xf32>,
      %swap3A_51 = vector.shape_cast %swap3A_50 : vector<1x16xf32> to vector<16xf32>
      %swap3A_52 = vector.shape_cast %broadcast_in_dim3A_5 : vector<16xf32> to vector<1x16xf32>
      tpu.vector_store %arg10[%swap3A_48, %swap3A_49], %swap3A_52 {strides = array<i32>} : memref<128x128xf32, #tpu.memory_space<vmem>>, vector<1x16xf32>,
      %swap3A_53 = arith.index_cast %scan3A_43 : i32 to index
      %swap3A_54 = arith.constant 32 : index
      %swap3A_55 = tpu.vector_load %arg10[%swap3A_53, %swap3A_54] {strides = array<i32>} : memref<128x128xf32, #tpu.memory_space<vmem>>, vector<1x16xf32>,
      %swap3A_56 = vector.shape_cast %swap3A_55 : vector<1x16xf32> to vector<16xf32>
      %swap3A_57 = vector.shape_cast %broadcast_in_dim3A_5 : vector<16xf32> to vector<1x16xf32>
      tpu.vector_store %arg10[%swap3A_53, %swap3A_54], %swap3A_57 {strides = array<i32>} : memref<128x128xf32, #tpu.memory_space<vmem>>, vector<1x16xf32>,
      %swap3A_58 = arith.index_cast %scan3A_43 : i32 to index
      %swap3A_59 = arith.constant 48 : index
      %swap3A_60 = tpu.vector_load %arg10[%swap3A_58, %swap3A_59] {strides = array<i32>} : memref<128x128xf32, #tpu.memory_space<vmem>>, vector<1x16xf32>,
      %swap3A_61 = vector.shape_cast %swap3A_60 : vector<1x16xf32> to vector<16xf32>
      %swap3A_62 = vector.shape_cast %broadcast_in_dim3A_5 : vector<16xf32> to vector<1x16xf32>
      tpu.vector_store %arg10[%swap3A_58, %swap3A_59], %swap3A_62 {strides = array<i32>} : memref<128x128xf32, #tpu.memory_space<vmem>>, vector<1x16xf32>,
      %swap3A_63 = arith.index_cast %scan3A_43 : i32 to index
      %swap3A_64 = arith.constant 64 : index
      %swap3A_65 = tpu.vector_load %arg10[%swap3A_63, %swap3A_64] {strides = array<i32>} : memref<128x128xf32, #tpu.memory_space<vmem>>, vector<1x16xf32>,
      %swap3A_66 = vector.shape_cast %swap3A_65 : vector<1x16xf32> to vector<16xf32>
      %swap3A_67 = vector.shape_cast %broadcast_in_dim3A_5 : vector<16xf32> to vector<1x16xf32>
      tpu.vector_store %arg10[%swap3A_63, %swap3A_64], %swap3A_67 {strides = array<i32>} : memref<128x128xf32, #tpu.memory_space<vmem>>, vector<1x16xf32>,
      %swap3A_68 = arith.index_cast %scan3A_43 : i32 to index
      %swap3A_69 = arith.constant 80 : index
      %swap3A_70 = tpu.vector_load %arg10[%swap3A_68, %swap3A_69] {strides = array<i32>} : memref<128x128xf32, #tpu.memory_space<vmem>>, vector<1x16xf32>,
      %swap3A_71 = vector.shape_cast %swap3A_70 : vector<1x16xf32> to vector<16xf32>
      %swap3A_72 = vector.shape_cast %broadcast_in_dim3A_5 : vector<16xf32> to vector<1x16xf32>
      tpu.vector_store %arg10[%swap3A_68, %swap3A_69], %swap3A_72 {strides = array<i32>} : memref<128x128xf32, #tpu.memory_space<vmem>>, vector<1x16xf32>,
      %swap3A_73 = arith.index_cast %scan3A_43 : i32 to index
      %swap3A_74 = arith.constant 96 : index
      %swap3A_75 = tpu.vector_load %arg10[%swap3A_73, %swap3A_74] {strides = array<i32>} : memref<128x128xf32, #tpu.memory_space<vmem>>, vector<1x16xf32>,
      %swap3A_76 = vector.shape_cast %swap3A_75 : vector<1x16xf32> to vector<16xf32>
      %swap3A_77 = vector.shape_cast %broadcast_in_dim3A_5 : vector<16xf32> to vector<1x16xf32>
      tpu.vector_store %arg10[%swap3A_73, %swap3A_74], %swap3A_77 {strides = array<i32>} : memref<128x128xf32, #tpu.memory_space<vmem>>, vector<1x16xf32>,
      %swap3A_78 = arith.index_cast %scan3A_43 : i32 to index
      %swap3A_79 = arith.constant 112 : index
      %swap3A_80 = tpu.vector_load %arg10[%swap3A_78, %swap3A_79] {strides = array<i32>} : memref<128x128xf32, #tpu.memory_space<vmem>>, vector<1x16xf32>,
      %swap3A_81 = vector.shape_cast %swap3A_80 : vector<1x16xf32> to vector<16xf32>
      %swap3A_82 = vector.shape_cast %broadcast_in_dim3A_5 : vector<16xf32> to vector<1x16xf32>
      tpu.vector_store %arg10[%swap3A_78, %swap3A_79], %swap3A_82 {strides = array<i32>} : memref<128x128xf32, #tpu.memory_space<vmem>>, vector<1x16xf32>,
    }
    %scan3A_10 = arith.constant 128 : i32
    %add3A_11 = arith.constant 1 : i32
    %add3A_12 = arith.addi %mul3A_4, %add3A_11 : i32
    "tpu.region"() ({
      %run_scoped3A_43 = tpu.sem_alloc : memref<!tpu.dma_semaphore, #tpu.memory_space<semaphore_mem>>
      %dma_start3A_44 = arith.constant 0 : i32
      %dma_start3A_45 = tpu.memref_slice %arg3[%add3A_12, %dma_start3A_44] : memref<2560x128xi32, #tpu.memory_space<hbm>> -> memref<1x128xi32, #tpu.memory_space<hbm>>
      %dma_start3A_46 = tpu.memref_squeeze %dma_start3A_45 : memref<1x128xi32, #tpu.memory_space<hbm>> -> memref<128xi32, #tpu.memory_space<hbm>>
      %dma_start3A_47 = arith.constant 0 : i32
      %dma_start3A_48 = tpu.memref_slice %arg3[%add3A_12, %dma_start3A_47] : memref<2560x128xi32, #tpu.memory_space<hbm>> -> memref<1x128xi32, #tpu.memory_space<hbm>>
      %dma_start3A_49 = tpu.memref_squeeze %dma_start3A_48 : memref<1x128xi32, #tpu.memory_space<hbm>> -> memref<128xi32, #tpu.memory_space<hbm>>
      tpu.enqueue_dma source(%dma_start3A_49 : memref<128xi32, #tpu.memory_space<hbm>>) target(%arg9 : memref<128xi32, #tpu.memory_space<vmem>>) target_semaphore(%run_scoped3A_43 : memref<!tpu.dma_semaphore, #tpu.memory_space<semaphore_mem>>)
      %dma_wait3A_50 = arith.constant 0 : i32
      %dma_wait3A_51 = tpu.memref_slice %arg3[%add3A_12, %dma_wait3A_50] : memref<2560x128xi32, #tpu.memory_space<hbm>> -> memref<1x128xi32, #tpu.memory_space<hbm>>
      %dma_wait3A_52 = tpu.memref_squeeze %dma_wait3A_51 : memref<1x128xi32, #tpu.memory_space<hbm>> -> memref<128xi32, #tpu.memory_space<hbm>>
      %dma_wait3A_53 = arith.constant 0 : i32
      %dma_wait3A_54 = tpu.memref_slice %arg3[%add3A_12, %dma_wait3A_53] : memref<2560x128xi32, #tpu.memory_space<hbm>> -> memref<1x128xi32, #tpu.memory_space<hbm>>
      %dma_wait3A_55 = tpu.memref_squeeze %dma_wait3A_54 : memref<1x128xi32, #tpu.memory_space<hbm>> -> memref<128xi32, #tpu.memory_space<hbm>>
      tpu.wait_dma2 semaphore(%run_scoped3A_43 : memref<!tpu.dma_semaphore, #tpu.memory_space<semaphore_mem>>) src(%dma_wait3A_55 : memref<128xi32, #tpu.memory_space<hbm>>) dst(%arg9 : memref<128xi32, #tpu.memory_space<vmem>>)
      tpu.yield
    }) : () -> ()
    %dma_start3A = arith.constant 0 : i32
    %dma_start3A_13 = arith.constant 0 : i32
    %dma_start3A_14 = tpu.memref_slice %arg2[%dma_start3A, %dma_start3A_13] : memref<10240x128xf32, #tpu.memory_space<hbm>> -> memref<10240x128xf32, #tpu.memory_space<hbm>>
    tpu.enqueue_indirect_dma source(%dma_start3A_14 : memref<10240x128xf32, #tpu.memory_space<hbm>>) target(%arg11 : memref<128x128xf32, #tpu.memory_space<vmem>>) offsets(%arg9 : memref<128xi32, #tpu.memory_space<vmem>>) semaphore(%arg13 : memref<!tpu.dma_semaphore, #tpu.memory_space<semaphore_mem>>)
    %add3A_15 = arith.constant 0 : i32
    %add3A_16 = arith.addi %mul3A_2, %add3A_15 : i32
    "tpu.region"() ({
      %run_scoped3A_43 = tpu.sem_alloc : memref<!tpu.dma_semaphore, #tpu.memory_space<semaphore_mem>>
      %dma_start3A_44 = arith.constant 0 : i32
      %dma_start3A_45 = tpu.memref_slice %arg6[%add3A_16, %dma_start3A_44] : memref<10240x128xf32, #tpu.memory_space<vmem_shared>> -> memref<128x128xf32, #tpu.memory_space<vmem_shared>>
      %dma_start3A_46 = arith.constant 0 : i32
      %dma_start3A_47 = tpu.memref_slice %arg6[%add3A_16, %dma_start3A_46] : memref<10240x128xf32, #tpu.memory_space<vmem_shared>> -> memref<128x128xf32, #tpu.memory_space<vmem_shared>>
      tpu.enqueue_dma source(%arg10 : memref<128x128xf32, #tpu.memory_space<vmem>>) target(%dma_start3A_47 : memref<128x128xf32, #tpu.memory_space<vmem_shared>>) target_semaphore(%run_scoped3A_43 : memref<!tpu.dma_semaphore, #tpu.memory_space<semaphore_mem>>)
      %dma_wait3A_48 = arith.constant 0 : i32
      %dma_wait3A_49 = tpu.memref_slice %arg6[%add3A_16, %dma_wait3A_48] : memref<10240x128xf32, #tpu.memory_space<vmem_shared>> -> memref<128x128xf32, #tpu.memory_space<vmem_shared>>
      %dma_wait3A_50 = arith.constant 0 : i32
      %dma_wait3A_51 = tpu.memref_slice %arg6[%add3A_16, %dma_wait3A_50] : memref<10240x128xf32, #tpu.memory_space<vmem_shared>> -> memref<128x128xf32, #tpu.memory_space<vmem_shared>>
      tpu.wait_dma2 semaphore(%run_scoped3A_43 : memref<!tpu.dma_semaphore, #tpu.memory_space<semaphore_mem>>) src(%arg10 : memref<128x128xf32, #tpu.memory_space<vmem>>) dst(%dma_wait3A_51 : memref<128x128xf32, #tpu.memory_space<vmem_shared>>)
      tpu.yield
    }) : () -> ()
    %add3A_17 = arith.constant 128 : i32
    %add3A_18 = arith.addi %mul3A_2, %add3A_17 : i32
    "tpu.region"() ({
      %run_scoped3A_43 = tpu.sem_alloc : memref<!tpu.dma_semaphore, #tpu.memory_space<semaphore_mem>>
      %dma_start3A_44 = arith.constant 0 : i32
      %dma_start3A_45 = tpu.memref_slice %arg6[%add3A_18, %dma_start3A_44] : memref<10240x128xf32, #tpu.memory_space<vmem_shared>> -> memref<128x128xf32, #tpu.memory_space<vmem_shared>>
      %dma_start3A_46 = arith.constant 0 : i32
      %dma_start3A_47 = tpu.memref_slice %arg6[%add3A_18, %dma_start3A_46] : memref<10240x128xf32, #tpu.memory_space<vmem_shared>> -> memref<128x128xf32, #tpu.memory_space<vmem_shared>>
      tpu.enqueue_dma source(%arg10 : memref<128x128xf32, #tpu.memory_space<vmem>>) target(%dma_start3A_47 : memref<128x128xf32, #tpu.memory_space<vmem_shared>>) target_semaphore(%run_scoped3A_43 : memref<!tpu.dma_semaphore, #tpu.memory_space<semaphore_mem>>)
      %dma_wait3A_48 = arith.constant 0 : i32
      %dma_wait3A_49 = tpu.memref_slice %arg6[%add3A_18, %dma_wait3A_48] : memref<10240x128xf32, #tpu.memory_space<vmem_shared>> -> memref<128x128xf32, #tpu.memory_space<vmem_shared>>
      %dma_wait3A_50 = arith.constant 0 : i32
      %dma_wait3A_51 = tpu.memref_slice %arg6[%add3A_18, %dma_wait3A_50] : memref<10240x128xf32, #tpu.memory_space<vmem_shared>> -> memref<128x128xf32, #tpu.memory_space<vmem_shared>>
      tpu.wait_dma2 semaphore(%run_scoped3A_43 : memref<!tpu.dma_semaphore, #tpu.memory_space<semaphore_mem>>) src(%arg10 : memref<128x128xf32, #tpu.memory_space<vmem>>) dst(%dma_wait3A_51 : memref<128x128xf32, #tpu.memory_space<vmem_shared>>)
      tpu.yield
    }) : () -> ()
    %add3A_19 = arith.constant 256 : i32
    %add3A_20 = arith.addi %mul3A_2, %add3A_19 : i32
    "tpu.region"() ({
      %run_scoped3A_43 = tpu.sem_alloc : memref<!tpu.dma_semaphore, #tpu.memory_space<semaphore_mem>>
      %dma_start3A_44 = arith.constant 0 : i32
      %dma_start3A_45 = tpu.memref_slice %arg6[%add3A_20, %dma_start3A_44] : memref<10240x128xf32, #tpu.memory_space<vmem_shared>> -> memref<128x128xf32, #tpu.memory_space<vmem_shared>>
      %dma_start3A_46 = arith.constant 0 : i32
      %dma_start3A_47 = tpu.memref_slice %arg6[%add3A_20, %dma_start3A_46] : memref<10240x128xf32, #tpu.memory_space<vmem_shared>> -> memref<128x128xf32, #tpu.memory_space<vmem_shared>>
      tpu.enqueue_dma source(%arg10 : memref<128x128xf32, #tpu.memory_space<vmem>>) target(%dma_start3A_47 : memref<128x128xf32, #tpu.memory_space<vmem_shared>>) target_semaphore(%run_scoped3A_43 : memref<!tpu.dma_semaphore, #tpu.memory_space<semaphore_mem>>)
      %dma_wait3A_48 = arith.constant 0 : i32
      %dma_wait3A_49 = tpu.memref_slice %arg6[%add3A_20, %dma_wait3A_48] : memref<10240x128xf32, #tpu.memory_space<vmem_shared>> -> memref<128x128xf32, #tpu.memory_space<vmem_shared>>
      %dma_wait3A_50 = arith.constant 0 : i32
      %dma_wait3A_51 = tpu.memref_slice %arg6[%add3A_20, %dma_wait3A_50] : memref<10240x128xf32, #tpu.memory_space<vmem_shared>> -> memref<128x128xf32, #tpu.memory_space<vmem_shared>>
      tpu.wait_dma2 semaphore(%run_scoped3A_43 : memref<!tpu.dma_semaphore, #tpu.memory_space<semaphore_mem>>) src(%arg10 : memref<128x128xf32, #tpu.memory_space<vmem>>) dst(%dma_wait3A_51 : memref<128x128xf32, #tpu.memory_space<vmem_shared>>)
      tpu.yield
    }) : () -> ()
    %add3A_21 = arith.constant 384 : i32
    %add3A_22 = arith.addi %mul3A_2, %add3A_21 : i32
    "tpu.region"() ({
      %run_scoped3A_43 = tpu.sem_alloc : memref<!tpu.dma_semaphore, #tpu.memory_space<semaphore_mem>>
      %dma_start3A_44 = arith.constant 0 : i32
      %dma_start3A_45 = tpu.memref_slice %arg6[%add3A_22, %dma_start3A_44] : memref<10240x128xf32, #tpu.memory_space<vmem_shared>> -> memref<128x128xf32, #tpu.memory_space<vmem_shared>>
      %dma_start3A_46 = arith.constant 0 : i32
      %dma_start3A_47 = tpu.memref_slice %arg6[%add3A_22, %dma_start3A_46] : memref<10240x128xf32, #tpu.memory_space<vmem_shared>> -> memref<128x128xf32, #tpu.memory_space<vmem_shared>>
      tpu.enqueue_dma source(%arg10 : memref<128x128xf32, #tpu.memory_space<vmem>>) target(%dma_start3A_47 : memref<128x128xf32, #tpu.memory_space<vmem_shared>>) target_semaphore(%run_scoped3A_43 : memref<!tpu.dma_semaphore, #tpu.memory_space<semaphore_mem>>)
      %dma_wait3A_48 = arith.constant 0 : i32
      %dma_wait3A_49 = tpu.memref_slice %arg6[%add3A_22, %dma_wait3A_48] : memref<10240x128xf32, #tpu.memory_space<vmem_shared>> -> memref<128x128xf32, #tpu.memory_space<vmem_shared>>
      %dma_wait3A_50 = arith.constant 0 : i32
      %dma_wait3A_51 = tpu.memref_slice %arg6[%add3A_22, %dma_wait3A_50] : memref<10240x128xf32, #tpu.memory_space<vmem_shared>> -> memref<128x128xf32, #tpu.memory_space<vmem_shared>>
      tpu.wait_dma2 semaphore(%run_scoped3A_43 : memref<!tpu.dma_semaphore, #tpu.memory_space<semaphore_mem>>) src(%arg10 : memref<128x128xf32, #tpu.memory_space<vmem>>) dst(%dma_wait3A_51 : memref<128x128xf32, #tpu.memory_space<vmem_shared>>)
      tpu.yield
    }) : () -> ()
    %add3A_23 = arith.constant 512 : i32
    %add3A_24 = arith.addi %mul3A_2, %add3A_23 : i32
    "tpu.region"() ({
      %run_scoped3A_43 = tpu.sem_alloc : memref<!tpu.dma_semaphore, #tpu.memory_space<semaphore_mem>>
      %dma_start3A_44 = arith.constant 0 : i32
      %dma_start3A_45 = tpu.memref_slice %arg6[%add3A_24, %dma_start3A_44] : memref<10240x128xf32, #tpu.memory_space<vmem_shared>> -> memref<128x128xf32, #tpu.memory_space<vmem_shared>>
      %dma_start3A_46 = arith.constant 0 : i32
      %dma_start3A_47 = tpu.memref_slice %arg6[%add3A_24, %dma_start3A_46] : memref<10240x128xf32, #tpu.memory_space<vmem_shared>> -> memref<128x128xf32, #tpu.memory_space<vmem_shared>>
      tpu.enqueue_dma source(%arg10 : memref<128x128xf32, #tpu.memory_space<vmem>>) target(%dma_start3A_47 : memref<128x128xf32, #tpu.memory_space<vmem_shared>>) target_semaphore(%run_scoped3A_43 : memref<!tpu.dma_semaphore, #tpu.memory_space<semaphore_mem>>)
      %dma_wait3A_48 = arith.constant 0 : i32
      %dma_wait3A_49 = tpu.memref_slice %arg6[%add3A_24, %dma_wait3A_48] : memref<10240x128xf32, #tpu.memory_space<vmem_shared>> -> memref<128x128xf32, #tpu.memory_space<vmem_shared>>
      %dma_wait3A_50 = arith.constant 0 : i32
      %dma_wait3A_51 = tpu.memref_slice %arg6[%add3A_24, %dma_wait3A_50] : memref<10240x128xf32, #tpu.memory_space<vmem_shared>> -> memref<128x128xf32, #tpu.memory_space<vmem_shared>>
      tpu.wait_dma2 semaphore(%run_scoped3A_43 : memref<!tpu.dma_semaphore, #tpu.memory_space<semaphore_mem>>) src(%arg10 : memref<128x128xf32, #tpu.memory_space<vmem>>) dst(%dma_wait3A_51 : memref<128x128xf32, #tpu.memory_space<vmem_shared>>)
      tpu.yield
    }) : () -> ()
    "tpu.region"() ({
      %run_scoped3A_43 = tpu.sem_alloc : memref<!tpu.dma_semaphore, #tpu.memory_space<semaphore_mem>>
      %dma_start3A_44 = arith.constant 0 : i32
      %dma_start3A_45 = tpu.memref_slice %arg4[%mul3A_4, %dma_start3A_44] : memref<2560x128xi32, #tpu.memory_space<hbm>> -> memref<80x128xi32, #tpu.memory_space<hbm>>
      %dma_start3A_46 = arith.constant 0 : i32
      %dma_start3A_47 = tpu.memref_slice %arg4[%mul3A_4, %dma_start3A_46] : memref<2560x128xi32, #tpu.memory_space<hbm>> -> memref<80x128xi32, #tpu.memory_space<hbm>>
      tpu.enqueue_dma source(%dma_start3A_47 : memref<80x128xi32, #tpu.memory_space<hbm>>) target(%arg7 : memref<80x128xi32, #tpu.memory_space<vmem>>) target_semaphore(%run_scoped3A_43 : memref<!tpu.dma_semaphore, #tpu.memory_space<semaphore_mem>>)
      %dma_wait3A_48 = arith.constant 0 : i32
      %dma_wait3A_49 = tpu.memref_slice %arg4[%mul3A_4, %dma_wait3A_48] : memref<2560x128xi32, #tpu.memory_space<hbm>> -> memref<80x128xi32, #tpu.memory_space<hbm>>
      %dma_wait3A_50 = arith.constant 0 : i32
      %dma_wait3A_51 = tpu.memref_slice %arg4[%mul3A_4, %dma_wait3A_50] : memref<2560x128xi32, #tpu.memory_space<hbm>> -> memref<80x128xi32, #tpu.memory_space<hbm>>
      tpu.wait_dma2 semaphore(%run_scoped3A_43 : memref<!tpu.dma_semaphore, #tpu.memory_space<semaphore_mem>>) src(%dma_wait3A_51 : memref<80x128xi32, #tpu.memory_space<hbm>>) dst(%arg7 : memref<80x128xi32, #tpu.memory_space<vmem>>)
      tpu.yield
    }) : () -> ()
    %add3A_25 = arith.constant 0 : i32
    %add3A_26 = arith.addi %mul3A_4, %add3A_25 : i32
    "tpu.region"() ({
      %run_scoped3A_43 = tpu.sem_alloc : memref<!tpu.dma_semaphore, #tpu.memory_space<semaphore_mem>>
      %dma_start3A_44 = arith.constant 0 : i32
      %dma_start3A_45 = tpu.memref_slice %arg3[%add3A_26, %dma_start3A_44] : memref<2560x128xi32, #tpu.memory_space<hbm>> -> memref<1x128xi32, #tpu.memory_space<hbm>>
      %dma_start3A_46 = tpu.memref_squeeze %dma_start3A_45 : memref<1x128xi32, #tpu.memory_space<hbm>> -> memref<128xi32, #tpu.memory_space<hbm>>
      %dma_start3A_47 = arith.constant 0 : i32
      %dma_start3A_48 = tpu.memref_slice %arg3[%add3A_26, %dma_start3A_47] : memref<2560x128xi32, #tpu.memory_space<hbm>> -> memref<1x128xi32, #tpu.memory_space<hbm>>
      %dma_start3A_49 = tpu.memref_squeeze %dma_start3A_48 : memref<1x128xi32, #tpu.memory_space<hbm>> -> memref<128xi32, #tpu.memory_space<hbm>>
      tpu.enqueue_dma source(%dma_start3A_49 : memref<128xi32, #tpu.memory_space<hbm>>) target(%arg8 : memref<128xi32, #tpu.memory_space<vmem>>) target_semaphore(%run_scoped3A_43 : memref<!tpu.dma_semaphore, #tpu.memory_space<semaphore_mem>>)
      %dma_wait3A_50 = arith.constant 0 : i32
      %dma_wait3A_51 = tpu.memref_slice %arg3[%add3A_26, %dma_wait3A_50] : memref<2560x128xi32, #tpu.memory_space<hbm>> -> memref<1x128xi32, #tpu.memory_space<hbm>>
      %dma_wait3A_52 = tpu.memref_squeeze %dma_wait3A_51 : memref<1x128xi32, #tpu.memory_space<hbm>> -> memref<128xi32, #tpu.memory_space<hbm>>
      %dma_wait3A_53 = arith.constant 0 : i32
      %dma_wait3A_54 = tpu.memref_slice %arg3[%add3A_26, %dma_wait3A_53] : memref<2560x128xi32, #tpu.memory_space<hbm>> -> memref<1x128xi32, #tpu.memory_space<hbm>>
      %dma_wait3A_55 = tpu.memref_squeeze %dma_wait3A_54 : memref<1x128xi32, #tpu.memory_space<hbm>> -> memref<128xi32, #tpu.memory_space<hbm>>
      tpu.wait_dma2 semaphore(%run_scoped3A_43 : memref<!tpu.dma_semaphore, #tpu.memory_space<semaphore_mem>>) src(%dma_wait3A_55 : memref<128xi32, #tpu.memory_space<hbm>>) dst(%arg8 : memref<128xi32, #tpu.memory_space<vmem>>)
      tpu.yield
    }) : () -> ()
    %dma_start3A_27 = arith.constant 0 : i32
    %dma_start3A_28 = arith.constant 0 : i32
    %dma_start3A_29 = tpu.memref_slice %arg2[%dma_start3A_27, %dma_start3A_28] : memref<10240x128xf32, #tpu.memory_space<hbm>> -> memref<10240x128xf32, #tpu.memory_space<hbm>>
    tpu.enqueue_indirect_dma source(%dma_start3A_29 : memref<10240x128xf32, #tpu.memory_space<hbm>>) target(%arg10 : memref<128x128xf32, #tpu.memory_space<vmem>>) offsets(%arg8 : memref<128xi32, #tpu.memory_space<vmem>>) semaphore(%arg12 : memref<!tpu.dma_semaphore, #tpu.memory_space<semaphore_mem>>)
    %barrier3A = arith.constant 0 : index
    tpu.barrier barrier_id(%barrier3A)
    %scan3A_30 = arith.constant 0 : i32
    %scan3A_31 = arith.constant 0 : i32
    %scan3A_32 = arith.constant 39 : i32
    %scan3A_33 = arith.addi %scan3A_31, %scan3A_32 : i32
    %scan3A_34 = arith.constant 1 : i32
    scf.for %scan3A_43 = %scan3A_31 to %scan3A_33 step %scan3A_34  : i32 {
      %mul3A_44 = arith.constant 2 : i32
      %mul3A_45 = arith.muli %scan3A_43, %mul3A_44 : i32
      %add3A_46 = arith.constant 0 : i32
      %add3A_47 = arith.addi %mul3A_45, %add3A_46 : i32
      %dma_wait3A_48 = arith.constant 0 : i32
      %dma_wait3A_49 = arith.constant 0 : i32
      %dma_wait3A_50 = tpu.memref_slice %arg2[%dma_wait3A_48, %dma_wait3A_49] : memref<10240x128xf32, #tpu.memory_space<hbm>> -> memref<10240x128xf32, #tpu.memory_space<hbm>>
      tpu.wait_indirect_dma semaphore(%arg12 : memref<!tpu.dma_semaphore, #tpu.memory_space<semaphore_mem>>) src(%dma_wait3A_50 : memref<10240x128xf32, #tpu.memory_space<hbm>>) dst(%arg10 : memref<128x128xf32, #tpu.memory_space<vmem>>)
      %add3A_51 = arith.addi %mul3A_4, %add3A_47 : i32
      %add3A_52 = arith.constant 2 : i32
      %add3A_53 = arith.addi %add3A_51, %add3A_52 : i32
      %dma_start3A_54 = arith.constant 0 : i32
      %dma_start3A_55 = tpu.memref_slice %arg3[%add3A_53, %dma_start3A_54] : memref<2560x128xi32, #tpu.memory_space<hbm>> -> memref<1x128xi32, #tpu.memory_space<hbm>>
      %dma_start3A_56 = tpu.memref_squeeze %dma_start3A_55 : memref<1x128xi32, #tpu.memory_space<hbm>> -> memref<128xi32, #tpu.memory_space<hbm>>
      %dma_start3A_57 = arith.constant 0 : i32
      %dma_start3A_58 = tpu.memref_slice %arg3[%add3A_53, %dma_start3A_57] : memref<2560x128xi32, #tpu.memory_space<hbm>> -> memref<1x128xi32, #tpu.memory_space<hbm>>
      %dma_start3A_59 = tpu.memref_squeeze %dma_start3A_58 : memref<1x128xi32, #tpu.memory_space<hbm>> -> memref<128xi32, #tpu.memory_space<hbm>>
      tpu.enqueue_dma source(%dma_start3A_59 : memref<128xi32, #tpu.memory_space<hbm>>) target(%arg8 : memref<128xi32, #tpu.memory_space<vmem>>) target_semaphore(%arg14 : memref<!tpu.dma_semaphore, #tpu.memory_space<semaphore_mem>>)
      "tpu.region"() ({
        %run_scoped3A_92 = tpu.sem_alloc : memref<!tpu.dma_semaphore, #tpu.memory_space<semaphore_mem>>
        %dma_start3A_93 = arith.constant 0 : i32
        %dma_start3A_94 = tpu.memref_slice %arg7[%add3A_47, %dma_start3A_93] : memref<80x128xi32, #tpu.memory_space<vmem>> -> memref<1x128xi32, #tpu.memory_space<vmem>>
        %dma_start3A_95 = tpu.memref_squeeze %dma_start3A_94 : memref<1x128xi32, #tpu.memory_space<vmem>> -> memref<128xi32, #tpu.memory_space<vmem>>
        %dma_start3A_96 = arith.constant 0 : i32
        %dma_start3A_97 = arith.constant 0 : i32
        %dma_start3A_98 = tpu.memref_slice %arg6[%dma_start3A_96, %dma_start3A_97] : memref<10240x128xf32, #tpu.memory_space<vmem_shared>> -> memref<10240x128xf32, #tpu.memory_space<vmem_shared>>
        tpu.enqueue_indirect_dma source(%arg10 : memref<128x128xf32, #tpu.memory_space<vmem>>) target(%dma_start3A_98 : memref<10240x128xf32, #tpu.memory_space<vmem_shared>>) offsets(%dma_start3A_95 : memref<128xi32, #tpu.memory_space<vmem>>) semaphore(%run_scoped3A_92 : memref<!tpu.dma_semaphore, #tpu.memory_space<semaphore_mem>>) {add = true}
        %dma_wait3A_99 = arith.constant 0 : i32
        %dma_wait3A_100 = tpu.memref_slice %arg7[%add3A_47, %dma_wait3A_99] : memref<80x128xi32, #tpu.memory_space<vmem>> -> memref<1x128xi32, #tpu.memory_space<vmem>>
        %dma_wait3A_101 = tpu.memref_squeeze %dma_wait3A_100 : memref<1x128xi32, #tpu.memory_space<vmem>> -> memref<128xi32, #tpu.memory_space<vmem>>
        %dma_wait3A_102 = arith.constant 0 : i32
        %dma_wait3A_103 = arith.constant 0 : i32
        %dma_wait3A_104 = tpu.memref_slice %arg6[%dma_wait3A_102, %dma_wait3A_103] : memref<10240x128xf32, #tpu.memory_space<vmem_shared>> -> memref<10240x128xf32, #tpu.memory_space<vmem_shared>>
        tpu.wait_indirect_dma semaphore(%run_scoped3A_92 : memref<!tpu.dma_semaphore, #tpu.memory_space<semaphore_mem>>) src(%arg10 : memref<128x128xf32, #tpu.memory_space<vmem>>) dst(%dma_wait3A_104 : memref<10240x128xf32, #tpu.memory_space<vmem_shared>>)
        tpu.yield
      }) : () -> ()
      %dma_wait3A_60 = arith.constant 0 : i32
      %dma_wait3A_61 = tpu.memref_slice %arg3[%add3A_53, %dma_wait3A_60] : memref<2560x128xi32, #tpu.memory_space<hbm>> -> memref<1x128xi32, #tpu.memory_space<hbm>>
      %dma_wait3A_62 = tpu.memref_squeeze %dma_wait3A_61 : memref<1x128xi32, #tpu.memory_space<hbm>> -> memref<128xi32, #tpu.memory_space<hbm>>
      %dma_wait3A_63 = arith.constant 0 : i32
      %dma_wait3A_64 = tpu.memref_slice %arg3[%add3A_53, %dma_wait3A_63] : memref<2560x128xi32, #tpu.memory_space<hbm>> -> memref<1x128xi32, #tpu.memory_space<hbm>>
      %dma_wait3A_65 = tpu.memref_squeeze %dma_wait3A_64 : memref<1x128xi32, #tpu.memory_space<hbm>> -> memref<128xi32, #tpu.memory_space<hbm>>
      tpu.wait_dma2 semaphore(%arg14 : memref<!tpu.dma_semaphore, #tpu.memory_space<semaphore_mem>>) src(%dma_wait3A_65 : memref<128xi32, #tpu.memory_space<hbm>>) dst(%arg8 : memref<128xi32, #tpu.memory_space<vmem>>)
      %dma_start3A_66 = arith.constant 0 : i32
      %dma_start3A_67 = arith.constant 0 : i32
      %dma_start3A_68 = tpu.memref_slice %arg2[%dma_start3A_66, %dma_start3A_67] : memref<10240x128xf32, #tpu.memory_space<hbm>> -> memref<10240x128xf32, #tpu.memory_space<hbm>>
      tpu.enqueue_indirect_dma source(%dma_start3A_68 : memref<10240x128xf32, #tpu.memory_space<hbm>>) target(%arg10 : memref<128x128xf32, #tpu.memory_space<vmem>>) offsets(%arg8 : memref<128xi32, #tpu.memory_space<vmem>>) semaphore(%arg12 : memref<!tpu.dma_semaphore, #tpu.memory_space<semaphore_mem>>)
      %add3A_69 = arith.constant 1 : i32
      %add3A_70 = arith.addi %mul3A_45, %add3A_69 : i32
      %dma_wait3A_71 = arith.constant 0 : i32
      %dma_wait3A_72 = arith.constant 0 : i32
      %dma_wait3A_73 = tpu.memref_slice %arg2[%dma_wait3A_71, %dma_wait3A_72] : memref<10240x128xf32, #tpu.memory_space<hbm>> -> memref<10240x128xf32, #tpu.memory_space<hbm>>
      tpu.wait_indirect_dma semaphore(%arg13 : memref<!tpu.dma_semaphore, #tpu.memory_space<semaphore_mem>>) src(%dma_wait3A_73 : memref<10240x128xf32, #tpu.memory_space<hbm>>) dst(%arg11 : memref<128x128xf32, #tpu.memory_space<vmem>>)
      %add3A_74 = arith.addi %mul3A_4, %add3A_70 : i32
      %add3A_75 = arith.constant 2 : i32
      %add3A_76 = arith.addi %add3A_74, %add3A_75 : i32
      %dma_start3A_77 = arith.constant 0 : i32
      %dma_start3A_78 = tpu.memref_slice %arg3[%add3A_76, %dma_start3A_77] : memref<2560x128xi32, #tpu.memory_space<hbm>> -> memref<1x128xi32, #tpu.memory_space<hbm>>
      %dma_start3A_79 = tpu.memref_squeeze %dma_start3A_78 : memref<1x128xi32, #tpu.memory_space<hbm>> -> memref<128xi32, #tpu.memory_space<hbm>>
      %dma_start3A_80 = arith.constant 0 : i32
      %dma_start3A_81 = tpu.memref_slice %arg3[%add3A_76, %dma_start3A_80] : memref<2560x128xi32, #tpu.memory_space<hbm>> -> memref<1x128xi32, #tpu.memory_space<hbm>>
      %dma_start3A_82 = tpu.memref_squeeze %dma_start3A_81 : memref<1x128xi32, #tpu.memory_space<hbm>> -> memref<128xi32, #tpu.memory_space<hbm>>
      tpu.enqueue_dma source(%dma_start3A_82 : memref<128xi32, #tpu.memory_space<hbm>>) target(%arg9 : memref<128xi32, #tpu.memory_space<vmem>>) target_semaphore(%arg14 : memref<!tpu.dma_semaphore, #tpu.memory_space<semaphore_mem>>)
      "tpu.region"() ({
        %run_scoped3A_92 = tpu.sem_alloc : memref<!tpu.dma_semaphore, #tpu.memory_space<semaphore_mem>>
        %dma_start3A_93 = arith.constant 0 : i32
        %dma_start3A_94 = tpu.memref_slice %arg7[%add3A_70, %dma_start3A_93] : memref<80x128xi32, #tpu.memory_space<vmem>> -> memref<1x128xi32, #tpu.memory_space<vmem>>
        %dma_start3A_95 = tpu.memref_squeeze %dma_start3A_94 : memref<1x128xi32, #tpu.memory_space<vmem>> -> memref<128xi32, #tpu.memory_space<vmem>>
        %dma_start3A_96 = arith.constant 0 : i32
        %dma_start3A_97 = arith.constant 0 : i32
        %dma_start3A_98 = tpu.memref_slice %arg6[%dma_start3A_96, %dma_start3A_97] : memref<10240x128xf32, #tpu.memory_space<vmem_shared>> -> memref<10240x128xf32, #tpu.memory_space<vmem_shared>>
        tpu.enqueue_indirect_dma source(%arg11 : memref<128x128xf32, #tpu.memory_space<vmem>>) target(%dma_start3A_98 : memref<10240x128xf32, #tpu.memory_space<vmem_shared>>) offsets(%dma_start3A_95 : memref<128xi32, #tpu.memory_space<vmem>>) semaphore(%run_scoped3A_92 : memref<!tpu.dma_semaphore, #tpu.memory_space<semaphore_mem>>) {add = true}
        %dma_wait3A_99 = arith.constant 0 : i32
        %dma_wait3A_100 = tpu.memref_slice %arg7[%add3A_70, %dma_wait3A_99] : memref<80x128xi32, #tpu.memory_space<vmem>> -> memref<1x128xi32, #tpu.memory_space<vmem>>
        %dma_wait3A_101 = tpu.memref_squeeze %dma_wait3A_100 : memref<1x128xi32, #tpu.memory_space<vmem>> -> memref<128xi32, #tpu.memory_space<vmem>>
        %dma_wait3A_102 = arith.constant 0 : i32
        %dma_wait3A_103 = arith.constant 0 : i32
        %dma_wait3A_104 = tpu.memref_slice %arg6[%dma_wait3A_102, %dma_wait3A_103] : memref<10240x128xf32, #tpu.memory_space<vmem_shared>> -> memref<10240x128xf32, #tpu.memory_space<vmem_shared>>
        tpu.wait_indirect_dma semaphore(%run_scoped3A_92 : memref<!tpu.dma_semaphore, #tpu.memory_space<semaphore_mem>>) src(%arg11 : memref<128x128xf32, #tpu.memory_space<vmem>>) dst(%dma_wait3A_104 : memref<10240x128xf32, #tpu.memory_space<vmem_shared>>)
        tpu.yield
      }) : () -> ()
      %dma_wait3A_83 = arith.constant 0 : i32
      %dma_wait3A_84 = tpu.memref_slice %arg3[%add3A_76, %dma_wait3A_83] : memref<2560x128xi32, #tpu.memory_space<hbm>> -> memref<1x128xi32, #tpu.memory_space<hbm>>
      %dma_wait3A_85 = tpu.memref_squeeze %dma_wait3A_84 : memref<1x128xi32, #tpu.memory_space<hbm>> -> memref<128xi32, #tpu.memory_space<hbm>>
      %dma_wait3A_86 = arith.constant 0 : i32
      %dma_wait3A_87 = tpu.memref_slice %arg3[%add3A_76, %dma_wait3A_86] : memref<2560x128xi32, #tpu.memory_space<hbm>> -> memref<1x128xi32, #tpu.memory_space<hbm>>
      %dma_wait3A_88 = tpu.memref_squeeze %dma_wait3A_87 : memref<1x128xi32, #tpu.memory_space<hbm>> -> memref<128xi32, #tpu.memory_space<hbm>>
      tpu.wait_dma2 semaphore(%arg14 : memref<!tpu.dma_semaphore, #tpu.memory_space<semaphore_mem>>) src(%dma_wait3A_88 : memref<128xi32, #tpu.memory_space<hbm>>) dst(%arg9 : memref<128xi32, #tpu.memory_space<vmem>>)
      %dma_start3A_89 = arith.constant 0 : i32
      %dma_start3A_90 = arith.constant 0 : i32
      %dma_start3A_91 = tpu.memref_slice %arg2[%dma_start3A_89, %dma_start3A_90] : memref<10240x128xf32, #tpu.memory_space<hbm>> -> memref<10240x128xf32, #tpu.memory_space<hbm>>
      tpu.enqueue_indirect_dma source(%dma_start3A_91 : memref<10240x128xf32, #tpu.memory_space<hbm>>) target(%arg11 : memref<128x128xf32, #tpu.memory_space<vmem>>) offsets(%arg9 : memref<128xi32, #tpu.memory_space<vmem>>) semaphore(%arg13 : memref<!tpu.dma_semaphore, #tpu.memory_space<semaphore_mem>>)
    }
    %scan3A_35 = arith.constant 39 : i32
    %dma_wait3A = arith.constant 0 : i32
    %dma_wait3A_36 = arith.constant 0 : i32
    %dma_wait3A_37 = tpu.memref_slice %arg2[%dma_wait3A, %dma_wait3A_36] : memref<10240x128xf32, #tpu.memory_space<hbm>> -> memref<10240x128xf32, #tpu.memory_space<hbm>>
    tpu.wait_indirect_dma semaphore(%arg12 : memref<!tpu.dma_semaphore, #tpu.memory_space<semaphore_mem>>) src(%dma_wait3A_37 : memref<10240x128xf32, #tpu.memory_space<hbm>>) dst(%arg10 : memref<128x128xf32, #tpu.memory_space<vmem>>)
    %run_scoped3A = arith.constant 78 : i32
    "tpu.region"() ({
      %run_scoped3A_43 = tpu.sem_alloc : memref<!tpu.dma_semaphore, #tpu.memory_space<semaphore_mem>>
      %dma_start3A_44 = arith.constant 0 : i32
      %dma_start3A_45 = tpu.memref_slice %arg7[%run_scoped3A, %dma_start3A_44] : memref<80x128xi32, #tpu.memory_space<vmem>> -> memref<1x128xi32, #tpu.memory_space<vmem>>
      %dma_start3A_46 = tpu.memref_squeeze %dma_start3A_45 : memref<1x128xi32, #tpu.memory_space<vmem>> -> memref<128xi32, #tpu.memory_space<vmem>>
      %dma_start3A_47 = arith.constant 0 : i32
      %dma_start3A_48 = arith.constant 0 : i32
      %dma_start3A_49 = tpu.memref_slice %arg6[%dma_start3A_47, %dma_start3A_48] : memref<10240x128xf32, #tpu.memory_space<vmem_shared>> -> memref<10240x128xf32, #tpu.memory_space<vmem_shared>>
      tpu.enqueue_indirect_dma source(%arg10 : memref<128x128xf32, #tpu.memory_space<vmem>>) target(%dma_start3A_49 : memref<10240x128xf32, #tpu.memory_space<vmem_shared>>) offsets(%dma_start3A_46 : memref<128xi32, #tpu.memory_space<vmem>>) semaphore(%run_scoped3A_43 : memref<!tpu.dma_semaphore, #tpu.memory_space<semaphore_mem>>) {add = true}
      %dma_wait3A_50 = arith.constant 0 : i32
      %dma_wait3A_51 = tpu.memref_slice %arg7[%run_scoped3A, %dma_wait3A_50] : memref<80x128xi32, #tpu.memory_space<vmem>> -> memref<1x128xi32, #tpu.memory_space<vmem>>
      %dma_wait3A_52 = tpu.memref_squeeze %dma_wait3A_51 : memref<1x128xi32, #tpu.memory_space<vmem>> -> memref<128xi32, #tpu.memory_space<vmem>>
      %dma_wait3A_53 = arith.constant 0 : i32
      %dma_wait3A_54 = arith.constant 0 : i32
      %dma_wait3A_55 = tpu.memref_slice %arg6[%dma_wait3A_53, %dma_wait3A_54] : memref<10240x128xf32, #tpu.memory_space<vmem_shared>> -> memref<10240x128xf32, #tpu.memory_space<vmem_shared>>
      tpu.wait_indirect_dma semaphore(%run_scoped3A_43 : memref<!tpu.dma_semaphore, #tpu.memory_space<semaphore_mem>>) src(%arg10 : memref<128x128xf32, #tpu.memory_space<vmem>>) dst(%dma_wait3A_55 : memref<10240x128xf32, #tpu.memory_space<vmem_shared>>)
      tpu.yield
    }) : () -> ()
    %dma_wait3A_38 = arith.constant 0 : i32
    %dma_wait3A_39 = arith.constant 0 : i32
    %dma_wait3A_40 = tpu.memref_slice %arg2[%dma_wait3A_38, %dma_wait3A_39] : memref<10240x128xf32, #tpu.memory_space<hbm>> -> memref<10240x128xf32, #tpu.memory_space<hbm>>
    tpu.wait_indirect_dma semaphore(%arg13 : memref<!tpu.dma_semaphore, #tpu.memory_space<semaphore_mem>>) src(%dma_wait3A_40 : memref<10240x128xf32, #tpu.memory_space<hbm>>) dst(%arg11 : memref<128x128xf32, #tpu.memory_space<vmem>>)
    %run_scoped3A_41 = arith.constant 79 : i32
    "tpu.region"() ({
      %run_scoped3A_43 = tpu.sem_alloc : memref<!tpu.dma_semaphore, #tpu.memory_space<semaphore_mem>>
      %dma_start3A_44 = arith.constant 0 : i32
      %dma_start3A_45 = tpu.memref_slice %arg7[%run_scoped3A_41, %dma_start3A_44] : memref<80x128xi32, #tpu.memory_space<vmem>> -> memref<1x128xi32, #tpu.memory_space<vmem>>
      %dma_start3A_46 = tpu.memref_squeeze %dma_start3A_45 : memref<1x128xi32, #tpu.memory_space<vmem>> -> memref<128xi32, #tpu.memory_space<vmem>>
      %dma_start3A_47 = arith.constant 0 : i32
      %dma_start3A_48 = arith.constant 0 : i32
      %dma_start3A_49 = tpu.memref_slice %arg6[%dma_start3A_47, %dma_start3A_48] : memref<10240x128xf32, #tpu.memory_space<vmem_shared>> -> memref<10240x128xf32, #tpu.memory_space<vmem_shared>>
      tpu.enqueue_indirect_dma source(%arg11 : memref<128x128xf32, #tpu.memory_space<vmem>>) target(%dma_start3A_49 : memref<10240x128xf32, #tpu.memory_space<vmem_shared>>) offsets(%dma_start3A_46 : memref<128xi32, #tpu.memory_space<vmem>>) semaphore(%run_scoped3A_43 : memref<!tpu.dma_semaphore, #tpu.memory_space<semaphore_mem>>) {add = true}
      %dma_wait3A_50 = arith.constant 0 : i32
      %dma_wait3A_51 = tpu.memref_slice %arg7[%run_scoped3A_41, %dma_wait3A_50] : memref<80x128xi32, #tpu.memory_space<vmem>> -> memref<1x128xi32, #tpu.memory_space<vmem>>
      %dma_wait3A_52 = tpu.memref_squeeze %dma_wait3A_51 : memref<1x128xi32, #tpu.memory_space<vmem>> -> memref<128xi32, #tpu.memory_space<vmem>>
      %dma_wait3A_53 = arith.constant 0 : i32
      %dma_wait3A_54 = arith.constant 0 : i32
      %dma_wait3A_55 = tpu.memref_slice %arg6[%dma_wait3A_53, %dma_wait3A_54] : memref<10240x128xf32, #tpu.memory_space<vmem_shared>> -> memref<10240x128xf32, #tpu.memory_space<vmem_shared>>
      tpu.wait_indirect_dma semaphore(%run_scoped3A_43 : memref<!tpu.dma_semaphore, #tpu.memory_space<semaphore_mem>>) src(%arg11 : memref<128x128xf32, #tpu.memory_space<vmem>>) dst(%dma_wait3A_55 : memref<10240x128xf32, #tpu.memory_space<vmem_shared>>)
      tpu.yield
    }) : () -> ()
    %barrier3A_42 = arith.constant 0 : index
    tpu.barrier barrier_id(%barrier3A_42)
    "tpu.region"() ({
      %run_scoped3A_43 = tpu.sem_alloc : memref<!tpu.dma_semaphore, #tpu.memory_space<semaphore_mem>>
      %dma_start3A_44 = arith.constant 0 : i32
      %dma_start3A_45 = tpu.memref_slice %arg5[%arg0, %mul3A_2, %dma_start3A_44] : memref<2x10240x128xf32, #tpu.memory_space<hbm>> -> memref<1x640x128xf32, #tpu.memory_space<hbm>>
      %dma_start3A_46 = tpu.memref_squeeze %dma_start3A_45 : memref<1x640x128xf32, #tpu.memory_space<hbm>> -> memref<640x128xf32, #tpu.memory_space<hbm>>
      %dma_start3A_47 = arith.constant 0 : i32
      %dma_start3A_48 = tpu.memref_slice %arg6[%mul3A_2, %dma_start3A_47] : memref<10240x128xf32, #tpu.memory_space<vmem_shared>> -> memref<640x128xf32, #tpu.memory_space<vmem_shared>>
      tpu.enqueue_dma source(%dma_start3A_48 : memref<640x128xf32, #tpu.memory_space<vmem_shared>>) target(%dma_start3A_46 : memref<640x128xf32, #tpu.memory_space<hbm>>) target_semaphore(%run_scoped3A_43 : memref<!tpu.dma_semaphore, #tpu.memory_space<semaphore_mem>>)
      %dma_wait3A_49 = arith.constant 0 : i32
      %dma_wait3A_50 = tpu.memref_slice %arg5[%arg0, %mul3A_2, %dma_wait3A_49] : memref<2x10240x128xf32, #tpu.memory_space<hbm>> -> memref<1x640x128xf32, #tpu.memory_space<hbm>>
      %dma_wait3A_51 = tpu.memref_squeeze %dma_wait3A_50 : memref<1x640x128xf32, #tpu.memory_space<hbm>> -> memref<640x128xf32, #tpu.memory_space<hbm>>
      %dma_wait3A_52 = arith.constant 0 : i32
      %dma_wait3A_53 = tpu.memref_slice %arg6[%mul3A_2, %dma_wait3A_52] : memref<10240x128xf32, #tpu.memory_space<vmem_shared>> -> memref<640x128xf32, #tpu.memory_space<vmem_shared>>
      tpu.wait_dma2 semaphore(%run_scoped3A_43 : memref<!tpu.dma_semaphore, #tpu.memory_space<semaphore_mem>>) src(%dma_wait3A_53 : memref<640x128xf32, #tpu.memory_space<vmem_shared>>) dst(%dma_wait3A_51 : memref<640x128xf32, #tpu.memory_space<hbm>>)
      tpu.yield
    }) : () -> ()
    return
  }
}

#map = affine_map<(d0, d1) -> (0, 0)>
#map1 = affine_map<(d0, d1) -> (0, 0, 0)>
module attributes {stable_mosaic.version = 14 : i64} {
  func.func @_spmm_body(%arg0: i32, %arg1: i32, %arg2: memref<10240x128xf32, #tpu.memory_space<hbm>>, %arg3: memref<2560x128xi32, #tpu.memory_space<hbm>>, %arg4: memref<2560x128xi32, #tpu.memory_space<hbm>>, %arg5: memref<2x10240x128xf32, #tpu.memory_space<hbm>>, %arg6: memref<10240x128xf32, #tpu.memory_space<vmem_shared>>, %arg7: memref<80x128xi32, #tpu.memory_space<vmem>>, %arg8: memref<128xi32, #tpu.memory_space<vmem>>, %arg9: memref<128xi32, #tpu.memory_space<vmem>>, %arg10: memref<128x128xf32, #tpu.memory_space<vmem>>, %arg11: memref<128x128xf32, #tpu.memory_space<vmem>>, %arg12: memref<!tpu.dma_semaphore, #tpu.memory_space<semaphore_mem>>, %arg13: memref<!tpu.dma_semaphore, #tpu.memory_space<semaphore_mem>>, %arg14: memref<!tpu.dma_semaphore, #tpu.memory_space<semaphore_mem>>) attributes {dimension_semantics = [#tpu.dimension_semantics<core_parallel>, #tpu.dimension_semantics<subcore_parallel>], iteration_bounds = array<i64: 2, 16>, scalar_prefetch = 0 : i64, scratch_operands = 9 : i64, tpu.core_type = #tpu.core_type<sc_vector_subcore>, window_params = [{transform_indices = #map}, {transform_indices = #map}, {transform_indices = #map}, {transform_indices = #map1}]} {
    %mul3A = arith.constant 16 : i32
    %mul3A_0 = arith.muli %arg0, %mul3A : i32
    %add3A = arith.addi %mul3A_0, %arg1 : i32
    %mul3A_1 = arith.constant 640 : i32
    %mul3A_2 = arith.muli %arg1, %mul3A_1 : i32
    %mul3A_3 = arith.constant 80 : i32
    %mul3A_4 = arith.muli %add3A, %mul3A_3 : i32
    %broadcast_in_dim3A = arith.constant 0.000000e+00 : f32
    %broadcast_in_dim3A_5 = vector.broadcast %broadcast_in_dim3A : f32 to vector<16xf32>
    %scan3A = arith.constant 0 : i32
    %scan3A_6 = arith.constant 0 : i32
    %scan3A_7 = arith.constant 128 : i32
    %scan3A_8 = arith.addi %scan3A_6, %scan3A_7 : i32
    %scan3A_9 = arith.constant 1 : i32
    scf.for %scan3A_43 = %scan3A_6 to %scan3A_8 step %scan3A_9  : i32 {
      %swap3A = arith.index_cast %scan3A_43 : i32 to index
      %swap3A_44 = arith.constant 0 : index
      %swap3A_45 = tpu.vector_load %arg10[%swap3A, %swap3A_44] {strides = array<i32>} : memref<128x128xf32, #tpu.memory_space<vmem>>, vector<1x16xf32>,
      %swap3A_46 = vector.shape_cast %swap3A_45 : vector<1x16xf32> to vector<16xf32>
      %swap3A_47 = vector.shape_cast %broadcast_in_dim3A_5 : vector<16xf32> to vector<1x16xf32>
      tpu.vector_store %arg10[%swap3A, %swap3A_44], %swap3A_47 {strides = array<i32>} : memref<128x128xf32, #tpu.memory_space<vmem>>, vector<1x16xf32>,
      %swap3A_48 = arith.index_cast %scan3A_43 : i32 to index
      %swap3A_49 = arith.constant 16 : index
      %swap3A_50 = tpu.vector_load %arg10[%swap3A_48, %swap3A_49] {strides = array<i32>} : memref<128x128xf32, #tpu.memory_space<vmem>>, vector<1x16xf32>,
      %swap3A_51 = vector.shape_cast %swap3A_50 : vector<1x16xf32> to vector<16xf32>
      %swap3A_52 = vector.shape_cast %broadcast_in_dim3A_5 : vector<16xf32> to vector<1x16xf32>
      tpu.vector_store %arg10[%swap3A_48, %swap3A_49], %swap3A_52 {strides = array<i32>} : memref<128x128xf32, #tpu.memory_space<vmem>>, vector<1x16xf32>,
      %swap3A_53 = arith.index_cast %scan3A_43 : i32 to index
      %swap3A_54 = arith.constant 32 : index
      %swap3A_55 = tpu.vector_load %arg10[%swap3A_53, %swap3A_54] {strides = array<i32>} : memref<128x128xf32, #tpu.memory_space<vmem>>, vector<1x16xf32>,
      %swap3A_56 = vector.shape_cast %swap3A_55 : vector<1x16xf32> to vector<16xf32>
      %swap3A_57 = vector.shape_cast %broadcast_in_dim3A_5 : vector<16xf32> to vector<1x16xf32>
      tpu.vector_store %arg10[%swap3A_53, %swap3A_54], %swap3A_57 {strides = array<i32>} : memref<128x128xf32, #tpu.memory_space<vmem>>, vector<1x16xf32>,
      %swap3A_58 = arith.index_cast %scan3A_43 : i32 to index
      %swap3A_59 = arith.constant 48 : index
      %swap3A_60 = tpu.vector_load %arg10[%swap3A_58, %swap3A_59] {strides = array<i32>} : memref<128x128xf32, #tpu.memory_space<vmem>>, vector<1x16xf32>,
      %swap3A_61 = vector.shape_cast %swap3A_60 : vector<1x16xf32> to vector<16xf32>
      %swap3A_62 = vector.shape_cast %broadcast_in_dim3A_5 : vector<16xf32> to vector<1x16xf32>
      tpu.vector_store %arg10[%swap3A_58, %swap3A_59], %swap3A_62 {strides = array<i32>} : memref<128x128xf32, #tpu.memory_space<vmem>>, vector<1x16xf32>,
      %swap3A_63 = arith.index_cast %scan3A_43 : i32 to index
      %swap3A_64 = arith.constant 64 : index
      %swap3A_65 = tpu.vector_load %arg10[%swap3A_63, %swap3A_64] {strides = array<i32>} : memref<128x128xf32, #tpu.memory_space<vmem>>, vector<1x16xf32>,
      %swap3A_66 = vector.shape_cast %swap3A_65 : vector<1x16xf32> to vector<16xf32>
      %swap3A_67 = vector.shape_cast %broadcast_in_dim3A_5 : vector<16xf32> to vector<1x16xf32>
      tpu.vector_store %arg10[%swap3A_63, %swap3A_64], %swap3A_67 {strides = array<i32>} : memref<128x128xf32, #tpu.memory_space<vmem>>, vector<1x16xf32>,
      %swap3A_68 = arith.index_cast %scan3A_43 : i32 to index
      %swap3A_69 = arith.constant 80 : index
      %swap3A_70 = tpu.vector_load %arg10[%swap3A_68, %swap3A_69] {strides = array<i32>} : memref<128x128xf32, #tpu.memory_space<vmem>>, vector<1x16xf32>,
      %swap3A_71 = vector.shape_cast %swap3A_70 : vector<1x16xf32> to vector<16xf32>
      %swap3A_72 = vector.shape_cast %broadcast_in_dim3A_5 : vector<16xf32> to vector<1x16xf32>
      tpu.vector_store %arg10[%swap3A_68, %swap3A_69], %swap3A_72 {strides = array<i32>} : memref<128x128xf32, #tpu.memory_space<vmem>>, vector<1x16xf32>,
      %swap3A_73 = arith.index_cast %scan3A_43 : i32 to index
      %swap3A_74 = arith.constant 96 : index
      %swap3A_75 = tpu.vector_load %arg10[%swap3A_73, %swap3A_74] {strides = array<i32>} : memref<128x128xf32, #tpu.memory_space<vmem>>, vector<1x16xf32>,
      %swap3A_76 = vector.shape_cast %swap3A_75 : vector<1x16xf32> to vector<16xf32>
      %swap3A_77 = vector.shape_cast %broadcast_in_dim3A_5 : vector<16xf32> to vector<1x16xf32>
      tpu.vector_store %arg10[%swap3A_73, %swap3A_74], %swap3A_77 {strides = array<i32>} : memref<128x128xf32, #tpu.memory_space<vmem>>, vector<1x16xf32>,
      %swap3A_78 = arith.index_cast %scan3A_43 : i32 to index
      %swap3A_79 = arith.constant 112 : index
      %swap3A_80 = tpu.vector_load %arg10[%swap3A_78, %swap3A_79] {strides = array<i32>} : memref<128x128xf32, #tpu.memory_space<vmem>>, vector<1x16xf32>,
      %swap3A_81 = vector.shape_cast %swap3A_80 : vector<1x16xf32> to vector<16xf32>
      %swap3A_82 = vector.shape_cast %broadcast_in_dim3A_5 : vector<16xf32> to vector<1x16xf32>
      tpu.vector_store %arg10[%swap3A_78, %swap3A_79], %swap3A_82 {strides = array<i32>} : memref<128x128xf32, #tpu.memory_space<vmem>>, vector<1x16xf32>,
    }
    %scan3A_10 = arith.constant 128 : i32
    %add3A_11 = arith.constant 1 : i32
    %add3A_12 = arith.addi %mul3A_4, %add3A_11 : i32
    "tpu.region"() ({
      %run_scoped3A_43 = tpu.sem_alloc : memref<!tpu.dma_semaphore, #tpu.memory_space<semaphore_mem>>
      %dma_start3A_44 = arith.constant 0 : i32
      %dma_start3A_45 = tpu.memref_slice %arg3[%add3A_12, %dma_start3A_44] : memref<2560x128xi32, #tpu.memory_space<hbm>> -> memref<1x128xi32, #tpu.memory_space<hbm>>
      %dma_start3A_46 = tpu.memref_squeeze %dma_start3A_45 : memref<1x128xi32, #tpu.memory_space<hbm>> -> memref<128xi32, #tpu.memory_space<hbm>>
      %dma_start3A_47 = arith.constant 0 : i32
      %dma_start3A_48 = tpu.memref_slice %arg3[%add3A_12, %dma_start3A_47] : memref<2560x128xi32, #tpu.memory_space<hbm>> -> memref<1x128xi32, #tpu.memory_space<hbm>>
      %dma_start3A_49 = tpu.memref_squeeze %dma_start3A_48 : memref<1x128xi32, #tpu.memory_space<hbm>> -> memref<128xi32, #tpu.memory_space<hbm>>
      tpu.enqueue_dma source(%dma_start3A_49 : memref<128xi32, #tpu.memory_space<hbm>>) target(%arg9 : memref<128xi32, #tpu.memory_space<vmem>>) target_semaphore(%run_scoped3A_43 : memref<!tpu.dma_semaphore, #tpu.memory_space<semaphore_mem>>)
      %dma_wait3A_50 = arith.constant 0 : i32
      %dma_wait3A_51 = tpu.memref_slice %arg3[%add3A_12, %dma_wait3A_50] : memref<2560x128xi32, #tpu.memory_space<hbm>> -> memref<1x128xi32, #tpu.memory_space<hbm>>
      %dma_wait3A_52 = tpu.memref_squeeze %dma_wait3A_51 : memref<1x128xi32, #tpu.memory_space<hbm>> -> memref<128xi32, #tpu.memory_space<hbm>>
      %dma_wait3A_53 = arith.constant 0 : i32
      %dma_wait3A_54 = tpu.memref_slice %arg3[%add3A_12, %dma_wait3A_53] : memref<2560x128xi32, #tpu.memory_space<hbm>> -> memref<1x128xi32, #tpu.memory_space<hbm>>
      %dma_wait3A_55 = tpu.memref_squeeze %dma_wait3A_54 : memref<1x128xi32, #tpu.memory_space<hbm>> -> memref<128xi32, #tpu.memory_space<hbm>>
      tpu.wait_dma2 semaphore(%run_scoped3A_43 : memref<!tpu.dma_semaphore, #tpu.memory_space<semaphore_mem>>) src(%dma_wait3A_55 : memref<128xi32, #tpu.memory_space<hbm>>) dst(%arg9 : memref<128xi32, #tpu.memory_space<vmem>>)
      tpu.yield
    }) : () -> ()
    %dma_start3A = arith.constant 0 : i32
    %dma_start3A_13 = arith.constant 0 : i32
    %dma_start3A_14 = tpu.memref_slice %arg2[%dma_start3A, %dma_start3A_13] : memref<10240x128xf32, #tpu.memory_space<hbm>> -> memref<10240x128xf32, #tpu.memory_space<hbm>>
    tpu.enqueue_indirect_dma source(%dma_start3A_14 : memref<10240x128xf32, #tpu.memory_space<hbm>>) target(%arg11 : memref<128x128xf32, #tpu.memory_space<vmem>>) offsets(%arg9 : memref<128xi32, #tpu.memory_space<vmem>>) semaphore(%arg13 : memref<!tpu.dma_semaphore, #tpu.memory_space<semaphore_mem>>)
    %add3A_15 = arith.constant 0 : i32
    %add3A_16 = arith.addi %mul3A_2, %add3A_15 : i32
    "tpu.region"() ({
      %run_scoped3A_43 = tpu.sem_alloc : memref<!tpu.dma_semaphore, #tpu.memory_space<semaphore_mem>>
      %dma_start3A_44 = arith.constant 0 : i32
      %dma_start3A_45 = tpu.memref_slice %arg6[%add3A_16, %dma_start3A_44] : memref<10240x128xf32, #tpu.memory_space<vmem_shared>> -> memref<128x128xf32, #tpu.memory_space<vmem_shared>>
      %dma_start3A_46 = arith.constant 0 : i32
      %dma_start3A_47 = tpu.memref_slice %arg6[%add3A_16, %dma_start3A_46] : memref<10240x128xf32, #tpu.memory_space<vmem_shared>> -> memref<128x128xf32, #tpu.memory_space<vmem_shared>>
      tpu.enqueue_dma source(%arg10 : memref<128x128xf32, #tpu.memory_space<vmem>>) target(%dma_start3A_47 : memref<128x128xf32, #tpu.memory_space<vmem_shared>>) target_semaphore(%run_scoped3A_43 : memref<!tpu.dma_semaphore, #tpu.memory_space<semaphore_mem>>)
      %dma_wait3A_48 = arith.constant 0 : i32
      %dma_wait3A_49 = tpu.memref_slice %arg6[%add3A_16, %dma_wait3A_48] : memref<10240x128xf32, #tpu.memory_space<vmem_shared>> -> memref<128x128xf32, #tpu.memory_space<vmem_shared>>
      %dma_wait3A_50 = arith.constant 0 : i32
      %dma_wait3A_51 = tpu.memref_slice %arg6[%add3A_16, %dma_wait3A_50] : memref<10240x128xf32, #tpu.memory_space<vmem_shared>> -> memref<128x128xf32, #tpu.memory_space<vmem_shared>>
      tpu.wait_dma2 semaphore(%run_scoped3A_43 : memref<!tpu.dma_semaphore, #tpu.memory_space<semaphore_mem>>) src(%arg10 : memref<128x128xf32, #tpu.memory_space<vmem>>) dst(%dma_wait3A_51 : memref<128x128xf32, #tpu.memory_space<vmem_shared>>)
      tpu.yield
    }) : () -> ()
    %add3A_17 = arith.constant 128 : i32
    %add3A_18 = arith.addi %mul3A_2, %add3A_17 : i32
    "tpu.region"() ({
      %run_scoped3A_43 = tpu.sem_alloc : memref<!tpu.dma_semaphore, #tpu.memory_space<semaphore_mem>>
      %dma_start3A_44 = arith.constant 0 : i32
      %dma_start3A_45 = tpu.memref_slice %arg6[%add3A_18, %dma_start3A_44] : memref<10240x128xf32, #tpu.memory_space<vmem_shared>> -> memref<128x128xf32, #tpu.memory_space<vmem_shared>>
      %dma_start3A_46 = arith.constant 0 : i32
      %dma_start3A_47 = tpu.memref_slice %arg6[%add3A_18, %dma_start3A_46] : memref<10240x128xf32, #tpu.memory_space<vmem_shared>> -> memref<128x128xf32, #tpu.memory_space<vmem_shared>>
      tpu.enqueue_dma source(%arg10 : memref<128x128xf32, #tpu.memory_space<vmem>>) target(%dma_start3A_47 : memref<128x128xf32, #tpu.memory_space<vmem_shared>>) target_semaphore(%run_scoped3A_43 : memref<!tpu.dma_semaphore, #tpu.memory_space<semaphore_mem>>)
      %dma_wait3A_48 = arith.constant 0 : i32
      %dma_wait3A_49 = tpu.memref_slice %arg6[%add3A_18, %dma_wait3A_48] : memref<10240x128xf32, #tpu.memory_space<vmem_shared>> -> memref<128x128xf32, #tpu.memory_space<vmem_shared>>
      %dma_wait3A_50 = arith.constant 0 : i32
      %dma_wait3A_51 = tpu.memref_slice %arg6[%add3A_18, %dma_wait3A_50] : memref<10240x128xf32, #tpu.memory_space<vmem_shared>> -> memref<128x128xf32, #tpu.memory_space<vmem_shared>>
      tpu.wait_dma2 semaphore(%run_scoped3A_43 : memref<!tpu.dma_semaphore, #tpu.memory_space<semaphore_mem>>) src(%arg10 : memref<128x128xf32, #tpu.memory_space<vmem>>) dst(%dma_wait3A_51 : memref<128x128xf32, #tpu.memory_space<vmem_shared>>)
      tpu.yield
    }) : () -> ()
    %add3A_19 = arith.constant 256 : i32
    %add3A_20 = arith.addi %mul3A_2, %add3A_19 : i32
    "tpu.region"() ({
      %run_scoped3A_43 = tpu.sem_alloc : memref<!tpu.dma_semaphore, #tpu.memory_space<semaphore_mem>>
      %dma_start3A_44 = arith.constant 0 : i32
      %dma_start3A_45 = tpu.memref_slice %arg6[%add3A_20, %dma_start3A_44] : memref<10240x128xf32, #tpu.memory_space<vmem_shared>> -> memref<128x128xf32, #tpu.memory_space<vmem_shared>>
      %dma_start3A_46 = arith.constant 0 : i32
      %dma_start3A_47 = tpu.memref_slice %arg6[%add3A_20, %dma_start3A_46] : memref<10240x128xf32, #tpu.memory_space<vmem_shared>> -> memref<128x128xf32, #tpu.memory_space<vmem_shared>>
      tpu.enqueue_dma source(%arg10 : memref<128x128xf32, #tpu.memory_space<vmem>>) target(%dma_start3A_47 : memref<128x128xf32, #tpu.memory_space<vmem_shared>>) target_semaphore(%run_scoped3A_43 : memref<!tpu.dma_semaphore, #tpu.memory_space<semaphore_mem>>)
      %dma_wait3A_48 = arith.constant 0 : i32
      %dma_wait3A_49 = tpu.memref_slice %arg6[%add3A_20, %dma_wait3A_48] : memref<10240x128xf32, #tpu.memory_space<vmem_shared>> -> memref<128x128xf32, #tpu.memory_space<vmem_shared>>
      %dma_wait3A_50 = arith.constant 0 : i32
      %dma_wait3A_51 = tpu.memref_slice %arg6[%add3A_20, %dma_wait3A_50] : memref<10240x128xf32, #tpu.memory_space<vmem_shared>> -> memref<128x128xf32, #tpu.memory_space<vmem_shared>>
      tpu.wait_dma2 semaphore(%run_scoped3A_43 : memref<!tpu.dma_semaphore, #tpu.memory_space<semaphore_mem>>) src(%arg10 : memref<128x128xf32, #tpu.memory_space<vmem>>) dst(%dma_wait3A_51 : memref<128x128xf32, #tpu.memory_space<vmem_shared>>)
      tpu.yield
    }) : () -> ()
    %add3A_21 = arith.constant 384 : i32
    %add3A_22 = arith.addi %mul3A_2, %add3A_21 : i32
    "tpu.region"() ({
      %run_scoped3A_43 = tpu.sem_alloc : memref<!tpu.dma_semaphore, #tpu.memory_space<semaphore_mem>>
      %dma_start3A_44 = arith.constant 0 : i32
      %dma_start3A_45 = tpu.memref_slice %arg6[%add3A_22, %dma_start3A_44] : memref<10240x128xf32, #tpu.memory_space<vmem_shared>> -> memref<128x128xf32, #tpu.memory_space<vmem_shared>>
      %dma_start3A_46 = arith.constant 0 : i32
      %dma_start3A_47 = tpu.memref_slice %arg6[%add3A_22, %dma_start3A_46] : memref<10240x128xf32, #tpu.memory_space<vmem_shared>> -> memref<128x128xf32, #tpu.memory_space<vmem_shared>>
      tpu.enqueue_dma source(%arg10 : memref<128x128xf32, #tpu.memory_space<vmem>>) target(%dma_start3A_47 : memref<128x128xf32, #tpu.memory_space<vmem_shared>>) target_semaphore(%run_scoped3A_43 : memref<!tpu.dma_semaphore, #tpu.memory_space<semaphore_mem>>)
      %dma_wait3A_48 = arith.constant 0 : i32
      %dma_wait3A_49 = tpu.memref_slice %arg6[%add3A_22, %dma_wait3A_48] : memref<10240x128xf32, #tpu.memory_space<vmem_shared>> -> memref<128x128xf32, #tpu.memory_space<vmem_shared>>
      %dma_wait3A_50 = arith.constant 0 : i32
      %dma_wait3A_51 = tpu.memref_slice %arg6[%add3A_22, %dma_wait3A_50] : memref<10240x128xf32, #tpu.memory_space<vmem_shared>> -> memref<128x128xf32, #tpu.memory_space<vmem_shared>>
      tpu.wait_dma2 semaphore(%run_scoped3A_43 : memref<!tpu.dma_semaphore, #tpu.memory_space<semaphore_mem>>) src(%arg10 : memref<128x128xf32, #tpu.memory_space<vmem>>) dst(%dma_wait3A_51 : memref<128x128xf32, #tpu.memory_space<vmem_shared>>)
      tpu.yield
    }) : () -> ()
    %add3A_23 = arith.constant 512 : i32
    %add3A_24 = arith.addi %mul3A_2, %add3A_23 : i32
    "tpu.region"() ({
      %run_scoped3A_43 = tpu.sem_alloc : memref<!tpu.dma_semaphore, #tpu.memory_space<semaphore_mem>>
      %dma_start3A_44 = arith.constant 0 : i32
      %dma_start3A_45 = tpu.memref_slice %arg6[%add3A_24, %dma_start3A_44] : memref<10240x128xf32, #tpu.memory_space<vmem_shared>> -> memref<128x128xf32, #tpu.memory_space<vmem_shared>>
      %dma_start3A_46 = arith.constant 0 : i32
      %dma_start3A_47 = tpu.memref_slice %arg6[%add3A_24, %dma_start3A_46] : memref<10240x128xf32, #tpu.memory_space<vmem_shared>> -> memref<128x128xf32, #tpu.memory_space<vmem_shared>>
      tpu.enqueue_dma source(%arg10 : memref<128x128xf32, #tpu.memory_space<vmem>>) target(%dma_start3A_47 : memref<128x128xf32, #tpu.memory_space<vmem_shared>>) target_semaphore(%run_scoped3A_43 : memref<!tpu.dma_semaphore, #tpu.memory_space<semaphore_mem>>)
      %dma_wait3A_48 = arith.constant 0 : i32
      %dma_wait3A_49 = tpu.memref_slice %arg6[%add3A_24, %dma_wait3A_48] : memref<10240x128xf32, #tpu.memory_space<vmem_shared>> -> memref<128x128xf32, #tpu.memory_space<vmem_shared>>
      %dma_wait3A_50 = arith.constant 0 : i32
      %dma_wait3A_51 = tpu.memref_slice %arg6[%add3A_24, %dma_wait3A_50] : memref<10240x128xf32, #tpu.memory_space<vmem_shared>> -> memref<128x128xf32, #tpu.memory_space<vmem_shared>>
      tpu.wait_dma2 semaphore(%run_scoped3A_43 : memref<!tpu.dma_semaphore, #tpu.memory_space<semaphore_mem>>) src(%arg10 : memref<128x128xf32, #tpu.memory_space<vmem>>) dst(%dma_wait3A_51 : memref<128x128xf32, #tpu.memory_space<vmem_shared>>)
      tpu.yield
    }) : () -> ()
    "tpu.region"() ({
      %run_scoped3A_43 = tpu.sem_alloc : memref<!tpu.dma_semaphore, #tpu.memory_space<semaphore_mem>>
      %dma_start3A_44 = arith.constant 0 : i32
      %dma_start3A_45 = tpu.memref_slice %arg4[%mul3A_4, %dma_start3A_44] : memref<2560x128xi32, #tpu.memory_space<hbm>> -> memref<80x128xi32, #tpu.memory_space<hbm>>
      %dma_start3A_46 = arith.constant 0 : i32
      %dma_start3A_47 = tpu.memref_slice %arg4[%mul3A_4, %dma_start3A_46] : memref<2560x128xi32, #tpu.memory_space<hbm>> -> memref<80x128xi32, #tpu.memory_space<hbm>>
      tpu.enqueue_dma source(%dma_start3A_47 : memref<80x128xi32, #tpu.memory_space<hbm>>) target(%arg7 : memref<80x128xi32, #tpu.memory_space<vmem>>) target_semaphore(%run_scoped3A_43 : memref<!tpu.dma_semaphore, #tpu.memory_space<semaphore_mem>>)
      %dma_wait3A_48 = arith.constant 0 : i32
      %dma_wait3A_49 = tpu.memref_slice %arg4[%mul3A_4, %dma_wait3A_48] : memref<2560x128xi32, #tpu.memory_space<hbm>> -> memref<80x128xi32, #tpu.memory_space<hbm>>
      %dma_wait3A_50 = arith.constant 0 : i32
      %dma_wait3A_51 = tpu.memref_slice %arg4[%mul3A_4, %dma_wait3A_50] : memref<2560x128xi32, #tpu.memory_space<hbm>> -> memref<80x128xi32, #tpu.memory_space<hbm>>
      tpu.wait_dma2 semaphore(%run_scoped3A_43 : memref<!tpu.dma_semaphore, #tpu.memory_space<semaphore_mem>>) src(%dma_wait3A_51 : memref<80x128xi32, #tpu.memory_space<hbm>>) dst(%arg7 : memref<80x128xi32, #tpu.memory_space<vmem>>)
      tpu.yield
    }) : () -> ()
    %add3A_25 = arith.constant 0 : i32
    %add3A_26 = arith.addi %mul3A_4, %add3A_25 : i32
    "tpu.region"() ({
      %run_scoped3A_43 = tpu.sem_alloc : memref<!tpu.dma_semaphore, #tpu.memory_space<semaphore_mem>>
      %dma_start3A_44 = arith.constant 0 : i32
      %dma_start3A_45 = tpu.memref_slice %arg3[%add3A_26, %dma_start3A_44] : memref<2560x128xi32, #tpu.memory_space<hbm>> -> memref<1x128xi32, #tpu.memory_space<hbm>>
      %dma_start3A_46 = tpu.memref_squeeze %dma_start3A_45 : memref<1x128xi32, #tpu.memory_space<hbm>> -> memref<128xi32, #tpu.memory_space<hbm>>
      %dma_start3A_47 = arith.constant 0 : i32
      %dma_start3A_48 = tpu.memref_slice %arg3[%add3A_26, %dma_start3A_47] : memref<2560x128xi32, #tpu.memory_space<hbm>> -> memref<1x128xi32, #tpu.memory_space<hbm>>
      %dma_start3A_49 = tpu.memref_squeeze %dma_start3A_48 : memref<1x128xi32, #tpu.memory_space<hbm>> -> memref<128xi32, #tpu.memory_space<hbm>>
      tpu.enqueue_dma source(%dma_start3A_49 : memref<128xi32, #tpu.memory_space<hbm>>) target(%arg8 : memref<128xi32, #tpu.memory_space<vmem>>) target_semaphore(%run_scoped3A_43 : memref<!tpu.dma_semaphore, #tpu.memory_space<semaphore_mem>>)
      %dma_wait3A_50 = arith.constant 0 : i32
      %dma_wait3A_51 = tpu.memref_slice %arg3[%add3A_26, %dma_wait3A_50] : memref<2560x128xi32, #tpu.memory_space<hbm>> -> memref<1x128xi32, #tpu.memory_space<hbm>>
      %dma_wait3A_52 = tpu.memref_squeeze %dma_wait3A_51 : memref<1x128xi32, #tpu.memory_space<hbm>> -> memref<128xi32, #tpu.memory_space<hbm>>
      %dma_wait3A_53 = arith.constant 0 : i32
      %dma_wait3A_54 = tpu.memref_slice %arg3[%add3A_26, %dma_wait3A_53] : memref<2560x128xi32, #tpu.memory_space<hbm>> -> memref<1x128xi32, #tpu.memory_space<hbm>>
      %dma_wait3A_55 = tpu.memref_squeeze %dma_wait3A_54 : memref<1x128xi32, #tpu.memory_space<hbm>> -> memref<128xi32, #tpu.memory_space<hbm>>
      tpu.wait_dma2 semaphore(%run_scoped3A_43 : memref<!tpu.dma_semaphore, #tpu.memory_space<semaphore_mem>>) src(%dma_wait3A_55 : memref<128xi32, #tpu.memory_space<hbm>>) dst(%arg8 : memref<128xi32, #tpu.memory_space<vmem>>)
      tpu.yield
    }) : () -> ()
    %dma_start3A_27 = arith.constant 0 : i32
    %dma_start3A_28 = arith.constant 0 : i32
    %dma_start3A_29 = tpu.memref_slice %arg2[%dma_start3A_27, %dma_start3A_28] : memref<10240x128xf32, #tpu.memory_space<hbm>> -> memref<10240x128xf32, #tpu.memory_space<hbm>>
    tpu.enqueue_indirect_dma source(%dma_start3A_29 : memref<10240x128xf32, #tpu.memory_space<hbm>>) target(%arg10 : memref<128x128xf32, #tpu.memory_space<vmem>>) offsets(%arg8 : memref<128xi32, #tpu.memory_space<vmem>>) semaphore(%arg12 : memref<!tpu.dma_semaphore, #tpu.memory_space<semaphore_mem>>)
    %barrier3A = arith.constant 0 : index
    tpu.barrier barrier_id(%barrier3A)
    %scan3A_30 = arith.constant 0 : i32
    %scan3A_31 = arith.constant 0 : i32
    %scan3A_32 = arith.constant 39 : i32
    %scan3A_33 = arith.addi %scan3A_31, %scan3A_32 : i32
    %scan3A_34 = arith.constant 1 : i32
    scf.for %scan3A_43 = %scan3A_31 to %scan3A_33 step %scan3A_34  : i32 {
      %mul3A_44 = arith.constant 2 : i32
      %mul3A_45 = arith.muli %scan3A_43, %mul3A_44 : i32
      %add3A_46 = arith.constant 0 : i32
      %add3A_47 = arith.addi %mul3A_45, %add3A_46 : i32
      %dma_wait3A_48 = arith.constant 0 : i32
      %dma_wait3A_49 = arith.constant 0 : i32
      %dma_wait3A_50 = tpu.memref_slice %arg2[%dma_wait3A_48, %dma_wait3A_49] : memref<10240x128xf32, #tpu.memory_space<hbm>> -> memref<10240x128xf32, #tpu.memory_space<hbm>>
      tpu.wait_indirect_dma semaphore(%arg12 : memref<!tpu.dma_semaphore, #tpu.memory_space<semaphore_mem>>) src(%dma_wait3A_50 : memref<10240x128xf32, #tpu.memory_space<hbm>>) dst(%arg10 : memref<128x128xf32, #tpu.memory_space<vmem>>)
      %add3A_51 = arith.addi %mul3A_4, %add3A_47 : i32
      %add3A_52 = arith.constant 2 : i32
      %add3A_53 = arith.addi %add3A_51, %add3A_52 : i32
      %dma_start3A_54 = arith.constant 0 : i32
      %dma_start3A_55 = tpu.memref_slice %arg3[%add3A_53, %dma_start3A_54] : memref<2560x128xi32, #tpu.memory_space<hbm>> -> memref<1x128xi32, #tpu.memory_space<hbm>>
      %dma_start3A_56 = tpu.memref_squeeze %dma_start3A_55 : memref<1x128xi32, #tpu.memory_space<hbm>> -> memref<128xi32, #tpu.memory_space<hbm>>
      %dma_start3A_57 = arith.constant 0 : i32
      %dma_start3A_58 = tpu.memref_slice %arg3[%add3A_53, %dma_start3A_57] : memref<2560x128xi32, #tpu.memory_space<hbm>> -> memref<1x128xi32, #tpu.memory_space<hbm>>
      %dma_start3A_59 = tpu.memref_squeeze %dma_start3A_58 : memref<1x128xi32, #tpu.memory_space<hbm>> -> memref<128xi32, #tpu.memory_space<hbm>>
      tpu.enqueue_dma source(%dma_start3A_59 : memref<128xi32, #tpu.memory_space<hbm>>) target(%arg8 : memref<128xi32, #tpu.memory_space<vmem>>) target_semaphore(%arg14 : memref<!tpu.dma_semaphore, #tpu.memory_space<semaphore_mem>>)
      "tpu.region"() ({
        %run_scoped3A_92 = tpu.sem_alloc : memref<!tpu.dma_semaphore, #tpu.memory_space<semaphore_mem>>
        %dma_start3A_93 = arith.constant 0 : i32
        %dma_start3A_94 = tpu.memref_slice %arg7[%add3A_47, %dma_start3A_93] : memref<80x128xi32, #tpu.memory_space<vmem>> -> memref<1x128xi32, #tpu.memory_space<vmem>>
        %dma_start3A_95 = tpu.memref_squeeze %dma_start3A_94 : memref<1x128xi32, #tpu.memory_space<vmem>> -> memref<128xi32, #tpu.memory_space<vmem>>
        %dma_start3A_96 = arith.constant 0 : i32
        %dma_start3A_97 = arith.constant 0 : i32
        %dma_start3A_98 = tpu.memref_slice %arg6[%dma_start3A_96, %dma_start3A_97] : memref<10240x128xf32, #tpu.memory_space<vmem_shared>> -> memref<10240x128xf32, #tpu.memory_space<vmem_shared>>
        tpu.enqueue_indirect_dma source(%arg10 : memref<128x128xf32, #tpu.memory_space<vmem>>) target(%dma_start3A_98 : memref<10240x128xf32, #tpu.memory_space<vmem_shared>>) offsets(%dma_start3A_95 : memref<128xi32, #tpu.memory_space<vmem>>) semaphore(%run_scoped3A_92 : memref<!tpu.dma_semaphore, #tpu.memory_space<semaphore_mem>>) {add = true}
        %dma_wait3A_99 = arith.constant 0 : i32
        %dma_wait3A_100 = tpu.memref_slice %arg7[%add3A_47, %dma_wait3A_99] : memref<80x128xi32, #tpu.memory_space<vmem>> -> memref<1x128xi32, #tpu.memory_space<vmem>>
        %dma_wait3A_101 = tpu.memref_squeeze %dma_wait3A_100 : memref<1x128xi32, #tpu.memory_space<vmem>> -> memref<128xi32, #tpu.memory_space<vmem>>
        %dma_wait3A_102 = arith.constant 0 : i32
        %dma_wait3A_103 = arith.constant 0 : i32
        %dma_wait3A_104 = tpu.memref_slice %arg6[%dma_wait3A_102, %dma_wait3A_103] : memref<10240x128xf32, #tpu.memory_space<vmem_shared>> -> memref<10240x128xf32, #tpu.memory_space<vmem_shared>>
        tpu.wait_indirect_dma semaphore(%run_scoped3A_92 : memref<!tpu.dma_semaphore, #tpu.memory_space<semaphore_mem>>) src(%arg10 : memref<128x128xf32, #tpu.memory_space<vmem>>) dst(%dma_wait3A_104 : memref<10240x128xf32, #tpu.memory_space<vmem_shared>>)
        tpu.yield
      }) : () -> ()
      %dma_wait3A_60 = arith.constant 0 : i32
      %dma_wait3A_61 = tpu.memref_slice %arg3[%add3A_53, %dma_wait3A_60] : memref<2560x128xi32, #tpu.memory_space<hbm>> -> memref<1x128xi32, #tpu.memory_space<hbm>>
      %dma_wait3A_62 = tpu.memref_squeeze %dma_wait3A_61 : memref<1x128xi32, #tpu.memory_space<hbm>> -> memref<128xi32, #tpu.memory_space<hbm>>
      %dma_wait3A_63 = arith.constant 0 : i32
      %dma_wait3A_64 = tpu.memref_slice %arg3[%add3A_53, %dma_wait3A_63] : memref<2560x128xi32, #tpu.memory_space<hbm>> -> memref<1x128xi32, #tpu.memory_space<hbm>>
      %dma_wait3A_65 = tpu.memref_squeeze %dma_wait3A_64 : memref<1x128xi32, #tpu.memory_space<hbm>> -> memref<128xi32, #tpu.memory_space<hbm>>
      tpu.wait_dma2 semaphore(%arg14 : memref<!tpu.dma_semaphore, #tpu.memory_space<semaphore_mem>>) src(%dma_wait3A_65 : memref<128xi32, #tpu.memory_space<hbm>>) dst(%arg8 : memref<128xi32, #tpu.memory_space<vmem>>)
      %dma_start3A_66 = arith.constant 0 : i32
      %dma_start3A_67 = arith.constant 0 : i32
      %dma_start3A_68 = tpu.memref_slice %arg2[%dma_start3A_66, %dma_start3A_67] : memref<10240x128xf32, #tpu.memory_space<hbm>> -> memref<10240x128xf32, #tpu.memory_space<hbm>>
      tpu.enqueue_indirect_dma source(%dma_start3A_68 : memref<10240x128xf32, #tpu.memory_space<hbm>>) target(%arg10 : memref<128x128xf32, #tpu.memory_space<vmem>>) offsets(%arg8 : memref<128xi32, #tpu.memory_space<vmem>>) semaphore(%arg12 : memref<!tpu.dma_semaphore, #tpu.memory_space<semaphore_mem>>)
      %add3A_69 = arith.constant 1 : i32
      %add3A_70 = arith.addi %mul3A_45, %add3A_69 : i32
      %dma_wait3A_71 = arith.constant 0 : i32
      %dma_wait3A_72 = arith.constant 0 : i32
      %dma_wait3A_73 = tpu.memref_slice %arg2[%dma_wait3A_71, %dma_wait3A_72] : memref<10240x128xf32, #tpu.memory_space<hbm>> -> memref<10240x128xf32, #tpu.memory_space<hbm>>
      tpu.wait_indirect_dma semaphore(%arg13 : memref<!tpu.dma_semaphore, #tpu.memory_space<semaphore_mem>>) src(%dma_wait3A_73 : memref<10240x128xf32, #tpu.memory_space<hbm>>) dst(%arg11 : memref<128x128xf32, #tpu.memory_space<vmem>>)
      %add3A_74 = arith.addi %mul3A_4, %add3A_70 : i32
      %add3A_75 = arith.constant 2 : i32
      %add3A_76 = arith.addi %add3A_74, %add3A_75 : i32
      %dma_start3A_77 = arith.constant 0 : i32
      %dma_start3A_78 = tpu.memref_slice %arg3[%add3A_76, %dma_start3A_77] : memref<2560x128xi32, #tpu.memory_space<hbm>> -> memref<1x128xi32, #tpu.memory_space<hbm>>
      %dma_start3A_79 = tpu.memref_squeeze %dma_start3A_78 : memref<1x128xi32, #tpu.memory_space<hbm>> -> memref<128xi32, #tpu.memory_space<hbm>>
      %dma_start3A_80 = arith.constant 0 : i32
      %dma_start3A_81 = tpu.memref_slice %arg3[%add3A_76, %dma_start3A_80] : memref<2560x128xi32, #tpu.memory_space<hbm>> -> memref<1x128xi32, #tpu.memory_space<hbm>>
      %dma_start3A_82 = tpu.memref_squeeze %dma_start3A_81 : memref<1x128xi32, #tpu.memory_space<hbm>> -> memref<128xi32, #tpu.memory_space<hbm>>
      tpu.enqueue_dma source(%dma_start3A_82 : memref<128xi32, #tpu.memory_space<hbm>>) target(%arg9 : memref<128xi32, #tpu.memory_space<vmem>>) target_semaphore(%arg14 : memref<!tpu.dma_semaphore, #tpu.memory_space<semaphore_mem>>)
      "tpu.region"() ({
        %run_scoped3A_92 = tpu.sem_alloc : memref<!tpu.dma_semaphore, #tpu.memory_space<semaphore_mem>>
        %dma_start3A_93 = arith.constant 0 : i32
        %dma_start3A_94 = tpu.memref_slice %arg7[%add3A_70, %dma_start3A_93] : memref<80x128xi32, #tpu.memory_space<vmem>> -> memref<1x128xi32, #tpu.memory_space<vmem>>
        %dma_start3A_95 = tpu.memref_squeeze %dma_start3A_94 : memref<1x128xi32, #tpu.memory_space<vmem>> -> memref<128xi32, #tpu.memory_space<vmem>>
        %dma_start3A_96 = arith.constant 0 : i32
        %dma_start3A_97 = arith.constant 0 : i32
        %dma_start3A_98 = tpu.memref_slice %arg6[%dma_start3A_96, %dma_start3A_97] : memref<10240x128xf32, #tpu.memory_space<vmem_shared>> -> memref<10240x128xf32, #tpu.memory_space<vmem_shared>>
        tpu.enqueue_indirect_dma source(%arg11 : memref<128x128xf32, #tpu.memory_space<vmem>>) target(%dma_start3A_98 : memref<10240x128xf32, #tpu.memory_space<vmem_shared>>) offsets(%dma_start3A_95 : memref<128xi32, #tpu.memory_space<vmem>>) semaphore(%run_scoped3A_92 : memref<!tpu.dma_semaphore, #tpu.memory_space<semaphore_mem>>) {add = true}
        %dma_wait3A_99 = arith.constant 0 : i32
        %dma_wait3A_100 = tpu.memref_slice %arg7[%add3A_70, %dma_wait3A_99] : memref<80x128xi32, #tpu.memory_space<vmem>> -> memref<1x128xi32, #tpu.memory_space<vmem>>
        %dma_wait3A_101 = tpu.memref_squeeze %dma_wait3A_100 : memref<1x128xi32, #tpu.memory_space<vmem>> -> memref<128xi32, #tpu.memory_space<vmem>>
        %dma_wait3A_102 = arith.constant 0 : i32
        %dma_wait3A_103 = arith.constant 0 : i32
        %dma_wait3A_104 = tpu.memref_slice %arg6[%dma_wait3A_102, %dma_wait3A_103] : memref<10240x128xf32, #tpu.memory_space<vmem_shared>> -> memref<10240x128xf32, #tpu.memory_space<vmem_shared>>
        tpu.wait_indirect_dma semaphore(%run_scoped3A_92 : memref<!tpu.dma_semaphore, #tpu.memory_space<semaphore_mem>>) src(%arg11 : memref<128x128xf32, #tpu.memory_space<vmem>>) dst(%dma_wait3A_104 : memref<10240x128xf32, #tpu.memory_space<vmem_shared>>)
        tpu.yield
      }) : () -> ()
      %dma_wait3A_83 = arith.constant 0 : i32
      %dma_wait3A_84 = tpu.memref_slice %arg3[%add3A_76, %dma_wait3A_83] : memref<2560x128xi32, #tpu.memory_space<hbm>> -> memref<1x128xi32, #tpu.memory_space<hbm>>
      %dma_wait3A_85 = tpu.memref_squeeze %dma_wait3A_84 : memref<1x128xi32, #tpu.memory_space<hbm>> -> memref<128xi32, #tpu.memory_space<hbm>>
      %dma_wait3A_86 = arith.constant 0 : i32
      %dma_wait3A_87 = tpu.memref_slice %arg3[%add3A_76, %dma_wait3A_86] : memref<2560x128xi32, #tpu.memory_space<hbm>> -> memref<1x128xi32, #tpu.memory_space<hbm>>
      %dma_wait3A_88 = tpu.memref_squeeze %dma_wait3A_87 : memref<1x128xi32, #tpu.memory_space<hbm>> -> memref<128xi32, #tpu.memory_space<hbm>>
      tpu.wait_dma2 semaphore(%arg14 : memref<!tpu.dma_semaphore, #tpu.memory_space<semaphore_mem>>) src(%dma_wait3A_88 : memref<128xi32, #tpu.memory_space<hbm>>) dst(%arg9 : memref<128xi32, #tpu.memory_space<vmem>>)
      %dma_start3A_89 = arith.constant 0 : i32
      %dma_start3A_90 = arith.constant 0 : i32
      %dma_start3A_91 = tpu.memref_slice %arg2[%dma_start3A_89, %dma_start3A_90] : memref<10240x128xf32, #tpu.memory_space<hbm>> -> memref<10240x128xf32, #tpu.memory_space<hbm>>
      tpu.enqueue_indirect_dma source(%dma_start3A_91 : memref<10240x128xf32, #tpu.memory_space<hbm>>) target(%arg11 : memref<128x128xf32, #tpu.memory_space<vmem>>) offsets(%arg9 : memref<128xi32, #tpu.memory_space<vmem>>) semaphore(%arg13 : memref<!tpu.dma_semaphore, #tpu.memory_space<semaphore_mem>>)
    }
    %scan3A_35 = arith.constant 39 : i32
    %dma_wait3A = arith.constant 0 : i32
    %dma_wait3A_36 = arith.constant 0 : i32
    %dma_wait3A_37 = tpu.memref_slice %arg2[%dma_wait3A, %dma_wait3A_36] : memref<10240x128xf32, #tpu.memory_space<hbm>> -> memref<10240x128xf32, #tpu.memory_space<hbm>>
    tpu.wait_indirect_dma semaphore(%arg12 : memref<!tpu.dma_semaphore, #tpu.memory_space<semaphore_mem>>) src(%dma_wait3A_37 : memref<10240x128xf32, #tpu.memory_space<hbm>>) dst(%arg10 : memref<128x128xf32, #tpu.memory_space<vmem>>)
    %run_scoped3A = arith.constant 78 : i32
    "tpu.region"() ({
      %run_scoped3A_43 = tpu.sem_alloc : memref<!tpu.dma_semaphore, #tpu.memory_space<semaphore_mem>>
      %dma_start3A_44 = arith.constant 0 : i32
      %dma_start3A_45 = tpu.memref_slice %arg7[%run_scoped3A, %dma_start3A_44] : memref<80x128xi32, #tpu.memory_space<vmem>> -> memref<1x128xi32, #tpu.memory_space<vmem>>
      %dma_start3A_46 = tpu.memref_squeeze %dma_start3A_45 : memref<1x128xi32, #tpu.memory_space<vmem>> -> memref<128xi32, #tpu.memory_space<vmem>>
      %dma_start3A_47 = arith.constant 0 : i32
      %dma_start3A_48 = arith.constant 0 : i32
      %dma_start3A_49 = tpu.memref_slice %arg6[%dma_start3A_47, %dma_start3A_48] : memref<10240x128xf32, #tpu.memory_space<vmem_shared>> -> memref<10240x128xf32, #tpu.memory_space<vmem_shared>>
      tpu.enqueue_indirect_dma source(%arg10 : memref<128x128xf32, #tpu.memory_space<vmem>>) target(%dma_start3A_49 : memref<10240x128xf32, #tpu.memory_space<vmem_shared>>) offsets(%dma_start3A_46 : memref<128xi32, #tpu.memory_space<vmem>>) semaphore(%run_scoped3A_43 : memref<!tpu.dma_semaphore, #tpu.memory_space<semaphore_mem>>) {add = true}
      %dma_wait3A_50 = arith.constant 0 : i32
      %dma_wait3A_51 = tpu.memref_slice %arg7[%run_scoped3A, %dma_wait3A_50] : memref<80x128xi32, #tpu.memory_space<vmem>> -> memref<1x128xi32, #tpu.memory_space<vmem>>
      %dma_wait3A_52 = tpu.memref_squeeze %dma_wait3A_51 : memref<1x128xi32, #tpu.memory_space<vmem>> -> memref<128xi32, #tpu.memory_space<vmem>>
      %dma_wait3A_53 = arith.constant 0 : i32
      %dma_wait3A_54 = arith.constant 0 : i32
      %dma_wait3A_55 = tpu.memref_slice %arg6[%dma_wait3A_53, %dma_wait3A_54] : memref<10240x128xf32, #tpu.memory_space<vmem_shared>> -> memref<10240x128xf32, #tpu.memory_space<vmem_shared>>
      tpu.wait_indirect_dma semaphore(%run_scoped3A_43 : memref<!tpu.dma_semaphore, #tpu.memory_space<semaphore_mem>>) src(%arg10 : memref<128x128xf32, #tpu.memory_space<vmem>>) dst(%dma_wait3A_55 : memref<10240x128xf32, #tpu.memory_space<vmem_shared>>)
      tpu.yield
    }) : () -> ()
    %dma_wait3A_38 = arith.constant 0 : i32
    %dma_wait3A_39 = arith.constant 0 : i32
    %dma_wait3A_40 = tpu.memref_slice %arg2[%dma_wait3A_38, %dma_wait3A_39] : memref<10240x128xf32, #tpu.memory_space<hbm>> -> memref<10240x128xf32, #tpu.memory_space<hbm>>
    tpu.wait_indirect_dma semaphore(%arg13 : memref<!tpu.dma_semaphore, #tpu.memory_space<semaphore_mem>>) src(%dma_wait3A_40 : memref<10240x128xf32, #tpu.memory_space<hbm>>) dst(%arg11 : memref<128x128xf32, #tpu.memory_space<vmem>>)
    %run_scoped3A_41 = arith.constant 79 : i32
    "tpu.region"() ({
      %run_scoped3A_43 = tpu.sem_alloc : memref<!tpu.dma_semaphore, #tpu.memory_space<semaphore_mem>>
      %dma_start3A_44 = arith.constant 0 : i32
      %dma_start3A_45 = tpu.memref_slice %arg7[%run_scoped3A_41, %dma_start3A_44] : memref<80x128xi32, #tpu.memory_space<vmem>> -> memref<1x128xi32, #tpu.memory_space<vmem>>
      %dma_start3A_46 = tpu.memref_squeeze %dma_start3A_45 : memref<1x128xi32, #tpu.memory_space<vmem>> -> memref<128xi32, #tpu.memory_space<vmem>>
      %dma_start3A_47 = arith.constant 0 : i32
      %dma_start3A_48 = arith.constant 0 : i32
      %dma_start3A_49 = tpu.memref_slice %arg6[%dma_start3A_47, %dma_start3A_48] : memref<10240x128xf32, #tpu.memory_space<vmem_shared>> -> memref<10240x128xf32, #tpu.memory_space<vmem_shared>>
      tpu.enqueue_indirect_dma source(%arg11 : memref<128x128xf32, #tpu.memory_space<vmem>>) target(%dma_start3A_49 : memref<10240x128xf32, #tpu.memory_space<vmem_shared>>) offsets(%dma_start3A_46 : memref<128xi32, #tpu.memory_space<vmem>>) semaphore(%run_scoped3A_43 : memref<!tpu.dma_semaphore, #tpu.memory_space<semaphore_mem>>) {add = true}
      %dma_wait3A_50 = arith.constant 0 : i32
      %dma_wait3A_51 = tpu.memref_slice %arg7[%run_scoped3A_41, %dma_wait3A_50] : memref<80x128xi32, #tpu.memory_space<vmem>> -> memref<1x128xi32, #tpu.memory_space<vmem>>
      %dma_wait3A_52 = tpu.memref_squeeze %dma_wait3A_51 : memref<1x128xi32, #tpu.memory_space<vmem>> -> memref<128xi32, #tpu.memory_space<vmem>>
      %dma_wait3A_53 = arith.constant 0 : i32
      %dma_wait3A_54 = arith.constant 0 : i32
      %dma_wait3A_55 = tpu.memref_slice %arg6[%dma_wait3A_53, %dma_wait3A_54] : memref<10240x128xf32, #tpu.memory_space<vmem_shared>> -> memref<10240x128xf32, #tpu.memory_space<vmem_shared>>
      tpu.wait_indirect_dma semaphore(%run_scoped3A_43 : memref<!tpu.dma_semaphore, #tpu.memory_space<semaphore_mem>>) src(%arg11 : memref<128x128xf32, #tpu.memory_space<vmem>>) dst(%dma_wait3A_55 : memref<10240x128xf32, #tpu.memory_space<vmem_shared>>)
      tpu.yield
    }) : () -> ()
    %barrier3A_42 = arith.constant 0 : index
    tpu.barrier barrier_id(%barrier3A_42)
    "tpu.region"() ({
      %run_scoped3A_43 = tpu.sem_alloc : memref<!tpu.dma_semaphore, #tpu.memory_space<semaphore_mem>>
      %dma_start3A_44 = arith.constant 0 : i32
      %dma_start3A_45 = tpu.memref_slice %arg5[%arg0, %mul3A_2, %dma_start3A_44] : memref<2x10240x128xf32, #tpu.memory_space<hbm>> -> memref<1x640x128xf32, #tpu.memory_space<hbm>>
      %dma_start3A_46 = tpu.memref_squeeze %dma_start3A_45 : memref<1x640x128xf32, #tpu.memory_space<hbm>> -> memref<640x128xf32, #tpu.memory_space<hbm>>
      %dma_start3A_47 = arith.constant 0 : i32
      %dma_start3A_48 = tpu.memref_slice %arg6[%mul3A_2, %dma_start3A_47] : memref<10240x128xf32, #tpu.memory_space<vmem_shared>> -> memref<640x128xf32, #tpu.memory_space<vmem_shared>>
      tpu.enqueue_dma source(%dma_start3A_48 : memref<640x128xf32, #tpu.memory_space<vmem_shared>>) target(%dma_start3A_46 : memref<640x128xf32, #tpu.memory_space<hbm>>) target_semaphore(%run_scoped3A_43 : memref<!tpu.dma_semaphore, #tpu.memory_space<semaphore_mem>>)
      %dma_wait3A_49 = arith.constant 0 : i32
      %dma_wait3A_50 = tpu.memref_slice %arg5[%arg0, %mul3A_2, %dma_wait3A_49] : memref<2x10240x128xf32, #tpu.memory_space<hbm>> -> memref<1x640x128xf32, #tpu.memory_space<hbm>>
      %dma_wait3A_51 = tpu.memref_squeeze %dma_wait3A_50 : memref<1x640x128xf32, #tpu.memory_space<hbm>> -> memref<640x128xf32, #tpu.memory_space<hbm>>
      %dma_wait3A_52 = arith.constant 0 : i32
      %dma_wait3A_53 = tpu.memref_slice %arg6[%mul3A_2, %dma_wait3A_52] : memref<10240x128xf32, #tpu.memory_space<vmem_shared>> -> memref<640x128xf32, #tpu.memory_space<vmem_shared>>
      tpu.wait_dma2 semaphore(%run_scoped3A_43 : memref<!tpu.dma_semaphore, #tpu.memory_space<semaphore_mem>>) src(%dma_wait3A_53 : memref<640x128xf32, #tpu.memory_space<vmem_shared>>) dst(%dma_wait3A_51 : memref<640x128xf32, #tpu.memory_space<hbm>>)
      tpu.yield
    }) : () -> ()
    return
  }
}

module attributes {stable_mosaic.version = 14 : i64} {
  func.func @_mm_scale_body(%arg0: i32, %arg1: memref<2x5120x128xf32, #tpu.memory_space<vmem>>, %arg2: memref<5120x128xf32, #tpu.memory_space<vmem>>, %arg3: memref<128x128xf32, #tpu.memory_space<vmem>>, %arg4: memref<5120x128xf32, #tpu.memory_space<vmem>>, %arg5: memref<5120x1xf32, #tpu.memory_space<vmem>>) attributes {dimension_semantics = [#tpu.dimension_semantics<arbitrary>], iteration_bounds = array<i64: 2>, scalar_prefetch = 0 : i64, scratch_operands = 0 : i64, tpu.core_type = #tpu.core_type<tc>, window_params = [{transform_indices = @transform_0, window_bounds = array<i64: 2, 5120, 128>}, {transform_indices = @transform_1, window_bounds = array<i64: 5120, 128>}, {pipeline_mode = #tpu.pipeline_mode<synchronous>, transform_indices = @transform_2, window_bounds = array<i64: 128, 128>}, {transform_indices = @transform_3, window_bounds = array<i64: 5120, 128>}, {transform_indices = @transform_4, window_bounds = array<i64: 5120, 1>}]} {
    %get3A = arith.constant 0 : index
    %get3A_0 = arith.constant 0 : index
    %get3A_1 = arith.constant 0 : index
    %get3A_2 = vector.load %arg1[%get3A, %get3A_0, %get3A_1] : memref<2x5120x128xf32, #tpu.memory_space<vmem>>, vector<1x5120x1xf32>
    %get3A_3 = vector.shape_cast %get3A_2 : vector<1x5120x1xf32> to vector<5120x1xf32>
    %get3A_4 = arith.constant 1 : index
    %get3A_5 = arith.constant 0 : index
    %get3A_6 = arith.constant 0 : index
    %get3A_7 = vector.load %arg1[%get3A_4, %get3A_5, %get3A_6] : memref<2x5120x128xf32, #tpu.memory_space<vmem>>, vector<1x5120x1xf32>
    %get3A_8 = vector.shape_cast %get3A_7 : vector<1x5120x1xf32> to vector<5120x1xf32>
    %add3A = arith.addf %get3A_3, %get3A_8 : vector<5120x1xf32>
    %add3A_9 = arith.constant 1.000000e+00 : f32
    %add3A_10 = vector.broadcast %add3A_9 : f32 to vector<5120x1xf32>
    %add3A_11 = arith.addf %add3A, %add3A_10 : vector<5120x1xf32>
    %rsqrt3A = math.rsqrt %add3A_11 : vector<5120x1xf32>
    %swap3A = arith.constant 0 : index
    %swap3A_12 = arith.constant 0 : index
    %swap3A_13 = vector.load %arg5[%swap3A, %swap3A_12] : memref<5120x1xf32, #tpu.memory_space<vmem>>, vector<5120x1xf32>
    tpu.vector_store %arg5[%swap3A, %swap3A_12], %rsqrt3A {strides = array<i32>} : memref<5120x1xf32, #tpu.memory_space<vmem>>, vector<5120x1xf32>,
    %get3A_14 = arith.constant 0 : index
    %get3A_15 = arith.constant 0 : index
    %get3A_16 = vector.load %arg2[%get3A_14, %get3A_15] : memref<5120x128xf32, #tpu.memory_space<vmem>>, vector<5120x128xf32>
    %get3A_17 = arith.constant 0 : index
    %get3A_18 = arith.constant 0 : index
    %get3A_19 = vector.load %arg3[%get3A_17, %get3A_18] : memref<128x128xf32, #tpu.memory_space<vmem>>, vector<128x128xf32>
    %dot_general3A = arith.constant dense<0.000000e+00> : vector<5120x128xf32>
    %dot_general3A_20 = tpu.matmul %get3A_16, %get3A_19, %dot_general3A {dimension_numbers = #tpu.dot_dimension_numbers<[1], [0], [0], [1], [0, 0, 1, 1], [], []>, transpose_lhs_hint = false} : vector<5120x128xf32>, vector<128x128xf32>, vector<5120x128xf32> -> vector<5120x128xf32>
    %mul3A = vector.broadcast %rsqrt3A : vector<5120x1xf32> to vector<5120x128xf32>
    %mul3A_21 = arith.mulf %mul3A, %dot_general3A_20 : vector<5120x128xf32>
    %swap3A_22 = arith.constant 0 : index
    %swap3A_23 = arith.constant 0 : index
    %swap3A_24 = vector.load %arg4[%swap3A_22, %swap3A_23] : memref<5120x128xf32, #tpu.memory_space<vmem>>, vector<5120x128xf32>
    tpu.vector_store %arg4[%swap3A_22, %swap3A_23], %mul3A_21 {strides = array<i32>} : memref<5120x128xf32, #tpu.memory_space<vmem>>, vector<5120x128xf32>,
    return
  }
  func.func @transform_0(%arg0: i32) -> (i32, i32, i32) {
    %c0_i32 = arith.constant 0 : i32
    %c0_i32_0 = arith.constant 0 : i32
    %c0_i32_1 = arith.constant 0 : i32
    return %c0_i32, %arg0, %c0_i32_0 : i32, i32, i32
  }
  func.func @transform_1(%arg0: i32) -> (i32, i32) {
    %c0_i32 = arith.constant 0 : i32
    %c0_i32_0 = arith.constant 0 : i32
    return %arg0, %c0_i32 : i32, i32
  }
  func.func @transform_2(%arg0: i32) -> (i32, i32) {
    %c0_i32 = arith.constant 0 : i32
    %c0_i32_0 = arith.constant 0 : i32
    %c0_i32_1 = arith.constant 0 : i32
    return %c0_i32, %c0_i32_0 : i32, i32
  }
  func.func @transform_3(%arg0: i32) -> (i32, i32) {
    %c0_i32 = arith.constant 0 : i32
    %c0_i32_0 = arith.constant 0 : i32
    return %arg0, %c0_i32 : i32, i32
  }
  func.func @transform_4(%arg0: i32) -> (i32, i32) {
    %c0_i32 = arith.constant 0 : i32
    %c0_i32_0 = arith.constant 0 : i32
    return %arg0, %c0_i32 : i32, i32
  }
}

module attributes {stable_mosaic.version = 14 : i64} {
  func.func @_combine_mm_body(%arg0: i32, %arg1: memref<2x5120x128xf32, #tpu.memory_space<vmem>>, %arg2: memref<5120x128xf32, #tpu.memory_space<vmem>>, %arg3: memref<5120x1xf32, #tpu.memory_space<vmem>>, %arg4: memref<1x128xf32, #tpu.memory_space<vmem>>, %arg5: memref<128x128xf32, #tpu.memory_space<vmem>>, %arg6: memref<5120x128xf32, #tpu.memory_space<vmem>>) attributes {dimension_semantics = [#tpu.dimension_semantics<arbitrary>], iteration_bounds = array<i64: 2>, scalar_prefetch = 0 : i64, scratch_operands = 0 : i64, tpu.core_type = #tpu.core_type<tc>, window_params = [{transform_indices = @transform_0, window_bounds = array<i64: 2, 5120, 128>}, {transform_indices = @transform_1, window_bounds = array<i64: 5120, 128>}, {transform_indices = @transform_2, window_bounds = array<i64: 5120, 1>}, {pipeline_mode = #tpu.pipeline_mode<synchronous>, transform_indices = @transform_3, window_bounds = array<i64: 1, 128>}, {pipeline_mode = #tpu.pipeline_mode<synchronous>, transform_indices = @transform_4, window_bounds = array<i64: 128, 128>}, {transform_indices = @transform_5, window_bounds = array<i64: 5120, 128>}]} {
    %get3A = arith.constant 0 : index
    %get3A_0 = arith.constant 0 : index
    %get3A_1 = vector.load %arg3[%get3A, %get3A_0] : memref<5120x1xf32, #tpu.memory_space<vmem>>, vector<5120x1xf32>
    %get3A_2 = arith.constant 0 : index
    %get3A_3 = arith.constant 0 : index
    %get3A_4 = arith.constant 0 : index
    %get3A_5 = vector.load %arg1[%get3A_2, %get3A_3, %get3A_4] : memref<2x5120x128xf32, #tpu.memory_space<vmem>>, vector<1x5120x128xf32>
    %get3A_6 = vector.shape_cast %get3A_5 : vector<1x5120x128xf32> to vector<5120x128xf32>
    %get3A_7 = arith.constant 1 : index
    %get3A_8 = arith.constant 0 : index
    %get3A_9 = arith.constant 0 : index
    %get3A_10 = vector.load %arg1[%get3A_7, %get3A_8, %get3A_9] : memref<2x5120x128xf32, #tpu.memory_space<vmem>>, vector<1x5120x128xf32>
    %get3A_11 = vector.shape_cast %get3A_10 : vector<1x5120x128xf32> to vector<5120x128xf32>
    %add3A = arith.addf %get3A_6, %get3A_11 : vector<5120x128xf32>
    %get3A_12 = arith.constant 0 : index
    %get3A_13 = arith.constant 0 : index
    %get3A_14 = vector.load %arg2[%get3A_12, %get3A_13] : memref<5120x128xf32, #tpu.memory_space<vmem>>, vector<5120x128xf32>
    %add3A_15 = arith.addf %add3A, %get3A_14 : vector<5120x128xf32>
    %mul3A = vector.broadcast %get3A_1 : vector<5120x1xf32> to vector<5120x128xf32>
    %mul3A_16 = arith.mulf %mul3A, %add3A_15 : vector<5120x128xf32>
    %get3A_17 = arith.constant 0 : index
    %get3A_18 = arith.constant 0 : index
    %get3A_19 = vector.load %arg4[%get3A_17, %get3A_18] : memref<1x128xf32, #tpu.memory_space<vmem>>, vector<1x128xf32>
    %add3A_20 = vector.broadcast %get3A_19 : vector<1x128xf32> to vector<5120x128xf32>
    %add3A_21 = arith.addf %mul3A_16, %add3A_20 : vector<5120x128xf32>
    %get3A_22 = arith.constant 0 : index
    %get3A_23 = arith.constant 0 : index
    %get3A_24 = vector.load %arg3[%get3A_22, %get3A_23] : memref<5120x1xf32, #tpu.memory_space<vmem>>, vector<5120x1xf32>
    %get3A_25 = arith.constant 0 : index
    %get3A_26 = arith.constant 0 : index
    %get3A_27 = vector.load %arg5[%get3A_25, %get3A_26] : memref<128x128xf32, #tpu.memory_space<vmem>>, vector<128x128xf32>
    %dot_general3A = arith.constant dense<0.000000e+00> : vector<5120x128xf32>
    %dot_general3A_28 = tpu.matmul %add3A_21, %get3A_27, %dot_general3A {dimension_numbers = #tpu.dot_dimension_numbers<[1], [0], [0], [1], [0, 0, 1, 1], [], []>, transpose_lhs_hint = false} : vector<5120x128xf32>, vector<128x128xf32>, vector<5120x128xf32> -> vector<5120x128xf32>
    %mul3A_29 = vector.broadcast %get3A_24 : vector<5120x1xf32> to vector<5120x128xf32>
    %mul3A_30 = arith.mulf %mul3A_29, %dot_general3A_28 : vector<5120x128xf32>
    %swap3A = arith.constant 0 : index
    %swap3A_31 = arith.constant 0 : index
    %swap3A_32 = vector.load %arg6[%swap3A, %swap3A_31] : memref<5120x128xf32, #tpu.memory_space<vmem>>, vector<5120x128xf32>
    tpu.vector_store %arg6[%swap3A, %swap3A_31], %mul3A_30 {strides = array<i32>} : memref<5120x128xf32, #tpu.memory_space<vmem>>, vector<5120x128xf32>,
    return
  }
  func.func @transform_0(%arg0: i32) -> (i32, i32, i32) {
    %c0_i32 = arith.constant 0 : i32
    %c0_i32_0 = arith.constant 0 : i32
    %c0_i32_1 = arith.constant 0 : i32
    return %c0_i32, %arg0, %c0_i32_0 : i32, i32, i32
  }
  func.func @transform_1(%arg0: i32) -> (i32, i32) {
    %c0_i32 = arith.constant 0 : i32
    %c0_i32_0 = arith.constant 0 : i32
    return %arg0, %c0_i32 : i32, i32
  }
  func.func @transform_2(%arg0: i32) -> (i32, i32) {
    %c0_i32 = arith.constant 0 : i32
    %c0_i32_0 = arith.constant 0 : i32
    return %arg0, %c0_i32 : i32, i32
  }
  func.func @transform_3(%arg0: i32) -> (i32, i32) {
    %c0_i32 = arith.constant 0 : i32
    %c0_i32_0 = arith.constant 0 : i32
    %c0_i32_1 = arith.constant 0 : i32
    return %c0_i32, %c0_i32_0 : i32, i32
  }
  func.func @transform_4(%arg0: i32) -> (i32, i32) {
    %c0_i32 = arith.constant 0 : i32
    %c0_i32_0 = arith.constant 0 : i32
    %c0_i32_1 = arith.constant 0 : i32
    return %c0_i32, %c0_i32_0 : i32, i32
  }
  func.func @transform_5(%arg0: i32) -> (i32, i32) {
    %c0_i32 = arith.constant 0 : i32
    %c0_i32_0 = arith.constant 0 : i32
    return %arg0, %c0_i32 : i32, i32
  }
}

module attributes {stable_mosaic.version = 14 : i64} {
  func.func @_final_body(%arg0: i32, %arg1: memref<2x5120x128xf32, #tpu.memory_space<vmem>>, %arg2: memref<5120x128xf32, #tpu.memory_space<vmem>>, %arg3: memref<5120x1xf32, #tpu.memory_space<vmem>>, %arg4: memref<1x128xf32, #tpu.memory_space<vmem>>, %arg5: memref<5120x128xf32, #tpu.memory_space<vmem>>) attributes {dimension_semantics = [#tpu.dimension_semantics<arbitrary>], iteration_bounds = array<i64: 2>, scalar_prefetch = 0 : i64, scratch_operands = 0 : i64, tpu.core_type = #tpu.core_type<tc>, window_params = [{transform_indices = @transform_0, window_bounds = array<i64: 2, 5120, 128>}, {transform_indices = @transform_1, window_bounds = array<i64: 5120, 128>}, {transform_indices = @transform_2, window_bounds = array<i64: 5120, 1>}, {pipeline_mode = #tpu.pipeline_mode<synchronous>, transform_indices = @transform_3, window_bounds = array<i64: 1, 128>}, {transform_indices = @transform_4, window_bounds = array<i64: 5120, 128>}]} {
    %get3A = arith.constant 0 : index
    %get3A_0 = arith.constant 0 : index
    %get3A_1 = vector.load %arg3[%get3A, %get3A_0] : memref<5120x1xf32, #tpu.memory_space<vmem>>, vector<5120x1xf32>
    %get3A_2 = arith.constant 0 : index
    %get3A_3 = arith.constant 0 : index
    %get3A_4 = arith.constant 0 : index
    %get3A_5 = vector.load %arg1[%get3A_2, %get3A_3, %get3A_4] : memref<2x5120x128xf32, #tpu.memory_space<vmem>>, vector<1x5120x128xf32>
    %get3A_6 = vector.shape_cast %get3A_5 : vector<1x5120x128xf32> to vector<5120x128xf32>
    %get3A_7 = arith.constant 1 : index
    %get3A_8 = arith.constant 0 : index
    %get3A_9 = arith.constant 0 : index
    %get3A_10 = vector.load %arg1[%get3A_7, %get3A_8, %get3A_9] : memref<2x5120x128xf32, #tpu.memory_space<vmem>>, vector<1x5120x128xf32>
    %get3A_11 = vector.shape_cast %get3A_10 : vector<1x5120x128xf32> to vector<5120x128xf32>
    %add3A = arith.addf %get3A_6, %get3A_11 : vector<5120x128xf32>
    %get3A_12 = arith.constant 0 : index
    %get3A_13 = arith.constant 0 : index
    %get3A_14 = vector.load %arg2[%get3A_12, %get3A_13] : memref<5120x128xf32, #tpu.memory_space<vmem>>, vector<5120x128xf32>
    %add3A_15 = arith.addf %add3A, %get3A_14 : vector<5120x128xf32>
    %mul3A = vector.broadcast %get3A_1 : vector<5120x1xf32> to vector<5120x128xf32>
    %mul3A_16 = arith.mulf %mul3A, %add3A_15 : vector<5120x128xf32>
    %get3A_17 = arith.constant 0 : index
    %get3A_18 = arith.constant 0 : index
    %get3A_19 = vector.load %arg4[%get3A_17, %get3A_18] : memref<1x128xf32, #tpu.memory_space<vmem>>, vector<1x128xf32>
    %add3A_20 = vector.broadcast %get3A_19 : vector<1x128xf32> to vector<5120x128xf32>
    %add3A_21 = arith.addf %mul3A_16, %add3A_20 : vector<5120x128xf32>
    %swap3A = arith.constant 0 : index
    %swap3A_22 = arith.constant 0 : index
    %swap3A_23 = vector.load %arg5[%swap3A, %swap3A_22] : memref<5120x128xf32, #tpu.memory_space<vmem>>, vector<5120x128xf32>
    tpu.vector_store %arg5[%swap3A, %swap3A_22], %add3A_21 {strides = array<i32>} : memref<5120x128xf32, #tpu.memory_space<vmem>>, vector<5120x128xf32>,
    return
  }
  func.func @transform_0(%arg0: i32) -> (i32, i32, i32) {
    %c0_i32 = arith.constant 0 : i32
    %c0_i32_0 = arith.constant 0 : i32
    %c0_i32_1 = arith.constant 0 : i32
    return %c0_i32, %arg0, %c0_i32_0 : i32, i32, i32
  }
  func.func @transform_1(%arg0: i32) -> (i32, i32) {
    %c0_i32 = arith.constant 0 : i32
    %c0_i32_0 = arith.constant 0 : i32
    return %arg0, %c0_i32 : i32, i32
  }
  func.func @transform_2(%arg0: i32) -> (i32, i32) {
    %c0_i32 = arith.constant 0 : i32
    %c0_i32_0 = arith.constant 0 : i32
    return %arg0, %c0_i32 : i32, i32
  }
  func.func @transform_3(%arg0: i32) -> (i32, i32) {
    %c0_i32 = arith.constant 0 : i32
    %c0_i32_0 = arith.constant 0 : i32
    %c0_i32_1 = arith.constant 0 : i32
    return %c0_i32, %c0_i32_0 : i32, i32
  }
  func.func @transform_4(%arg0: i32) -> (i32, i32) {
    %c0_i32 = arith.constant 0 : i32
    %c0_i32_0 = arith.constant 0 : i32
    return %arg0, %c0_i32 : i32, i32
  }
}

</mosaic_0001>

<sc_bundles>
// kernel: kernel.12.cloned.1.call-start
scs
__scs_entry_jumppad:
0x0: {  	(pc) =	sbr.rel $0x88, $3  }
0x1: {  	(tag) =	ssettag $0x0;
	lr =	simm.s32 $0x1  }
0x2: {  	[smem:$0x3F9B] =	sst lr;
	_ =	strace $0xD0000000  }
0x3: {  	_ = 	snop  }
0x4: {  	_ = 	snop  }
0x5: {  	_ = 	snop  }
0x6: {  	_ = 	snop  }
0x7: {  	_ = 	snop  }
__scs_overlays_trampoline_lowered:
0x8: {  	[smem:$0x3FAA] =	sst s0  }
0x9: {  	[smem:$0x3FAB] =	sst s1  }
0xa: {  	[smem:$0x3FAC] =	sst s2  }
0xb: {  	[smem:$0x3FAD] =	sst s3  }
0xc: {  	[smem:$0x3FAE] =	sst s4  }
0xd: {  	[smem:$0x3FAF] =	sst s5  }
0xe: {  	[smem:$0x3FB0] =	sst s6  }
0xf: {  	[smem:$0x3FB1] =	sst s7  }
0x10: {  	[smem:$0x3FB2] =	sst s8  }
0x11: {  	[smem:$0x3FB3] =	sst s9;
	s0 =	simm.s32 @!p0 $0x0  }
0x12: {  	s1 =	sld [smem:$0x3F99];
	s0 =	simm.s32 @p0 $0x1  }
0x13: {  	[smem:$0x3FB4] =	sst s0;
	s0 =	simm.s32 @!p1 $0x0  }
0x14: {  	s2 =	sld [smem:$0x3F98];
	s0 =	simm.s32 @p1 $0x1  }
0x15: {  	[smem:$0x3FB5] =	sst s0;
	s0 =	simm.s32 @!p2 $0x0  }
0x16: {  	s3 =	sld [smem:$0x3FDB];
	s0 =	simm.s32 @p2 $0x1  }
0x17: {  	s4 =	simm.s32 $0x1BF5;
	[smem:$0x3FB7] =	sst s0  }
0x18: {  	s0 =	sld [smem:$0x3F9A];
	_ =	swait.ge [sflag:s4], $0x0  }
0x19: {  	s7 =	sld [smem:$0x3F9B]  }
0x1a: {  	s8 =	sadd.s32 $0xFFFFE003, lr  }
0x1b: {  	s9 =	sadd.s32 $0xFFFFFEF7, lr;
	s5 =	simm.s32 $0xFFFFFFFF;
	p2 =	slt.u32 s8, $0xFFFFF086  }
0x1c: {  	p1 =	slt.u32 s9, $0xF7A;
	s5 =	simm.s32 @!p2 $0x0  }
0x1d: {  	s5 =	simm.s32 @p1 $0x1;
	p0 =	seq.s32 s7, s2  }
0x1e: {  	s7 =	smul.u32 @!p0 $0xF7A, s2;
	p2 =	seq.s32 @!p0 s5, $0x0  }
0x1f: {  	s9 =	smul.u32 $0xF7A, s1;
	s8 =	simm.s32 @!p0 $0x1BF5;
	p2 =	por !p2, p0  }
0x20: {  	[sflag:s8] =	ssyncset.s32 @!p0 $0xFFFFF086;
	s6 =	sadd.s32 @!p0 s3, s7;
	s7 =	simm.s32 @!p0 $0x108  }
0x21: {  	s3 =	sadd.s32 s3, s9;
	s6 =	sadd.s32 @!p0 $0x88, s6;
	s7 =	simm.s32 @p2 $0x1082  }
0x22: {  	[simem:s7], [sflag:s8] =	dma.local @!p0 [hbm:s6], $0xF7A  }
0x23: {  	s9 =	sor.u32 $0xD0000000, s2;
	s6 =	simm.s32 $0x108;
	_ =	swait.ge @!p0 [sflag:s8], $0x0  }
0x24: {  	s3 =	sadd.s32 $0x88, s3;
	s6 =	simm.s32 @!p1 $0x1082;
	[sflag:s4] =	ssyncset.s32 $0xFFFFF086  }
0x25: {  	[simem:s6], [sflag:s4] =	dma.local [hbm:s3], $0xF7A  }
0x26: {  	[smem:$0x3F9B] =	sst s1;
	(tag) =	ssettag s2;
	_ =	strace s9  }
0x27: {  	s1 =	sld [smem:$0x3FAB]  }
0x28: {  	s2 =	sld [smem:$0x3FAC]  }
0x29: {  	s4 =	sld [smem:$0x3FAE]  }
0x2a: {  	p0 =	seq.s32 s5, $0x0;
	s5 =	sld [smem:$0x3FAF]  }
0x2b: {  	s6 =	sld [smem:$0x3FB0]  }
0x2c: {  	s7 =	sld [smem:$0x3FB1]  }
0x2d: {  	s3 =	simm.s32 $0x108;
	s8 =	sld [smem:$0x3FB2]  }
0x2e: {  	s3 =	simm.s32 @!p0 $0x1082;
	s9 =	sld [smem:$0x3FB3]  }
0x2f: {  	lr =	sadd.s32 s0, s3;
	s0 =	sld [smem:$0x3FAA]  }
0x30: {  	s3 =	sld [smem:$0x3FAD]  }
0x31: {  	[smem:$0x3FB6] =	sst s10  }
0x32: {  	s10 =	sld [smem:$0x3FB4];
	_ =	sdelay $0x3  }
0x33: {  	p0 =	seq.s32 s10, $0x1;
	s10 =	sld [smem:$0x3FB6];
	_ =	sdelay $0x3  }
0x34: {  	[smem:$0x3FB6] =	sst s10  }
0x35: {  	s10 =	sld [smem:$0x3FB5];
	_ =	sdelay $0x3  }
0x36: {  	p1 =	seq.s32 s10, $0x1;
	s10 =	sld [smem:$0x3FB6];
	_ =	sdelay $0x3  }
0x37: {  	[smem:$0x3FB6] =	sst s10  }
0x38: {  	s10 =	sld [smem:$0x3FB7]  }
0x39: {  	_ = 	snop;
	(pc) =	sbr.ind lr, $3  }
0x3a: {  	_ = 	snop  }
0x3b: {  	_ = 	snop  }
0x3c: {  	p2 =	seq.s32 s10, $0x1;
	s10 =	sld [smem:$0x3FB6]  }
0x3d: {  	_ =	shalt  }
0x3e: {  	_ =	shalt  }
0x3f: {  	_ =	shalt  }
0x40: {  	_ =	shalt  }
0x41: {  	_ =	shalt  }
0x42: {  	_ =	shalt  }
0x43: {  	_ =	shalt  }
0x44: {  	_ =	shalt  }
0x45: {  	_ =	shalt  }
0x46: {  	_ =	shalt  }
0x47: {  	_ =	shalt  }
0x48: {  	_ =	shalt  }
0x49: {  	_ =	shalt  }
0x4a: {  	_ =	shalt  }
0x4b: {  	_ =	shalt  }
0x4c: {  	_ =	shalt  }
0x4d: {  	_ =	shalt  }
0x4e: {  	_ =	shalt  }
0x4f: {  	_ =	shalt  }
0x50: {  	_ =	shalt  }
0x51: {  	_ =	shalt  }
0x52: {  	_ =	shalt  }
0x53: {  	_ =	shalt  }
0x54: {  	_ =	shalt  }
0x55: {  	_ =	shalt  }
0x56: {  	_ =	shalt  }
0x57: {  	_ =	shalt  }
0x58: {  	_ =	shalt  }
0x59: {  	_ =	shalt  }
0x5a: {  	_ =	shalt  }
0x5b: {  	_ =	shalt  }
0x5c: {  	_ =	shalt  }
0x5d: {  	_ =	shalt  }
0x5e: {  	_ =	shalt  }
0x5f: {  	_ =	shalt  }
0x60: {  	_ =	shalt  }
0x61: {  	_ =	shalt  }
0x62: {  	_ =	shalt  }
0x63: {  	_ =	shalt  }
0x64: {  	_ =	shalt  }
0x65: {  	_ =	shalt  }
0x66: {  	_ =	shalt  }
0x67: {  	_ =	shalt  }
0x68: {  	_ =	shalt  }
0x69: {  	_ =	shalt  }
0x6a: {  	_ =	shalt  }
0x6b: {  	_ =	shalt  }
0x6c: {  	_ =	shalt  }
0x6d: {  	_ =	shalt  }
0x6e: {  	_ =	shalt  }
0x6f: {  	_ =	shalt  }
0x70: {  	_ =	shalt  }
0x71: {  	_ =	shalt  }
0x72: {  	_ =	shalt  }
0x73: {  	_ =	shalt  }
0x74: {  	_ =	shalt  }
0x75: {  	_ =	shalt  }
0x76: {  	_ =	shalt  }
0x77: {  	_ =	shalt  }
0x78: {  	_ =	shalt  }
0x79: {  	_ =	shalt  }
0x7a: {  	_ =	shalt  }
0x7b: {  	_ =	shalt  }
0x7c: {  	_ =	shalt  }
0x7d: {  	_ =	shalt  }
0x7e: {  	_ =	shalt  }
0x7f: {  	_ =	shalt  }
0x80: {  	_ =	shalt  }
0x81: {  	_ =	shalt  }
0x82: {  	_ =	shalt  }
0x83: {  	_ =	shalt  }
0x84: {  	_ =	shalt  }
0x85: {  	_ =	shalt  }
0x86: {  	_ =	shalt  }
0x87: {  	_ =	shalt  }
.Lfunc_end0:
.L_simem_size_0:
called_computation_lowered:
.L_overlay_start_0:
0x88: {  	s2 =	sld [smem:$0x3FD9]  }
0x89: {  	s3 =	sld [smem:$0x3FFE];
	_ =	sdelay $0x1  }
0x8a: {  	s1 =	srdreg.scid  }
0x8b: {  	s0 =	sand.u32 $0x1, s1  }
0x8c: {  	s17 =	sshll.u32 s0, $0xA;
	s2 =	sadd.s32 s3, s2  }
0x8d: {  	s2 =	sadd.s32 s2, s17  }
0x8e: {  	[smem:$0x3FC2] =	sst s2  }
0x8f: {  	_ = 	snop  }
0x90: {  	s2 =	sld [smem:$0x3FD0];
	(tm) =	ssettm $0x1  }
0x91: {  	s18 =	sld [smem:$0x3FFB];
	_ =	sdelay $0x3  }
0x92: {  	_ =	strace s18  }
0x93: {  	s3 =	sld [smem:$0x3FFC];
	_ =	sdelay $0x3  }
0x94: {  	_ =	strace s3  }
0x95: {  	s3 =	sld [smem:$0x3FFD];
	_ =	sdelay $0x3  }
0x96: {  	_ =	strace s3  }
0x97: {  	_ =	strace $0x8FFFFFFF  }
0x98: {  	s19 =	sld [smem:$0x3FDB];
	_ =	sdelay $0x1  }
0x99: {  	s4 =	simm.s32 $_scs_section_size  }
0x9a: {  	s5 =	simm.s32 $_size__tile_overlayer_lowered;
	s6 =	simm.s32 $_tile_overlayer_lowered  }
0x9b: {  	s22 =	simm.s32 $0x1BFF;
	s21 =	sshll.u32 s6, $0x1;
	s3 =	sadd.s32 s4, s19  }
0x9c: {  	s7 =	simm.s32 $0x0;
	s20 =	sshll.u32 s5, $0x1;
	s5 =	sadd.s32 s21, s3  }
0x9d: {  	[timem:s7], [sflag:s22] =	dma.local [hbm:s5], s20  }
0x9e: {  	_ =	swait.ge [sflag:s22], s20  }
0x9f: {  	s4 =	ssub.s32 $0x0, s20;
	[sflag:s22] =	ssyncset.done $0x0  }
0xa0: {  	[sflag:s22] =	ssyncadd.s32 s4;
	_ =	sdelay $0x1  }
0xa1: {  	s23 =	simm.s32 $0x1B8B  }
0xa2: {  	_ =	swait.ge [sflag:s23], $0x1  }
0xa3: {  	[sflag:s23] =	ssyncset.done $0x0  }
0xa4: {  	s25 =	simm.s32 $0x1B8E;
	s24 =	sld [smem:$0x3FFE];
	[sflag:s23] =	ssyncadd.s32 $0xFFFFFFFF  }
0xa5: {  	s26 =	simm.s32 $execute0_lowered;
	[smem:$0x3FD2] =	sst s25  }
0xa6: {  	s5 =	sshll.u32 s26, $0x1;
	_ =	strace $0x80000046;
	[dreg:$0x1] =	wrdreg $0xFFFFFFFF  }
0xa7: {  	s28 =	simm.s32 $_size_execute0_lowered;
	s3 =	sadd.s32 s3, s5;
	[dreg:$0x0] =	wrdreg $0x0  }
0xa8: {  	s5 =	sshll.u32 s28, $0x1;
	[dreg:$0x2] =	wrdreg s3  }
0xa9: {  	[dreg:$0x3] =	wrdreg s5  }
0xaa: {  	[dreg:$0x4] =	wrdreg $0xC0  }
0xab: {  	_ =	task [dreg:s7], $0x5FFFF  }
0xac: {  	[dreg:$0x1] =	wrdreg $0xFFFFFFFF  }
0xad: {  	[dreg:$0x0] =	wrdreg $0x60  }
0xae: {  	[dreg:$0x2] =	wrdreg s2  }
0xaf: {  	[dreg:$0x3] =	wrdreg s24  }
0xb0: {  	[dreg:$0x4] =	wrdreg $0x0  }
0xb1: {  	[dreg:$0x5] =	wrdreg $0x9  }
0xb2: {  	_ =	task.clear_ibuf [dreg:s7], $0x6FFFF;
	_ =	strace $0x90000046  }
0xb3: {  	s29 =	simm.s32 $0x9;
	_ =	strace $0x80000048  }
0xb4: {  	_ =	swait.ge [sflag:s29], $0x1  }
0xb5: {  	[sflag:s29] =	ssyncadd.s32 $0xFFFFFFFF  }
0xb6: {  	_ =	strace $0x90000048  }
0xb7: {  	_ =	sfence  }
0xb8: {  	s30 =	sld [smem:$0x0];
	_ =	sdelay $0x2  }
0xb9: {  	s31 =	sshll.u32 s1, $0xD;
	s1 =	sshrl.u32 s1, $0x2  }
0xba: {  	s3 =	sand.u32 $0x4000, s31;
	s1 =	sadd.s32 s1, s30  }
0xbb: {  	s0 =	sor.u32 s3, s0;
	s1 =	sshll.u32 s1, $0x11  }
0xbc: {  	s0 =	sor.u32 s1, s0  }
0xbd: {  	s0 =	sadd.s32 $0x8F2B, s0  }
0xbe: {  	[sflag:s0] =	ssyncadd.remote.s32 $0x1  }
0xbf: {  	_ =	sfence.sel $0xFFFF  }
0xc0: {  	[dreg:$0x0] =	wrdreg $0xFFFFFFFF;
	(pc) =	sbr.abs _section_cstart, $3  }
0xc1: {  	[dreg:$0x1] =	wrdreg $0xFFFFFFFF  }
0xc2: {  	_ =	task.clear_ibuf [dreg:s7], $0x2FFFF;
	_ =	strace $0x9FFFFFFF  }
0xc3: {  	(tm) =	ssettm $0x7FFFFFFF  }
tec
execute0_lowered:
.L_overlay_start_1:
0x0: {  	(tag) =	ssettag $0x1  }
0x1: {  	s9 =	rddreg [dreg:$0x0]  }
0x2: {  	s6 =	rddreg [dreg:$0x1]  }
0x3: {  	s2 =	rddreg [dreg:$0x2]  }
0x4: {  	s0 =	srdreg.scid;
	s1 =	rddreg [dreg:$0x3]  }
0x5: {  	s3 =	simm.s32 $0x0;
	s13 =	simm.s32 $0x1;
	s4 =	sand.u32 $0x1, s0  }
0x6: {  	s14 =	simm.s32 $0x14000;
	s0 =	stileid.u32;
	s5 =	smul.u32 $0x140000, s4  }
0x7: {  	s15 =	simm.s32 $0x80;
	[smem:$0x7FF] =	sst s3;
	s7 =	smul.u32 $0x14000, s0  }
0x8: {  	s26 =	smul.u32 $0x50000, s0;
	_ =	strace $0x80000047;
	s29 =	ssub.s32 $0x2, s4  }
0x9: {  	s28 =	sshll.u32 s4, $0x4;
	s16 =	sshll.u32 s0, $0x6;
	s31 =	sshrl.u32 s29, $0x1  }
0xa: {  	s16 =	sor.u32 $0x1C01, s16;
	s5 =	sadd.s32 s7, s5;
	s30 =	sshrl.u32 s26, $0x2  }
0xb: {  	s12 =	ssub.s32 s29, s31;
	s5 =	sshrl.u32 s5, $0x3;
	s4 =	sadd.s32 s30, s2  }
0xc: {  	s10 =	sadd.s32 s5, s6;
	s5 =	sor.u32 s0, s28;
	s6 =	sadd.s32 $0x8000, s4  }
0xd: {  	s7 =	sadd.s32 $0xC000, s4;
	s8 =	sadd.s32 $0x10000, s4;
	s11 =	smul.u32 $0x500, s5  }
0xe: {  	s17 =	sshrl.u32 s4, $0x3;
	s5 =	sadd.s32 $0x4000, s4;
	s10 =	sadd.s32 $0xD800, s10  }
0xf: {  	v0 =	vimm.f32 $0.0e+00;
	v1 =	vimm.f32 $1.000000000e+00;
	s9 =	sadd.s32 s9, s11;
	s11 =	smax.u32 s12, $0x1;
	s12 =	simm.s32 $0x16800  }
.LBB2_1:
0x10: {  	s18 =	simm.s32 $0x0;
	s19 =	simm.s32 $0x200  }
.LBB2_2:
0x11: {  	p0 =	sne.s32 s19, $0xFE00;
	[tilespmem:s18+$0x16870] =	vst v0  }
0x12: {  	[tilespmem:s18+$0x16800] =	vst v0  }
0x13: {  	[tilespmem:s18+$0x16810] =	vst v0  }
.Ltmp0:
0x14: {  	[tilespmem:s18+$0x16820] =	vst v0;
	(pc) =	sbr.rel @p0 .LBB2_2-.Ltmp0, $4  }
0x15: {  	[tilespmem:s18+$0x16830] =	vst v0  }
0x16: {  	[tilespmem:s18+$0x16840] =	vst v0  }
0x17: {  	[tilespmem:s18+$0x16850] =	vst v0  }
0x18: {  	[tilespmem:s18+$0x16860] =	vst v0;
	s18 =	sshra.s32 s19, $0x2;
	s19 =	sadd.s32 $0x200, s19  }
0x19: {  	[tilespmem:s18+$0x16870] =	vst v0  }
0x1a: {  	[tilespmem:s18+$0x16800] =	vst v0  }
0x1b: {  	[tilespmem:s18+$0x16810] =	vst v0  }
0x1c: {  	[tilespmem:s18+$0x16820] =	vst v0  }
0x1d: {  	[tilespmem:s18+$0x16830] =	vst v0  }
0x1e: {  	[tilespmem:s18+$0x16840] =	vst v0  }
0x1f: {  	[tilespmem:s18+$0x16850] =	vst v0  }
0x20: {  	[tilespmem:s18+$0x16860] =	vst v0  }
0x21: {  	[spmem:s4] =	stream.linear.scatter [tilespmem:s12], [sflag:$0x1], $0x4000, $0x38;
	[tilespmem:$0x1A800] =	vst v63  }
0x22: {  	_ =	swait.ge [sflag:s13], $0x4000  }
0x23: {  	[sflag:s13] =	ssyncset.done $0x0  }
0x24: {  	[sflag:s13] =	ssyncadd.s32 $0xFFFFC000  }
0x25: {  	[spmem:s5] =	stream.linear.scatter [tilespmem:s12], [sflag:$0x1], $0x4000, $0x38;
	[tilespmem:$0x1A800] =	vst v63  }
0x26: {  	_ =	swait.ge [sflag:s13], $0x4000  }
0x27: {  	[sflag:s13] =	ssyncset.done $0x0  }
0x28: {  	[sflag:s13] =	ssyncadd.s32 $0xFFFFC000  }
0x29: {  	[spmem:s6] =	stream.linear.scatter [tilespmem:s12], [sflag:$0x1], $0x4000, $0x38;
	[tilespmem:$0x1A800] =	vst v63  }
0x2a: {  	_ =	swait.ge [sflag:s13], $0x4000  }
0x2b: {  	[sflag:s13] =	ssyncset.done $0x0  }
0x2c: {  	[sflag:s13] =	ssyncadd.s32 $0xFFFFC000  }
0x2d: {  	[spmem:s7] =	stream.linear.scatter [tilespmem:s12], [sflag:$0x1], $0x4000, $0x38;
	[tilespmem:$0x1A800] =	vst v63  }
0x2e: {  	_ =	swait.ge [sflag:s13], $0x4000  }
0x2f: {  	[sflag:s13] =	ssyncset.done $0x0  }
0x30: {  	[sflag:s13] =	ssyncadd.s32 $0xFFFFC000  }
0x31: {  	[spmem:s8] =	stream.linear.scatter [tilespmem:s12], [sflag:$0x1], $0x4000, $0x38;
	[tilespmem:$0x1A800] =	vst v63  }
0x32: {  	_ =	swait.ge [sflag:s13], $0x4000  }
0x33: {  	[sflag:s13] =	ssyncset.done $0x0  }
0x34: {  	s18 =	simm.s32 $0x0;
	s19 =	simm.s32 $0x200;
	[sflag:s13] =	ssyncadd.s32 $0xFFFFC000  }
.LBB2_4:
0x35: {  	p0 =	sne.s32 s19, $0xFE00;
	[tilespmem:s18+$0x16870] =	vst v1  }
0x36: {  	[tilespmem:s18+$0x16800] =	vst v1  }
0x37: {  	[tilespmem:s18+$0x16810] =	vst v1  }
.Ltmp1:
0x38: {  	[tilespmem:s18+$0x16820] =	vst v1;
	(pc) =	sbr.rel @p0 .LBB2_4-.Ltmp1, $4  }
0x39: {  	[tilespmem:s18+$0x16830] =	vst v1  }
0x3a: {  	[tilespmem:s18+$0x16840] =	vst v1  }
0x3b: {  	[tilespmem:s18+$0x16850] =	vst v1  }
0x3c: {  	[tilespmem:s18+$0x16860] =	vst v1;
	s18 =	sshra.s32 s19, $0x2;
	s19 =	sadd.s32 $0x200, s19  }
0x3d: {  	[tilespmem:s18+$0x16870] =	vst v1  }
0x3e: {  	[tilespmem:s18+$0x16800] =	vst v1  }
0x3f: {  	[tilespmem:s18+$0x16810] =	vst v1  }
0x40: {  	[tilespmem:s18+$0x16820] =	vst v1  }
0x41: {  	[tilespmem:s18+$0x16830] =	vst v1  }
0x42: {  	[tilespmem:s18+$0x16840] =	vst v1  }
0x43: {  	[tilespmem:s18+$0x16850] =	vst v1  }
0x44: {  	[tilespmem:s18+$0x16860] =	vst v1  }
0x45: {  	s30 =	simm.s32 $0x0;
	[bflag:$0x0] =	sbarrier.arrive $0xFFFF  }
0x46: {  	[tilespmem:s14], [sflag:$0x1] =	stream.linear.gather [hbm4b:s9+s30], $0x2800, $0x38;
	[tilespmem:$0x1A800] =	vst v63  }
0x47: {  	_ =	swait.ge [sflag:s13], $0x2800  }
0x48: {  	[sflag:s13] =	ssyncset.done $0x0  }
0x49: {  	s31 =	simm.s32 $0x14000;
	[sflag:s13] =	ssyncadd.s32 $0xFFFFD800  }
0x4a: {  	[spmem:s2] =	stream.indirect.scatter.add.f32 [tilespmem:s12], [sflag:$0x1], $0x80, s31, s15, $0xb8;
	[tilespmem:$0x1A800] =	vst v63  }
0x4b: {  	s18 =	simm.s32 $0x200;
	_ =	swait.ge [sflag:s13], $0x4000  }
.LBB2_6:
0x4c: {  	s19 =	sshra.s32 s18, $0x2;
	[sflag:s13] =	ssyncset.done $0x0;
	p0 =	sne.s32 s18, $0x9E00  }
.Ltmp2:
0x4d: {  	s19 =	sadd.s32 $0x14000, s19;
	[sflag:s13] =	ssyncadd.s32 $0xFFFFC000;
	(pc) =	sbr.rel @p0 .LBB2_6-.Ltmp2, $3  }
0x4e: {  	[spmem:s2] =	stream.indirect.scatter.add.f32 [tilespmem:s12], [sflag:$0x1], $0x80, s19, s15, $0xb8;
	[tilespmem:$0x1A800] =	vst v63  }
0x4f: {  	s18 =	sadd.s32 $0x200, s18;
	_ =	sdelay $0x1  }
0x50: {  	_ =	swait.ge [sflag:s13], $0x4000  }
0x51: {  	[sflag:s13] =	ssyncset.done $0x0;
	s3 =	sadd.s32 $0x1, s3  }
0x52: {  	[sflag:s13] =	ssyncadd.s32 $0xFFFFC000;
	p0 =	sne.s32 s3, s11  }
.Ltmp3:
0x53: {  	[bflag:$0x0] =	sbarrier.arrive $0xFFFF;
	(pc) =	sbr.rel @p0 .LBB2_1-.Ltmp3, $4  }
0x54: {  	[hbm:s10], [sflag:s16] =	dma.local [spmem:s17], $0x2800  }
0x55: {  	_ =	swait.ge [sflag:s13], $0x2800  }
0x56: {  	[sflag:s13] =	ssyncset.done $0x0  }
0x57: {  	[sflag:s13] =	ssyncadd.s32 $0xFFFFD800  }
0x58: {  	_ =	sfence.sel $0x180000  }
0x59: {  	[bflag:$0x0] =	sbarrier.arrive $0xFFFF  }
0x5a: {  	p0 =	sne.s32 s0, $0x0;
	_ =	strace $0x90000047  }
0x5b: {  	s0 =	sadd.s32 @!p0 $0x100000, s1;
	[bflag:$0x2] =	sbarrier.arrive $0xFFFF  }
0x5c: {  	[sflag:s0] =	ssyncadd.tile.s32 @!p0 $0x1;
	_ =	shalt  }
.Lfunc_end2:
_tile_overlayer_lowered:
.L_overlay_start_2:
0x5d: {  	(tag) =	ssettag $0x2  }
0x5e: {  	s0 =	rddreg [dreg:$0x0];
	s2 =	stileid.u32  }
0x5f: {  	s1 =	rddreg [dreg:$0x1];
	p0 =	sne.s32 s2, $0x0  }
0x60: {  	s3 =	rddreg [dreg:$0x2];
	[bflag:$0x3] =	sbarrier.arrive $0xFFFF;
	s2 =	simm.s32 @!p0 $0x1C01  }
0x61: {  	[timem:s3], [sflag:s2] =	dma.local @!p0 [hbm:s0], s1  }
0x62: {  	s0 =	simm.s32 @!p0 $0x1  }
0x63: {  	_ =	swait.ge @!p0 [sflag:s0], s1  }
0x64: {  	s1 =	ssub.s32 @!p0 $0x0, s1;
	[sflag:s0] =	ssyncset.done @!p0 $0x0  }
0x65: {  	[sflag:s0] =	ssyncadd.s32 @!p0 s1  }
0x66: {  	[bflag:$0x3] =	sbarrier.arrive $0xFFFF  }
0x67: {  	_ =	shalt  }

// kernel: kernel.15.cloned.1.call-start
scs
__scs_entry_jumppad:
0x0: {  	(pc) =	sbr.rel $0x88, $3  }
0x1: {  	(tag) =	ssettag $0x0;
	lr =	simm.s32 $0x1  }
0x2: {  	[smem:$0x3F9B] =	sst lr;
	_ =	strace $0xD0000000  }
0x3: {  	_ = 	snop  }
0x4: {  	_ = 	snop  }
0x5: {  	_ = 	snop  }
0x6: {  	_ = 	snop  }
0x7: {  	_ = 	snop  }
__scs_overlays_trampoline_lowered:
0x8: {  	[smem:$0x3FAA] =	sst s0  }
0x9: {  	[smem:$0x3FAB] =	sst s1  }
0xa: {  	[smem:$0x3FAC] =	sst s2  }
0xb: {  	[smem:$0x3FAD] =	sst s3  }
0xc: {  	[smem:$0x3FAE] =	sst s4  }
0xd: {  	[smem:$0x3FAF] =	sst s5  }
0xe: {  	[smem:$0x3FB0] =	sst s6  }
0xf: {  	[smem:$0x3FB1] =	sst s7  }
0x10: {  	[smem:$0x3FB2] =	sst s8  }
0x11: {  	[smem:$0x3FB3] =	sst s9;
	s0 =	simm.s32 @!p0 $0x0  }
0x12: {  	s1 =	sld [smem:$0x3F99];
	s0 =	simm.s32 @p0 $0x1  }
0x13: {  	[smem:$0x3FB4] =	sst s0;
	s0 =	simm.s32 @!p1 $0x0  }
0x14: {  	s2 =	sld [smem:$0x3F98];
	s0 =	simm.s32 @p1 $0x1  }
0x15: {  	[smem:$0x3FB5] =	sst s0;
	s0 =	simm.s32 @!p2 $0x0  }
0x16: {  	s3 =	sld [smem:$0x3FDB];
	s0 =	simm.s32 @p2 $0x1  }
0x17: {  	s4 =	simm.s32 $0x1BF5;
	[smem:$0x3FB7] =	sst s0  }
0x18: {  	s0 =	sld [smem:$0x3F9A];
	_ =	swait.ge [sflag:s4], $0x0  }
0x19: {  	s7 =	sld [smem:$0x3F9B]  }
0x1a: {  	s8 =	sadd.s32 $0xFFFFE003, lr  }
0x1b: {  	s9 =	sadd.s32 $0xFFFFFEF7, lr;
	s5 =	simm.s32 $0xFFFFFFFF;
	p2 =	slt.u32 s8, $0xFFFFF086  }
0x1c: {  	p1 =	slt.u32 s9, $0xF7A;
	s5 =	simm.s32 @!p2 $0x0  }
0x1d: {  	s5 =	simm.s32 @p1 $0x1;
	p0 =	seq.s32 s7, s2  }
0x1e: {  	s7 =	smul.u32 @!p0 $0xF7A, s2;
	p2 =	seq.s32 @!p0 s5, $0x0  }
0x1f: {  	s9 =	smul.u32 $0xF7A, s1;
	s8 =	simm.s32 @!p0 $0x1BF5;
	p2 =	por !p2, p0  }
0x20: {  	[sflag:s8] =	ssyncset.s32 @!p0 $0xFFFFF086;
	s6 =	sadd.s32 @!p0 s3, s7;
	s7 =	simm.s32 @!p0 $0x108  }
0x21: {  	s3 =	sadd.s32 s3, s9;
	s6 =	sadd.s32 @!p0 $0x88, s6;
	s7 =	simm.s32 @p2 $0x1082  }
0x22: {  	[simem:s7], [sflag:s8] =	dma.local @!p0 [hbm:s6], $0xF7A  }
0x23: {  	s9 =	sor.u32 $0xD0000000, s2;
	s6 =	simm.s32 $0x108;
	_ =	swait.ge @!p0 [sflag:s8], $0x0  }
0x24: {  	s3 =	sadd.s32 $0x88, s3;
	s6 =	simm.s32 @!p1 $0x1082;
	[sflag:s4] =	ssyncset.s32 $0xFFFFF086  }
0x25: {  	[simem:s6], [sflag:s4] =	dma.local [hbm:s3], $0xF7A  }
0x26: {  	[smem:$0x3F9B] =	sst s1;
	(tag) =	ssettag s2;
	_ =	strace s9  }
0x27: {  	s1 =	sld [smem:$0x3FAB]  }
0x28: {  	s2 =	sld [smem:$0x3FAC]  }
0x29: {  	s4 =	sld [smem:$0x3FAE]  }
0x2a: {  	p0 =	seq.s32 s5, $0x0;
	s5 =	sld [smem:$0x3FAF]  }
0x2b: {  	s6 =	sld [smem:$0x3FB0]  }
0x2c: {  	s7 =	sld [smem:$0x3FB1]  }
0x2d: {  	s3 =	simm.s32 $0x108;
	s8 =	sld [smem:$0x3FB2]  }
0x2e: {  	s3 =	simm.s32 @!p0 $0x1082;
	s9 =	sld [smem:$0x3FB3]  }
0x2f: {  	lr =	sadd.s32 s0, s3;
	s0 =	sld [smem:$0x3FAA]  }
0x30: {  	s3 =	sld [smem:$0x3FAD]  }
0x31: {  	[smem:$0x3FB6] =	sst s10  }
0x32: {  	s10 =	sld [smem:$0x3FB4];
	_ =	sdelay $0x3  }
0x33: {  	p0 =	seq.s32 s10, $0x1;
	s10 =	sld [smem:$0x3FB6];
	_ =	sdelay $0x3  }
0x34: {  	[smem:$0x3FB6] =	sst s10  }
0x35: {  	s10 =	sld [smem:$0x3FB5];
	_ =	sdelay $0x3  }
0x36: {  	p1 =	seq.s32 s10, $0x1;
	s10 =	sld [smem:$0x3FB6];
	_ =	sdelay $0x3  }
0x37: {  	[smem:$0x3FB6] =	sst s10  }
0x38: {  	s10 =	sld [smem:$0x3FB7]  }
0x39: {  	_ = 	snop;
	(pc) =	sbr.ind lr, $3  }
0x3a: {  	_ = 	snop  }
0x3b: {  	_ = 	snop  }
0x3c: {  	p2 =	seq.s32 s10, $0x1;
	s10 =	sld [smem:$0x3FB6]  }
0x3d: {  	_ =	shalt  }
0x3e: {  	_ =	shalt  }
0x3f: {  	_ =	shalt  }
0x40: {  	_ =	shalt  }
0x41: {  	_ =	shalt  }
0x42: {  	_ =	shalt  }
0x43: {  	_ =	shalt  }
0x44: {  	_ =	shalt  }
0x45: {  	_ =	shalt  }
0x46: {  	_ =	shalt  }
0x47: {  	_ =	shalt  }
0x48: {  	_ =	shalt  }
0x49: {  	_ =	shalt  }
0x4a: {  	_ =	shalt  }
0x4b: {  	_ =	shalt  }
0x4c: {  	_ =	shalt  }
0x4d: {  	_ =	shalt  }
0x4e: {  	_ =	shalt  }
0x4f: {  	_ =	shalt  }
0x50: {  	_ =	shalt  }
0x51: {  	_ =	shalt  }
0x52: {  	_ =	shalt  }
0x53: {  	_ =	shalt  }
0x54: {  	_ =	shalt  }
0x55: {  	_ =	shalt  }
0x56: {  	_ =	shalt  }
0x57: {  	_ =	shalt  }
0x58: {  	_ =	shalt  }
0x59: {  	_ =	shalt  }
0x5a: {  	_ =	shalt  }
0x5b: {  	_ =	shalt  }
0x5c: {  	_ =	shalt  }
0x5d: {  	_ =	shalt  }
0x5e: {  	_ =	shalt  }
0x5f: {  	_ =	shalt  }
0x60: {  	_ =	shalt  }
0x61: {  	_ =	shalt  }
0x62: {  	_ =	shalt  }
0x63: {  	_ =	shalt  }
0x64: {  	_ =	shalt  }
0x65: {  	_ =	shalt  }
0x66: {  	_ =	shalt  }
0x67: {  	_ =	shalt  }
0x68: {  	_ =	shalt  }
0x69: {  	_ =	shalt  }
0x6a: {  	_ =	shalt  }
0x6b: {  	_ =	shalt  }
0x6c: {  	_ =	shalt  }
0x6d: {  	_ =	shalt  }
0x6e: {  	_ =	shalt  }
0x6f: {  	_ =	shalt  }
0x70: {  	_ =	shalt  }
0x71: {  	_ =	shalt  }
0x72: {  	_ =	shalt  }
0x73: {  	_ =	shalt  }
0x74: {  	_ =	shalt  }
0x75: {  	_ =	shalt  }
0x76: {  	_ =	shalt  }
0x77: {  	_ =	shalt  }
0x78: {  	_ =	shalt  }
0x79: {  	_ =	shalt  }
0x7a: {  	_ =	shalt  }
0x7b: {  	_ =	shalt  }
0x7c: {  	_ =	shalt  }
0x7d: {  	_ =	shalt  }
0x7e: {  	_ =	shalt  }
0x7f: {  	_ =	shalt  }
0x80: {  	_ =	shalt  }
0x81: {  	_ =	shalt  }
0x82: {  	_ =	shalt  }
0x83: {  	_ =	shalt  }
0x84: {  	_ =	shalt  }
0x85: {  	_ =	shalt  }
0x86: {  	_ =	shalt  }
0x87: {  	_ =	shalt  }
.Lfunc_end0:
.L_simem_size_0:
called_computation.1_lowered:
.L_overlay_start_0:
0x88: {  	s2 =	sld [smem:$0x3FD9]  }
0x89: {  	s3 =	sld [smem:$0x3FFE];
	_ =	sdelay $0x1  }
0x8a: {  	s1 =	srdreg.scid  }
0x8b: {  	s0 =	sand.u32 $0x1, s1  }
0x8c: {  	s17 =	sshll.u32 s0, $0xA;
	s2 =	sadd.s32 s3, s2  }
0x8d: {  	s2 =	sadd.s32 s2, s17  }
0x8e: {  	[smem:$0x3FC2] =	sst s2  }
0x8f: {  	_ = 	snop  }
0x90: {  	s2 =	sld [smem:$0x3FD0];
	(tm) =	ssettm $0x1  }
0x91: {  	s18 =	sld [smem:$0x3FFB];
	_ =	sdelay $0x3  }
0x92: {  	_ =	strace s18  }
0x93: {  	s3 =	sld [smem:$0x3FFC];
	_ =	sdelay $0x3  }
0x94: {  	_ =	strace s3  }
0x95: {  	s3 =	sld [smem:$0x3FFD];
	_ =	sdelay $0x3  }
0x96: {  	_ =	strace s3  }
0x97: {  	_ =	strace $0x8FFFFFFF  }
0x98: {  	s19 =	sld [smem:$0x3FDB];
	_ =	sdelay $0x1  }
0x99: {  	s4 =	simm.s32 $_scs_section_size  }
0x9a: {  	s5 =	simm.s32 $_size__tile_overlayer_lowered;
	s6 =	simm.s32 $_tile_overlayer_lowered  }
0x9b: {  	s22 =	simm.s32 $0x1BFF;
	s21 =	sshll.u32 s6, $0x1;
	s3 =	sadd.s32 s4, s19  }
0x9c: {  	s7 =	simm.s32 $0x0;
	s20 =	sshll.u32 s5, $0x1;
	s5 =	sadd.s32 s21, s3  }
0x9d: {  	[timem:s7], [sflag:s22] =	dma.local [hbm:s5], s20  }
0x9e: {  	_ =	swait.ge [sflag:s22], s20  }
0x9f: {  	s4 =	ssub.s32 $0x0, s20;
	[sflag:s22] =	ssyncset.done $0x0  }
0xa0: {  	[sflag:s22] =	ssyncadd.s32 s4;
	_ =	sdelay $0x1  }
0xa1: {  	s23 =	simm.s32 $0x1B8B  }
0xa2: {  	_ =	swait.ge [sflag:s23], $0x1  }
0xa3: {  	[sflag:s23] =	ssyncset.done $0x0  }
0xa4: {  	s25 =	simm.s32 $0x1B8E;
	s24 =	sld [smem:$0x3FFE];
	[sflag:s23] =	ssyncadd.s32 $0xFFFFFFFF  }
0xa5: {  	s26 =	simm.s32 $execute0_lowered;
	[smem:$0x3FD2] =	sst s25  }
0xa6: {  	s5 =	sshll.u32 s26, $0x1;
	_ =	strace $0x80000049;
	[dreg:$0x1] =	wrdreg $0xFFFFFFFF  }
0xa7: {  	s28 =	simm.s32 $_size_execute0_lowered;
	s3 =	sadd.s32 s3, s5;
	[dreg:$0x0] =	wrdreg $0x0  }
0xa8: {  	s5 =	sshll.u32 s28, $0x1;
	[dreg:$0x2] =	wrdreg s3  }
0xa9: {  	[dreg:$0x3] =	wrdreg s5  }
0xaa: {  	[dreg:$0x4] =	wrdreg $0xC0  }
0xab: {  	_ =	task [dreg:s7], $0x5FFFF  }
0xac: {  	[dreg:$0x1] =	wrdreg $0xFFFFFFFF  }
0xad: {  	[dreg:$0x0] =	wrdreg $0x60  }
0xae: {  	[dreg:$0x2] =	wrdreg s24  }
0xaf: {  	[dreg:$0x3] =	wrdreg s2  }
0xb0: {  	[dreg:$0x4] =	wrdreg $0x0  }
0xb1: {  	[dreg:$0x5] =	wrdreg $0x9  }
0xb2: {  	_ =	task.clear_ibuf [dreg:s7], $0x6FFFF;
	_ =	strace $0x90000049  }
0xb3: {  	s29 =	simm.s32 $0x9;
	_ =	strace $0x8000004B  }
0xb4: {  	_ =	swait.ge [sflag:s29], $0x1  }
0xb5: {  	[sflag:s29] =	ssyncadd.s32 $0xFFFFFFFF  }
0xb6: {  	_ =	strace $0x9000004B  }
0xb7: {  	_ =	sfence  }
0xb8: {  	s30 =	sld [smem:$0x0];
	_ =	sdelay $0x2  }
0xb9: {  	s31 =	sshll.u32 s1, $0xD;
	s1 =	sshrl.u32 s1, $0x2  }
0xba: {  	s3 =	sand.u32 $0x4000, s31;
	s1 =	sadd.s32 s1, s30  }
0xbb: {  	s0 =	sor.u32 s3, s0;
	s1 =	sshll.u32 s1, $0x11  }
0xbc: {  	s0 =	sor.u32 s1, s0  }
0xbd: {  	s0 =	sadd.s32 $0x8F2B, s0  }
0xbe: {  	[sflag:s0] =	ssyncadd.remote.s32 $0x1  }
0xbf: {  	_ =	sfence.sel $0xFFFF  }
0xc0: {  	[dreg:$0x0] =	wrdreg $0xFFFFFFFF;
	(pc) =	sbr.abs _section_cstart, $3  }
0xc1: {  	[dreg:$0x1] =	wrdreg $0xFFFFFFFF  }
0xc2: {  	_ =	task.clear_ibuf [dreg:s7], $0x2FFFF;
	_ =	strace $0x9FFFFFFF  }
0xc3: {  	(tm) =	ssettm $0x7FFFFFFF  }
tec
execute0_lowered:
.L_overlay_start_1:
0x0: {  	(tag) =	ssettag $0x1  }
0x1: {  	s5 =	rddreg [dreg:$0x0]  }
0x2: {  	s12 =	rddreg [dreg:$0x1]  }
0x3: {  	s1 =	rddreg [dreg:$0x2];
	s2 =	srdreg.scid  }
0x4: {  	s3 =	simm.s32 $0x0;
	s0 =	stileid.u32;
	s19 =	simm.s32 $0x1A900  }
0x5: {  	s20 =	simm.s32 $0x16900;
	s21 =	simm.s32 $0x14000;
	s22 =	simm.s32 $0x16800  }
0x6: {  	s23 =	simm.s32 $0x1;
	s28 =	simm.s32 $0x16780;
	s7 =	smul.u32 $0x14000, s0  }
0x7: {  	s29 =	simm.s32 $0x0;
	s8 =	sand.u32 $0x1, s2;
	s25 =	smul.u32 $0x50000, s0  }
0x8: {  	[smem:$0x7FF] =	sst s3;
	s14 =	sadd.s32 $0x3800, s5;
	s18 =	smul.u32 $0x500, s0  }
0x9: {  	s6 =	smul.u32 $0x140000, s8;
	s4 =	sshll.u32 s8, $0x4;
	_ =	strace $0x8000004A  }
0xa: {  	s24 =	ssub.s32 $0x2, s8;
	s17 =	smul.u32 $0x5000, s8;
	s9 =	sor.u32 s0, s4  }
0xb: {  	s4 =	sadd.s32 $0xD800, s5;
	s26 =	sshrl.u32 s24, $0x1;
	s30 =	sshrl.u32 s25, $0x2  }
0xc: {  	s25 =	simm.s32 $0x2;
	s6 =	sadd.s32 s7, s6;
	s13 =	smul.u32 $0x500, s9  }
0xd: {  	s16 =	ssub.s32 s24, s26;
	s7 =	sadd.s32 s30, s1;
	s24 =	simm.s32 $0x3  }
0xe: {  	s26 =	simm.s32 $0x16700;
	s6 =	sshrl.u32 s6, $0x3;
	s8 =	sadd.s32 $0x4000, s7  }
0xf: {  	s9 =	sadd.s32 $0x8000, s7;
	s10 =	sadd.s32 $0xC000, s7;
	s11 =	sadd.s32 $0x10000, s7  }
0x10: {  	s15 =	sadd.s32 s6, s5;
	s5 =	sadd.s32 s14, s13;
	s14 =	sadd.s32 s17, s14  }
0x11: {  	s12 =	sadd.s32 s12, s13;
	s17 =	simm.s32 $0x4;
	s6 =	sadd.s32 $0x10, s5  }
0x12: {  	s13 =	sadd.s32 $0x35800, s15;
	s31 =	sadd.s32 s18, s14;
	s14 =	smax.u32 s16, $0x1  }
0x13: {  	v0 =	vimm.f32 $0.0e+00;
	s16 =	simm.s32 $0x16880;
	s18 =	simm.s32 $0x80;
	s15 =	sadd.s32 $0x30, s31  }
.LBB2_1:
0x14: {  	s30 =	simm.s32 $0x0;
	s31 =	simm.s32 $0x200  }
.LBB2_2:
0x15: {  	p0 =	sne.s32 s31, $0xFE00;
	[tilespmem:s30+$0x16970] =	vst v0  }
0x16: {  	[tilespmem:s30+$0x16900] =	vst v0  }
0x17: {  	[tilespmem:s30+$0x16910] =	vst v0  }
.Ltmp0:
0x18: {  	[tilespmem:s30+$0x16920] =	vst v0;
	(pc) =	sbr.rel @p0 .LBB2_2-.Ltmp0, $4  }
0x19: {  	[tilespmem:s30+$0x16930] =	vst v0  }
0x1a: {  	[tilespmem:s30+$0x16940] =	vst v0  }
0x1b: {  	[tilespmem:s30+$0x16950] =	vst v0  }
0x1c: {  	[tilespmem:s30+$0x16960] =	vst v0;
	s30 =	sshra.s32 s31, $0x2;
	s31 =	sadd.s32 $0x200, s31  }
0x1d: {  	[tilespmem:s30+$0x16970] =	vst v0  }
0x1e: {  	[tilespmem:s30+$0x16900] =	vst v0  }
0x1f: {  	[tilespmem:s30+$0x16910] =	vst v0  }
0x20: {  	[tilespmem:s30+$0x16920] =	vst v0  }
0x21: {  	[tilespmem:s30+$0x16930] =	vst v0  }
0x22: {  	[tilespmem:s30+$0x16940] =	vst v0  }
0x23: {  	[tilespmem:s30+$0x16950] =	vst v0  }
0x24: {  	[tilespmem:s30+$0x16960] =	vst v0;
	s30 =	simm.s32 $0x0  }
0x25: {  	[tilespmem:s16], [sflag:$0x4] =	stream.linear.gather [hbm4b:s6+s30], $0x80, $0x38;
	[tilespmem:$0x1E900] =	vst v63  }
0x26: {  	_ =	swait.ge [sflag:s17], $0x80  }
0x27: {  	[sflag:s17] =	ssyncset.done $0x0  }
0x28: {  	[sflag:s17] =	ssyncadd.s32 $0xFFFFFF80  }
0x29: {  	[tilespmem:s19], [sflag:$0x2] =	stream.indirect.gather [hbm4b:s4+s18], $0x80, s16, s18, $0xb8;
	[tilespmem:$0x1E900] =	vst v63  }
0x2a: {  	_ = 	snop  }
0x2b: {  	[spmem:s7] =	stream.linear.scatter [tilespmem:s20], [sflag:$0x4], $0x4000, $0x38;
	[tilespmem:$0x1E900] =	vst v63  }
0x2c: {  	_ =	swait.ge [sflag:s17], $0x4000  }
0x2d: {  	[sflag:s17] =	ssyncset.done $0x0  }
0x2e: {  	[sflag:s17] =	ssyncadd.s32 $0xFFFFC000  }
0x2f: {  	[spmem:s8] =	stream.linear.scatter [tilespmem:s20], [sflag:$0x4], $0x4000, $0x38;
	[tilespmem:$0x1E900] =	vst v63  }
0x30: {  	_ =	swait.ge [sflag:s17], $0x4000  }
0x31: {  	[sflag:s17] =	ssyncset.done $0x0  }
0x32: {  	[sflag:s17] =	ssyncadd.s32 $0xFFFFC000  }
0x33: {  	[spmem:s9] =	stream.linear.scatter [tilespmem:s20], [sflag:$0x4], $0x4000, $0x38;
	[tilespmem:$0x1E900] =	vst v63  }
0x34: {  	_ =	swait.ge [sflag:s17], $0x4000  }
0x35: {  	[sflag:s17] =	ssyncset.done $0x0  }
0x36: {  	[sflag:s17] =	ssyncadd.s32 $0xFFFFC000  }
0x37: {  	[spmem:s10] =	stream.linear.scatter [tilespmem:s20], [sflag:$0x4], $0x4000, $0x38;
	[tilespmem:$0x1E900] =	vst v63  }
0x38: {  	_ =	swait.ge [sflag:s17], $0x4000  }
0x39: {  	[sflag:s17] =	ssyncset.done $0x0  }
0x3a: {  	[sflag:s17] =	ssyncadd.s32 $0xFFFFC000  }
0x3b: {  	[spmem:s11] =	stream.linear.scatter [tilespmem:s20], [sflag:$0x4], $0x4000, $0x38;
	[tilespmem:$0x1E900] =	vst v63  }
0x3c: {  	_ =	swait.ge [sflag:s17], $0x4000  }
0x3d: {  	[sflag:s17] =	ssyncset.done $0x0  }
0x3e: {  	[sflag:s17] =	ssyncadd.s32 $0xFFFFC000  }
0x3f: {  	[tilespmem:s21], [sflag:$0x4] =	stream.linear.gather [hbm4b:s12+s30], $0x2800, $0x38;
	[tilespmem:$0x1E900] =	vst v63  }
0x40: {  	_ =	swait.ge [sflag:s17], $0x2800  }
0x41: {  	[sflag:s17] =	ssyncset.done $0x0  }
0x42: {  	[sflag:s17] =	ssyncadd.s32 $0xFFFFD800  }
0x43: {  	[tilespmem:s22], [sflag:$0x4] =	stream.linear.gather [hbm4b:s5+s30], $0x80, $0x38;
	[tilespmem:$0x1E900] =	vst v63  }
0x44: {  	_ =	swait.ge [sflag:s17], $0x80  }
0x45: {  	[sflag:s17] =	ssyncset.done $0x0  }
0x46: {  	[sflag:s17] =	ssyncadd.s32 $0xFFFFFF80  }
0x47: {  	[tilespmem:s20], [sflag:$0x1] =	stream.indirect.gather [hbm4b:s4+s18], $0x80, s22, s18, $0xb8;
	[tilespmem:$0x1E900] =	vst v63  }
0x48: {  	[bflag:$0x0] =	sbarrier.arrive $0xFFFF  }
0x49: {  	_ =	swait.ge [sflag:s23], $0x4000  }
0x4a: {  	[sflag:s23] =	ssyncset.done $0x0  }
0x4b: {  	s30 =	sadd.s32 $0xFFFFFFF0, s15;
	[sflag:s23] =	ssyncadd.s32 $0xFFFFC000  }
0x4c: {  	[tilespmem:s22], [sflag:$0x3] =	stream.linear.gather [hbm4b:s30+s3], $0x80, $0x38;
	[tilespmem:$0x1E900] =	vst v63  }
0x4d: {  	s30 =	simm.s32 $0x14000  }
0x4e: {  	[spmem:s1] =	stream.indirect.scatter.add.f32 [tilespmem:s20], [sflag:$0x4], $0x80, s30, s18, $0xb8;
	[tilespmem:$0x1E900] =	vst v63  }
0x4f: {  	_ =	swait.ge [sflag:s17], $0x4000  }
0x50: {  	[sflag:s17] =	ssyncset.done $0x0  }
0x51: {  	[sflag:s17] =	ssyncadd.s32 $0xFFFFC000  }
0x52: {  	_ =	swait.ge [sflag:s24], $0x80  }
0x53: {  	[sflag:s24] =	ssyncset.done $0x0  }
0x54: {  	[sflag:s24] =	ssyncadd.s32 $0xFFFFFF80  }
0x55: {  	[tilespmem:s20], [sflag:$0x1] =	stream.indirect.gather [hbm4b:s4+s18], $0x80, s22, s18, $0xb8;
	[tilespmem:$0x1E900] =	vst v63  }
0x56: {  	_ =	swait.ge [sflag:s25], $0x4000  }
0x57: {  	[sflag:s25] =	ssyncset.done $0x0  }
0x58: {  	[sflag:s25] =	ssyncadd.s32 $0xFFFFC000  }
0x59: {  	[tilespmem:s16], [sflag:$0x3] =	stream.linear.gather [hbm4b:s15+s3], $0x80, $0x38;
	[tilespmem:$0x1E900] =	vst v63  }
0x5a: {  	s30 =	simm.s32 $0x14080  }
0x5b: {  	[spmem:s1] =	stream.indirect.scatter.add.f32 [tilespmem:s19], [sflag:$0x4], $0x80, s30, s18, $0xb8;
	[tilespmem:$0x1E900] =	vst v63  }
0x5c: {  	_ =	swait.ge [sflag:s17], $0x4000  }
0x5d: {  	[sflag:s17] =	ssyncset.done $0x0  }
0x5e: {  	[sflag:s17] =	ssyncadd.s32 $0xFFFFC000  }
0x5f: {  	_ =	swait.ge [sflag:s24], $0x80  }
0x60: {  	[sflag:s24] =	ssyncset.done $0x0  }
0x61: {  	s31 =	sadd.s32 $0x20, s15;
	s30 =	simm.s32 $0x400;
	[sflag:s24] =	ssyncadd.s32 $0xFFFFFF80  }
.LBB2_4:
0x62: {  	[tilespmem:s19], [sflag:$0x2] =	stream.indirect.gather [hbm4b:s4+s18], $0x80, s16, s18, $0xb8;
	[tilespmem:$0x1E900] =	vst v63  }
0x63: {  	s0 =	smov.u32 s30  }
0x64: {  	p0 =	sne.s32 s30, $0x9800;
	s30 =	sadd.s32 $0x400, s30;
	_ =	swait.ge [sflag:s23], $0x4000  }
0x65: {  	[sflag:s23] =	ssyncset.done $0x0  }
0x66: {  	s2 =	sadd.s32 $0xFFFFFFF0, s31;
	s0 =	sshra.s32 s0, $0x2;
	[sflag:s23] =	ssyncadd.s32 $0xFFFFC000  }
0x67: {  	[tilespmem:s22], [sflag:$0x3] =	stream.linear.gather [hbm4b:s2+s3], $0x80, $0x38;
	[tilespmem:$0x1E900] =	vst v63  }
0x68: {  	s2 =	sadd.s32 $0x14000, s0  }
0x69: {  	[spmem:s1] =	stream.indirect.scatter.add.f32 [tilespmem:s20], [sflag:$0x4], $0x80, s2, s18, $0xb8;
	[tilespmem:$0x1E900] =	vst v63  }
0x6a: {  	_ =	swait.ge [sflag:s17], $0x4000  }
0x6b: {  	[sflag:s17] =	ssyncset.done $0x0  }
0x6c: {  	[sflag:s17] =	ssyncadd.s32 $0xFFFFC000  }
0x6d: {  	_ =	swait.ge [sflag:s24], $0x80  }
0x6e: {  	[sflag:s24] =	ssyncset.done $0x0  }
0x6f: {  	[sflag:s24] =	ssyncadd.s32 $0xFFFFFF80  }
0x70: {  	[tilespmem:s20], [sflag:$0x1] =	stream.indirect.gather [hbm4b:s4+s18], $0x80, s22, s18, $0xb8;
	[tilespmem:$0x1E900] =	vst v63  }
0x71: {  	_ =	swait.ge [sflag:s25], $0x4000  }
0x72: {  	[sflag:s25] =	ssyncset.done $0x0  }
0x73: {  	[sflag:s25] =	ssyncadd.s32 $0xFFFFC000  }
0x74: {  	[tilespmem:s16], [sflag:$0x3] =	stream.linear.gather [hbm4b:s31+s3], $0x80, $0x38;
	[tilespmem:$0x1E900] =	vst v63  }
0x75: {  	s0 =	sadd.s32 $0x14080, s0  }
0x76: {  	[spmem:s1] =	stream.indirect.scatter.add.f32 [tilespmem:s19], [sflag:$0x4], $0x80, s0, s18, $0xb8;
	[tilespmem:$0x1E900] =	vst v63  }
0x77: {  	_ =	swait.ge [sflag:s17], $0x4000  }
.Ltmp1:
0x78: {  	[sflag:s17] =	ssyncset.done $0x0;
	(pc) =	sbr.rel @p0 .LBB2_4-.Ltmp1, $4  }
0x79: {  	[sflag:s17] =	ssyncadd.s32 $0xFFFFC000  }
0x7a: {  	_ =	swait.ge [sflag:s24], $0x80  }
0x7b: {  	[sflag:s24] =	ssyncset.done $0x0  }
0x7c: {  	s31 =	sadd.s32 $0x20, s31;
	[sflag:s24] =	ssyncadd.s32 $0xFFFFFF80  }
0x7d: {  	[tilespmem:s19], [sflag:$0x2] =	stream.indirect.gather [hbm4b:s4+s18], $0x80, s16, s18, $0xb8;
	[tilespmem:$0x1E900] =	vst v63  }
0x7e: {  	_ =	swait.ge [sflag:s23], $0x4000  }
0x7f: {  	[sflag:s23] =	ssyncset.done $0x0  }
0x80: {  	[sflag:s23] =	ssyncadd.s32 $0xFFFFC000  }
0x81: {  	[spmem:s1] =	stream.indirect.scatter.add.f32 [tilespmem:s20], [sflag:$0x4], $0x80, s26, s18, $0xb8;
	[tilespmem:$0x1E900] =	vst v63  }
0x82: {  	_ =	swait.ge [sflag:s17], $0x4000  }
0x83: {  	[sflag:s17] =	ssyncset.done $0x0  }
0x84: {  	[sflag:s17] =	ssyncadd.s32 $0xFFFFC000  }
0x85: {  	_ =	swait.ge [sflag:s25], $0x4000  }
0x86: {  	[sflag:s25] =	ssyncset.done $0x0  }
0x87: {  	[sflag:s25] =	ssyncadd.s32 $0xFFFFC000  }
0x88: {  	[spmem:s1] =	stream.indirect.scatter.add.f32 [tilespmem:s19], [sflag:$0x4], $0x80, s28, s18, $0xb8;
	[tilespmem:$0x1E900] =	vst v63  }
0x89: {  	s0 =	stileid.u32;
	_ =	swait.ge [sflag:s17], $0x4000  }
0x8a: {  	s2 =	sshrl.u32 s7, $0x3;
	s29 =	sadd.s32 $0x1, s29;
	[sflag:s17] =	ssyncset.done $0x0  }
0x8b: {  	s0 =	sshll.u32 s0, $0x6;
	p0 =	sne.s32 s29, s14;
	[sflag:s17] =	ssyncadd.s32 $0xFFFFC000  }
.Ltmp2:
0x8c: {  	s0 =	sor.u32 $0x1C04, s0;
	[bflag:$0x0] =	sbarrier.arrive $0xFFFF;
	(pc) =	sbr.rel @p0 .LBB2_1-.Ltmp2, $4  }
0x8d: {  	[hbm:s13], [sflag:s0] =	dma.local [spmem:s2], $0x2800  }
0x8e: {  	_ =	swait.ge [sflag:s17], $0x2800  }
0x8f: {  	[sflag:s17] =	ssyncset.done $0x0  }
0x90: {  	[sflag:s17] =	ssyncadd.s32 $0xFFFFD800  }
0x91: {  	_ =	sfence.sel $0x180000  }
0x92: {  	[bflag:$0x0] =	sbarrier.arrive $0xFFFF  }
0x93: {  	_ =	strace $0x9000004A  }
0x94: {  	s0 =	stileid.u32;
	[bflag:$0x2] =	sbarrier.arrive $0xFFFF  }
0x95: {  	p0 =	sne.s32 s0, $0x0;
	s0 =	rddreg [dreg:$0x3]  }
0x96: {  	s0 =	sadd.s32 @!p0 $0x100000, s0  }
0x97: {  	[sflag:s0] =	ssyncadd.tile.s32 @!p0 $0x1;
	_ =	shalt  }
.Lfunc_end2:
_tile_overlayer_lowered:
.L_overlay_start_2:
0x98: {  	(tag) =	ssettag $0x2  }
0x99: {  	s0 =	rddreg [dreg:$0x0];
	s2 =	stileid.u32  }
0x9a: {  	s1 =	rddreg [dreg:$0x1];
	p0 =	sne.s32 s2, $0x0  }
0x9b: {  	s3 =	rddreg [dreg:$0x2];
	[bflag:$0x3] =	sbarrier.arrive $0xFFFF;
	s2 =	simm.s32 @!p0 $0x1C04  }
0x9c: {  	[timem:s3], [sflag:s2] =	dma.local @!p0 [hbm:s0], s1  }
0x9d: {  	s0 =	simm.s32 @!p0 $0x4  }
0x9e: {  	_ =	swait.ge @!p0 [sflag:s0], s1  }
0x9f: {  	s1 =	ssub.s32 @!p0 $0x0, s1;
	[sflag:s0] =	ssyncset.done @!p0 $0x0  }
0xa0: {  	[sflag:s0] =	ssyncadd.s32 @!p0 s1  }
0xa1: {  	[bflag:$0x3] =	sbarrier.arrive $0xFFFF  }
0xa2: {  	_ =	shalt  }

// kernel: kernel.18.cloned.1.call-start
scs
__scs_entry_jumppad:
0x0: {  	(pc) =	sbr.rel $0x88, $3  }
0x1: {  	(tag) =	ssettag $0x0;
	lr =	simm.s32 $0x1  }
0x2: {  	[smem:$0x3F9B] =	sst lr;
	_ =	strace $0xD0000000  }
0x3: {  	_ = 	snop  }
0x4: {  	_ = 	snop  }
0x5: {  	_ = 	snop  }
0x6: {  	_ = 	snop  }
0x7: {  	_ = 	snop  }
__scs_overlays_trampoline_lowered:
0x8: {  	[smem:$0x3FAA] =	sst s0  }
0x9: {  	[smem:$0x3FAB] =	sst s1  }
0xa: {  	[smem:$0x3FAC] =	sst s2  }
0xb: {  	[smem:$0x3FAD] =	sst s3  }
0xc: {  	[smem:$0x3FAE] =	sst s4  }
0xd: {  	[smem:$0x3FAF] =	sst s5  }
0xe: {  	[smem:$0x3FB0] =	sst s6  }
0xf: {  	[smem:$0x3FB1] =	sst s7  }
0x10: {  	[smem:$0x3FB2] =	sst s8  }
0x11: {  	[smem:$0x3FB3] =	sst s9;
	s0 =	simm.s32 @!p0 $0x0  }
0x12: {  	s1 =	sld [smem:$0x3F99];
	s0 =	simm.s32 @p0 $0x1  }
0x13: {  	[smem:$0x3FB4] =	sst s0;
	s0 =	simm.s32 @!p1 $0x0  }
0x14: {  	s2 =	sld [smem:$0x3F98];
	s0 =	simm.s32 @p1 $0x1  }
0x15: {  	[smem:$0x3FB5] =	sst s0;
	s0 =	simm.s32 @!p2 $0x0  }
0x16: {  	s3 =	sld [smem:$0x3FDB];
	s0 =	simm.s32 @p2 $0x1  }
0x17: {  	s4 =	simm.s32 $0x1BF5;
	[smem:$0x3FB7] =	sst s0  }
0x18: {  	s0 =	sld [smem:$0x3F9A];
	_ =	swait.ge [sflag:s4], $0x0  }
0x19: {  	s7 =	sld [smem:$0x3F9B]  }
0x1a: {  	s8 =	sadd.s32 $0xFFFFE003, lr  }
0x1b: {  	s9 =	sadd.s32 $0xFFFFFEF7, lr;
	s5 =	simm.s32 $0xFFFFFFFF;
	p2 =	slt.u32 s8, $0xFFFFF086  }
0x1c: {  	p1 =	slt.u32 s9, $0xF7A;
	s5 =	simm.s32 @!p2 $0x0  }
0x1d: {  	s5 =	simm.s32 @p1 $0x1;
	p0 =	seq.s32 s7, s2  }
0x1e: {  	s7 =	smul.u32 @!p0 $0xF7A, s2;
	p2 =	seq.s32 @!p0 s5, $0x0  }
0x1f: {  	s9 =	smul.u32 $0xF7A, s1;
	s8 =	simm.s32 @!p0 $0x1BF5;
	p2 =	por !p2, p0  }
0x20: {  	[sflag:s8] =	ssyncset.s32 @!p0 $0xFFFFF086;
	s6 =	sadd.s32 @!p0 s3, s7;
	s7 =	simm.s32 @!p0 $0x108  }
0x21: {  	s3 =	sadd.s32 s3, s9;
	s6 =	sadd.s32 @!p0 $0x88, s6;
	s7 =	simm.s32 @p2 $0x1082  }
0x22: {  	[simem:s7], [sflag:s8] =	dma.local @!p0 [hbm:s6], $0xF7A  }
0x23: {  	s9 =	sor.u32 $0xD0000000, s2;
	s6 =	simm.s32 $0x108;
	_ =	swait.ge @!p0 [sflag:s8], $0x0  }
0x24: {  	s3 =	sadd.s32 $0x88, s3;
	s6 =	simm.s32 @!p1 $0x1082;
	[sflag:s4] =	ssyncset.s32 $0xFFFFF086  }
0x25: {  	[simem:s6], [sflag:s4] =	dma.local [hbm:s3], $0xF7A  }
0x26: {  	[smem:$0x3F9B] =	sst s1;
	(tag) =	ssettag s2;
	_ =	strace s9  }
0x27: {  	s1 =	sld [smem:$0x3FAB]  }
0x28: {  	s2 =	sld [smem:$0x3FAC]  }
0x29: {  	s4 =	sld [smem:$0x3FAE]  }
0x2a: {  	p0 =	seq.s32 s5, $0x0;
	s5 =	sld [smem:$0x3FAF]  }
0x2b: {  	s6 =	sld [smem:$0x3FB0]  }
0x2c: {  	s7 =	sld [smem:$0x3FB1]  }
0x2d: {  	s3 =	simm.s32 $0x108;
	s8 =	sld [smem:$0x3FB2]  }
0x2e: {  	s3 =	simm.s32 @!p0 $0x1082;
	s9 =	sld [smem:$0x3FB3]  }
0x2f: {  	lr =	sadd.s32 s0, s3;
	s0 =	sld [smem:$0x3FAA]  }
0x30: {  	s3 =	sld [smem:$0x3FAD]  }
0x31: {  	[smem:$0x3FB6] =	sst s10  }
0x32: {  	s10 =	sld [smem:$0x3FB4];
	_ =	sdelay $0x3  }
0x33: {  	p0 =	seq.s32 s10, $0x1;
	s10 =	sld [smem:$0x3FB6];
	_ =	sdelay $0x3  }
0x34: {  	[smem:$0x3FB6] =	sst s10  }
0x35: {  	s10 =	sld [smem:$0x3FB5];
	_ =	sdelay $0x3  }
0x36: {  	p1 =	seq.s32 s10, $0x1;
	s10 =	sld [smem:$0x3FB6];
	_ =	sdelay $0x3  }
0x37: {  	[smem:$0x3FB6] =	sst s10  }
0x38: {  	s10 =	sld [smem:$0x3FB7]  }
0x39: {  	_ = 	snop;
	(pc) =	sbr.ind lr, $3  }
0x3a: {  	_ = 	snop  }
0x3b: {  	_ = 	snop  }
0x3c: {  	p2 =	seq.s32 s10, $0x1;
	s10 =	sld [smem:$0x3FB6]  }
0x3d: {  	_ =	shalt  }
0x3e: {  	_ =	shalt  }
0x3f: {  	_ =	shalt  }
0x40: {  	_ =	shalt  }
0x41: {  	_ =	shalt  }
0x42: {  	_ =	shalt  }
0x43: {  	_ =	shalt  }
0x44: {  	_ =	shalt  }
0x45: {  	_ =	shalt  }
0x46: {  	_ =	shalt  }
0x47: {  	_ =	shalt  }
0x48: {  	_ =	shalt  }
0x49: {  	_ =	shalt  }
0x4a: {  	_ =	shalt  }
0x4b: {  	_ =	shalt  }
0x4c: {  	_ =	shalt  }
0x4d: {  	_ =	shalt  }
0x4e: {  	_ =	shalt  }
0x4f: {  	_ =	shalt  }
0x50: {  	_ =	shalt  }
0x51: {  	_ =	shalt  }
0x52: {  	_ =	shalt  }
0x53: {  	_ =	shalt  }
0x54: {  	_ =	shalt  }
0x55: {  	_ =	shalt  }
0x56: {  	_ =	shalt  }
0x57: {  	_ =	shalt  }
0x58: {  	_ =	shalt  }
0x59: {  	_ =	shalt  }
0x5a: {  	_ =	shalt  }
0x5b: {  	_ =	shalt  }
0x5c: {  	_ =	shalt  }
0x5d: {  	_ =	shalt  }
0x5e: {  	_ =	shalt  }
0x5f: {  	_ =	shalt  }
0x60: {  	_ =	shalt  }
0x61: {  	_ =	shalt  }
0x62: {  	_ =	shalt  }
0x63: {  	_ =	shalt  }
0x64: {  	_ =	shalt  }
0x65: {  	_ =	shalt  }
0x66: {  	_ =	shalt  }
0x67: {  	_ =	shalt  }
0x68: {  	_ =	shalt  }
0x69: {  	_ =	shalt  }
0x6a: {  	_ =	shalt  }
0x6b: {  	_ =	shalt  }
0x6c: {  	_ =	shalt  }
0x6d: {  	_ =	shalt  }
0x6e: {  	_ =	shalt  }
0x6f: {  	_ =	shalt  }
0x70: {  	_ =	shalt  }
0x71: {  	_ =	shalt  }
0x72: {  	_ =	shalt  }
0x73: {  	_ =	shalt  }
0x74: {  	_ =	shalt  }
0x75: {  	_ =	shalt  }
0x76: {  	_ =	shalt  }
0x77: {  	_ =	shalt  }
0x78: {  	_ =	shalt  }
0x79: {  	_ =	shalt  }
0x7a: {  	_ =	shalt  }
0x7b: {  	_ =	shalt  }
0x7c: {  	_ =	shalt  }
0x7d: {  	_ =	shalt  }
0x7e: {  	_ =	shalt  }
0x7f: {  	_ =	shalt  }
0x80: {  	_ =	shalt  }
0x81: {  	_ =	shalt  }
0x82: {  	_ =	shalt  }
0x83: {  	_ =	shalt  }
0x84: {  	_ =	shalt  }
0x85: {  	_ =	shalt  }
0x86: {  	_ =	shalt  }
0x87: {  	_ =	shalt  }
.Lfunc_end0:
.L_simem_size_0:
called_computation.2_lowered:
.L_overlay_start_0:
0x88: {  	s2 =	sld [smem:$0x3FD9]  }
0x89: {  	s3 =	sld [smem:$0x3FFE];
	_ =	sdelay $0x1  }
0x8a: {  	s1 =	srdreg.scid  }
0x8b: {  	s0 =	sand.u32 $0x1, s1  }
0x8c: {  	s17 =	sshll.u32 s0, $0xA;
	s2 =	sadd.s32 s3, s2  }
0x8d: {  	s2 =	sadd.s32 s2, s17  }
0x8e: {  	[smem:$0x3FC2] =	sst s2  }
0x8f: {  	_ = 	snop  }
0x90: {  	s2 =	sld [smem:$0x3FD0];
	(tm) =	ssettm $0x1  }
0x91: {  	s18 =	sld [smem:$0x3FFB];
	_ =	sdelay $0x3  }
0x92: {  	_ =	strace s18  }
0x93: {  	s3 =	sld [smem:$0x3FFC];
	_ =	sdelay $0x3  }
0x94: {  	_ =	strace s3  }
0x95: {  	s3 =	sld [smem:$0x3FFD];
	_ =	sdelay $0x3  }
0x96: {  	_ =	strace s3  }
0x97: {  	_ =	strace $0x8FFFFFFF  }
0x98: {  	s19 =	sld [smem:$0x3FDB];
	_ =	sdelay $0x1  }
0x99: {  	s4 =	simm.s32 $_scs_section_size  }
0x9a: {  	s5 =	simm.s32 $_size__tile_overlayer_lowered;
	s6 =	simm.s32 $_tile_overlayer_lowered  }
0x9b: {  	s22 =	simm.s32 $0x1BFF;
	s21 =	sshll.u32 s6, $0x1;
	s3 =	sadd.s32 s4, s19  }
0x9c: {  	s7 =	simm.s32 $0x0;
	s20 =	sshll.u32 s5, $0x1;
	s5 =	sadd.s32 s21, s3  }
0x9d: {  	[timem:s7], [sflag:s22] =	dma.local [hbm:s5], s20  }
0x9e: {  	_ =	swait.ge [sflag:s22], s20  }
0x9f: {  	s4 =	ssub.s32 $0x0, s20;
	[sflag:s22] =	ssyncset.done $0x0  }
0xa0: {  	[sflag:s22] =	ssyncadd.s32 s4;
	_ =	sdelay $0x1  }
0xa1: {  	s23 =	simm.s32 $0x1B8B  }
0xa2: {  	_ =	swait.ge [sflag:s23], $0x1  }
0xa3: {  	[sflag:s23] =	ssyncset.done $0x0  }
0xa4: {  	s25 =	simm.s32 $0x1B8E;
	s24 =	sld [smem:$0x3FFE];
	[sflag:s23] =	ssyncadd.s32 $0xFFFFFFFF  }
0xa5: {  	s26 =	simm.s32 $execute0_lowered;
	[smem:$0x3FD2] =	sst s25  }
0xa6: {  	s5 =	sshll.u32 s26, $0x1;
	_ =	strace $0x8000004C;
	[dreg:$0x1] =	wrdreg $0xFFFFFFFF  }
0xa7: {  	s28 =	simm.s32 $_size_execute0_lowered;
	s3 =	sadd.s32 s3, s5;
	[dreg:$0x0] =	wrdreg $0x0  }
0xa8: {  	s5 =	sshll.u32 s28, $0x1;
	[dreg:$0x2] =	wrdreg s3  }
0xa9: {  	[dreg:$0x3] =	wrdreg s5  }
0xaa: {  	[dreg:$0x4] =	wrdreg $0xC0  }
0xab: {  	_ =	task [dreg:s7], $0x5FFFF  }
0xac: {  	[dreg:$0x1] =	wrdreg $0xFFFFFFFF  }
0xad: {  	[dreg:$0x0] =	wrdreg $0x60  }
0xae: {  	[dreg:$0x2] =	wrdreg s24  }
0xaf: {  	[dreg:$0x3] =	wrdreg s2  }
0xb0: {  	[dreg:$0x4] =	wrdreg $0x0  }
0xb1: {  	[dreg:$0x5] =	wrdreg $0x9  }
0xb2: {  	_ =	task.clear_ibuf [dreg:s7], $0x6FFFF;
	_ =	strace $0x9000004C  }
0xb3: {  	s29 =	simm.s32 $0x9;
	_ =	strace $0x8000004E  }
0xb4: {  	_ =	swait.ge [sflag:s29], $0x1  }
0xb5: {  	[sflag:s29] =	ssyncadd.s32 $0xFFFFFFFF  }
0xb6: {  	_ =	strace $0x9000004E  }
0xb7: {  	_ =	sfence  }
0xb8: {  	s30 =	sld [smem:$0x0];
	_ =	sdelay $0x2  }
0xb9: {  	s31 =	sshll.u32 s1, $0xD;
	s1 =	sshrl.u32 s1, $0x2  }
0xba: {  	s3 =	sand.u32 $0x4000, s31;
	s1 =	sadd.s32 s1, s30  }
0xbb: {  	s0 =	sor.u32 s3, s0;
	s1 =	sshll.u32 s1, $0x11  }
0xbc: {  	s0 =	sor.u32 s1, s0  }
0xbd: {  	s0 =	sadd.s32 $0x8F2B, s0  }
0xbe: {  	[sflag:s0] =	ssyncadd.remote.s32 $0x1  }
0xbf: {  	_ =	sfence.sel $0xFFFF  }
0xc0: {  	[dreg:$0x0] =	wrdreg $0xFFFFFFFF;
	(pc) =	sbr.abs _section_cstart, $3  }
0xc1: {  	[dreg:$0x1] =	wrdreg $0xFFFFFFFF  }
0xc2: {  	_ =	task.clear_ibuf [dreg:s7], $0x2FFFF;
	_ =	strace $0x9FFFFFFF  }
0xc3: {  	(tm) =	ssettm $0x7FFFFFFF  }
tec
execute0_lowered:
.L_overlay_start_1:
0x0: {  	(tag) =	ssettag $0x1  }
0x1: {  	s5 =	rddreg [dreg:$0x0]  }
0x2: {  	s12 =	rddreg [dreg:$0x1]  }
0x3: {  	s1 =	rddreg [dreg:$0x2];
	s2 =	srdreg.scid  }
0x4: {  	s3 =	simm.s32 $0x0;
	s0 =	stileid.u32;
	s19 =	simm.s32 $0x1A900  }
0x5: {  	s20 =	simm.s32 $0x16900;
	s21 =	simm.s32 $0x14000;
	s22 =	simm.s32 $0x16800  }
0x6: {  	s23 =	simm.s32 $0x1;
	s28 =	simm.s32 $0x16780;
	s7 =	smul.u32 $0x14000, s0  }
0x7: {  	s29 =	simm.s32 $0x0;
	s8 =	sand.u32 $0x1, s2;
	s25 =	smul.u32 $0x50000, s0  }
0x8: {  	[smem:$0x7FF] =	sst s3;
	s14 =	sadd.s32 $0x3800, s5;
	s18 =	smul.u32 $0x500, s0  }
0x9: {  	s6 =	smul.u32 $0x140000, s8;
	s4 =	sshll.u32 s8, $0x4;
	_ =	strace $0x8000004D  }
0xa: {  	s24 =	ssub.s32 $0x2, s8;
	s17 =	smul.u32 $0x5000, s8;
	s9 =	sor.u32 s0, s4  }
0xb: {  	s4 =	sadd.s32 $0xD800, s5;
	s26 =	sshrl.u32 s24, $0x1;
	s30 =	sshrl.u32 s25, $0x2  }
0xc: {  	s25 =	simm.s32 $0x2;
	s6 =	sadd.s32 s7, s6;
	s13 =	smul.u32 $0x500, s9  }
0xd: {  	s16 =	ssub.s32 s24, s26;
	s7 =	sadd.s32 s30, s1;
	s24 =	simm.s32 $0x3  }
0xe: {  	s26 =	simm.s32 $0x16700;
	s6 =	sshrl.u32 s6, $0x3;
	s8 =	sadd.s32 $0x4000, s7  }
0xf: {  	s9 =	sadd.s32 $0x8000, s7;
	s10 =	sadd.s32 $0xC000, s7;
	s11 =	sadd.s32 $0x10000, s7  }
0x10: {  	s15 =	sadd.s32 s6, s5;
	s5 =	sadd.s32 s14, s13;
	s14 =	sadd.s32 s17, s14  }
0x11: {  	s12 =	sadd.s32 s12, s13;
	s17 =	simm.s32 $0x4;
	s6 =	sadd.s32 $0x10, s5  }
0x12: {  	s13 =	sadd.s32 $0x35800, s15;
	s31 =	sadd.s32 s18, s14;
	s14 =	smax.u32 s16, $0x1  }
0x13: {  	v0 =	vimm.f32 $0.0e+00;
	s16 =	simm.s32 $0x16880;
	s18 =	simm.s32 $0x80;
	s15 =	sadd.s32 $0x30, s31  }
.LBB2_1:
0x14: {  	s30 =	simm.s32 $0x0;
	s31 =	simm.s32 $0x200  }
.LBB2_2:
0x15: {  	p0 =	sne.s32 s31, $0xFE00;
	[tilespmem:s30+$0x16970] =	vst v0  }
0x16: {  	[tilespmem:s30+$0x16900] =	vst v0  }
0x17: {  	[tilespmem:s30+$0x16910] =	vst v0  }
.Ltmp0:
0x18: {  	[tilespmem:s30+$0x16920] =	vst v0;
	(pc) =	sbr.rel @p0 .LBB2_2-.Ltmp0, $4  }
0x19: {  	[tilespmem:s30+$0x16930] =	vst v0  }
0x1a: {  	[tilespmem:s30+$0x16940] =	vst v0  }
0x1b: {  	[tilespmem:s30+$0x16950] =	vst v0  }
0x1c: {  	[tilespmem:s30+$0x16960] =	vst v0;
	s30 =	sshra.s32 s31, $0x2;
	s31 =	sadd.s32 $0x200, s31  }
0x1d: {  	[tilespmem:s30+$0x16970] =	vst v0  }
0x1e: {  	[tilespmem:s30+$0x16900] =	vst v0  }
0x1f: {  	[tilespmem:s30+$0x16910] =	vst v0  }
0x20: {  	[tilespmem:s30+$0x16920] =	vst v0  }
0x21: {  	[tilespmem:s30+$0x16930] =	vst v0  }
0x22: {  	[tilespmem:s30+$0x16940] =	vst v0  }
0x23: {  	[tilespmem:s30+$0x16950] =	vst v0  }
0x24: {  	[tilespmem:s30+$0x16960] =	vst v0;
	s30 =	simm.s32 $0x0  }
0x25: {  	[tilespmem:s16], [sflag:$0x4] =	stream.linear.gather [hbm4b:s6+s30], $0x80, $0x38;
	[tilespmem:$0x1E900] =	vst v63  }
0x26: {  	_ =	swait.ge [sflag:s17], $0x80  }
0x27: {  	[sflag:s17] =	ssyncset.done $0x0  }
0x28: {  	[sflag:s17] =	ssyncadd.s32 $0xFFFFFF80  }
0x29: {  	[tilespmem:s19], [sflag:$0x2] =	stream.indirect.gather [hbm4b:s4+s18], $0x80, s16, s18, $0xb8;
	[tilespmem:$0x1E900] =	vst v63  }
0x2a: {  	_ = 	snop  }
0x2b: {  	[spmem:s7] =	stream.linear.scatter [tilespmem:s20], [sflag:$0x4], $0x4000, $0x38;
	[tilespmem:$0x1E900] =	vst v63  }
0x2c: {  	_ =	swait.ge [sflag:s17], $0x4000  }
0x2d: {  	[sflag:s17] =	ssyncset.done $0x0  }
0x2e: {  	[sflag:s17] =	ssyncadd.s32 $0xFFFFC000  }
0x2f: {  	[spmem:s8] =	stream.linear.scatter [tilespmem:s20], [sflag:$0x4], $0x4000, $0x38;
	[tilespmem:$0x1E900] =	vst v63  }
0x30: {  	_ =	swait.ge [sflag:s17], $0x4000  }
0x31: {  	[sflag:s17] =	ssyncset.done $0x0  }
0x32: {  	[sflag:s17] =	ssyncadd.s32 $0xFFFFC000  }
0x33: {  	[spmem:s9] =	stream.linear.scatter [tilespmem:s20], [sflag:$0x4], $0x4000, $0x38;
	[tilespmem:$0x1E900] =	vst v63  }
0x34: {  	_ =	swait.ge [sflag:s17], $0x4000  }
0x35: {  	[sflag:s17] =	ssyncset.done $0x0  }
0x36: {  	[sflag:s17] =	ssyncadd.s32 $0xFFFFC000  }
0x37: {  	[spmem:s10] =	stream.linear.scatter [tilespmem:s20], [sflag:$0x4], $0x4000, $0x38;
	[tilespmem:$0x1E900] =	vst v63  }
0x38: {  	_ =	swait.ge [sflag:s17], $0x4000  }
0x39: {  	[sflag:s17] =	ssyncset.done $0x0  }
0x3a: {  	[sflag:s17] =	ssyncadd.s32 $0xFFFFC000  }
0x3b: {  	[spmem:s11] =	stream.linear.scatter [tilespmem:s20], [sflag:$0x4], $0x4000, $0x38;
	[tilespmem:$0x1E900] =	vst v63  }
0x3c: {  	_ =	swait.ge [sflag:s17], $0x4000  }
0x3d: {  	[sflag:s17] =	ssyncset.done $0x0  }
0x3e: {  	[sflag:s17] =	ssyncadd.s32 $0xFFFFC000  }
0x3f: {  	[tilespmem:s21], [sflag:$0x4] =	stream.linear.gather [hbm4b:s12+s30], $0x2800, $0x38;
	[tilespmem:$0x1E900] =	vst v63  }
0x40: {  	_ =	swait.ge [sflag:s17], $0x2800  }
0x41: {  	[sflag:s17] =	ssyncset.done $0x0  }
0x42: {  	[sflag:s17] =	ssyncadd.s32 $0xFFFFD800  }
0x43: {  	[tilespmem:s22], [sflag:$0x4] =	stream.linear.gather [hbm4b:s5+s30], $0x80, $0x38;
	[tilespmem:$0x1E900] =	vst v63  }
0x44: {  	_ =	swait.ge [sflag:s17], $0x80  }
0x45: {  	[sflag:s17] =	ssyncset.done $0x0  }
0x46: {  	[sflag:s17] =	ssyncadd.s32 $0xFFFFFF80  }
0x47: {  	[tilespmem:s20], [sflag:$0x1] =	stream.indirect.gather [hbm4b:s4+s18], $0x80, s22, s18, $0xb8;
	[tilespmem:$0x1E900] =	vst v63  }
0x48: {  	[bflag:$0x0] =	sbarrier.arrive $0xFFFF  }
0x49: {  	_ =	swait.ge [sflag:s23], $0x4000  }
0x4a: {  	[sflag:s23] =	ssyncset.done $0x0  }
0x4b: {  	s30 =	sadd.s32 $0xFFFFFFF0, s15;
	[sflag:s23] =	ssyncadd.s32 $0xFFFFC000  }
0x4c: {  	[tilespmem:s22], [sflag:$0x3] =	stream.linear.gather [hbm4b:s30+s3], $0x80, $0x38;
	[tilespmem:$0x1E900] =	vst v63  }
0x4d: {  	s30 =	simm.s32 $0x14000  }
0x4e: {  	[spmem:s1] =	stream.indirect.scatter.add.f32 [tilespmem:s20], [sflag:$0x4], $0x80, s30, s18, $0xb8;
	[tilespmem:$0x1E900] =	vst v63  }
0x4f: {  	_ =	swait.ge [sflag:s17], $0x4000  }
0x50: {  	[sflag:s17] =	ssyncset.done $0x0  }
0x51: {  	[sflag:s17] =	ssyncadd.s32 $0xFFFFC000  }
0x52: {  	_ =	swait.ge [sflag:s24], $0x80  }
0x53: {  	[sflag:s24] =	ssyncset.done $0x0  }
0x54: {  	[sflag:s24] =	ssyncadd.s32 $0xFFFFFF80  }
0x55: {  	[tilespmem:s20], [sflag:$0x1] =	stream.indirect.gather [hbm4b:s4+s18], $0x80, s22, s18, $0xb8;
	[tilespmem:$0x1E900] =	vst v63  }
0x56: {  	_ =	swait.ge [sflag:s25], $0x4000  }
0x57: {  	[sflag:s25] =	ssyncset.done $0x0  }
0x58: {  	[sflag:s25] =	ssyncadd.s32 $0xFFFFC000  }
0x59: {  	[tilespmem:s16], [sflag:$0x3] =	stream.linear.gather [hbm4b:s15+s3], $0x80, $0x38;
	[tilespmem:$0x1E900] =	vst v63  }
0x5a: {  	s30 =	simm.s32 $0x14080  }
0x5b: {  	[spmem:s1] =	stream.indirect.scatter.add.f32 [tilespmem:s19], [sflag:$0x4], $0x80, s30, s18, $0xb8;
	[tilespmem:$0x1E900] =	vst v63  }
0x5c: {  	_ =	swait.ge [sflag:s17], $0x4000  }
0x5d: {  	[sflag:s17] =	ssyncset.done $0x0  }
0x5e: {  	[sflag:s17] =	ssyncadd.s32 $0xFFFFC000  }
0x5f: {  	_ =	swait.ge [sflag:s24], $0x80  }
0x60: {  	[sflag:s24] =	ssyncset.done $0x0  }
0x61: {  	s31 =	sadd.s32 $0x20, s15;
	s30 =	simm.s32 $0x400;
	[sflag:s24] =	ssyncadd.s32 $0xFFFFFF80  }
.LBB2_4:
0x62: {  	[tilespmem:s19], [sflag:$0x2] =	stream.indirect.gather [hbm4b:s4+s18], $0x80, s16, s18, $0xb8;
	[tilespmem:$0x1E900] =	vst v63  }
0x63: {  	s0 =	smov.u32 s30  }
0x64: {  	p0 =	sne.s32 s30, $0x9800;
	s30 =	sadd.s32 $0x400, s30;
	_ =	swait.ge [sflag:s23], $0x4000  }
0x65: {  	[sflag:s23] =	ssyncset.done $0x0  }
0x66: {  	s2 =	sadd.s32 $0xFFFFFFF0, s31;
	s0 =	sshra.s32 s0, $0x2;
	[sflag:s23] =	ssyncadd.s32 $0xFFFFC000  }
0x67: {  	[tilespmem:s22], [sflag:$0x3] =	stream.linear.gather [hbm4b:s2+s3], $0x80, $0x38;
	[tilespmem:$0x1E900] =	vst v63  }
0x68: {  	s2 =	sadd.s32 $0x14000, s0  }
0x69: {  	[spmem:s1] =	stream.indirect.scatter.add.f32 [tilespmem:s20], [sflag:$0x4], $0x80, s2, s18, $0xb8;
	[tilespmem:$0x1E900] =	vst v63  }
0x6a: {  	_ =	swait.ge [sflag:s17], $0x4000  }
0x6b: {  	[sflag:s17] =	ssyncset.done $0x0  }
0x6c: {  	[sflag:s17] =	ssyncadd.s32 $0xFFFFC000  }
0x6d: {  	_ =	swait.ge [sflag:s24], $0x80  }
0x6e: {  	[sflag:s24] =	ssyncset.done $0x0  }
0x6f: {  	[sflag:s24] =	ssyncadd.s32 $0xFFFFFF80  }
0x70: {  	[tilespmem:s20], [sflag:$0x1] =	stream.indirect.gather [hbm4b:s4+s18], $0x80, s22, s18, $0xb8;
	[tilespmem:$0x1E900] =	vst v63  }
0x71: {  	_ =	swait.ge [sflag:s25], $0x4000  }
0x72: {  	[sflag:s25] =	ssyncset.done $0x0  }
0x73: {  	[sflag:s25] =	ssyncadd.s32 $0xFFFFC000  }
0x74: {  	[tilespmem:s16], [sflag:$0x3] =	stream.linear.gather [hbm4b:s31+s3], $0x80, $0x38;
	[tilespmem:$0x1E900] =	vst v63  }
0x75: {  	s0 =	sadd.s32 $0x14080, s0  }
0x76: {  	[spmem:s1] =	stream.indirect.scatter.add.f32 [tilespmem:s19], [sflag:$0x4], $0x80, s0, s18, $0xb8;
	[tilespmem:$0x1E900] =	vst v63  }
0x77: {  	_ =	swait.ge [sflag:s17], $0x4000  }
.Ltmp1:
0x78: {  	[sflag:s17] =	ssyncset.done $0x0;
	(pc) =	sbr.rel @p0 .LBB2_4-.Ltmp1, $4  }
0x79: {  	[sflag:s17] =	ssyncadd.s32 $0xFFFFC000  }
0x7a: {  	_ =	swait.ge [sflag:s24], $0x80  }
0x7b: {  	[sflag:s24] =	ssyncset.done $0x0  }
0x7c: {  	s31 =	sadd.s32 $0x20, s31;
	[sflag:s24] =	ssyncadd.s32 $0xFFFFFF80  }
0x7d: {  	[tilespmem:s19], [sflag:$0x2] =	stream.indirect.gather [hbm4b:s4+s18], $0x80, s16, s18, $0xb8;
	[tilespmem:$0x1E900] =	vst v63  }
0x7e: {  	_ =	swait.ge [sflag:s23], $0x4000  }
0x7f: {  	[sflag:s23] =	ssyncset.done $0x0  }
0x80: {  	[sflag:s23] =	ssyncadd.s32 $0xFFFFC000  }
0x81: {  	[spmem:s1] =	stream.indirect.scatter.add.f32 [tilespmem:s20], [sflag:$0x4], $0x80, s26, s18, $0xb8;
	[tilespmem:$0x1E900] =	vst v63  }
0x82: {  	_ =	swait.ge [sflag:s17], $0x4000  }
0x83: {  	[sflag:s17] =	ssyncset.done $0x0  }
0x84: {  	[sflag:s17] =	ssyncadd.s32 $0xFFFFC000  }
0x85: {  	_ =	swait.ge [sflag:s25], $0x4000  }
0x86: {  	[sflag:s25] =	ssyncset.done $0x0  }
0x87: {  	[sflag:s25] =	ssyncadd.s32 $0xFFFFC000  }
0x88: {  	[spmem:s1] =	stream.indirect.scatter.add.f32 [tilespmem:s19], [sflag:$0x4], $0x80, s28, s18, $0xb8;
	[tilespmem:$0x1E900] =	vst v63  }
0x89: {  	s0 =	stileid.u32;
	_ =	swait.ge [sflag:s17], $0x4000  }
0x8a: {  	s2 =	sshrl.u32 s7, $0x3;
	s29 =	sadd.s32 $0x1, s29;
	[sflag:s17] =	ssyncset.done $0x0  }
0x8b: {  	s0 =	sshll.u32 s0, $0x6;
	p0 =	sne.s32 s29, s14;
	[sflag:s17] =	ssyncadd.s32 $0xFFFFC000  }
.Ltmp2:
0x8c: {  	s0 =	sor.u32 $0x1C04, s0;
	[bflag:$0x0] =	sbarrier.arrive $0xFFFF;
	(pc) =	sbr.rel @p0 .LBB2_1-.Ltmp2, $4  }
0x8d: {  	[hbm:s13], [sflag:s0] =	dma.local [spmem:s2], $0x2800  }
0x8e: {  	_ =	swait.ge [sflag:s17], $0x2800  }
0x8f: {  	[sflag:s17] =	ssyncset.done $0x0  }
0x90: {  	[sflag:s17] =	ssyncadd.s32 $0xFFFFD800  }
0x91: {  	_ =	sfence.sel $0x180000  }
0x92: {  	[bflag:$0x0] =	sbarrier.arrive $0xFFFF  }
0x93: {  	_ =	strace $0x9000004D  }
0x94: {  	s0 =	stileid.u32;
	[bflag:$0x2] =	sbarrier.arrive $0xFFFF  }
0x95: {  	p0 =	sne.s32 s0, $0x0;
	s0 =	rddreg [dreg:$0x3]  }
0x96: {  	s0 =	sadd.s32 @!p0 $0x100000, s0  }
0x97: {  	[sflag:s0] =	ssyncadd.tile.s32 @!p0 $0x1;
	_ =	shalt  }
.Lfunc_end2:
_tile_overlayer_lowered:
.L_overlay_start_2:
0x98: {  	(tag) =	ssettag $0x2  }
0x99: {  	s0 =	rddreg [dreg:$0x0];
	s2 =	stileid.u32  }
0x9a: {  	s1 =	rddreg [dreg:$0x1];
	p0 =	sne.s32 s2, $0x0  }
0x9b: {  	s3 =	rddreg [dreg:$0x2];
	[bflag:$0x3] =	sbarrier.arrive $0xFFFF;
	s2 =	simm.s32 @!p0 $0x1C04  }
0x9c: {  	[timem:s3], [sflag:s2] =	dma.local @!p0 [hbm:s0], s1  }
0x9d: {  	s0 =	simm.s32 @!p0 $0x4  }
0x9e: {  	_ =	swait.ge @!p0 [sflag:s0], s1  }
0x9f: {  	s1 =	ssub.s32 @!p0 $0x0, s1;
	[sflag:s0] =	ssyncset.done @!p0 $0x0  }
0xa0: {  	[sflag:s0] =	ssyncadd.s32 @!p0 s1  }
0xa1: {  	[bflag:$0x3] =	sbarrier.arrive $0xFFFF  }
0xa2: {  	_ =	shalt  }

// kernel: kernel.21.cloned.1.call-start
scs
__scs_entry_jumppad:
0x0: {  	(pc) =	sbr.rel $0x88, $3  }
0x1: {  	(tag) =	ssettag $0x0;
	lr =	simm.s32 $0x1  }
0x2: {  	[smem:$0x3F9B] =	sst lr;
	_ =	strace $0xD0000000  }
0x3: {  	_ = 	snop  }
0x4: {  	_ = 	snop  }
0x5: {  	_ = 	snop  }
0x6: {  	_ = 	snop  }
0x7: {  	_ = 	snop  }
__scs_overlays_trampoline_lowered:
0x8: {  	[smem:$0x3FAA] =	sst s0  }
0x9: {  	[smem:$0x3FAB] =	sst s1  }
0xa: {  	[smem:$0x3FAC] =	sst s2  }
0xb: {  	[smem:$0x3FAD] =	sst s3  }
0xc: {  	[smem:$0x3FAE] =	sst s4  }
0xd: {  	[smem:$0x3FAF] =	sst s5  }
0xe: {  	[smem:$0x3FB0] =	sst s6  }
0xf: {  	[smem:$0x3FB1] =	sst s7  }
0x10: {  	[smem:$0x3FB2] =	sst s8  }
0x11: {  	[smem:$0x3FB3] =	sst s9;
	s0 =	simm.s32 @!p0 $0x0  }
0x12: {  	s1 =	sld [smem:$0x3F99];
	s0 =	simm.s32 @p0 $0x1  }
0x13: {  	[smem:$0x3FB4] =	sst s0;
	s0 =	simm.s32 @!p1 $0x0  }
0x14: {  	s2 =	sld [smem:$0x3F98];
	s0 =	simm.s32 @p1 $0x1  }
0x15: {  	[smem:$0x3FB5] =	sst s0;
	s0 =	simm.s32 @!p2 $0x0  }
0x16: {  	s3 =	sld [smem:$0x3FDB];
	s0 =	simm.s32 @p2 $0x1  }
0x17: {  	s4 =	simm.s32 $0x1BF5;
	[smem:$0x3FB7] =	sst s0  }
0x18: {  	s0 =	sld [smem:$0x3F9A];
	_ =	swait.ge [sflag:s4], $0x0  }
0x19: {  	s7 =	sld [smem:$0x3F9B]  }
0x1a: {  	s8 =	sadd.s32 $0xFFFFE003, lr  }
0x1b: {  	s9 =	sadd.s32 $0xFFFFFEF7, lr;
	s5 =	simm.s32 $0xFFFFFFFF;
	p2 =	slt.u32 s8, $0xFFFFF086  }
0x1c: {  	p1 =	slt.u32 s9, $0xF7A;
	s5 =	simm.s32 @!p2 $0x0  }
0x1d: {  	s5 =	simm.s32 @p1 $0x1;
	p0 =	seq.s32 s7, s2  }
0x1e: {  	s7 =	smul.u32 @!p0 $0xF7A, s2;
	p2 =	seq.s32 @!p0 s5, $0x0  }
0x1f: {  	s9 =	smul.u32 $0xF7A, s1;
	s8 =	simm.s32 @!p0 $0x1BF5;
	p2 =	por !p2, p0  }
0x20: {  	[sflag:s8] =	ssyncset.s32 @!p0 $0xFFFFF086;
	s6 =	sadd.s32 @!p0 s3, s7;
	s7 =	simm.s32 @!p0 $0x108  }
0x21: {  	s3 =	sadd.s32 s3, s9;
	s6 =	sadd.s32 @!p0 $0x88, s6;
	s7 =	simm.s32 @p2 $0x1082  }
0x22: {  	[simem:s7], [sflag:s8] =	dma.local @!p0 [hbm:s6], $0xF7A  }
0x23: {  	s9 =	sor.u32 $0xD0000000, s2;
	s6 =	simm.s32 $0x108;
	_ =	swait.ge @!p0 [sflag:s8], $0x0  }
0x24: {  	s3 =	sadd.s32 $0x88, s3;
	s6 =	simm.s32 @!p1 $0x1082;
	[sflag:s4] =	ssyncset.s32 $0xFFFFF086  }
0x25: {  	[simem:s6], [sflag:s4] =	dma.local [hbm:s3], $0xF7A  }
0x26: {  	[smem:$0x3F9B] =	sst s1;
	(tag) =	ssettag s2;
	_ =	strace s9  }
0x27: {  	s1 =	sld [smem:$0x3FAB]  }
0x28: {  	s2 =	sld [smem:$0x3FAC]  }
0x29: {  	s4 =	sld [smem:$0x3FAE]  }
0x2a: {  	p0 =	seq.s32 s5, $0x0;
	s5 =	sld [smem:$0x3FAF]  }
0x2b: {  	s6 =	sld [smem:$0x3FB0]  }
0x2c: {  	s7 =	sld [smem:$0x3FB1]  }
0x2d: {  	s3 =	simm.s32 $0x108;
	s8 =	sld [smem:$0x3FB2]  }
0x2e: {  	s3 =	simm.s32 @!p0 $0x1082;
	s9 =	sld [smem:$0x3FB3]  }
0x2f: {  	lr =	sadd.s32 s0, s3;
	s0 =	sld [smem:$0x3FAA]  }
0x30: {  	s3 =	sld [smem:$0x3FAD]  }
0x31: {  	[smem:$0x3FB6] =	sst s10  }
0x32: {  	s10 =	sld [smem:$0x3FB4];
	_ =	sdelay $0x3  }
0x33: {  	p0 =	seq.s32 s10, $0x1;
	s10 =	sld [smem:$0x3FB6];
	_ =	sdelay $0x3  }
0x34: {  	[smem:$0x3FB6] =	sst s10  }
0x35: {  	s10 =	sld [smem:$0x3FB5];
	_ =	sdelay $0x3  }
0x36: {  	p1 =	seq.s32 s10, $0x1;
	s10 =	sld [smem:$0x3FB6];
	_ =	sdelay $0x3  }
0x37: {  	[smem:$0x3FB6] =	sst s10  }
0x38: {  	s10 =	sld [smem:$0x3FB7]  }
0x39: {  	_ = 	snop;
	(pc) =	sbr.ind lr, $3  }
0x3a: {  	_ = 	snop  }
0x3b: {  	_ = 	snop  }
0x3c: {  	p2 =	seq.s32 s10, $0x1;
	s10 =	sld [smem:$0x3FB6]  }
0x3d: {  	_ =	shalt  }
0x3e: {  	_ =	shalt  }
0x3f: {  	_ =	shalt  }
0x40: {  	_ =	shalt  }
0x41: {  	_ =	shalt  }
0x42: {  	_ =	shalt  }
0x43: {  	_ =	shalt  }
0x44: {  	_ =	shalt  }
0x45: {  	_ =	shalt  }
0x46: {  	_ =	shalt  }
0x47: {  	_ =	shalt  }
0x48: {  	_ =	shalt  }
0x49: {  	_ =	shalt  }
0x4a: {  	_ =	shalt  }
0x4b: {  	_ =	shalt  }
0x4c: {  	_ =	shalt  }
0x4d: {  	_ =	shalt  }
0x4e: {  	_ =	shalt  }
0x4f: {  	_ =	shalt  }
0x50: {  	_ =	shalt  }
0x51: {  	_ =	shalt  }
0x52: {  	_ =	shalt  }
0x53: {  	_ =	shalt  }
0x54: {  	_ =	shalt  }
0x55: {  	_ =	shalt  }
0x56: {  	_ =	shalt  }
0x57: {  	_ =	shalt  }
0x58: {  	_ =	shalt  }
0x59: {  	_ =	shalt  }
0x5a: {  	_ =	shalt  }
0x5b: {  	_ =	shalt  }
0x5c: {  	_ =	shalt  }
0x5d: {  	_ =	shalt  }
0x5e: {  	_ =	shalt  }
0x5f: {  	_ =	shalt  }
0x60: {  	_ =	shalt  }
0x61: {  	_ =	shalt  }
0x62: {  	_ =	shalt  }
0x63: {  	_ =	shalt  }
0x64: {  	_ =	shalt  }
0x65: {  	_ =	shalt  }
0x66: {  	_ =	shalt  }
0x67: {  	_ =	shalt  }
0x68: {  	_ =	shalt  }
0x69: {  	_ =	shalt  }
0x6a: {  	_ =	shalt  }
0x6b: {  	_ =	shalt  }
0x6c: {  	_ =	shalt  }
0x6d: {  	_ =	shalt  }
0x6e: {  	_ =	shalt  }
0x6f: {  	_ =	shalt  }
0x70: {  	_ =	shalt  }
0x71: {  	_ =	shalt  }
0x72: {  	_ =	shalt  }
0x73: {  	_ =	shalt  }
0x74: {  	_ =	shalt  }
0x75: {  	_ =	shalt  }
0x76: {  	_ =	shalt  }
0x77: {  	_ =	shalt  }
0x78: {  	_ =	shalt  }
0x79: {  	_ =	shalt  }
0x7a: {  	_ =	shalt  }
0x7b: {  	_ =	shalt  }
0x7c: {  	_ =	shalt  }
0x7d: {  	_ =	shalt  }
0x7e: {  	_ =	shalt  }
0x7f: {  	_ =	shalt  }
0x80: {  	_ =	shalt  }
0x81: {  	_ =	shalt  }
0x82: {  	_ =	shalt  }
0x83: {  	_ =	shalt  }
0x84: {  	_ =	shalt  }
0x85: {  	_ =	shalt  }
0x86: {  	_ =	shalt  }
0x87: {  	_ =	shalt  }
.Lfunc_end0:
.L_simem_size_0:
called_computation.3_lowered:
.L_overlay_start_0:
0x88: {  	s2 =	sld [smem:$0x3FD9]  }
0x89: {  	s3 =	sld [smem:$0x3FFE];
	_ =	sdelay $0x1  }
0x8a: {  	s1 =	srdreg.scid  }
0x8b: {  	s0 =	sand.u32 $0x1, s1  }
0x8c: {  	s17 =	sshll.u32 s0, $0xA;
	s2 =	sadd.s32 s3, s2  }
0x8d: {  	s2 =	sadd.s32 s2, s17  }
0x8e: {  	[smem:$0x3FC2] =	sst s2  }
0x8f: {  	_ = 	snop  }
0x90: {  	s2 =	sld [smem:$0x3FD0];
	(tm) =	ssettm $0x1  }
0x91: {  	s18 =	sld [smem:$0x3FFB];
	_ =	sdelay $0x3  }
0x92: {  	_ =	strace s18  }
0x93: {  	s3 =	sld [smem:$0x3FFC];
	_ =	sdelay $0x3  }
0x94: {  	_ =	strace s3  }
0x95: {  	s3 =	sld [smem:$0x3FFD];
	_ =	sdelay $0x3  }
0x96: {  	_ =	strace s3  }
0x97: {  	_ =	strace $0x8FFFFFFF  }
0x98: {  	s19 =	sld [smem:$0x3FDB];
	_ =	sdelay $0x1  }
0x99: {  	s4 =	simm.s32 $_scs_section_size  }
0x9a: {  	s5 =	simm.s32 $_size__tile_overlayer_lowered;
	s6 =	simm.s32 $_tile_overlayer_lowered  }
0x9b: {  	s22 =	simm.s32 $0x1BFF;
	s21 =	sshll.u32 s6, $0x1;
	s3 =	sadd.s32 s4, s19  }
0x9c: {  	s7 =	simm.s32 $0x0;
	s20 =	sshll.u32 s5, $0x1;
	s5 =	sadd.s32 s21, s3  }
0x9d: {  	[timem:s7], [sflag:s22] =	dma.local [hbm:s5], s20  }
0x9e: {  	_ =	swait.ge [sflag:s22], s20  }
0x9f: {  	s4 =	ssub.s32 $0x0, s20;
	[sflag:s22] =	ssyncset.done $0x0  }
0xa0: {  	[sflag:s22] =	ssyncadd.s32 s4;
	_ =	sdelay $0x1  }
0xa1: {  	s23 =	simm.s32 $0x1B8B  }
0xa2: {  	_ =	swait.ge [sflag:s23], $0x1  }
0xa3: {  	[sflag:s23] =	ssyncset.done $0x0  }
0xa4: {  	s25 =	simm.s32 $0x1B8E;
	s24 =	sld [smem:$0x3FFE];
	[sflag:s23] =	ssyncadd.s32 $0xFFFFFFFF  }
0xa5: {  	s26 =	simm.s32 $execute0_lowered;
	[smem:$0x3FD2] =	sst s25  }
0xa6: {  	s5 =	sshll.u32 s26, $0x1;
	_ =	strace $0x8000004F;
	[dreg:$0x1] =	wrdreg $0xFFFFFFFF  }
0xa7: {  	s28 =	simm.s32 $_size_execute0_lowered;
	s3 =	sadd.s32 s3, s5;
	[dreg:$0x0] =	wrdreg $0x0  }
0xa8: {  	s5 =	sshll.u32 s28, $0x1;
	[dreg:$0x2] =	wrdreg s3  }
0xa9: {  	[dreg:$0x3] =	wrdreg s5  }
0xaa: {  	[dreg:$0x4] =	wrdreg $0xC0  }
0xab: {  	_ =	task [dreg:s7], $0x5FFFF  }
0xac: {  	[dreg:$0x1] =	wrdreg $0xFFFFFFFF  }
0xad: {  	[dreg:$0x0] =	wrdreg $0x60  }
0xae: {  	[dreg:$0x2] =	wrdreg s24  }
0xaf: {  	[dreg:$0x3] =	wrdreg s2  }
0xb0: {  	[dreg:$0x4] =	wrdreg $0x0  }
0xb1: {  	[dreg:$0x5] =	wrdreg $0x9  }
0xb2: {  	_ =	task.clear_ibuf [dreg:s7], $0x6FFFF;
	_ =	strace $0x9000004F  }
0xb3: {  	s29 =	simm.s32 $0x9;
	_ =	strace $0x80000051  }
0xb4: {  	_ =	swait.ge [sflag:s29], $0x1  }
0xb5: {  	[sflag:s29] =	ssyncadd.s32 $0xFFFFFFFF  }
0xb6: {  	_ =	strace $0x90000051  }
0xb7: {  	_ =	sfence  }
0xb8: {  	s30 =	sld [smem:$0x0];
	_ =	sdelay $0x2  }
0xb9: {  	s31 =	sshll.u32 s1, $0xD;
	s1 =	sshrl.u32 s1, $0x2  }
0xba: {  	s3 =	sand.u32 $0x4000, s31;
	s1 =	sadd.s32 s1, s30  }
0xbb: {  	s0 =	sor.u32 s3, s0;
	s1 =	sshll.u32 s1, $0x11  }
0xbc: {  	s0 =	sor.u32 s1, s0  }
0xbd: {  	s0 =	sadd.s32 $0x8F2B, s0  }
0xbe: {  	[sflag:s0] =	ssyncadd.remote.s32 $0x1  }
0xbf: {  	_ =	sfence.sel $0xFFFF  }
0xc0: {  	[dreg:$0x0] =	wrdreg $0xFFFFFFFF;
	(pc) =	sbr.abs _section_cstart, $3  }
0xc1: {  	[dreg:$0x1] =	wrdreg $0xFFFFFFFF  }
0xc2: {  	_ =	task.clear_ibuf [dreg:s7], $0x2FFFF;
	_ =	strace $0x9FFFFFFF  }
0xc3: {  	(tm) =	ssettm $0x7FFFFFFF  }
tec
execute0_lowered:
.L_overlay_start_1:
0x0: {  	(tag) =	ssettag $0x1  }
0x1: {  	s5 =	rddreg [dreg:$0x0]  }
0x2: {  	s12 =	rddreg [dreg:$0x1]  }
0x3: {  	s1 =	rddreg [dreg:$0x2];
	s2 =	srdreg.scid  }
0x4: {  	s3 =	simm.s32 $0x0;
	s0 =	stileid.u32;
	s19 =	simm.s32 $0x1A900  }
0x5: {  	s20 =	simm.s32 $0x16900;
	s21 =	simm.s32 $0x14000;
	s22 =	simm.s32 $0x16800  }
0x6: {  	s23 =	simm.s32 $0x1;
	s28 =	simm.s32 $0x16780;
	s7 =	smul.u32 $0x14000, s0  }
0x7: {  	s29 =	simm.s32 $0x0;
	s8 =	sand.u32 $0x1, s2;
	s25 =	smul.u32 $0x50000, s0  }
0x8: {  	[smem:$0x7FF] =	sst s3;
	s14 =	sadd.s32 $0x3800, s5;
	s18 =	smul.u32 $0x500, s0  }
0x9: {  	s6 =	smul.u32 $0x140000, s8;
	s4 =	sshll.u32 s8, $0x4;
	_ =	strace $0x80000050  }
0xa: {  	s24 =	ssub.s32 $0x2, s8;
	s17 =	smul.u32 $0x5000, s8;
	s9 =	sor.u32 s0, s4  }
0xb: {  	s4 =	sadd.s32 $0xD800, s5;
	s26 =	sshrl.u32 s24, $0x1;
	s30 =	sshrl.u32 s25, $0x2  }
0xc: {  	s25 =	simm.s32 $0x2;
	s6 =	sadd.s32 s7, s6;
	s13 =	smul.u32 $0x500, s9  }
0xd: {  	s16 =	ssub.s32 s24, s26;
	s7 =	sadd.s32 s30, s1;
	s24 =	simm.s32 $0x3  }
0xe: {  	s26 =	simm.s32 $0x16700;
	s6 =	sshrl.u32 s6, $0x3;
	s8 =	sadd.s32 $0x4000, s7  }
0xf: {  	s9 =	sadd.s32 $0x8000, s7;
	s10 =	sadd.s32 $0xC000, s7;
	s11 =	sadd.s32 $0x10000, s7  }
0x10: {  	s15 =	sadd.s32 s6, s5;
	s5 =	sadd.s32 s14, s13;
	s14 =	sadd.s32 s17, s14  }
0x11: {  	s12 =	sadd.s32 s12, s13;
	s17 =	simm.s32 $0x4;
	s6 =	sadd.s32 $0x10, s5  }
0x12: {  	s13 =	sadd.s32 $0x35800, s15;
	s31 =	sadd.s32 s18, s14;
	s14 =	smax.u32 s16, $0x1  }
0x13: {  	v0 =	vimm.f32 $0.0e+00;
	s16 =	simm.s32 $0x16880;
	s18 =	simm.s32 $0x80;
	s15 =	sadd.s32 $0x30, s31  }
.LBB2_1:
0x14: {  	s30 =	simm.s32 $0x0;
	s31 =	simm.s32 $0x200  }
.LBB2_2:
0x15: {  	p0 =	sne.s32 s31, $0xFE00;
	[tilespmem:s30+$0x16970] =	vst v0  }
0x16: {  	[tilespmem:s30+$0x16900] =	vst v0  }
0x17: {  	[tilespmem:s30+$0x16910] =	vst v0  }
.Ltmp0:
0x18: {  	[tilespmem:s30+$0x16920] =	vst v0;
	(pc) =	sbr.rel @p0 .LBB2_2-.Ltmp0, $4  }
0x19: {  	[tilespmem:s30+$0x16930] =	vst v0  }
0x1a: {  	[tilespmem:s30+$0x16940] =	vst v0  }
0x1b: {  	[tilespmem:s30+$0x16950] =	vst v0  }
0x1c: {  	[tilespmem:s30+$0x16960] =	vst v0;
	s30 =	sshra.s32 s31, $0x2;
	s31 =	sadd.s32 $0x200, s31  }
0x1d: {  	[tilespmem:s30+$0x16970] =	vst v0  }
0x1e: {  	[tilespmem:s30+$0x16900] =	vst v0  }
0x1f: {  	[tilespmem:s30+$0x16910] =	vst v0  }
0x20: {  	[tilespmem:s30+$0x16920] =	vst v0  }
0x21: {  	[tilespmem:s30+$0x16930] =	vst v0  }
0x22: {  	[tilespmem:s30+$0x16940] =	vst v0  }
0x23: {  	[tilespmem:s30+$0x16950] =	vst v0  }
0x24: {  	[tilespmem:s30+$0x16960] =	vst v0;
	s30 =	simm.s32 $0x0  }
0x25: {  	[tilespmem:s16], [sflag:$0x4] =	stream.linear.gather [hbm4b:s6+s30], $0x80, $0x38;
	[tilespmem:$0x1E900] =	vst v63  }
0x26: {  	_ =	swait.ge [sflag:s17], $0x80  }
0x27: {  	[sflag:s17] =	ssyncset.done $0x0  }
0x28: {  	[sflag:s17] =	ssyncadd.s32 $0xFFFFFF80  }
0x29: {  	[tilespmem:s19], [sflag:$0x2] =	stream.indirect.gather [hbm4b:s4+s18], $0x80, s16, s18, $0xb8;
	[tilespmem:$0x1E900] =	vst v63  }
0x2a: {  	_ = 	snop  }
0x2b: {  	[spmem:s7] =	stream.linear.scatter [tilespmem:s20], [sflag:$0x4], $0x4000, $0x38;
	[tilespmem:$0x1E900] =	vst v63  }
0x2c: {  	_ =	swait.ge [sflag:s17], $0x4000  }
0x2d: {  	[sflag:s17] =	ssyncset.done $0x0  }
0x2e: {  	[sflag:s17] =	ssyncadd.s32 $0xFFFFC000  }
0x2f: {  	[spmem:s8] =	stream.linear.scatter [tilespmem:s20], [sflag:$0x4], $0x4000, $0x38;
	[tilespmem:$0x1E900] =	vst v63  }
0x30: {  	_ =	swait.ge [sflag:s17], $0x4000  }
0x31: {  	[sflag:s17] =	ssyncset.done $0x0  }
0x32: {  	[sflag:s17] =	ssyncadd.s32 $0xFFFFC000  }
0x33: {  	[spmem:s9] =	stream.linear.scatter [tilespmem:s20], [sflag:$0x4], $0x4000, $0x38;
	[tilespmem:$0x1E900] =	vst v63  }
0x34: {  	_ =	swait.ge [sflag:s17], $0x4000  }
0x35: {  	[sflag:s17] =	ssyncset.done $0x0  }
0x36: {  	[sflag:s17] =	ssyncadd.s32 $0xFFFFC000  }
0x37: {  	[spmem:s10] =	stream.linear.scatter [tilespmem:s20], [sflag:$0x4], $0x4000, $0x38;
	[tilespmem:$0x1E900] =	vst v63  }
0x38: {  	_ =	swait.ge [sflag:s17], $0x4000  }
0x39: {  	[sflag:s17] =	ssyncset.done $0x0  }
0x3a: {  	[sflag:s17] =	ssyncadd.s32 $0xFFFFC000  }
0x3b: {  	[spmem:s11] =	stream.linear.scatter [tilespmem:s20], [sflag:$0x4], $0x4000, $0x38;
	[tilespmem:$0x1E900] =	vst v63  }
0x3c: {  	_ =	swait.ge [sflag:s17], $0x4000  }
0x3d: {  	[sflag:s17] =	ssyncset.done $0x0  }
0x3e: {  	[sflag:s17] =	ssyncadd.s32 $0xFFFFC000  }
0x3f: {  	[tilespmem:s21], [sflag:$0x4] =	stream.linear.gather [hbm4b:s12+s30], $0x2800, $0x38;
	[tilespmem:$0x1E900] =	vst v63  }
0x40: {  	_ =	swait.ge [sflag:s17], $0x2800  }
0x41: {  	[sflag:s17] =	ssyncset.done $0x0  }
0x42: {  	[sflag:s17] =	ssyncadd.s32 $0xFFFFD800  }
0x43: {  	[tilespmem:s22], [sflag:$0x4] =	stream.linear.gather [hbm4b:s5+s30], $0x80, $0x38;
	[tilespmem:$0x1E900] =	vst v63  }
0x44: {  	_ =	swait.ge [sflag:s17], $0x80  }
0x45: {  	[sflag:s17] =	ssyncset.done $0x0  }
0x46: {  	[sflag:s17] =	ssyncadd.s32 $0xFFFFFF80  }
0x47: {  	[tilespmem:s20], [sflag:$0x1] =	stream.indirect.gather [hbm4b:s4+s18], $0x80, s22, s18, $0xb8;
	[tilespmem:$0x1E900] =	vst v63  }
0x48: {  	[bflag:$0x0] =	sbarrier.arrive $0xFFFF  }
0x49: {  	_ =	swait.ge [sflag:s23], $0x4000  }
0x4a: {  	[sflag:s23] =	ssyncset.done $0x0  }
0x4b: {  	s30 =	sadd.s32 $0xFFFFFFF0, s15;
	[sflag:s23] =	ssyncadd.s32 $0xFFFFC000  }
0x4c: {  	[tilespmem:s22], [sflag:$0x3] =	stream.linear.gather [hbm4b:s30+s3], $0x80, $0x38;
	[tilespmem:$0x1E900] =	vst v63  }
0x4d: {  	s30 =	simm.s32 $0x14000  }
0x4e: {  	[spmem:s1] =	stream.indirect.scatter.add.f32 [tilespmem:s20], [sflag:$0x4], $0x80, s30, s18, $0xb8;
	[tilespmem:$0x1E900] =	vst v63  }
0x4f: {  	_ =	swait.ge [sflag:s17], $0x4000  }
0x50: {  	[sflag:s17] =	ssyncset.done $0x0  }
0x51: {  	[sflag:s17] =	ssyncadd.s32 $0xFFFFC000  }
0x52: {  	_ =	swait.ge [sflag:s24], $0x80  }
0x53: {  	[sflag:s24] =	ssyncset.done $0x0  }
0x54: {  	[sflag:s24] =	ssyncadd.s32 $0xFFFFFF80  }
0x55: {  	[tilespmem:s20], [sflag:$0x1] =	stream.indirect.gather [hbm4b:s4+s18], $0x80, s22, s18, $0xb8;
	[tilespmem:$0x1E900] =	vst v63  }
0x56: {  	_ =	swait.ge [sflag:s25], $0x4000  }
0x57: {  	[sflag:s25] =	ssyncset.done $0x0  }
0x58: {  	[sflag:s25] =	ssyncadd.s32 $0xFFFFC000  }
0x59: {  	[tilespmem:s16], [sflag:$0x3] =	stream.linear.gather [hbm4b:s15+s3], $0x80, $0x38;
	[tilespmem:$0x1E900] =	vst v63  }
0x5a: {  	s30 =	simm.s32 $0x14080  }
0x5b: {  	[spmem:s1] =	stream.indirect.scatter.add.f32 [tilespmem:s19], [sflag:$0x4], $0x80, s30, s18, $0xb8;
	[tilespmem:$0x1E900] =	vst v63  }
0x5c: {  	_ =	swait.ge [sflag:s17], $0x4000  }
0x5d: {  	[sflag:s17] =	ssyncset.done $0x0  }
0x5e: {  	[sflag:s17] =	ssyncadd.s32 $0xFFFFC000  }
0x5f: {  	_ =	swait.ge [sflag:s24], $0x80  }
0x60: {  	[sflag:s24] =	ssyncset.done $0x0  }
0x61: {  	s31 =	sadd.s32 $0x20, s15;
	s30 =	simm.s32 $0x400;
	[sflag:s24] =	ssyncadd.s32 $0xFFFFFF80  }
.LBB2_4:
0x62: {  	[tilespmem:s19], [sflag:$0x2] =	stream.indirect.gather [hbm4b:s4+s18], $0x80, s16, s18, $0xb8;
	[tilespmem:$0x1E900] =	vst v63  }
0x63: {  	s0 =	smov.u32 s30  }
0x64: {  	p0 =	sne.s32 s30, $0x9800;
	s30 =	sadd.s32 $0x400, s30;
	_ =	swait.ge [sflag:s23], $0x4000  }
0x65: {  	[sflag:s23] =	ssyncset.done $0x0  }
0x66: {  	s2 =	sadd.s32 $0xFFFFFFF0, s31;
	s0 =	sshra.s32 s0, $0x2;
	[sflag:s23] =	ssyncadd.s32 $0xFFFFC000  }
0x67: {  	[tilespmem:s22], [sflag:$0x3] =	stream.linear.gather [hbm4b:s2+s3], $0x80, $0x38;
	[tilespmem:$0x1E900] =	vst v63  }
0x68: {  	s2 =	sadd.s32 $0x14000, s0  }
0x69: {  	[spmem:s1] =	stream.indirect.scatter.add.f32 [tilespmem:s20], [sflag:$0x4], $0x80, s2, s18, $0xb8;
	[tilespmem:$0x1E900] =	vst v63  }
0x6a: {  	_ =	swait.ge [sflag:s17], $0x4000  }
0x6b: {  	[sflag:s17] =	ssyncset.done $0x0  }
0x6c: {  	[sflag:s17] =	ssyncadd.s32 $0xFFFFC000  }
0x6d: {  	_ =	swait.ge [sflag:s24], $0x80  }
0x6e: {  	[sflag:s24] =	ssyncset.done $0x0  }
0x6f: {  	[sflag:s24] =	ssyncadd.s32 $0xFFFFFF80  }
0x70: {  	[tilespmem:s20], [sflag:$0x1] =	stream.indirect.gather [hbm4b:s4+s18], $0x80, s22, s18, $0xb8;
	[tilespmem:$0x1E900] =	vst v63  }
0x71: {  	_ =	swait.ge [sflag:s25], $0x4000  }
0x72: {  	[sflag:s25] =	ssyncset.done $0x0  }
0x73: {  	[sflag:s25] =	ssyncadd.s32 $0xFFFFC000  }
0x74: {  	[tilespmem:s16], [sflag:$0x3] =	stream.linear.gather [hbm4b:s31+s3], $0x80, $0x38;
	[tilespmem:$0x1E900] =	vst v63  }
0x75: {  	s0 =	sadd.s32 $0x14080, s0  }
0x76: {  	[spmem:s1] =	stream.indirect.scatter.add.f32 [tilespmem:s19], [sflag:$0x4], $0x80, s0, s18, $0xb8;
	[tilespmem:$0x1E900] =	vst v63  }
0x77: {  	_ =	swait.ge [sflag:s17], $0x4000  }
.Ltmp1:
0x78: {  	[sflag:s17] =	ssyncset.done $0x0;
	(pc) =	sbr.rel @p0 .LBB2_4-.Ltmp1, $4  }
0x79: {  	[sflag:s17] =	ssyncadd.s32 $0xFFFFC000  }
0x7a: {  	_ =	swait.ge [sflag:s24], $0x80  }
0x7b: {  	[sflag:s24] =	ssyncset.done $0x0  }
0x7c: {  	s31 =	sadd.s32 $0x20, s31;
	[sflag:s24] =	ssyncadd.s32 $0xFFFFFF80  }
0x7d: {  	[tilespmem:s19], [sflag:$0x2] =	stream.indirect.gather [hbm4b:s4+s18], $0x80, s16, s18, $0xb8;
	[tilespmem:$0x1E900] =	vst v63  }
0x7e: {  	_ =	swait.ge [sflag:s23], $0x4000  }
0x7f: {  	[sflag:s23] =	ssyncset.done $0x0  }
0x80: {  	[sflag:s23] =	ssyncadd.s32 $0xFFFFC000  }
0x81: {  	[spmem:s1] =	stream.indirect.scatter.add.f32 [tilespmem:s20], [sflag:$0x4], $0x80, s26, s18, $0xb8;
	[tilespmem:$0x1E900] =	vst v63  }
0x82: {  	_ =	swait.ge [sflag:s17], $0x4000  }
0x83: {  	[sflag:s17] =	ssyncset.done $0x0  }
0x84: {  	[sflag:s17] =	ssyncadd.s32 $0xFFFFC000  }
0x85: {  	_ =	swait.ge [sflag:s25], $0x4000  }
0x86: {  	[sflag:s25] =	ssyncset.done $0x0  }
0x87: {  	[sflag:s25] =	ssyncadd.s32 $0xFFFFC000  }
0x88: {  	[spmem:s1] =	stream.indirect.scatter.add.f32 [tilespmem:s19], [sflag:$0x4], $0x80, s28, s18, $0xb8;
	[tilespmem:$0x1E900] =	vst v63  }
0x89: {  	s0 =	stileid.u32;
	_ =	swait.ge [sflag:s17], $0x4000  }
0x8a: {  	s2 =	sshrl.u32 s7, $0x3;
	s29 =	sadd.s32 $0x1, s29;
	[sflag:s17] =	ssyncset.done $0x0  }
0x8b: {  	s0 =	sshll.u32 s0, $0x6;
	p0 =	sne.s32 s29, s14;
	[sflag:s17] =	ssyncadd.s32 $0xFFFFC000  }
.Ltmp2:
0x8c: {  	s0 =	sor.u32 $0x1C04, s0;
	[bflag:$0x0] =	sbarrier.arrive $0xFFFF;
	(pc) =	sbr.rel @p0 .LBB2_1-.Ltmp2, $4  }
0x8d: {  	[hbm:s13], [sflag:s0] =	dma.local [spmem:s2], $0x2800  }
0x8e: {  	_ =	swait.ge [sflag:s17], $0x2800  }
0x8f: {  	[sflag:s17] =	ssyncset.done $0x0  }
0x90: {  	[sflag:s17] =	ssyncadd.s32 $0xFFFFD800  }
0x91: {  	_ =	sfence.sel $0x180000  }
0x92: {  	[bflag:$0x0] =	sbarrier.arrive $0xFFFF  }
0x93: {  	_ =	strace $0x90000050  }
0x94: {  	s0 =	stileid.u32;
	[bflag:$0x2] =	sbarrier.arrive $0xFFFF  }
0x95: {  	p0 =	sne.s32 s0, $0x0;
	s0 =	rddreg [dreg:$0x3]  }
0x96: {  	s0 =	sadd.s32 @!p0 $0x100000, s0  }
0x97: {  	[sflag:s0] =	ssyncadd.tile.s32 @!p0 $0x1;
	_ =	shalt  }
.Lfunc_end2:
_tile_overlayer_lowered:
.L_overlay_start_2:
0x98: {  	(tag) =	ssettag $0x2  }
0x99: {  	s0 =	rddreg [dreg:$0x0];
	s2 =	stileid.u32  }
0x9a: {  	s1 =	rddreg [dreg:$0x1];
	p0 =	sne.s32 s2, $0x0  }
0x9b: {  	s3 =	rddreg [dreg:$0x2];
	[bflag:$0x3] =	sbarrier.arrive $0xFFFF;
	s2 =	simm.s32 @!p0 $0x1C04  }
0x9c: {  	[timem:s3], [sflag:s2] =	dma.local @!p0 [hbm:s0], s1  }
0x9d: {  	s0 =	simm.s32 @!p0 $0x4  }
0x9e: {  	_ =	swait.ge @!p0 [sflag:s0], s1  }
0x9f: {  	s1 =	ssub.s32 @!p0 $0x0, s1;
	[sflag:s0] =	ssyncset.done @!p0 $0x0  }
0xa0: {  	[sflag:s0] =	ssyncadd.s32 @!p0 s1  }
0xa1: {  	[bflag:$0x3] =	sbarrier.arrive $0xFFFF  }
0xa2: {  	_ =	shalt  }

// kernel: kernel.24.cloned.1.call-start
scs
__scs_entry_jumppad:
0x0: {  	(pc) =	sbr.rel $0x88, $3  }
0x1: {  	(tag) =	ssettag $0x0;
	lr =	simm.s32 $0x1  }
0x2: {  	[smem:$0x3F9B] =	sst lr;
	_ =	strace $0xD0000000  }
0x3: {  	_ = 	snop  }
0x4: {  	_ = 	snop  }
0x5: {  	_ = 	snop  }
0x6: {  	_ = 	snop  }
0x7: {  	_ = 	snop  }
__scs_overlays_trampoline_lowered:
0x8: {  	[smem:$0x3FAA] =	sst s0  }
0x9: {  	[smem:$0x3FAB] =	sst s1  }
0xa: {  	[smem:$0x3FAC] =	sst s2  }
0xb: {  	[smem:$0x3FAD] =	sst s3  }
0xc: {  	[smem:$0x3FAE] =	sst s4  }
0xd: {  	[smem:$0x3FAF] =	sst s5  }
0xe: {  	[smem:$0x3FB0] =	sst s6  }
0xf: {  	[smem:$0x3FB1] =	sst s7  }
0x10: {  	[smem:$0x3FB2] =	sst s8  }
0x11: {  	[smem:$0x3FB3] =	sst s9;
	s0 =	simm.s32 @!p0 $0x0  }
0x12: {  	s1 =	sld [smem:$0x3F99];
	s0 =	simm.s32 @p0 $0x1  }
0x13: {  	[smem:$0x3FB4] =	sst s0;
	s0 =	simm.s32 @!p1 $0x0  }
0x14: {  	s2 =	sld [smem:$0x3F98];
	s0 =	simm.s32 @p1 $0x1  }
0x15: {  	[smem:$0x3FB5] =	sst s0;
	s0 =	simm.s32 @!p2 $0x0  }
0x16: {  	s3 =	sld [smem:$0x3FDB];
	s0 =	simm.s32 @p2 $0x1  }
0x17: {  	s4 =	simm.s32 $0x1BF5;
	[smem:$0x3FB7] =	sst s0  }
0x18: {  	s0 =	sld [smem:$0x3F9A];
	_ =	swait.ge [sflag:s4], $0x0  }
0x19: {  	s7 =	sld [smem:$0x3F9B]  }
0x1a: {  	s8 =	sadd.s32 $0xFFFFE003, lr  }
0x1b: {  	s9 =	sadd.s32 $0xFFFFFEF7, lr;
	s5 =	simm.s32 $0xFFFFFFFF;
	p2 =	slt.u32 s8, $0xFFFFF086  }
0x1c: {  	p1 =	slt.u32 s9, $0xF7A;
	s5 =	simm.s32 @!p2 $0x0  }
0x1d: {  	s5 =	simm.s32 @p1 $0x1;
	p0 =	seq.s32 s7, s2  }
0x1e: {  	s7 =	smul.u32 @!p0 $0xF7A, s2;
	p2 =	seq.s32 @!p0 s5, $0x0  }
0x1f: {  	s9 =	smul.u32 $0xF7A, s1;
	s8 =	simm.s32 @!p0 $0x1BF5;
	p2 =	por !p2, p0  }
0x20: {  	[sflag:s8] =	ssyncset.s32 @!p0 $0xFFFFF086;
	s6 =	sadd.s32 @!p0 s3, s7;
	s7 =	simm.s32 @!p0 $0x108  }
0x21: {  	s3 =	sadd.s32 s3, s9;
	s6 =	sadd.s32 @!p0 $0x88, s6;
	s7 =	simm.s32 @p2 $0x1082  }
0x22: {  	[simem:s7], [sflag:s8] =	dma.local @!p0 [hbm:s6], $0xF7A  }
0x23: {  	s9 =	sor.u32 $0xD0000000, s2;
	s6 =	simm.s32 $0x108;
	_ =	swait.ge @!p0 [sflag:s8], $0x0  }
0x24: {  	s3 =	sadd.s32 $0x88, s3;
	s6 =	simm.s32 @!p1 $0x1082;
	[sflag:s4] =	ssyncset.s32 $0xFFFFF086  }
0x25: {  	[simem:s6], [sflag:s4] =	dma.local [hbm:s3], $0xF7A  }
0x26: {  	[smem:$0x3F9B] =	sst s1;
	(tag) =	ssettag s2;
	_ =	strace s9  }
0x27: {  	s1 =	sld [smem:$0x3FAB]  }
0x28: {  	s2 =	sld [smem:$0x3FAC]  }
0x29: {  	s4 =	sld [smem:$0x3FAE]  }
0x2a: {  	p0 =	seq.s32 s5, $0x0;
	s5 =	sld [smem:$0x3FAF]  }
0x2b: {  	s6 =	sld [smem:$0x3FB0]  }
0x2c: {  	s7 =	sld [smem:$0x3FB1]  }
0x2d: {  	s3 =	simm.s32 $0x108;
	s8 =	sld [smem:$0x3FB2]  }
0x2e: {  	s3 =	simm.s32 @!p0 $0x1082;
	s9 =	sld [smem:$0x3FB3]  }
0x2f: {  	lr =	sadd.s32 s0, s3;
	s0 =	sld [smem:$0x3FAA]  }
0x30: {  	s3 =	sld [smem:$0x3FAD]  }
0x31: {  	[smem:$0x3FB6] =	sst s10  }
0x32: {  	s10 =	sld [smem:$0x3FB4];
	_ =	sdelay $0x3  }
0x33: {  	p0 =	seq.s32 s10, $0x1;
	s10 =	sld [smem:$0x3FB6];
	_ =	sdelay $0x3  }
0x34: {  	[smem:$0x3FB6] =	sst s10  }
0x35: {  	s10 =	sld [smem:$0x3FB5];
	_ =	sdelay $0x3  }
0x36: {  	p1 =	seq.s32 s10, $0x1;
	s10 =	sld [smem:$0x3FB6];
	_ =	sdelay $0x3  }
0x37: {  	[smem:$0x3FB6] =	sst s10  }
0x38: {  	s10 =	sld [smem:$0x3FB7]  }
0x39: {  	_ = 	snop;
	(pc) =	sbr.ind lr, $3  }
0x3a: {  	_ = 	snop  }
0x3b: {  	_ = 	snop  }
0x3c: {  	p2 =	seq.s32 s10, $0x1;
	s10 =	sld [smem:$0x3FB6]  }
0x3d: {  	_ =	shalt  }
0x3e: {  	_ =	shalt  }
0x3f: {  	_ =	shalt  }
0x40: {  	_ =	shalt  }
0x41: {  	_ =	shalt  }
0x42: {  	_ =	shalt  }
0x43: {  	_ =	shalt  }
0x44: {  	_ =	shalt  }
0x45: {  	_ =	shalt  }
0x46: {  	_ =	shalt  }
0x47: {  	_ =	shalt  }
0x48: {  	_ =	shalt  }
0x49: {  	_ =	shalt  }
0x4a: {  	_ =	shalt  }
0x4b: {  	_ =	shalt  }
0x4c: {  	_ =	shalt  }
0x4d: {  	_ =	shalt  }
0x4e: {  	_ =	shalt  }
0x4f: {  	_ =	shalt  }
0x50: {  	_ =	shalt  }
0x51: {  	_ =	shalt  }
0x52: {  	_ =	shalt  }
0x53: {  	_ =	shalt  }
0x54: {  	_ =	shalt  }
0x55: {  	_ =	shalt  }
0x56: {  	_ =	shalt  }
0x57: {  	_ =	shalt  }
0x58: {  	_ =	shalt  }
0x59: {  	_ =	shalt  }
0x5a: {  	_ =	shalt  }
0x5b: {  	_ =	shalt  }
0x5c: {  	_ =	shalt  }
0x5d: {  	_ =	shalt  }
0x5e: {  	_ =	shalt  }
0x5f: {  	_ =	shalt  }
0x60: {  	_ =	shalt  }
0x61: {  	_ =	shalt  }
0x62: {  	_ =	shalt  }
0x63: {  	_ =	shalt  }
0x64: {  	_ =	shalt  }
0x65: {  	_ =	shalt  }
0x66: {  	_ =	shalt  }
0x67: {  	_ =	shalt  }
0x68: {  	_ =	shalt  }
0x69: {  	_ =	shalt  }
0x6a: {  	_ =	shalt  }
0x6b: {  	_ =	shalt  }
0x6c: {  	_ =	shalt  }
0x6d: {  	_ =	shalt  }
0x6e: {  	_ =	shalt  }
0x6f: {  	_ =	shalt  }
0x70: {  	_ =	shalt  }
0x71: {  	_ =	shalt  }
0x72: {  	_ =	shalt  }
0x73: {  	_ =	shalt  }
0x74: {  	_ =	shalt  }
0x75: {  	_ =	shalt  }
0x76: {  	_ =	shalt  }
0x77: {  	_ =	shalt  }
0x78: {  	_ =	shalt  }
0x79: {  	_ =	shalt  }
0x7a: {  	_ =	shalt  }
0x7b: {  	_ =	shalt  }
0x7c: {  	_ =	shalt  }
0x7d: {  	_ =	shalt  }
0x7e: {  	_ =	shalt  }
0x7f: {  	_ =	shalt  }
0x80: {  	_ =	shalt  }
0x81: {  	_ =	shalt  }
0x82: {  	_ =	shalt  }
0x83: {  	_ =	shalt  }
0x84: {  	_ =	shalt  }
0x85: {  	_ =	shalt  }
0x86: {  	_ =	shalt  }
0x87: {  	_ =	shalt  }
.Lfunc_end0:
.L_simem_size_0:
called_computation.4_lowered:
.L_overlay_start_0:
0x88: {  	s2 =	sld [smem:$0x3FD9]  }
0x89: {  	s3 =	sld [smem:$0x3FFE];
	_ =	sdelay $0x1  }
0x8a: {  	s1 =	srdreg.scid  }
0x8b: {  	s0 =	sand.u32 $0x1, s1  }
0x8c: {  	s17 =	sshll.u32 s0, $0xA;
	s2 =	sadd.s32 s3, s2  }
0x8d: {  	s2 =	sadd.s32 s2, s17  }
0x8e: {  	[smem:$0x3FC2] =	sst s2  }
0x8f: {  	_ = 	snop  }
0x90: {  	s2 =	sld [smem:$0x3FD0];
	(tm) =	ssettm $0x1  }
0x91: {  	s18 =	sld [smem:$0x3FFB];
	_ =	sdelay $0x3  }
0x92: {  	_ =	strace s18  }
0x93: {  	s3 =	sld [smem:$0x3FFC];
	_ =	sdelay $0x3  }
0x94: {  	_ =	strace s3  }
0x95: {  	s3 =	sld [smem:$0x3FFD];
	_ =	sdelay $0x3  }
0x96: {  	_ =	strace s3  }
0x97: {  	_ =	strace $0x8FFFFFFF  }
0x98: {  	s19 =	sld [smem:$0x3FDB];
	_ =	sdelay $0x1  }
0x99: {  	s4 =	simm.s32 $_scs_section_size  }
0x9a: {  	s5 =	simm.s32 $_size__tile_overlayer_lowered;
	s6 =	simm.s32 $_tile_overlayer_lowered  }
0x9b: {  	s22 =	simm.s32 $0x1BFF;
	s21 =	sshll.u32 s6, $0x1;
	s3 =	sadd.s32 s4, s19  }
0x9c: {  	s7 =	simm.s32 $0x0;
	s20 =	sshll.u32 s5, $0x1;
	s5 =	sadd.s32 s21, s3  }
0x9d: {  	[timem:s7], [sflag:s22] =	dma.local [hbm:s5], s20  }
0x9e: {  	_ =	swait.ge [sflag:s22], s20  }
0x9f: {  	s4 =	ssub.s32 $0x0, s20;
	[sflag:s22] =	ssyncset.done $0x0  }
0xa0: {  	[sflag:s22] =	ssyncadd.s32 s4;
	_ =	sdelay $0x1  }
0xa1: {  	s23 =	simm.s32 $0x1B8B  }
0xa2: {  	_ =	swait.ge [sflag:s23], $0x1  }
0xa3: {  	[sflag:s23] =	ssyncset.done $0x0  }
0xa4: {  	s25 =	simm.s32 $0x1B8E;
	s24 =	sld [smem:$0x3FFE];
	[sflag:s23] =	ssyncadd.s32 $0xFFFFFFFF  }
0xa5: {  	s26 =	simm.s32 $execute0_lowered;
	[smem:$0x3FD2] =	sst s25  }
0xa6: {  	s5 =	sshll.u32 s26, $0x1;
	_ =	strace $0x80000052;
	[dreg:$0x1] =	wrdreg $0xFFFFFFFF  }
0xa7: {  	s28 =	simm.s32 $_size_execute0_lowered;
	s3 =	sadd.s32 s3, s5;
	[dreg:$0x0] =	wrdreg $0x0  }
0xa8: {  	s5 =	sshll.u32 s28, $0x1;
	[dreg:$0x2] =	wrdreg s3  }
0xa9: {  	[dreg:$0x3] =	wrdreg s5  }
0xaa: {  	[dreg:$0x4] =	wrdreg $0xC0  }
0xab: {  	_ =	task [dreg:s7], $0x5FFFF  }
0xac: {  	[dreg:$0x1] =	wrdreg $0xFFFFFFFF  }
0xad: {  	[dreg:$0x0] =	wrdreg $0x60  }
0xae: {  	[dreg:$0x2] =	wrdreg s24  }
0xaf: {  	[dreg:$0x3] =	wrdreg s2  }
0xb0: {  	[dreg:$0x4] =	wrdreg $0x0  }
0xb1: {  	[dreg:$0x5] =	wrdreg $0x9  }
0xb2: {  	_ =	task.clear_ibuf [dreg:s7], $0x6FFFF;
	_ =	strace $0x90000052  }
0xb3: {  	s29 =	simm.s32 $0x9;
	_ =	strace $0x80000054  }
0xb4: {  	_ =	swait.ge [sflag:s29], $0x1  }
0xb5: {  	[sflag:s29] =	ssyncadd.s32 $0xFFFFFFFF  }
0xb6: {  	_ =	strace $0x90000054  }
0xb7: {  	_ =	sfence  }
0xb8: {  	s30 =	sld [smem:$0x0];
	_ =	sdelay $0x2  }
0xb9: {  	s31 =	sshll.u32 s1, $0xD;
	s1 =	sshrl.u32 s1, $0x2  }
0xba: {  	s3 =	sand.u32 $0x4000, s31;
	s1 =	sadd.s32 s1, s30  }
0xbb: {  	s0 =	sor.u32 s3, s0;
	s1 =	sshll.u32 s1, $0x11  }
0xbc: {  	s0 =	sor.u32 s1, s0  }
0xbd: {  	s0 =	sadd.s32 $0x8F2B, s0  }
0xbe: {  	[sflag:s0] =	ssyncadd.remote.s32 $0x1  }
0xbf: {  	_ =	sfence.sel $0xFFFF  }
0xc0: {  	[dreg:$0x0] =	wrdreg $0xFFFFFFFF;
	(pc) =	sbr.abs _section_cstart, $3  }
0xc1: {  	[dreg:$0x1] =	wrdreg $0xFFFFFFFF  }
0xc2: {  	_ =	task.clear_ibuf [dreg:s7], $0x2FFFF;
	_ =	strace $0x9FFFFFFF  }
0xc3: {  	(tm) =	ssettm $0x7FFFFFFF  }
tec
execute0_lowered:
.L_overlay_start_1:
0x0: {  	(tag) =	ssettag $0x1  }
0x1: {  	s5 =	rddreg [dreg:$0x0]  }
0x2: {  	s12 =	rddreg [dreg:$0x1]  }
0x3: {  	s1 =	rddreg [dreg:$0x2];
	s2 =	srdreg.scid  }
0x4: {  	s3 =	simm.s32 $0x0;
	s0 =	stileid.u32;
	s19 =	simm.s32 $0x1A900  }
0x5: {  	s20 =	simm.s32 $0x16900;
	s21 =	simm.s32 $0x14000;
	s22 =	simm.s32 $0x16800  }
0x6: {  	s23 =	simm.s32 $0x1;
	s28 =	simm.s32 $0x16780;
	s7 =	smul.u32 $0x14000, s0  }
0x7: {  	s29 =	simm.s32 $0x0;
	s8 =	sand.u32 $0x1, s2;
	s25 =	smul.u32 $0x50000, s0  }
0x8: {  	[smem:$0x7FF] =	sst s3;
	s14 =	sadd.s32 $0x3800, s5;
	s18 =	smul.u32 $0x500, s0  }
0x9: {  	s6 =	smul.u32 $0x140000, s8;
	s4 =	sshll.u32 s8, $0x4;
	_ =	strace $0x80000053  }
0xa: {  	s24 =	ssub.s32 $0x2, s8;
	s17 =	smul.u32 $0x5000, s8;
	s9 =	sor.u32 s0, s4  }
0xb: {  	s4 =	sadd.s32 $0xD800, s5;
	s26 =	sshrl.u32 s24, $0x1;
	s30 =	sshrl.u32 s25, $0x2  }
0xc: {  	s25 =	simm.s32 $0x2;
	s6 =	sadd.s32 s7, s6;
	s13 =	smul.u32 $0x500, s9  }
0xd: {  	s16 =	ssub.s32 s24, s26;
	s7 =	sadd.s32 s30, s1;
	s24 =	simm.s32 $0x3  }
0xe: {  	s26 =	simm.s32 $0x16700;
	s6 =	sshrl.u32 s6, $0x3;
	s8 =	sadd.s32 $0x4000, s7  }
0xf: {  	s9 =	sadd.s32 $0x8000, s7;
	s10 =	sadd.s32 $0xC000, s7;
	s11 =	sadd.s32 $0x10000, s7  }
0x10: {  	s15 =	sadd.s32 s6, s5;
	s5 =	sadd.s32 s14, s13;
	s14 =	sadd.s32 s17, s14  }
0x11: {  	s12 =	sadd.s32 s12, s13;
	s17 =	simm.s32 $0x4;
	s6 =	sadd.s32 $0x10, s5  }
0x12: {  	s13 =	sadd.s32 $0x35800, s15;
	s31 =	sadd.s32 s18, s14;
	s14 =	smax.u32 s16, $0x1  }
0x13: {  	v0 =	vimm.f32 $0.0e+00;
	s16 =	simm.s32 $0x16880;
	s18 =	simm.s32 $0x80;
	s15 =	sadd.s32 $0x30, s31  }
.LBB2_1:
0x14: {  	s30 =	simm.s32 $0x0;
	s31 =	simm.s32 $0x200  }
.LBB2_2:
0x15: {  	p0 =	sne.s32 s31, $0xFE00;
	[tilespmem:s30+$0x16970] =	vst v0  }
0x16: {  	[tilespmem:s30+$0x16900] =	vst v0  }
0x17: {  	[tilespmem:s30+$0x16910] =	vst v0  }
.Ltmp0:
0x18: {  	[tilespmem:s30+$0x16920] =	vst v0;
	(pc) =	sbr.rel @p0 .LBB2_2-.Ltmp0, $4  }
0x19: {  	[tilespmem:s30+$0x16930] =	vst v0  }
0x1a: {  	[tilespmem:s30+$0x16940] =	vst v0  }
0x1b: {  	[tilespmem:s30+$0x16950] =	vst v0  }
0x1c: {  	[tilespmem:s30+$0x16960] =	vst v0;
	s30 =	sshra.s32 s31, $0x2;
	s31 =	sadd.s32 $0x200, s31  }
0x1d: {  	[tilespmem:s30+$0x16970] =	vst v0  }
0x1e: {  	[tilespmem:s30+$0x16900] =	vst v0  }
0x1f: {  	[tilespmem:s30+$0x16910] =	vst v0  }
0x20: {  	[tilespmem:s30+$0x16920] =	vst v0  }
0x21: {  	[tilespmem:s30+$0x16930] =	vst v0  }
0x22: {  	[tilespmem:s30+$0x16940] =	vst v0  }
0x23: {  	[tilespmem:s30+$0x16950] =	vst v0  }
0x24: {  	[tilespmem:s30+$0x16960] =	vst v0;
	s30 =	simm.s32 $0x0  }
0x25: {  	[tilespmem:s16], [sflag:$0x4] =	stream.linear.gather [hbm4b:s6+s30], $0x80, $0x38;
	[tilespmem:$0x1E900] =	vst v63  }
0x26: {  	_ =	swait.ge [sflag:s17], $0x80  }
0x27: {  	[sflag:s17] =	ssyncset.done $0x0  }
0x28: {  	[sflag:s17] =	ssyncadd.s32 $0xFFFFFF80  }
0x29: {  	[tilespmem:s19], [sflag:$0x2] =	stream.indirect.gather [hbm4b:s4+s18], $0x80, s16, s18, $0xb8;
	[tilespmem:$0x1E900] =	vst v63  }
0x2a: {  	_ = 	snop  }
0x2b: {  	[spmem:s7] =	stream.linear.scatter [tilespmem:s20], [sflag:$0x4], $0x4000, $0x38;
	[tilespmem:$0x1E900] =	vst v63  }
0x2c: {  	_ =	swait.ge [sflag:s17], $0x4000  }
0x2d: {  	[sflag:s17] =	ssyncset.done $0x0  }
0x2e: {  	[sflag:s17] =	ssyncadd.s32 $0xFFFFC000  }
0x2f: {  	[spmem:s8] =	stream.linear.scatter [tilespmem:s20], [sflag:$0x4], $0x4000, $0x38;
	[tilespmem:$0x1E900] =	vst v63  }
0x30: {  	_ =	swait.ge [sflag:s17], $0x4000  }
0x31: {  	[sflag:s17] =	ssyncset.done $0x0  }
0x32: {  	[sflag:s17] =	ssyncadd.s32 $0xFFFFC000  }
0x33: {  	[spmem:s9] =	stream.linear.scatter [tilespmem:s20], [sflag:$0x4], $0x4000, $0x38;
	[tilespmem:$0x1E900] =	vst v63  }
0x34: {  	_ =	swait.ge [sflag:s17], $0x4000  }
0x35: {  	[sflag:s17] =	ssyncset.done $0x0  }
0x36: {  	[sflag:s17] =	ssyncadd.s32 $0xFFFFC000  }
0x37: {  	[spmem:s10] =	stream.linear.scatter [tilespmem:s20], [sflag:$0x4], $0x4000, $0x38;
	[tilespmem:$0x1E900] =	vst v63  }
0x38: {  	_ =	swait.ge [sflag:s17], $0x4000  }
0x39: {  	[sflag:s17] =	ssyncset.done $0x0  }
0x3a: {  	[sflag:s17] =	ssyncadd.s32 $0xFFFFC000  }
0x3b: {  	[spmem:s11] =	stream.linear.scatter [tilespmem:s20], [sflag:$0x4], $0x4000, $0x38;
	[tilespmem:$0x1E900] =	vst v63  }
0x3c: {  	_ =	swait.ge [sflag:s17], $0x4000  }
0x3d: {  	[sflag:s17] =	ssyncset.done $0x0  }
0x3e: {  	[sflag:s17] =	ssyncadd.s32 $0xFFFFC000  }
0x3f: {  	[tilespmem:s21], [sflag:$0x4] =	stream.linear.gather [hbm4b:s12+s30], $0x2800, $0x38;
	[tilespmem:$0x1E900] =	vst v63  }
0x40: {  	_ =	swait.ge [sflag:s17], $0x2800  }
0x41: {  	[sflag:s17] =	ssyncset.done $0x0  }
0x42: {  	[sflag:s17] =	ssyncadd.s32 $0xFFFFD800  }
0x43: {  	[tilespmem:s22], [sflag:$0x4] =	stream.linear.gather [hbm4b:s5+s30], $0x80, $0x38;
	[tilespmem:$0x1E900] =	vst v63  }
0x44: {  	_ =	swait.ge [sflag:s17], $0x80  }
0x45: {  	[sflag:s17] =	ssyncset.done $0x0  }
0x46: {  	[sflag:s17] =	ssyncadd.s32 $0xFFFFFF80  }
0x47: {  	[tilespmem:s20], [sflag:$0x1] =	stream.indirect.gather [hbm4b:s4+s18], $0x80, s22, s18, $0xb8;
	[tilespmem:$0x1E900] =	vst v63  }
0x48: {  	[bflag:$0x0] =	sbarrier.arrive $0xFFFF  }
0x49: {  	_ =	swait.ge [sflag:s23], $0x4000  }
0x4a: {  	[sflag:s23] =	ssyncset.done $0x0  }
0x4b: {  	s30 =	sadd.s32 $0xFFFFFFF0, s15;
	[sflag:s23] =	ssyncadd.s32 $0xFFFFC000  }
0x4c: {  	[tilespmem:s22], [sflag:$0x3] =	stream.linear.gather [hbm4b:s30+s3], $0x80, $0x38;
	[tilespmem:$0x1E900] =	vst v63  }
0x4d: {  	s30 =	simm.s32 $0x14000  }
0x4e: {  	[spmem:s1] =	stream.indirect.scatter.add.f32 [tilespmem:s20], [sflag:$0x4], $0x80, s30, s18, $0xb8;
	[tilespmem:$0x1E900] =	vst v63  }
0x4f: {  	_ =	swait.ge [sflag:s17], $0x4000  }
0x50: {  	[sflag:s17] =	ssyncset.done $0x0  }
0x51: {  	[sflag:s17] =	ssyncadd.s32 $0xFFFFC000  }
0x52: {  	_ =	swait.ge [sflag:s24], $0x80  }
0x53: {  	[sflag:s24] =	ssyncset.done $0x0  }
0x54: {  	[sflag:s24] =	ssyncadd.s32 $0xFFFFFF80  }
0x55: {  	[tilespmem:s20], [sflag:$0x1] =	stream.indirect.gather [hbm4b:s4+s18], $0x80, s22, s18, $0xb8;
	[tilespmem:$0x1E900] =	vst v63  }
0x56: {  	_ =	swait.ge [sflag:s25], $0x4000  }
0x57: {  	[sflag:s25] =	ssyncset.done $0x0  }
0x58: {  	[sflag:s25] =	ssyncadd.s32 $0xFFFFC000  }
0x59: {  	[tilespmem:s16], [sflag:$0x3] =	stream.linear.gather [hbm4b:s15+s3], $0x80, $0x38;
	[tilespmem:$0x1E900] =	vst v63  }
0x5a: {  	s30 =	simm.s32 $0x14080  }
0x5b: {  	[spmem:s1] =	stream.indirect.scatter.add.f32 [tilespmem:s19], [sflag:$0x4], $0x80, s30, s18, $0xb8;
	[tilespmem:$0x1E900] =	vst v63  }
0x5c: {  	_ =	swait.ge [sflag:s17], $0x4000  }
0x5d: {  	[sflag:s17] =	ssyncset.done $0x0  }
0x5e: {  	[sflag:s17] =	ssyncadd.s32 $0xFFFFC000  }
0x5f: {  	_ =	swait.ge [sflag:s24], $0x80  }
0x60: {  	[sflag:s24] =	ssyncset.done $0x0  }
0x61: {  	s31 =	sadd.s32 $0x20, s15;
	s30 =	simm.s32 $0x400;
	[sflag:s24] =	ssyncadd.s32 $0xFFFFFF80  }
.LBB2_4:
0x62: {  	[tilespmem:s19], [sflag:$0x2] =	stream.indirect.gather [hbm4b:s4+s18], $0x80, s16, s18, $0xb8;
	[tilespmem:$0x1E900] =	vst v63  }
0x63: {  	s0 =	smov.u32 s30  }
0x64: {  	p0 =	sne.s32 s30, $0x9800;
	s30 =	sadd.s32 $0x400, s30;
	_ =	swait.ge [sflag:s23], $0x4000  }
0x65: {  	[sflag:s23] =	ssyncset.done $0x0  }
0x66: {  	s2 =	sadd.s32 $0xFFFFFFF0, s31;
	s0 =	sshra.s32 s0, $0x2;
	[sflag:s23] =	ssyncadd.s32 $0xFFFFC000  }
0x67: {  	[tilespmem:s22], [sflag:$0x3] =	stream.linear.gather [hbm4b:s2+s3], $0x80, $0x38;
	[tilespmem:$0x1E900] =	vst v63  }
0x68: {  	s2 =	sadd.s32 $0x14000, s0  }
0x69: {  	[spmem:s1] =	stream.indirect.scatter.add.f32 [tilespmem:s20], [sflag:$0x4], $0x80, s2, s18, $0xb8;
	[tilespmem:$0x1E900] =	vst v63  }
0x6a: {  	_ =	swait.ge [sflag:s17], $0x4000  }
0x6b: {  	[sflag:s17] =	ssyncset.done $0x0  }
0x6c: {  	[sflag:s17] =	ssyncadd.s32 $0xFFFFC000  }
0x6d: {  	_ =	swait.ge [sflag:s24], $0x80  }
0x6e: {  	[sflag:s24] =	ssyncset.done $0x0  }
0x6f: {  	[sflag:s24] =	ssyncadd.s32 $0xFFFFFF80  }
0x70: {  	[tilespmem:s20], [sflag:$0x1] =	stream.indirect.gather [hbm4b:s4+s18], $0x80, s22, s18, $0xb8;
	[tilespmem:$0x1E900] =	vst v63  }
0x71: {  	_ =	swait.ge [sflag:s25], $0x4000  }
0x72: {  	[sflag:s25] =	ssyncset.done $0x0  }
0x73: {  	[sflag:s25] =	ssyncadd.s32 $0xFFFFC000  }
0x74: {  	[tilespmem:s16], [sflag:$0x3] =	stream.linear.gather [hbm4b:s31+s3], $0x80, $0x38;
	[tilespmem:$0x1E900] =	vst v63  }
0x75: {  	s0 =	sadd.s32 $0x14080, s0  }
0x76: {  	[spmem:s1] =	stream.indirect.scatter.add.f32 [tilespmem:s19], [sflag:$0x4], $0x80, s0, s18, $0xb8;
	[tilespmem:$0x1E900] =	vst v63  }
0x77: {  	_ =	swait.ge [sflag:s17], $0x4000  }
.Ltmp1:
0x78: {  	[sflag:s17] =	ssyncset.done $0x0;
	(pc) =	sbr.rel @p0 .LBB2_4-.Ltmp1, $4  }
0x79: {  	[sflag:s17] =	ssyncadd.s32 $0xFFFFC000  }
0x7a: {  	_ =	swait.ge [sflag:s24], $0x80  }
0x7b: {  	[sflag:s24] =	ssyncset.done $0x0  }
0x7c: {  	s31 =	sadd.s32 $0x20, s31;
	[sflag:s24] =	ssyncadd.s32 $0xFFFFFF80  }
0x7d: {  	[tilespmem:s19], [sflag:$0x2] =	stream.indirect.gather [hbm4b:s4+s18], $0x80, s16, s18, $0xb8;
	[tilespmem:$0x1E900] =	vst v63  }
0x7e: {  	_ =	swait.ge [sflag:s23], $0x4000  }
0x7f: {  	[sflag:s23] =	ssyncset.done $0x0  }
0x80: {  	[sflag:s23] =	ssyncadd.s32 $0xFFFFC000  }
0x81: {  	[spmem:s1] =	stream.indirect.scatter.add.f32 [tilespmem:s20], [sflag:$0x4], $0x80, s26, s18, $0xb8;
	[tilespmem:$0x1E900] =	vst v63  }
0x82: {  	_ =	swait.ge [sflag:s17], $0x4000  }
0x83: {  	[sflag:s17] =	ssyncset.done $0x0  }
0x84: {  	[sflag:s17] =	ssyncadd.s32 $0xFFFFC000  }
0x85: {  	_ =	swait.ge [sflag:s25], $0x4000  }
0x86: {  	[sflag:s25] =	ssyncset.done $0x0  }
0x87: {  	[sflag:s25] =	ssyncadd.s32 $0xFFFFC000  }
0x88: {  	[spmem:s1] =	stream.indirect.scatter.add.f32 [tilespmem:s19], [sflag:$0x4], $0x80, s28, s18, $0xb8;
	[tilespmem:$0x1E900] =	vst v63  }
0x89: {  	s0 =	stileid.u32;
	_ =	swait.ge [sflag:s17], $0x4000  }
0x8a: {  	s2 =	sshrl.u32 s7, $0x3;
	s29 =	sadd.s32 $0x1, s29;
	[sflag:s17] =	ssyncset.done $0x0  }
0x8b: {  	s0 =	sshll.u32 s0, $0x6;
	p0 =	sne.s32 s29, s14;
	[sflag:s17] =	ssyncadd.s32 $0xFFFFC000  }
.Ltmp2:
0x8c: {  	s0 =	sor.u32 $0x1C04, s0;
	[bflag:$0x0] =	sbarrier.arrive $0xFFFF;
	(pc) =	sbr.rel @p0 .LBB2_1-.Ltmp2, $4  }
0x8d: {  	[hbm:s13], [sflag:s0] =	dma.local [spmem:s2], $0x2800  }
0x8e: {  	_ =	swait.ge [sflag:s17], $0x2800  }
0x8f: {  	[sflag:s17] =	ssyncset.done $0x0  }
0x90: {  	[sflag:s17] =	ssyncadd.s32 $0xFFFFD800  }
0x91: {  	_ =	sfence.sel $0x180000  }
0x92: {  	[bflag:$0x0] =	sbarrier.arrive $0xFFFF  }
0x93: {  	_ =	strace $0x90000053  }
0x94: {  	s0 =	stileid.u32;
	[bflag:$0x2] =	sbarrier.arrive $0xFFFF  }
0x95: {  	p0 =	sne.s32 s0, $0x0;
	s0 =	rddreg [dreg:$0x3]  }
0x96: {  	s0 =	sadd.s32 @!p0 $0x100000, s0  }
0x97: {  	[sflag:s0] =	ssyncadd.tile.s32 @!p0 $0x1;
	_ =	shalt  }
.Lfunc_end2:
_tile_overlayer_lowered:
.L_overlay_start_2:
0x98: {  	(tag) =	ssettag $0x2  }
0x99: {  	s0 =	rddreg [dreg:$0x0];
	s2 =	stileid.u32  }
0x9a: {  	s1 =	rddreg [dreg:$0x1];
	p0 =	sne.s32 s2, $0x0  }
0x9b: {  	s3 =	rddreg [dreg:$0x2];
	[bflag:$0x3] =	sbarrier.arrive $0xFFFF;
	s2 =	simm.s32 @!p0 $0x1C04  }
0x9c: {  	[timem:s3], [sflag:s2] =	dma.local @!p0 [hbm:s0], s1  }
0x9d: {  	s0 =	simm.s32 @!p0 $0x4  }
0x9e: {  	_ =	swait.ge @!p0 [sflag:s0], s1  }
0x9f: {  	s1 =	ssub.s32 @!p0 $0x0, s1;
	[sflag:s0] =	ssyncset.done @!p0 $0x0  }
0xa0: {  	[sflag:s0] =	ssyncadd.s32 @!p0 s1  }
0xa1: {  	[bflag:$0x3] =	sbarrier.arrive $0xFFFF  }
0xa2: {  	_ =	shalt  }

</sc_bundles>
